<compile_context>
chip_gen: v7x
topology: tpu7x:2x2x1
jax: 0.10.2.dev20260603
libtpu: 0.0.44.dev20260713+nightly
codegen_flags: <defaults>
</compile_context>

<pallas_src>
import functools
import jax
import jax.numpy as jnp
from jax import lax
from jax.experimental import pallas as pl
from jax.experimental.pallas import tpu as pltpu
from jax.experimental.pallas import tpu_sc as plsc

_N = 10000
_E = 320000
_H = 8
_DF = 128
_DE = 16
_NG = 64
_STEPS = 3

_NC = 2
_NS = 16
_EDGES_PER_SC = _E // _NC
_EDGES_PER_TILE = _EDGES_PER_SC // _NS
_B = 400
_NB = _EDGES_PER_TILE // _B
_CH = 100
_NCH = _B // _CH
_RSTRIDE = 624
_RPT = 640



def _proj_body(x_ref, w_ref, b_ref, o_ref):
    o_ref[...] = jnp.maximum(
        jnp.dot(x_ref[...], w_ref[...], preferred_element_type=jnp.float32)
        + b_ref[...], 0.0)


def _proj(x, w, b):
    return pl.pallas_call(
        _proj_body,
        out_shape=jax.ShapeDtypeStruct((_N, _H), jnp.float32),
    )(x, w, b.reshape(1, _H))


_EB = 10000


def _edge_mlp_body(ea_ref, w1_ref, b1_ref, w2_ref, b2_ref, o_ref):
    eh = jnp.maximum(
        jnp.dot(ea_ref[...], w1_ref[...], preferred_element_type=jnp.float32)
        + b1_ref[...], 0.0)
    o_ref[...] = (
        jnp.dot(eh, w2_ref[...], preferred_element_type=jnp.float32)
        + b2_ref[...])


def _edge_mlp(edge_attr, w1, b1, w2, b2):
    grid = _E // _EB
    return pl.pallas_call(
        _edge_mlp_body,
        grid=(grid,),
        in_specs=[
            pl.BlockSpec((_EB, _DE), lambda i: (i, 0)),
            pl.BlockSpec((_DE, 16), lambda i: (0, 0)),
            pl.BlockSpec((1, 16), lambda i: (0, 0)),
            pl.BlockSpec((16, _H * _H), lambda i: (0, 0)),
            pl.BlockSpec((1, _H * _H), lambda i: (0, 0)),
        ],
        out_specs=pl.BlockSpec((_EB, _H * _H), lambda i: (i, 0)),
        out_shape=jax.ShapeDtypeStruct((_E, _H * _H), jnp.float32),
    )(edge_attr, w1, b1.reshape(1, 16), w2, b2.reshape(1, _H * _H))


def _sigmoid(v):
    return 1.0 / (1.0 + jnp.exp(-v))


def _gru_body(aggp_ref, h_ref, wr_ref, bc_ref, wih_ref, bih_ref,
              whh_ref, bhh_ref, o_ref):
    agg = aggp_ref[pl.ds(0, _N), :] + aggp_ref[pl.ds(_N, _N), :]
    h = h_ref[...]
    m = jnp.maximum(
        agg + jnp.dot(h, wr_ref[...], preferred_element_type=jnp.float32)
        + bc_ref[...], 0.0)
    gi = jnp.dot(m, wih_ref[...], preferred_element_type=jnp.float32) + bih_ref[...]
    gh = jnp.dot(h, whh_ref[...], preferred_element_type=jnp.float32) + bhh_ref[...]
    r = _sigmoid(gi[:, 0:_H] + gh[:, 0:_H])
    z = _sigmoid(gi[:, _H:2 * _H] + gh[:, _H:2 * _H])
    n = jnp.tanh(gi[:, 2 * _H:3 * _H] + r * gh[:, 2 * _H:3 * _H])
    o_ref[...] = (1.0 - z) * n + z * h


def _gru(aggp, h, wr, bc, wih, bih, whh, bhh):
    return pl.pallas_call(
        _gru_body,
        out_shape=jax.ShapeDtypeStruct((_N, _H), jnp.float32),
    )(aggp, h, wr, bc.reshape(1, _H), wih, bih.reshape(1, 3 * _H),
      whh, bhh.reshape(1, 3 * _H))


def _readout_body(h_ref, batch_ref, w1_ref, b1_ref, w2_ref, b2_ref,
                  wp_ref, bp_ref, o_ref):
    h = h_ref[...]
    nf = jnp.maximum(
        jnp.dot(h, w1_ref[...], preferred_element_type=jnp.float32)
        + b1_ref[...], 0.0)
    nf = jnp.dot(nf, w2_ref[...], preferred_element_type=jnp.float32) + b2_ref[...]
    gids = lax.broadcasted_iota(jnp.int32, (_N, _NG), 1)
    oh = (batch_ref[...] == gids).astype(jnp.float32)
    sums = lax.dot_general(oh, nf, (((0,), (0,)), ((), ())),
                           preferred_element_type=jnp.float32)
    counts = jnp.sum(oh, axis=0).reshape(_NG, 1)
    g = sums / jnp.maximum(counts, 1.0)
    o_ref[...] = (
        jnp.dot(g, wp_ref[...], preferred_element_type=jnp.float32) + bp_ref[...])


def _readout(h, batch2d, w1, b1, w2, b2, wp, bp):
    return pl.pallas_call(
        _readout_body,
        out_shape=jax.ShapeDtypeStruct((_NG, 1), jnp.float32),
    )(h, batch2d, w1, b1.reshape(1, _H), w2, b2.reshape(1, _H),
      wp, bp.reshape(1, 1))



def _sc_step_body(h_hbm, src_hbm, dst_hbm, ew_hbm, zeros_hbm, out_hbm,
                  h_buf, ew_buf, msg_buf, sidx_buf, didx_buf, stage_buf,
                  agg_sh):
    c = lax.axis_index("c")
    s = lax.axis_index("s")
    r0 = s * _RSTRIDE

    pltpu.sync_copy(h_hbm, h_buf)
    pltpu.sync_copy(zeros_hbm, stage_buf)
    pltpu.sync_copy(stage_buf, agg_sh.at[pl.ds(r0, _RPT)])
    plsc.subcore_barrier()

    lanes = lax.iota(jnp.int32, 16)
    tile_base = c * _EDGES_PER_SC + s * _EDGES_PER_TILE
    tile_crow = c * (_EDGES_PER_SC // _CH) + s * (_EDGES_PER_TILE // _CH)

    def blk_body(blk, carry):
        e0 = tile_base + blk * _B
        crow0 = tile_crow + blk * _NCH
        pltpu.sync_copy(src_hbm.at[pl.ds(e0, _B)], sidx_buf)
        pltpu.sync_copy(dst_hbm.at[pl.ds(crow0, _NCH)], didx_buf)
        pltpu.sync_copy(ew_hbm.at[pl.ds(e0, _B)], ew_buf)

        def grp_body(g, carry2):
            srows = sidx_buf[pl.ds(g * 16, 16)]
            mrows = lanes + g * 16
            hc = [plsc.load_gather(h_buf, [srows, jnp.full((16,), i, jnp.int32)])
                  for i in range(_H)]
            for o in range(_H):
                acc = hc[0] * plsc.load_gather(
                    ew_buf, [mrows, jnp.full((16,), o, jnp.int32)])
                for i in range(1, _H):
                    acc = acc + hc[i] * plsc.load_gather(
                        ew_buf, [mrows, jnp.full((16,), i * _H + o, jnp.int32)])
                plsc.store_scatter(msg_buf, [mrows, jnp.full((16,), o, jnp.int32)],
                                   acc)
            return carry2

        lax.fori_loop(0, _B // 16, grp_body, 0)

        for ch in range(_NCH):
            pltpu.sync_copy(msg_buf.at[pl.ds(ch * _CH, _CH)],
                            agg_sh.at[didx_buf.at[ch]], add=True)
        return carry

    lax.fori_loop(0, _NB, blk_body, 0)
    plsc.subcore_barrier()

    pltpu.sync_copy(agg_sh.at[pl.ds(r0, _RPT)], stage_buf)
    pltpu.sync_copy(stage_buf, out_hbm.at[pl.ds(c * _N + r0, _RPT)])


@functools.cache
def _make_sc_step():
    return pl.kernel(
        _sc_step_body,
        out_type=jax.ShapeDtypeStruct((2 * _N, _H), jnp.float32),
        mesh=plsc.VectorSubcoreMesh(core_axis_name="c", subcore_axis_name="s"),
        compiler_params=pltpu.CompilerParams(
            needs_layout_passes=False, use_tc_tiling_on_sc=False),
        scratch_types=[
            pltpu.VMEM((_N, _H), jnp.float32),
            pltpu.VMEM((_B, _H * _H), jnp.float32),
            pltpu.VMEM((_B, _H), jnp.float32),
            pltpu.VMEM((_B,), jnp.int32),
            pltpu.VMEM((_NCH, _CH), jnp.int32),
            pltpu.VMEM((_RPT, _H), jnp.float32),
            pltpu.VMEM_SHARED((_N, _H), jnp.float32),
        ],
    )


def _sc_step(h, src, dst2d, ew, zeros):
    return _make_sc_step()(h, src, dst2d, ew, zeros)



@jax.jit
def kernel(x, edge_index, edge_attr, batch, W_proj, b_proj, W_e1, b_e1,
           W_e2, b_e2, W_root, b_conv, W_gru_ih, b_gru_ih, W_gru_hh,
           b_gru_hh, W_r1, b_r1, W_r2, b_r2, W_p, b_p):
    src = edge_index[0].astype(jnp.int32)
    dst2d = edge_index[1].astype(jnp.int32).reshape(_E // _CH, _CH)
    batch2d = batch.astype(jnp.int32).reshape(_N, 1)
    zeros = jnp.zeros((_RPT, _H), jnp.float32)

    h = _proj(x, W_proj, b_proj)
    ew = _edge_mlp(edge_attr, W_e1, b_e1, W_e2, b_e2)

    for _ in range(_STEPS):
        aggp = _sc_step(h, src, dst2d, ew, zeros)
        h = _gru(aggp, h, W_root, b_conv, W_gru_ih, b_gru_ih,
                 W_gru_hh, b_gru_hh)

    return _readout(h, batch2d, W_r1, b_r1, W_r2, b_r2, W_p, b_p)

# --- scband reference (transcript-rebuilt; emitter-appended) ---
"""Pipeline reference for scband-mpnn-8538394985124 (READ-ONLY COPY).

The authoritative reference and input builder live on the scoring server;
editing this copy changes nothing except your own understanding.
"""

import jax, jax.numpy as jnp
import numpy as np

HID = 8
STEPS = 3
NG = 64

def setup_inputs(seed: int = 0) -> dict:
    key = jax.random.key(seed)
    k = lambda i: jax.random.fold_in(key, i)
    N, E, DF, DE = 10000, 320000, 128, 16
    inp = {}
    inp["x"] = jax.random.normal(k(0), (N, DF), dtype=jnp.float32)
    inp["edge_index"] = jax.random.randint(k(1), (2, E), 0, N)
    inp["edge_attr"] = jax.random.normal(k(2), (E, DE), dtype=jnp.float32)
    inp["batch"] = jnp.sort(jax.random.randint(k(3), (N,), 0, NG))
    def p(i, shape):
        return 0.1 * jax.random.normal(k(10 + i), shape, dtype=jnp.float32)
    inp["W_proj"] = p(0, (DF, HID)); inp["b_proj"] = p(1, (HID,))
    inp["W_e1"] = p(2, (DE, 16)); inp["b_e1"] = p(3, (16,))
    inp["W_e2"] = p(4, (16, HID * HID)); inp["b_e2"] = p(5, (HID * HID,))
    inp["W_root"] = p(6, (HID, HID)); inp["b_conv"] = p(7, (HID,))
    inp["W_gru_ih"] = p(8, (HID, 3 * HID)); inp["b_gru_ih"] = p(9, (3 * HID,))
    inp["W_gru_hh"] = p(10, (HID, 3 * HID)); inp["b_gru_hh"] = p(11, (3 * HID,))
    inp["W_r1"] = p(12, (HID, 8)); inp["b_r1"] = p(13, (8,))
    inp["W_r2"] = p(14, (8, 8)); inp["b_r2"] = p(15, (8,))
    inp["W_p"] = p(16, (8, 1)); inp["b_p"] = p(17, (1,))
    return inp

def _forward(x, edge_attr, W_proj, b_proj, W_e1, b_e1, W_e2, b_e2, W_root, b_conv, W_gru_ih, b_gru_ih, W_gru_hh, b_gru_hh, W_r1, b_r1, W_r2, b_r2, W_p, b_p, edge_index, batch):
    N = x.shape[0]
    src = edge_index[0]
    dst = edge_index[1]
    # MPNNGNN: project node feats, then NNConv + GRU message passing
    h = jax.nn.relu(x @ W_proj + b_proj)
    hidden = h
    # edge network (shared across steps): edge_attr -> [E, HID, HID] weight matrices
    e_h = jax.nn.relu(edge_attr @ W_e1 + b_e1)
    e_w = (e_h @ W_e2 + b_e2).reshape(-1, HID, HID)
    for _ in range(STEPS):
        msg = jnp.einsum('ei,eio->eo', h[src], e_w)
        agg = jax.ops.segment_sum(msg, dst, num_segments=N)
        m = jax.nn.relu(agg + h @ W_root + b_conv)
        # single-step GRU (seq_len=1)
        gi = m @ W_gru_ih + b_gru_ih
        gh = hidden @ W_gru_hh + b_gru_hh
        i_r, i_z, i_n = jnp.split(gi, 3, axis=-1)
        h_r, h_z, h_n = jnp.split(gh, 3, axis=-1)
        r = jax.nn.sigmoid(i_r + h_r)
        z = jax.nn.sigmoid(i_z + h_z)
        n = jnp.tanh(i_n + r * h_n)
        hidden = (1.0 - z) * n + z * hidden
        h = hidden
    # MLPReadout: node MLP (dropout inactive in eval) + mean pooling per graph
    nf = jax.nn.relu(h @ W_r1 + b_r1)
    nf = nf @ W_r2 + b_r2
    sums = jax.ops.segment_sum(nf, batch, num_segments=NG)
    counts = jax.ops.segment_sum(jnp.ones((N, 1), dtype=nf.dtype), batch, num_segments=NG)
    g = sums / jnp.clip(counts, 1.0)
    return g @ W_p + b_p

def reference(x, edge_index, edge_attr, batch, W_proj, b_proj, W_e1, b_e1, W_e2, b_e2, W_root, b_conv, W_gru_ih, b_gru_ih, W_gru_hh, b_gru_hh, W_r1, b_r1, W_r2, b_r2, W_p, b_p):
    return _forward(x, edge_attr, W_proj, b_proj, W_e1, b_e1, W_e2, b_e2, W_root, b_conv, W_gru_ih, b_gru_ih, W_gru_hh, b_gru_hh, W_r1, b_r1, W_r2, b_r2, W_p, b_p, edge_index, batch)

if __name__ == "__main__":
    import jax
    _d = setup_inputs()
    print(jax.jit(kernel)(*tuple(_d.values())))

</pallas_src>

<mosaic_0001>
#map = affine_map<(d0, d1) -> (0, 0)>
#map1 = affine_map<(d0, d1) -> (0)>
module attributes {stable_mosaic.version = 14 : i64} {
  func.func @_sc_step_body(%arg0: i32, %arg1: i32, %arg2: memref<10000x8xf32, #tpu.memory_space<hbm>>, %arg3: memref<320000xi32, #tpu.memory_space<hbm>>, %arg4: memref<3200x100xi32, #tpu.memory_space<hbm>>, %arg5: memref<320000x64xf32, #tpu.memory_space<hbm>>, %arg6: memref<640x8xf32, #tpu.memory_space<hbm>>, %arg7: memref<20000x8xf32, #tpu.memory_space<hbm>>, %arg8: memref<10000x8xf32, #tpu.memory_space<vmem>>, %arg9: memref<400x64xf32, #tpu.memory_space<vmem>>, %arg10: memref<400x8xf32, #tpu.memory_space<vmem>>, %arg11: memref<400xi32, #tpu.memory_space<vmem>>, %arg12: memref<4x100xi32, #tpu.memory_space<vmem>>, %arg13: memref<640x8xf32, #tpu.memory_space<vmem>>, %arg14: memref<10000x8xf32, #tpu.memory_space<vmem_shared>>) attributes {dimension_semantics = [#tpu.dimension_semantics<core_parallel>, #tpu.dimension_semantics<subcore_parallel>], iteration_bounds = array<i64: 2, 16>, scalar_prefetch = 0 : i64, scratch_operands = 7 : i64, tpu.core_type = #tpu.core_type<sc_vector_subcore>, window_params = [{transform_indices = #map}, {transform_indices = #map1}, {transform_indices = #map}, {transform_indices = #map}, {transform_indices = #map}, {transform_indices = #map}]} {
    %mul3A = arith.constant 624 : i32
    %mul3A_0 = arith.muli %arg1, %mul3A : i32
    "tpu.region"() ({
      %run_scoped3A = tpu.sem_alloc : memref<!tpu.dma_semaphore, #tpu.memory_space<semaphore_mem>>
      tpu.enqueue_dma source(%arg2 : memref<10000x8xf32, #tpu.memory_space<hbm>>) target(%arg8 : memref<10000x8xf32, #tpu.memory_space<vmem>>) target_semaphore(%run_scoped3A : memref<!tpu.dma_semaphore, #tpu.memory_space<semaphore_mem>>)
      tpu.wait_dma2 semaphore(%run_scoped3A : memref<!tpu.dma_semaphore, #tpu.memory_space<semaphore_mem>>) src(%arg2 : memref<10000x8xf32, #tpu.memory_space<hbm>>) dst(%arg8 : memref<10000x8xf32, #tpu.memory_space<vmem>>)
      tpu.yield
    }) : () -> ()
    "tpu.region"() ({
      %run_scoped3A = tpu.sem_alloc : memref<!tpu.dma_semaphore, #tpu.memory_space<semaphore_mem>>
      tpu.enqueue_dma source(%arg6 : memref<640x8xf32, #tpu.memory_space<hbm>>) target(%arg13 : memref<640x8xf32, #tpu.memory_space<vmem>>) target_semaphore(%run_scoped3A : memref<!tpu.dma_semaphore, #tpu.memory_space<semaphore_mem>>)
      tpu.wait_dma2 semaphore(%run_scoped3A : memref<!tpu.dma_semaphore, #tpu.memory_space<semaphore_mem>>) src(%arg6 : memref<640x8xf32, #tpu.memory_space<hbm>>) dst(%arg13 : memref<640x8xf32, #tpu.memory_space<vmem>>)
      tpu.yield
    }) : () -> ()
    "tpu.region"() ({
      %run_scoped3A = tpu.sem_alloc : memref<!tpu.dma_semaphore, #tpu.memory_space<semaphore_mem>>
      %dma_start3A = arith.constant 0 : i32
      %dma_start3A_19 = tpu.memref_slice %arg14[%mul3A_0, %dma_start3A] : memref<10000x8xf32, #tpu.memory_space<vmem_shared>> -> memref<640x8xf32, #tpu.memory_space<vmem_shared>>
      %dma_start3A_20 = arith.constant 0 : i32
      %dma_start3A_21 = tpu.memref_slice %arg14[%mul3A_0, %dma_start3A_20] : memref<10000x8xf32, #tpu.memory_space<vmem_shared>> -> memref<640x8xf32, #tpu.memory_space<vmem_shared>>
      tpu.enqueue_dma source(%arg13 : memref<640x8xf32, #tpu.memory_space<vmem>>) target(%dma_start3A_21 : memref<640x8xf32, #tpu.memory_space<vmem_shared>>) target_semaphore(%run_scoped3A : memref<!tpu.dma_semaphore, #tpu.memory_space<semaphore_mem>>)
      %dma_wait3A = arith.constant 0 : i32
      %dma_wait3A_22 = tpu.memref_slice %arg14[%mul3A_0, %dma_wait3A] : memref<10000x8xf32, #tpu.memory_space<vmem_shared>> -> memref<640x8xf32, #tpu.memory_space<vmem_shared>>
      %dma_wait3A_23 = arith.constant 0 : i32
      %dma_wait3A_24 = tpu.memref_slice %arg14[%mul3A_0, %dma_wait3A_23] : memref<10000x8xf32, #tpu.memory_space<vmem_shared>> -> memref<640x8xf32, #tpu.memory_space<vmem_shared>>
      tpu.wait_dma2 semaphore(%run_scoped3A : memref<!tpu.dma_semaphore, #tpu.memory_space<semaphore_mem>>) src(%arg13 : memref<640x8xf32, #tpu.memory_space<vmem>>) dst(%dma_wait3A_24 : memref<640x8xf32, #tpu.memory_space<vmem_shared>>)
      tpu.yield
    }) : () -> ()
    %barrier3A = arith.constant 0 : index
    tpu.barrier barrier_id(%barrier3A)
    %iota3A = tpu.iota {dimensions = array<i32: 0>} : vector<16xi32>
    %mul3A_1 = arith.constant 160000 : i32
    %mul3A_2 = arith.muli %arg0, %mul3A_1 : i32
    %mul3A_3 = arith.constant 10000 : i32
    %mul3A_4 = arith.muli %arg1, %mul3A_3 : i32
    %add3A = arith.addi %mul3A_2, %mul3A_4 : i32
    %mul3A_5 = arith.constant 1600 : i32
    %mul3A_6 = arith.muli %arg0, %mul3A_5 : i32
    %mul3A_7 = arith.constant 100 : i32
    %mul3A_8 = arith.muli %arg1, %mul3A_7 : i32
    %add3A_9 = arith.addi %mul3A_6, %mul3A_8 : i32
    %scan3A = arith.constant 0 : i32
    %scan3A_10 = arith.constant 0 : i32
    %scan3A_11 = arith.constant 25 : i32
    %scan3A_12 = arith.addi %scan3A_10, %scan3A_11 : i32
    %scan3A_13 = arith.constant 1 : i32
    scf.for %scan3A_19 = %scan3A_10 to %scan3A_12 step %scan3A_13  : i32 {
      %mul3A_20 = arith.constant 400 : i32
      %mul3A_21 = arith.muli %scan3A_19, %mul3A_20 : i32
      %add3A_22 = arith.addi %add3A, %mul3A_21 : i32
      %mul3A_23 = arith.constant 4 : i32
      %mul3A_24 = arith.muli %scan3A_19, %mul3A_23 : i32
      %add3A_25 = arith.addi %add3A_9, %mul3A_24 : i32
      "tpu.region"() ({
        %run_scoped3A_35 = tpu.sem_alloc : memref<!tpu.dma_semaphore, #tpu.memory_space<semaphore_mem>>
        %dma_start3A = tpu.memref_slice %arg3[%add3A_22] : memref<320000xi32, #tpu.memory_space<hbm>> -> memref<400xi32, #tpu.memory_space<hbm>>
        %dma_start3A_36 = tpu.memref_slice %arg3[%add3A_22] : memref<320000xi32, #tpu.memory_space<hbm>> -> memref<400xi32, #tpu.memory_space<hbm>>
        tpu.enqueue_dma source(%dma_start3A_36 : memref<400xi32, #tpu.memory_space<hbm>>) target(%arg11 : memref<400xi32, #tpu.memory_space<vmem>>) target_semaphore(%run_scoped3A_35 : memref<!tpu.dma_semaphore, #tpu.memory_space<semaphore_mem>>)
        %dma_wait3A = tpu.memref_slice %arg3[%add3A_22] : memref<320000xi32, #tpu.memory_space<hbm>> -> memref<400xi32, #tpu.memory_space<hbm>>
        %dma_wait3A_37 = tpu.memref_slice %arg3[%add3A_22] : memref<320000xi32, #tpu.memory_space<hbm>> -> memref<400xi32, #tpu.memory_space<hbm>>
        tpu.wait_dma2 semaphore(%run_scoped3A_35 : memref<!tpu.dma_semaphore, #tpu.memory_space<semaphore_mem>>) src(%dma_wait3A_37 : memref<400xi32, #tpu.memory_space<hbm>>) dst(%arg11 : memref<400xi32, #tpu.memory_space<vmem>>)
        tpu.yield
      }) : () -> ()
      "tpu.region"() ({
        %run_scoped3A_35 = tpu.sem_alloc : memref<!tpu.dma_semaphore, #tpu.memory_space<semaphore_mem>>
        %dma_start3A = arith.constant 0 : i32
        %dma_start3A_36 = tpu.memref_slice %arg4[%add3A_25, %dma_start3A] : memref<3200x100xi32, #tpu.memory_space<hbm>> -> memref<4x100xi32, #tpu.memory_space<hbm>>
        %dma_start3A_37 = arith.constant 0 : i32
        %dma_start3A_38 = tpu.memref_slice %arg4[%add3A_25, %dma_start3A_37] : memref<3200x100xi32, #tpu.memory_space<hbm>> -> memref<4x100xi32, #tpu.memory_space<hbm>>
        tpu.enqueue_dma source(%dma_start3A_38 : memref<4x100xi32, #tpu.memory_space<hbm>>) target(%arg12 : memref<4x100xi32, #tpu.memory_space<vmem>>) target_semaphore(%run_scoped3A_35 : memref<!tpu.dma_semaphore, #tpu.memory_space<semaphore_mem>>)
        %dma_wait3A = arith.constant 0 : i32
        %dma_wait3A_39 = tpu.memref_slice %arg4[%add3A_25, %dma_wait3A] : memref<3200x100xi32, #tpu.memory_space<hbm>> -> memref<4x100xi32, #tpu.memory_space<hbm>>
        %dma_wait3A_40 = arith.constant 0 : i32
        %dma_wait3A_41 = tpu.memref_slice %arg4[%add3A_25, %dma_wait3A_40] : memref<3200x100xi32, #tpu.memory_space<hbm>> -> memref<4x100xi32, #tpu.memory_space<hbm>>
        tpu.wait_dma2 semaphore(%run_scoped3A_35 : memref<!tpu.dma_semaphore, #tpu.memory_space<semaphore_mem>>) src(%dma_wait3A_41 : memref<4x100xi32, #tpu.memory_space<hbm>>) dst(%arg12 : memref<4x100xi32, #tpu.memory_space<vmem>>)
        tpu.yield
      }) : () -> ()
      "tpu.region"() ({
        %run_scoped3A_35 = tpu.sem_alloc : memref<!tpu.dma_semaphore, #tpu.memory_space<semaphore_mem>>
        %dma_start3A = arith.constant 0 : i32
        %dma_start3A_36 = tpu.memref_slice %arg5[%add3A_22, %dma_start3A] : memref<320000x64xf32, #tpu.memory_space<hbm>> -> memref<400x64xf32, #tpu.memory_space<hbm>>
        %dma_start3A_37 = arith.constant 0 : i32
        %dma_start3A_38 = tpu.memref_slice %arg5[%add3A_22, %dma_start3A_37] : memref<320000x64xf32, #tpu.memory_space<hbm>> -> memref<400x64xf32, #tpu.memory_space<hbm>>
        tpu.enqueue_dma source(%dma_start3A_38 : memref<400x64xf32, #tpu.memory_space<hbm>>) target(%arg9 : memref<400x64xf32, #tpu.memory_space<vmem>>) target_semaphore(%run_scoped3A_35 : memref<!tpu.dma_semaphore, #tpu.memory_space<semaphore_mem>>)
        %dma_wait3A = arith.constant 0 : i32
        %dma_wait3A_39 = tpu.memref_slice %arg5[%add3A_22, %dma_wait3A] : memref<320000x64xf32, #tpu.memory_space<hbm>> -> memref<400x64xf32, #tpu.memory_space<hbm>>
        %dma_wait3A_40 = arith.constant 0 : i32
        %dma_wait3A_41 = tpu.memref_slice %arg5[%add3A_22, %dma_wait3A_40] : memref<320000x64xf32, #tpu.memory_space<hbm>> -> memref<400x64xf32, #tpu.memory_space<hbm>>
        tpu.wait_dma2 semaphore(%run_scoped3A_35 : memref<!tpu.dma_semaphore, #tpu.memory_space<semaphore_mem>>) src(%dma_wait3A_41 : memref<400x64xf32, #tpu.memory_space<hbm>>) dst(%arg9 : memref<400x64xf32, #tpu.memory_space<vmem>>)
        tpu.yield
      }) : () -> ()
      %scan3A_26 = arith.constant 0 : i32
      %scan3A_27 = arith.constant 0 : i32
      %scan3A_28 = arith.constant 25 : i32
      %scan3A_29 = arith.addi %scan3A_27, %scan3A_28 : i32
      %scan3A_30 = arith.constant 1 : i32
      scf.for %scan3A_35 = %scan3A_27 to %scan3A_29 step %scan3A_30  : i32 {
        %mul3A_36 = arith.constant 16 : i32
        %mul3A_37 = arith.muli %scan3A_35, %mul3A_36 : i32
        %get3A = arith.index_cast %mul3A_37 : i32 to index
        %get3A_38 = tpu.vector_load %arg11[%get3A] {strides = array<i32>} : memref<400xi32, #tpu.memory_space<vmem>>, vector<16xi32>,
        %mul3A_39 = arith.constant 16 : i32
        %mul3A_40 = arith.muli %scan3A_35, %mul3A_39 : i32
        %add3A_41 = vector.broadcast %mul3A_40 : i32 to vector<16xi32>
        %add3A_42 = arith.addi %iota3A, %add3A_41 : vector<16xi32>
        %broadcast_in_dim3A = arith.constant 0 : i32
        %broadcast_in_dim3A_43 = vector.broadcast %broadcast_in_dim3A : i32 to vector<16xi32>
        %gather3A = tpu.vector_load_idx %arg8[%get3A_38, %broadcast_in_dim3A_43] : memref<10000x8xf32, #tpu.memory_space<vmem>>[vector<16xi32>, vector<16xi32>], vector<16xf32>,
        %broadcast_in_dim3A_44 = arith.constant 1 : i32
        %broadcast_in_dim3A_45 = vector.broadcast %broadcast_in_dim3A_44 : i32 to vector<16xi32>
        %gather3A_46 = tpu.vector_load_idx %arg8[%get3A_38, %broadcast_in_dim3A_45] : memref<10000x8xf32, #tpu.memory_space<vmem>>[vector<16xi32>, vector<16xi32>], vector<16xf32>,
        %broadcast_in_dim3A_47 = arith.constant 2 : i32
        %broadcast_in_dim3A_48 = vector.broadcast %broadcast_in_dim3A_47 : i32 to vector<16xi32>
        %gather3A_49 = tpu.vector_load_idx %arg8[%get3A_38, %broadcast_in_dim3A_48] : memref<10000x8xf32, #tpu.memory_space<vmem>>[vector<16xi32>, vector<16xi32>], vector<16xf32>,
        %broadcast_in_dim3A_50 = arith.constant 3 : i32
        %broadcast_in_dim3A_51 = vector.broadcast %broadcast_in_dim3A_50 : i32 to vector<16xi32>
        %gather3A_52 = tpu.vector_load_idx %arg8[%get3A_38, %broadcast_in_dim3A_51] : memref<10000x8xf32, #tpu.memory_space<vmem>>[vector<16xi32>, vector<16xi32>], vector<16xf32>,
        %broadcast_in_dim3A_53 = arith.constant 4 : i32
        %broadcast_in_dim3A_54 = vector.broadcast %broadcast_in_dim3A_53 : i32 to vector<16xi32>
        %gather3A_55 = tpu.vector_load_idx %arg8[%get3A_38, %broadcast_in_dim3A_54] : memref<10000x8xf32, #tpu.memory_space<vmem>>[vector<16xi32>, vector<16xi32>], vector<16xf32>,
        %broadcast_in_dim3A_56 = arith.constant 5 : i32
        %broadcast_in_dim3A_57 = vector.broadcast %broadcast_in_dim3A_56 : i32 to vector<16xi32>
        %gather3A_58 = tpu.vector_load_idx %arg8[%get3A_38, %broadcast_in_dim3A_57] : memref<10000x8xf32, #tpu.memory_space<vmem>>[vector<16xi32>, vector<16xi32>], vector<16xf32>,
        %broadcast_in_dim3A_59 = arith.constant 6 : i32
        %broadcast_in_dim3A_60 = vector.broadcast %broadcast_in_dim3A_59 : i32 to vector<16xi32>
        %gather3A_61 = tpu.vector_load_idx %arg8[%get3A_38, %broadcast_in_dim3A_60] : memref<10000x8xf32, #tpu.memory_space<vmem>>[vector<16xi32>, vector<16xi32>], vector<16xf32>,
        %broadcast_in_dim3A_62 = arith.constant 7 : i32
        %broadcast_in_dim3A_63 = vector.broadcast %broadcast_in_dim3A_62 : i32 to vector<16xi32>
        %gather3A_64 = tpu.vector_load_idx %arg8[%get3A_38, %broadcast_in_dim3A_63] : memref<10000x8xf32, #tpu.memory_space<vmem>>[vector<16xi32>, vector<16xi32>], vector<16xf32>,
        %broadcast_in_dim3A_65 = arith.constant 0 : i32
        %broadcast_in_dim3A_66 = vector.broadcast %broadcast_in_dim3A_65 : i32 to vector<16xi32>
        %gather3A_67 = tpu.vector_load_idx %arg9[%add3A_42, %broadcast_in_dim3A_66] : memref<400x64xf32, #tpu.memory_space<vmem>>[vector<16xi32>, vector<16xi32>], vector<16xf32>,
        %mul3A_68 = arith.mulf %gather3A, %gather3A_67 : vector<16xf32>
        %broadcast_in_dim3A_69 = arith.constant 8 : i32
        %broadcast_in_dim3A_70 = vector.broadcast %broadcast_in_dim3A_69 : i32 to vector<16xi32>
        %gather3A_71 = tpu.vector_load_idx %arg9[%add3A_42, %broadcast_in_dim3A_70] : memref<400x64xf32, #tpu.memory_space<vmem>>[vector<16xi32>, vector<16xi32>], vector<16xf32>,
        %mul3A_72 = arith.mulf %gather3A_46, %gather3A_71 : vector<16xf32>
        %add3A_73 = arith.addf %mul3A_68, %mul3A_72 : vector<16xf32>
        %broadcast_in_dim3A_74 = arith.constant 16 : i32
        %broadcast_in_dim3A_75 = vector.broadcast %broadcast_in_dim3A_74 : i32 to vector<16xi32>
        %gather3A_76 = tpu.vector_load_idx %arg9[%add3A_42, %broadcast_in_dim3A_75] : memref<400x64xf32, #tpu.memory_space<vmem>>[vector<16xi32>, vector<16xi32>], vector<16xf32>,
        %mul3A_77 = arith.mulf %gather3A_49, %gather3A_76 : vector<16xf32>
        %add3A_78 = arith.addf %add3A_73, %mul3A_77 : vector<16xf32>
        %broadcast_in_dim3A_79 = arith.constant 24 : i32
        %broadcast_in_dim3A_80 = vector.broadcast %broadcast_in_dim3A_79 : i32 to vector<16xi32>
        %gather3A_81 = tpu.vector_load_idx %arg9[%add3A_42, %broadcast_in_dim3A_80] : memref<400x64xf32, #tpu.memory_space<vmem>>[vector<16xi32>, vector<16xi32>], vector<16xf32>,
        %mul3A_82 = arith.mulf %gather3A_52, %gather3A_81 : vector<16xf32>
        %add3A_83 = arith.addf %add3A_78, %mul3A_82 : vector<16xf32>
        %broadcast_in_dim3A_84 = arith.constant 32 : i32
        %broadcast_in_dim3A_85 = vector.broadcast %broadcast_in_dim3A_84 : i32 to vector<16xi32>
        %gather3A_86 = tpu.vector_load_idx %arg9[%add3A_42, %broadcast_in_dim3A_85] : memref<400x64xf32, #tpu.memory_space<vmem>>[vector<16xi32>, vector<16xi32>], vector<16xf32>,
        %mul3A_87 = arith.mulf %gather3A_55, %gather3A_86 : vector<16xf32>
        %add3A_88 = arith.addf %add3A_83, %mul3A_87 : vector<16xf32>
        %broadcast_in_dim3A_89 = arith.constant 40 : i32
        %broadcast_in_dim3A_90 = vector.broadcast %broadcast_in_dim3A_89 : i32 to vector<16xi32>
        %gather3A_91 = tpu.vector_load_idx %arg9[%add3A_42, %broadcast_in_dim3A_90] : memref<400x64xf32, #tpu.memory_space<vmem>>[vector<16xi32>, vector<16xi32>], vector<16xf32>,
        %mul3A_92 = arith.mulf %gather3A_58, %gather3A_91 : vector<16xf32>
        %add3A_93 = arith.addf %add3A_88, %mul3A_92 : vector<16xf32>
        %broadcast_in_dim3A_94 = arith.constant 48 : i32
        %broadcast_in_dim3A_95 = vector.broadcast %broadcast_in_dim3A_94 : i32 to vector<16xi32>
        %gather3A_96 = tpu.vector_load_idx %arg9[%add3A_42, %broadcast_in_dim3A_95] : memref<400x64xf32, #tpu.memory_space<vmem>>[vector<16xi32>, vector<16xi32>], vector<16xf32>,
        %mul3A_97 = arith.mulf %gather3A_61, %gather3A_96 : vector<16xf32>
        %add3A_98 = arith.addf %add3A_93, %mul3A_97 : vector<16xf32>
        %broadcast_in_dim3A_99 = arith.constant 56 : i32
        %broadcast_in_dim3A_100 = vector.broadcast %broadcast_in_dim3A_99 : i32 to vector<16xi32>
        %gather3A_101 = tpu.vector_load_idx %arg9[%add3A_42, %broadcast_in_dim3A_100] : memref<400x64xf32, #tpu.memory_space<vmem>>[vector<16xi32>, vector<16xi32>], vector<16xf32>,
        %mul3A_102 = arith.mulf %gather3A_64, %gather3A_101 : vector<16xf32>
        %add3A_103 = arith.addf %add3A_98, %mul3A_102 : vector<16xf32>
        %broadcast_in_dim3A_104 = arith.constant 0 : i32
        %broadcast_in_dim3A_105 = vector.broadcast %broadcast_in_dim3A_104 : i32 to vector<16xi32>
        tpu.vector_store_idx %arg10[%add3A_42, %broadcast_in_dim3A_105], %add3A_103 : memref<400x8xf32, #tpu.memory_space<vmem>>[vector<16xi32>, vector<16xi32>], vector<16xf32>,
        %broadcast_in_dim3A_106 = arith.constant 1 : i32
        %broadcast_in_dim3A_107 = vector.broadcast %broadcast_in_dim3A_106 : i32 to vector<16xi32>
        %gather3A_108 = tpu.vector_load_idx %arg9[%add3A_42, %broadcast_in_dim3A_107] : memref<400x64xf32, #tpu.memory_space<vmem>>[vector<16xi32>, vector<16xi32>], vector<16xf32>,
        %mul3A_109 = arith.mulf %gather3A, %gather3A_108 : vector<16xf32>
        %broadcast_in_dim3A_110 = arith.constant 9 : i32
        %broadcast_in_dim3A_111 = vector.broadcast %broadcast_in_dim3A_110 : i32 to vector<16xi32>
        %gather3A_112 = tpu.vector_load_idx %arg9[%add3A_42, %broadcast_in_dim3A_111] : memref<400x64xf32, #tpu.memory_space<vmem>>[vector<16xi32>, vector<16xi32>], vector<16xf32>,
        %mul3A_113 = arith.mulf %gather3A_46, %gather3A_112 : vector<16xf32>
        %add3A_114 = arith.addf %mul3A_109, %mul3A_113 : vector<16xf32>
        %broadcast_in_dim3A_115 = arith.constant 17 : i32
        %broadcast_in_dim3A_116 = vector.broadcast %broadcast_in_dim3A_115 : i32 to vector<16xi32>
        %gather3A_117 = tpu.vector_load_idx %arg9[%add3A_42, %broadcast_in_dim3A_116] : memref<400x64xf32, #tpu.memory_space<vmem>>[vector<16xi32>, vector<16xi32>], vector<16xf32>,
        %mul3A_118 = arith.mulf %gather3A_49, %gather3A_117 : vector<16xf32>
        %add3A_119 = arith.addf %add3A_114, %mul3A_118 : vector<16xf32>
        %broadcast_in_dim3A_120 = arith.constant 25 : i32
        %broadcast_in_dim3A_121 = vector.broadcast %broadcast_in_dim3A_120 : i32 to vector<16xi32>
        %gather3A_122 = tpu.vector_load_idx %arg9[%add3A_42, %broadcast_in_dim3A_121] : memref<400x64xf32, #tpu.memory_space<vmem>>[vector<16xi32>, vector<16xi32>], vector<16xf32>,
        %mul3A_123 = arith.mulf %gather3A_52, %gather3A_122 : vector<16xf32>
        %add3A_124 = arith.addf %add3A_119, %mul3A_123 : vector<16xf32>
        %broadcast_in_dim3A_125 = arith.constant 33 : i32
        %broadcast_in_dim3A_126 = vector.broadcast %broadcast_in_dim3A_125 : i32 to vector<16xi32>
        %gather3A_127 = tpu.vector_load_idx %arg9[%add3A_42, %broadcast_in_dim3A_126] : memref<400x64xf32, #tpu.memory_space<vmem>>[vector<16xi32>, vector<16xi32>], vector<16xf32>,
        %mul3A_128 = arith.mulf %gather3A_55, %gather3A_127 : vector<16xf32>
        %add3A_129 = arith.addf %add3A_124, %mul3A_128 : vector<16xf32>
        %broadcast_in_dim3A_130 = arith.constant 41 : i32
        %broadcast_in_dim3A_131 = vector.broadcast %broadcast_in_dim3A_130 : i32 to vector<16xi32>
        %gather3A_132 = tpu.vector_load_idx %arg9[%add3A_42, %broadcast_in_dim3A_131] : memref<400x64xf32, #tpu.memory_space<vmem>>[vector<16xi32>, vector<16xi32>], vector<16xf32>,
        %mul3A_133 = arith.mulf %gather3A_58, %gather3A_132 : vector<16xf32>
        %add3A_134 = arith.addf %add3A_129, %mul3A_133 : vector<16xf32>
        %broadcast_in_dim3A_135 = arith.constant 49 : i32
        %broadcast_in_dim3A_136 = vector.broadcast %broadcast_in_dim3A_135 : i32 to vector<16xi32>
        %gather3A_137 = tpu.vector_load_idx %arg9[%add3A_42, %broadcast_in_dim3A_136] : memref<400x64xf32, #tpu.memory_space<vmem>>[vector<16xi32>, vector<16xi32>], vector<16xf32>,
        %mul3A_138 = arith.mulf %gather3A_61, %gather3A_137 : vector<16xf32>
        %add3A_139 = arith.addf %add3A_134, %mul3A_138 : vector<16xf32>
        %broadcast_in_dim3A_140 = arith.constant 57 : i32
        %broadcast_in_dim3A_141 = vector.broadcast %broadcast_in_dim3A_140 : i32 to vector<16xi32>
        %gather3A_142 = tpu.vector_load_idx %arg9[%add3A_42, %broadcast_in_dim3A_141] : memref<400x64xf32, #tpu.memory_space<vmem>>[vector<16xi32>, vector<16xi32>], vector<16xf32>,
        %mul3A_143 = arith.mulf %gather3A_64, %gather3A_142 : vector<16xf32>
        %add3A_144 = arith.addf %add3A_139, %mul3A_143 : vector<16xf32>
        %broadcast_in_dim3A_145 = arith.constant 1 : i32
        %broadcast_in_dim3A_146 = vector.broadcast %broadcast_in_dim3A_145 : i32 to vector<16xi32>
        tpu.vector_store_idx %arg10[%add3A_42, %broadcast_in_dim3A_146], %add3A_144 : memref<400x8xf32, #tpu.memory_space<vmem>>[vector<16xi32>, vector<16xi32>], vector<16xf32>,
        %broadcast_in_dim3A_147 = arith.constant 2 : i32
        %broadcast_in_dim3A_148 = vector.broadcast %broadcast_in_dim3A_147 : i32 to vector<16xi32>
        %gather3A_149 = tpu.vector_load_idx %arg9[%add3A_42, %broadcast_in_dim3A_148] : memref<400x64xf32, #tpu.memory_space<vmem>>[vector<16xi32>, vector<16xi32>], vector<16xf32>,
        %mul3A_150 = arith.mulf %gather3A, %gather3A_149 : vector<16xf32>
        %broadcast_in_dim3A_151 = arith.constant 10 : i32
        %broadcast_in_dim3A_152 = vector.broadcast %broadcast_in_dim3A_151 : i32 to vector<16xi32>
        %gather3A_153 = tpu.vector_load_idx %arg9[%add3A_42, %broadcast_in_dim3A_152] : memref<400x64xf32, #tpu.memory_space<vmem>>[vector<16xi32>, vector<16xi32>], vector<16xf32>,
        %mul3A_154 = arith.mulf %gather3A_46, %gather3A_153 : vector<16xf32>
        %add3A_155 = arith.addf %mul3A_150, %mul3A_154 : vector<16xf32>
        %broadcast_in_dim3A_156 = arith.constant 18 : i32
        %broadcast_in_dim3A_157 = vector.broadcast %broadcast_in_dim3A_156 : i32 to vector<16xi32>
        %gather3A_158 = tpu.vector_load_idx %arg9[%add3A_42, %broadcast_in_dim3A_157] : memref<400x64xf32, #tpu.memory_space<vmem>>[vector<16xi32>, vector<16xi32>], vector<16xf32>,
        %mul3A_159 = arith.mulf %gather3A_49, %gather3A_158 : vector<16xf32>
        %add3A_160 = arith.addf %add3A_155, %mul3A_159 : vector<16xf32>
        %broadcast_in_dim3A_161 = arith.constant 26 : i32
        %broadcast_in_dim3A_162 = vector.broadcast %broadcast_in_dim3A_161 : i32 to vector<16xi32>
        %gather3A_163 = tpu.vector_load_idx %arg9[%add3A_42, %broadcast_in_dim3A_162] : memref<400x64xf32, #tpu.memory_space<vmem>>[vector<16xi32>, vector<16xi32>], vector<16xf32>,
        %mul3A_164 = arith.mulf %gather3A_52, %gather3A_163 : vector<16xf32>
        %add3A_165 = arith.addf %add3A_160, %mul3A_164 : vector<16xf32>
        %broadcast_in_dim3A_166 = arith.constant 34 : i32
        %broadcast_in_dim3A_167 = vector.broadcast %broadcast_in_dim3A_166 : i32 to vector<16xi32>
        %gather3A_168 = tpu.vector_load_idx %arg9[%add3A_42, %broadcast_in_dim3A_167] : memref<400x64xf32, #tpu.memory_space<vmem>>[vector<16xi32>, vector<16xi32>], vector<16xf32>,
        %mul3A_169 = arith.mulf %gather3A_55, %gather3A_168 : vector<16xf32>
        %add3A_170 = arith.addf %add3A_165, %mul3A_169 : vector<16xf32>
        %broadcast_in_dim3A_171 = arith.constant 42 : i32
        %broadcast_in_dim3A_172 = vector.broadcast %broadcast_in_dim3A_171 : i32 to vector<16xi32>
        %gather3A_173 = tpu.vector_load_idx %arg9[%add3A_42, %broadcast_in_dim3A_172] : memref<400x64xf32, #tpu.memory_space<vmem>>[vector<16xi32>, vector<16xi32>], vector<16xf32>,
        %mul3A_174 = arith.mulf %gather3A_58, %gather3A_173 : vector<16xf32>
        %add3A_175 = arith.addf %add3A_170, %mul3A_174 : vector<16xf32>
        %broadcast_in_dim3A_176 = arith.constant 50 : i32
        %broadcast_in_dim3A_177 = vector.broadcast %broadcast_in_dim3A_176 : i32 to vector<16xi32>
        %gather3A_178 = tpu.vector_load_idx %arg9[%add3A_42, %broadcast_in_dim3A_177] : memref<400x64xf32, #tpu.memory_space<vmem>>[vector<16xi32>, vector<16xi32>], vector<16xf32>,
        %mul3A_179 = arith.mulf %gather3A_61, %gather3A_178 : vector<16xf32>
        %add3A_180 = arith.addf %add3A_175, %mul3A_179 : vector<16xf32>
        %broadcast_in_dim3A_181 = arith.constant 58 : i32
        %broadcast_in_dim3A_182 = vector.broadcast %broadcast_in_dim3A_181 : i32 to vector<16xi32>
        %gather3A_183 = tpu.vector_load_idx %arg9[%add3A_42, %broadcast_in_dim3A_182] : memref<400x64xf32, #tpu.memory_space<vmem>>[vector<16xi32>, vector<16xi32>], vector<16xf32>,
        %mul3A_184 = arith.mulf %gather3A_64, %gather3A_183 : vector<16xf32>
        %add3A_185 = arith.addf %add3A_180, %mul3A_184 : vector<16xf32>
        %broadcast_in_dim3A_186 = arith.constant 2 : i32
        %broadcast_in_dim3A_187 = vector.broadcast %broadcast_in_dim3A_186 : i32 to vector<16xi32>
        tpu.vector_store_idx %arg10[%add3A_42, %broadcast_in_dim3A_187], %add3A_185 : memref<400x8xf32, #tpu.memory_space<vmem>>[vector<16xi32>, vector<16xi32>], vector<16xf32>,
        %broadcast_in_dim3A_188 = arith.constant 3 : i32
        %broadcast_in_dim3A_189 = vector.broadcast %broadcast_in_dim3A_188 : i32 to vector<16xi32>
        %gather3A_190 = tpu.vector_load_idx %arg9[%add3A_42, %broadcast_in_dim3A_189] : memref<400x64xf32, #tpu.memory_space<vmem>>[vector<16xi32>, vector<16xi32>], vector<16xf32>,
        %mul3A_191 = arith.mulf %gather3A, %gather3A_190 : vector<16xf32>
        %broadcast_in_dim3A_192 = arith.constant 11 : i32
        %broadcast_in_dim3A_193 = vector.broadcast %broadcast_in_dim3A_192 : i32 to vector<16xi32>
        %gather3A_194 = tpu.vector_load_idx %arg9[%add3A_42, %broadcast_in_dim3A_193] : memref<400x64xf32, #tpu.memory_space<vmem>>[vector<16xi32>, vector<16xi32>], vector<16xf32>,
        %mul3A_195 = arith.mulf %gather3A_46, %gather3A_194 : vector<16xf32>
        %add3A_196 = arith.addf %mul3A_191, %mul3A_195 : vector<16xf32>
        %broadcast_in_dim3A_197 = arith.constant 19 : i32
        %broadcast_in_dim3A_198 = vector.broadcast %broadcast_in_dim3A_197 : i32 to vector<16xi32>
        %gather3A_199 = tpu.vector_load_idx %arg9[%add3A_42, %broadcast_in_dim3A_198] : memref<400x64xf32, #tpu.memory_space<vmem>>[vector<16xi32>, vector<16xi32>], vector<16xf32>,
        %mul3A_200 = arith.mulf %gather3A_49, %gather3A_199 : vector<16xf32>
        %add3A_201 = arith.addf %add3A_196, %mul3A_200 : vector<16xf32>
        %broadcast_in_dim3A_202 = arith.constant 27 : i32
        %broadcast_in_dim3A_203 = vector.broadcast %broadcast_in_dim3A_202 : i32 to vector<16xi32>
        %gather3A_204 = tpu.vector_load_idx %arg9[%add3A_42, %broadcast_in_dim3A_203] : memref<400x64xf32, #tpu.memory_space<vmem>>[vector<16xi32>, vector<16xi32>], vector<16xf32>,
        %mul3A_205 = arith.mulf %gather3A_52, %gather3A_204 : vector<16xf32>
        %add3A_206 = arith.addf %add3A_201, %mul3A_205 : vector<16xf32>
        %broadcast_in_dim3A_207 = arith.constant 35 : i32
        %broadcast_in_dim3A_208 = vector.broadcast %broadcast_in_dim3A_207 : i32 to vector<16xi32>
        %gather3A_209 = tpu.vector_load_idx %arg9[%add3A_42, %broadcast_in_dim3A_208] : memref<400x64xf32, #tpu.memory_space<vmem>>[vector<16xi32>, vector<16xi32>], vector<16xf32>,
        %mul3A_210 = arith.mulf %gather3A_55, %gather3A_209 : vector<16xf32>
        %add3A_211 = arith.addf %add3A_206, %mul3A_210 : vector<16xf32>
        %broadcast_in_dim3A_212 = arith.constant 43 : i32
        %broadcast_in_dim3A_213 = vector.broadcast %broadcast_in_dim3A_212 : i32 to vector<16xi32>
        %gather3A_214 = tpu.vector_load_idx %arg9[%add3A_42, %broadcast_in_dim3A_213] : memref<400x64xf32, #tpu.memory_space<vmem>>[vector<16xi32>, vector<16xi32>], vector<16xf32>,
        %mul3A_215 = arith.mulf %gather3A_58, %gather3A_214 : vector<16xf32>
        %add3A_216 = arith.addf %add3A_211, %mul3A_215 : vector<16xf32>
        %broadcast_in_dim3A_217 = arith.constant 51 : i32
        %broadcast_in_dim3A_218 = vector.broadcast %broadcast_in_dim3A_217 : i32 to vector<16xi32>
        %gather3A_219 = tpu.vector_load_idx %arg9[%add3A_42, %broadcast_in_dim3A_218] : memref<400x64xf32, #tpu.memory_space<vmem>>[vector<16xi32>, vector<16xi32>], vector<16xf32>,
        %mul3A_220 = arith.mulf %gather3A_61, %gather3A_219 : vector<16xf32>
        %add3A_221 = arith.addf %add3A_216, %mul3A_220 : vector<16xf32>
        %broadcast_in_dim3A_222 = arith.constant 59 : i32
        %broadcast_in_dim3A_223 = vector.broadcast %broadcast_in_dim3A_222 : i32 to vector<16xi32>
        %gather3A_224 = tpu.vector_load_idx %arg9[%add3A_42, %broadcast_in_dim3A_223] : memref<400x64xf32, #tpu.memory_space<vmem>>[vector<16xi32>, vector<16xi32>], vector<16xf32>,
        %mul3A_225 = arith.mulf %gather3A_64, %gather3A_224 : vector<16xf32>
        %add3A_226 = arith.addf %add3A_221, %mul3A_225 : vector<16xf32>
        %broadcast_in_dim3A_227 = arith.constant 3 : i32
        %broadcast_in_dim3A_228 = vector.broadcast %broadcast_in_dim3A_227 : i32 to vector<16xi32>
        tpu.vector_store_idx %arg10[%add3A_42, %broadcast_in_dim3A_228], %add3A_226 : memref<400x8xf32, #tpu.memory_space<vmem>>[vector<16xi32>, vector<16xi32>], vector<16xf32>,
        %broadcast_in_dim3A_229 = arith.constant 4 : i32
        %broadcast_in_dim3A_230 = vector.broadcast %broadcast_in_dim3A_229 : i32 to vector<16xi32>
        %gather3A_231 = tpu.vector_load_idx %arg9[%add3A_42, %broadcast_in_dim3A_230] : memref<400x64xf32, #tpu.memory_space<vmem>>[vector<16xi32>, vector<16xi32>], vector<16xf32>,
        %mul3A_232 = arith.mulf %gather3A, %gather3A_231 : vector<16xf32>
        %broadcast_in_dim3A_233 = arith.constant 12 : i32
        %broadcast_in_dim3A_234 = vector.broadcast %broadcast_in_dim3A_233 : i32 to vector<16xi32>
        %gather3A_235 = tpu.vector_load_idx %arg9[%add3A_42, %broadcast_in_dim3A_234] : memref<400x64xf32, #tpu.memory_space<vmem>>[vector<16xi32>, vector<16xi32>], vector<16xf32>,
        %mul3A_236 = arith.mulf %gather3A_46, %gather3A_235 : vector<16xf32>
        %add3A_237 = arith.addf %mul3A_232, %mul3A_236 : vector<16xf32>
        %broadcast_in_dim3A_238 = arith.constant 20 : i32
        %broadcast_in_dim3A_239 = vector.broadcast %broadcast_in_dim3A_238 : i32 to vector<16xi32>
        %gather3A_240 = tpu.vector_load_idx %arg9[%add3A_42, %broadcast_in_dim3A_239] : memref<400x64xf32, #tpu.memory_space<vmem>>[vector<16xi32>, vector<16xi32>], vector<16xf32>,
        %mul3A_241 = arith.mulf %gather3A_49, %gather3A_240 : vector<16xf32>
        %add3A_242 = arith.addf %add3A_237, %mul3A_241 : vector<16xf32>
        %broadcast_in_dim3A_243 = arith.constant 28 : i32
        %broadcast_in_dim3A_244 = vector.broadcast %broadcast_in_dim3A_243 : i32 to vector<16xi32>
        %gather3A_245 = tpu.vector_load_idx %arg9[%add3A_42, %broadcast_in_dim3A_244] : memref<400x64xf32, #tpu.memory_space<vmem>>[vector<16xi32>, vector<16xi32>], vector<16xf32>,
        %mul3A_246 = arith.mulf %gather3A_52, %gather3A_245 : vector<16xf32>
        %add3A_247 = arith.addf %add3A_242, %mul3A_246 : vector<16xf32>
        %broadcast_in_dim3A_248 = arith.constant 36 : i32
        %broadcast_in_dim3A_249 = vector.broadcast %broadcast_in_dim3A_248 : i32 to vector<16xi32>
        %gather3A_250 = tpu.vector_load_idx %arg9[%add3A_42, %broadcast_in_dim3A_249] : memref<400x64xf32, #tpu.memory_space<vmem>>[vector<16xi32>, vector<16xi32>], vector<16xf32>,
        %mul3A_251 = arith.mulf %gather3A_55, %gather3A_250 : vector<16xf32>
        %add3A_252 = arith.addf %add3A_247, %mul3A_251 : vector<16xf32>
        %broadcast_in_dim3A_253 = arith.constant 44 : i32
        %broadcast_in_dim3A_254 = vector.broadcast %broadcast_in_dim3A_253 : i32 to vector<16xi32>
        %gather3A_255 = tpu.vector_load_idx %arg9[%add3A_42, %broadcast_in_dim3A_254] : memref<400x64xf32, #tpu.memory_space<vmem>>[vector<16xi32>, vector<16xi32>], vector<16xf32>,
        %mul3A_256 = arith.mulf %gather3A_58, %gather3A_255 : vector<16xf32>
        %add3A_257 = arith.addf %add3A_252, %mul3A_256 : vector<16xf32>
        %broadcast_in_dim3A_258 = arith.constant 52 : i32
        %broadcast_in_dim3A_259 = vector.broadcast %broadcast_in_dim3A_258 : i32 to vector<16xi32>
        %gather3A_260 = tpu.vector_load_idx %arg9[%add3A_42, %broadcast_in_dim3A_259] : memref<400x64xf32, #tpu.memory_space<vmem>>[vector<16xi32>, vector<16xi32>], vector<16xf32>,
        %mul3A_261 = arith.mulf %gather3A_61, %gather3A_260 : vector<16xf32>
        %add3A_262 = arith.addf %add3A_257, %mul3A_261 : vector<16xf32>
        %broadcast_in_dim3A_263 = arith.constant 60 : i32
        %broadcast_in_dim3A_264 = vector.broadcast %broadcast_in_dim3A_263 : i32 to vector<16xi32>
        %gather3A_265 = tpu.vector_load_idx %arg9[%add3A_42, %broadcast_in_dim3A_264] : memref<400x64xf32, #tpu.memory_space<vmem>>[vector<16xi32>, vector<16xi32>], vector<16xf32>,
        %mul3A_266 = arith.mulf %gather3A_64, %gather3A_265 : vector<16xf32>
        %add3A_267 = arith.addf %add3A_262, %mul3A_266 : vector<16xf32>
        %broadcast_in_dim3A_268 = arith.constant 4 : i32
        %broadcast_in_dim3A_269 = vector.broadcast %broadcast_in_dim3A_268 : i32 to vector<16xi32>
        tpu.vector_store_idx %arg10[%add3A_42, %broadcast_in_dim3A_269], %add3A_267 : memref<400x8xf32, #tpu.memory_space<vmem>>[vector<16xi32>, vector<16xi32>], vector<16xf32>,
        %broadcast_in_dim3A_270 = arith.constant 5 : i32
        %broadcast_in_dim3A_271 = vector.broadcast %broadcast_in_dim3A_270 : i32 to vector<16xi32>
        %gather3A_272 = tpu.vector_load_idx %arg9[%add3A_42, %broadcast_in_dim3A_271] : memref<400x64xf32, #tpu.memory_space<vmem>>[vector<16xi32>, vector<16xi32>], vector<16xf32>,
        %mul3A_273 = arith.mulf %gather3A, %gather3A_272 : vector<16xf32>
        %broadcast_in_dim3A_274 = arith.constant 13 : i32
        %broadcast_in_dim3A_275 = vector.broadcast %broadcast_in_dim3A_274 : i32 to vector<16xi32>
        %gather3A_276 = tpu.vector_load_idx %arg9[%add3A_42, %broadcast_in_dim3A_275] : memref<400x64xf32, #tpu.memory_space<vmem>>[vector<16xi32>, vector<16xi32>], vector<16xf32>,
        %mul3A_277 = arith.mulf %gather3A_46, %gather3A_276 : vector<16xf32>
        %add3A_278 = arith.addf %mul3A_273, %mul3A_277 : vector<16xf32>
        %broadcast_in_dim3A_279 = arith.constant 21 : i32
        %broadcast_in_dim3A_280 = vector.broadcast %broadcast_in_dim3A_279 : i32 to vector<16xi32>
        %gather3A_281 = tpu.vector_load_idx %arg9[%add3A_42, %broadcast_in_dim3A_280] : memref<400x64xf32, #tpu.memory_space<vmem>>[vector<16xi32>, vector<16xi32>], vector<16xf32>,
        %mul3A_282 = arith.mulf %gather3A_49, %gather3A_281 : vector<16xf32>
        %add3A_283 = arith.addf %add3A_278, %mul3A_282 : vector<16xf32>
        %broadcast_in_dim3A_284 = arith.constant 29 : i32
        %broadcast_in_dim3A_285 = vector.broadcast %broadcast_in_dim3A_284 : i32 to vector<16xi32>
        %gather3A_286 = tpu.vector_load_idx %arg9[%add3A_42, %broadcast_in_dim3A_285] : memref<400x64xf32, #tpu.memory_space<vmem>>[vector<16xi32>, vector<16xi32>], vector<16xf32>,
        %mul3A_287 = arith.mulf %gather3A_52, %gather3A_286 : vector<16xf32>
        %add3A_288 = arith.addf %add3A_283, %mul3A_287 : vector<16xf32>
        %broadcast_in_dim3A_289 = arith.constant 37 : i32
        %broadcast_in_dim3A_290 = vector.broadcast %broadcast_in_dim3A_289 : i32 to vector<16xi32>
        %gather3A_291 = tpu.vector_load_idx %arg9[%add3A_42, %broadcast_in_dim3A_290] : memref<400x64xf32, #tpu.memory_space<vmem>>[vector<16xi32>, vector<16xi32>], vector<16xf32>,
        %mul3A_292 = arith.mulf %gather3A_55, %gather3A_291 : vector<16xf32>
        %add3A_293 = arith.addf %add3A_288, %mul3A_292 : vector<16xf32>
        %broadcast_in_dim3A_294 = arith.constant 45 : i32
        %broadcast_in_dim3A_295 = vector.broadcast %broadcast_in_dim3A_294 : i32 to vector<16xi32>
        %gather3A_296 = tpu.vector_load_idx %arg9[%add3A_42, %broadcast_in_dim3A_295] : memref<400x64xf32, #tpu.memory_space<vmem>>[vector<16xi32>, vector<16xi32>], vector<16xf32>,
        %mul3A_297 = arith.mulf %gather3A_58, %gather3A_296 : vector<16xf32>
        %add3A_298 = arith.addf %add3A_293, %mul3A_297 : vector<16xf32>
        %broadcast_in_dim3A_299 = arith.constant 53 : i32
        %broadcast_in_dim3A_300 = vector.broadcast %broadcast_in_dim3A_299 : i32 to vector<16xi32>
        %gather3A_301 = tpu.vector_load_idx %arg9[%add3A_42, %broadcast_in_dim3A_300] : memref<400x64xf32, #tpu.memory_space<vmem>>[vector<16xi32>, vector<16xi32>], vector<16xf32>,
        %mul3A_302 = arith.mulf %gather3A_61, %gather3A_301 : vector<16xf32>
        %add3A_303 = arith.addf %add3A_298, %mul3A_302 : vector<16xf32>
        %broadcast_in_dim3A_304 = arith.constant 61 : i32
        %broadcast_in_dim3A_305 = vector.broadcast %broadcast_in_dim3A_304 : i32 to vector<16xi32>
        %gather3A_306 = tpu.vector_load_idx %arg9[%add3A_42, %broadcast_in_dim3A_305] : memref<400x64xf32, #tpu.memory_space<vmem>>[vector<16xi32>, vector<16xi32>], vector<16xf32>,
        %mul3A_307 = arith.mulf %gather3A_64, %gather3A_306 : vector<16xf32>
        %add3A_308 = arith.addf %add3A_303, %mul3A_307 : vector<16xf32>
        %broadcast_in_dim3A_309 = arith.constant 5 : i32
        %broadcast_in_dim3A_310 = vector.broadcast %broadcast_in_dim3A_309 : i32 to vector<16xi32>
        tpu.vector_store_idx %arg10[%add3A_42, %broadcast_in_dim3A_310], %add3A_308 : memref<400x8xf32, #tpu.memory_space<vmem>>[vector<16xi32>, vector<16xi32>], vector<16xf32>,
        %broadcast_in_dim3A_311 = arith.constant 6 : i32
        %broadcast_in_dim3A_312 = vector.broadcast %broadcast_in_dim3A_311 : i32 to vector<16xi32>
        %gather3A_313 = tpu.vector_load_idx %arg9[%add3A_42, %broadcast_in_dim3A_312] : memref<400x64xf32, #tpu.memory_space<vmem>>[vector<16xi32>, vector<16xi32>], vector<16xf32>,
        %mul3A_314 = arith.mulf %gather3A, %gather3A_313 : vector<16xf32>
        %broadcast_in_dim3A_315 = arith.constant 14 : i32
        %broadcast_in_dim3A_316 = vector.broadcast %broadcast_in_dim3A_315 : i32 to vector<16xi32>
        %gather3A_317 = tpu.vector_load_idx %arg9[%add3A_42, %broadcast_in_dim3A_316] : memref<400x64xf32, #tpu.memory_space<vmem>>[vector<16xi32>, vector<16xi32>], vector<16xf32>,
        %mul3A_318 = arith.mulf %gather3A_46, %gather3A_317 : vector<16xf32>
        %add3A_319 = arith.addf %mul3A_314, %mul3A_318 : vector<16xf32>
        %broadcast_in_dim3A_320 = arith.constant 22 : i32
        %broadcast_in_dim3A_321 = vector.broadcast %broadcast_in_dim3A_320 : i32 to vector<16xi32>
        %gather3A_322 = tpu.vector_load_idx %arg9[%add3A_42, %broadcast_in_dim3A_321] : memref<400x64xf32, #tpu.memory_space<vmem>>[vector<16xi32>, vector<16xi32>], vector<16xf32>,
        %mul3A_323 = arith.mulf %gather3A_49, %gather3A_322 : vector<16xf32>
        %add3A_324 = arith.addf %add3A_319, %mul3A_323 : vector<16xf32>
        %broadcast_in_dim3A_325 = arith.constant 30 : i32
        %broadcast_in_dim3A_326 = vector.broadcast %broadcast_in_dim3A_325 : i32 to vector<16xi32>
        %gather3A_327 = tpu.vector_load_idx %arg9[%add3A_42, %broadcast_in_dim3A_326] : memref<400x64xf32, #tpu.memory_space<vmem>>[vector<16xi32>, vector<16xi32>], vector<16xf32>,
        %mul3A_328 = arith.mulf %gather3A_52, %gather3A_327 : vector<16xf32>
        %add3A_329 = arith.addf %add3A_324, %mul3A_328 : vector<16xf32>
        %broadcast_in_dim3A_330 = arith.constant 38 : i32
        %broadcast_in_dim3A_331 = vector.broadcast %broadcast_in_dim3A_330 : i32 to vector<16xi32>
        %gather3A_332 = tpu.vector_load_idx %arg9[%add3A_42, %broadcast_in_dim3A_331] : memref<400x64xf32, #tpu.memory_space<vmem>>[vector<16xi32>, vector<16xi32>], vector<16xf32>,
        %mul3A_333 = arith.mulf %gather3A_55, %gather3A_332 : vector<16xf32>
        %add3A_334 = arith.addf %add3A_329, %mul3A_333 : vector<16xf32>
        %broadcast_in_dim3A_335 = arith.constant 46 : i32
        %broadcast_in_dim3A_336 = vector.broadcast %broadcast_in_dim3A_335 : i32 to vector<16xi32>
        %gather3A_337 = tpu.vector_load_idx %arg9[%add3A_42, %broadcast_in_dim3A_336] : memref<400x64xf32, #tpu.memory_space<vmem>>[vector<16xi32>, vector<16xi32>], vector<16xf32>,
        %mul3A_338 = arith.mulf %gather3A_58, %gather3A_337 : vector<16xf32>
        %add3A_339 = arith.addf %add3A_334, %mul3A_338 : vector<16xf32>
        %broadcast_in_dim3A_340 = arith.constant 54 : i32
        %broadcast_in_dim3A_341 = vector.broadcast %broadcast_in_dim3A_340 : i32 to vector<16xi32>
        %gather3A_342 = tpu.vector_load_idx %arg9[%add3A_42, %broadcast_in_dim3A_341] : memref<400x64xf32, #tpu.memory_space<vmem>>[vector<16xi32>, vector<16xi32>], vector<16xf32>,
        %mul3A_343 = arith.mulf %gather3A_61, %gather3A_342 : vector<16xf32>
        %add3A_344 = arith.addf %add3A_339, %mul3A_343 : vector<16xf32>
        %broadcast_in_dim3A_345 = arith.constant 62 : i32
        %broadcast_in_dim3A_346 = vector.broadcast %broadcast_in_dim3A_345 : i32 to vector<16xi32>
        %gather3A_347 = tpu.vector_load_idx %arg9[%add3A_42, %broadcast_in_dim3A_346] : memref<400x64xf32, #tpu.memory_space<vmem>>[vector<16xi32>, vector<16xi32>], vector<16xf32>,
        %mul3A_348 = arith.mulf %gather3A_64, %gather3A_347 : vector<16xf32>
        %add3A_349 = arith.addf %add3A_344, %mul3A_348 : vector<16xf32>
        %broadcast_in_dim3A_350 = arith.constant 6 : i32
        %broadcast_in_dim3A_351 = vector.broadcast %broadcast_in_dim3A_350 : i32 to vector<16xi32>
        tpu.vector_store_idx %arg10[%add3A_42, %broadcast_in_dim3A_351], %add3A_349 : memref<400x8xf32, #tpu.memory_space<vmem>>[vector<16xi32>, vector<16xi32>], vector<16xf32>,
        %broadcast_in_dim3A_352 = arith.constant 7 : i32
        %broadcast_in_dim3A_353 = vector.broadcast %broadcast_in_dim3A_352 : i32 to vector<16xi32>
        %gather3A_354 = tpu.vector_load_idx %arg9[%add3A_42, %broadcast_in_dim3A_353] : memref<400x64xf32, #tpu.memory_space<vmem>>[vector<16xi32>, vector<16xi32>], vector<16xf32>,
        %mul3A_355 = arith.mulf %gather3A, %gather3A_354 : vector<16xf32>
        %broadcast_in_dim3A_356 = arith.constant 15 : i32
        %broadcast_in_dim3A_357 = vector.broadcast %broadcast_in_dim3A_356 : i32 to vector<16xi32>
        %gather3A_358 = tpu.vector_load_idx %arg9[%add3A_42, %broadcast_in_dim3A_357] : memref<400x64xf32, #tpu.memory_space<vmem>>[vector<16xi32>, vector<16xi32>], vector<16xf32>,
        %mul3A_359 = arith.mulf %gather3A_46, %gather3A_358 : vector<16xf32>
        %add3A_360 = arith.addf %mul3A_355, %mul3A_359 : vector<16xf32>
        %broadcast_in_dim3A_361 = arith.constant 23 : i32
        %broadcast_in_dim3A_362 = vector.broadcast %broadcast_in_dim3A_361 : i32 to vector<16xi32>
        %gather3A_363 = tpu.vector_load_idx %arg9[%add3A_42, %broadcast_in_dim3A_362] : memref<400x64xf32, #tpu.memory_space<vmem>>[vector<16xi32>, vector<16xi32>], vector<16xf32>,
        %mul3A_364 = arith.mulf %gather3A_49, %gather3A_363 : vector<16xf32>
        %add3A_365 = arith.addf %add3A_360, %mul3A_364 : vector<16xf32>
        %broadcast_in_dim3A_366 = arith.constant 31 : i32
        %broadcast_in_dim3A_367 = vector.broadcast %broadcast_in_dim3A_366 : i32 to vector<16xi32>
        %gather3A_368 = tpu.vector_load_idx %arg9[%add3A_42, %broadcast_in_dim3A_367] : memref<400x64xf32, #tpu.memory_space<vmem>>[vector<16xi32>, vector<16xi32>], vector<16xf32>,
        %mul3A_369 = arith.mulf %gather3A_52, %gather3A_368 : vector<16xf32>
        %add3A_370 = arith.addf %add3A_365, %mul3A_369 : vector<16xf32>
        %broadcast_in_dim3A_371 = arith.constant 39 : i32
        %broadcast_in_dim3A_372 = vector.broadcast %broadcast_in_dim3A_371 : i32 to vector<16xi32>
        %gather3A_373 = tpu.vector_load_idx %arg9[%add3A_42, %broadcast_in_dim3A_372] : memref<400x64xf32, #tpu.memory_space<vmem>>[vector<16xi32>, vector<16xi32>], vector<16xf32>,
        %mul3A_374 = arith.mulf %gather3A_55, %gather3A_373 : vector<16xf32>
        %add3A_375 = arith.addf %add3A_370, %mul3A_374 : vector<16xf32>
        %broadcast_in_dim3A_376 = arith.constant 47 : i32
        %broadcast_in_dim3A_377 = vector.broadcast %broadcast_in_dim3A_376 : i32 to vector<16xi32>
        %gather3A_378 = tpu.vector_load_idx %arg9[%add3A_42, %broadcast_in_dim3A_377] : memref<400x64xf32, #tpu.memory_space<vmem>>[vector<16xi32>, vector<16xi32>], vector<16xf32>,
        %mul3A_379 = arith.mulf %gather3A_58, %gather3A_378 : vector<16xf32>
        %add3A_380 = arith.addf %add3A_375, %mul3A_379 : vector<16xf32>
        %broadcast_in_dim3A_381 = arith.constant 55 : i32
        %broadcast_in_dim3A_382 = vector.broadcast %broadcast_in_dim3A_381 : i32 to vector<16xi32>
        %gather3A_383 = tpu.vector_load_idx %arg9[%add3A_42, %broadcast_in_dim3A_382] : memref<400x64xf32, #tpu.memory_space<vmem>>[vector<16xi32>, vector<16xi32>], vector<16xf32>,
        %mul3A_384 = arith.mulf %gather3A_61, %gather3A_383 : vector<16xf32>
        %add3A_385 = arith.addf %add3A_380, %mul3A_384 : vector<16xf32>
        %broadcast_in_dim3A_386 = arith.constant 63 : i32
        %broadcast_in_dim3A_387 = vector.broadcast %broadcast_in_dim3A_386 : i32 to vector<16xi32>
        %gather3A_388 = tpu.vector_load_idx %arg9[%add3A_42, %broadcast_in_dim3A_387] : memref<400x64xf32, #tpu.memory_space<vmem>>[vector<16xi32>, vector<16xi32>], vector<16xf32>,
        %mul3A_389 = arith.mulf %gather3A_64, %gather3A_388 : vector<16xf32>
        %add3A_390 = arith.addf %add3A_385, %mul3A_389 : vector<16xf32>
        %broadcast_in_dim3A_391 = arith.constant 7 : i32
        %broadcast_in_dim3A_392 = vector.broadcast %broadcast_in_dim3A_391 : i32 to vector<16xi32>
        tpu.vector_store_idx %arg10[%add3A_42, %broadcast_in_dim3A_392], %add3A_390 : memref<400x8xf32, #tpu.memory_space<vmem>>[vector<16xi32>, vector<16xi32>], vector<16xf32>,
      }
      %scan3A_31 = arith.constant 25 : i32
      %run_scoped3A = arith.constant 0 : i32
      "tpu.region"() ({
        %run_scoped3A_35 = tpu.sem_alloc : memref<!tpu.dma_semaphore, #tpu.memory_space<semaphore_mem>>
        %dma_start3A = arith.constant 0 : i32
        %dma_start3A_36 = arith.constant 0 : i32
        %dma_start3A_37 = tpu.memref_slice %arg10[%dma_start3A, %dma_start3A_36] : memref<400x8xf32, #tpu.memory_space<vmem>> -> memref<100x8xf32, #tpu.memory_space<vmem>>
        %dma_start3A_38 = arith.constant 0 : i32
        %dma_start3A_39 = tpu.memref_slice %arg12[%run_scoped3A, %dma_start3A_38] : memref<4x100xi32, #tpu.memory_space<vmem>> -> memref<1x100xi32, #tpu.memory_space<vmem>>
        %dma_start3A_40 = tpu.memref_squeeze %dma_start3A_39 : memref<1x100xi32, #tpu.memory_space<vmem>> -> memref<100xi32, #tpu.memory_space<vmem>>
        %dma_start3A_41 = arith.constant 0 : i32
        %dma_start3A_42 = arith.constant 0 : i32
        %dma_start3A_43 = tpu.memref_slice %arg14[%dma_start3A_41, %dma_start3A_42] : memref<10000x8xf32, #tpu.memory_space<vmem_shared>> -> memref<10000x8xf32, #tpu.memory_space<vmem_shared>>
        tpu.enqueue_indirect_dma source(%dma_start3A_37 : memref<100x8xf32, #tpu.memory_space<vmem>>) target(%dma_start3A_43 : memref<10000x8xf32, #tpu.memory_space<vmem_shared>>) offsets(%dma_start3A_40 : memref<100xi32, #tpu.memory_space<vmem>>) semaphore(%run_scoped3A_35 : memref<!tpu.dma_semaphore, #tpu.memory_space<semaphore_mem>>) {add = true}
        %dma_wait3A = arith.constant 0 : i32
        %dma_wait3A_44 = arith.constant 0 : i32
        %dma_wait3A_45 = tpu.memref_slice %arg10[%dma_wait3A, %dma_wait3A_44] : memref<400x8xf32, #tpu.memory_space<vmem>> -> memref<100x8xf32, #tpu.memory_space<vmem>>
        %dma_wait3A_46 = arith.constant 0 : i32
        %dma_wait3A_47 = tpu.memref_slice %arg12[%run_scoped3A, %dma_wait3A_46] : memref<4x100xi32, #tpu.memory_space<vmem>> -> memref<1x100xi32, #tpu.memory_space<vmem>>
        %dma_wait3A_48 = tpu.memref_squeeze %dma_wait3A_47 : memref<1x100xi32, #tpu.memory_space<vmem>> -> memref<100xi32, #tpu.memory_space<vmem>>
        %dma_wait3A_49 = arith.constant 0 : i32
        %dma_wait3A_50 = arith.constant 0 : i32
        %dma_wait3A_51 = tpu.memref_slice %arg14[%dma_wait3A_49, %dma_wait3A_50] : memref<10000x8xf32, #tpu.memory_space<vmem_shared>> -> memref<10000x8xf32, #tpu.memory_space<vmem_shared>>
        tpu.wait_indirect_dma semaphore(%run_scoped3A_35 : memref<!tpu.dma_semaphore, #tpu.memory_space<semaphore_mem>>) src(%dma_wait3A_45 : memref<100x8xf32, #tpu.memory_space<vmem>>) dst(%dma_wait3A_51 : memref<10000x8xf32, #tpu.memory_space<vmem_shared>>)
        tpu.yield
      }) : () -> ()
      %run_scoped3A_32 = arith.constant 1 : i32
      "tpu.region"() ({
        %run_scoped3A_35 = tpu.sem_alloc : memref<!tpu.dma_semaphore, #tpu.memory_space<semaphore_mem>>
        %dma_start3A = arith.constant 100 : i32
        %dma_start3A_36 = arith.constant 0 : i32
        %dma_start3A_37 = tpu.memref_slice %arg10[%dma_start3A, %dma_start3A_36] : memref<400x8xf32, #tpu.memory_space<vmem>> -> memref<100x8xf32, #tpu.memory_space<vmem>>
        %dma_start3A_38 = arith.constant 0 : i32
        %dma_start3A_39 = tpu.memref_slice %arg12[%run_scoped3A_32, %dma_start3A_38] : memref<4x100xi32, #tpu.memory_space<vmem>> -> memref<1x100xi32, #tpu.memory_space<vmem>>
        %dma_start3A_40 = tpu.memref_squeeze %dma_start3A_39 : memref<1x100xi32, #tpu.memory_space<vmem>> -> memref<100xi32, #tpu.memory_space<vmem>>
        %dma_start3A_41 = arith.constant 0 : i32
        %dma_start3A_42 = arith.constant 0 : i32
        %dma_start3A_43 = tpu.memref_slice %arg14[%dma_start3A_41, %dma_start3A_42] : memref<10000x8xf32, #tpu.memory_space<vmem_shared>> -> memref<10000x8xf32, #tpu.memory_space<vmem_shared>>
        tpu.enqueue_indirect_dma source(%dma_start3A_37 : memref<100x8xf32, #tpu.memory_space<vmem>>) target(%dma_start3A_43 : memref<10000x8xf32, #tpu.memory_space<vmem_shared>>) offsets(%dma_start3A_40 : memref<100xi32, #tpu.memory_space<vmem>>) semaphore(%run_scoped3A_35 : memref<!tpu.dma_semaphore, #tpu.memory_space<semaphore_mem>>) {add = true}
        %dma_wait3A = arith.constant 100 : i32
        %dma_wait3A_44 = arith.constant 0 : i32
        %dma_wait3A_45 = tpu.memref_slice %arg10[%dma_wait3A, %dma_wait3A_44] : memref<400x8xf32, #tpu.memory_space<vmem>> -> memref<100x8xf32, #tpu.memory_space<vmem>>
        %dma_wait3A_46 = arith.constant 0 : i32
        %dma_wait3A_47 = tpu.memref_slice %arg12[%run_scoped3A_32, %dma_wait3A_46] : memref<4x100xi32, #tpu.memory_space<vmem>> -> memref<1x100xi32, #tpu.memory_space<vmem>>
        %dma_wait3A_48 = tpu.memref_squeeze %dma_wait3A_47 : memref<1x100xi32, #tpu.memory_space<vmem>> -> memref<100xi32, #tpu.memory_space<vmem>>
        %dma_wait3A_49 = arith.constant 0 : i32
        %dma_wait3A_50 = arith.constant 0 : i32
        %dma_wait3A_51 = tpu.memref_slice %arg14[%dma_wait3A_49, %dma_wait3A_50] : memref<10000x8xf32, #tpu.memory_space<vmem_shared>> -> memref<10000x8xf32, #tpu.memory_space<vmem_shared>>
        tpu.wait_indirect_dma semaphore(%run_scoped3A_35 : memref<!tpu.dma_semaphore, #tpu.memory_space<semaphore_mem>>) src(%dma_wait3A_45 : memref<100x8xf32, #tpu.memory_space<vmem>>) dst(%dma_wait3A_51 : memref<10000x8xf32, #tpu.memory_space<vmem_shared>>)
        tpu.yield
      }) : () -> ()
      %run_scoped3A_33 = arith.constant 2 : i32
      "tpu.region"() ({
        %run_scoped3A_35 = tpu.sem_alloc : memref<!tpu.dma_semaphore, #tpu.memory_space<semaphore_mem>>
        %dma_start3A = arith.constant 200 : i32
        %dma_start3A_36 = arith.constant 0 : i32
        %dma_start3A_37 = tpu.memref_slice %arg10[%dma_start3A, %dma_start3A_36] : memref<400x8xf32, #tpu.memory_space<vmem>> -> memref<100x8xf32, #tpu.memory_space<vmem>>
        %dma_start3A_38 = arith.constant 0 : i32
        %dma_start3A_39 = tpu.memref_slice %arg12[%run_scoped3A_33, %dma_start3A_38] : memref<4x100xi32, #tpu.memory_space<vmem>> -> memref<1x100xi32, #tpu.memory_space<vmem>>
        %dma_start3A_40 = tpu.memref_squeeze %dma_start3A_39 : memref<1x100xi32, #tpu.memory_space<vmem>> -> memref<100xi32, #tpu.memory_space<vmem>>
        %dma_start3A_41 = arith.constant 0 : i32
        %dma_start3A_42 = arith.constant 0 : i32
        %dma_start3A_43 = tpu.memref_slice %arg14[%dma_start3A_41, %dma_start3A_42] : memref<10000x8xf32, #tpu.memory_space<vmem_shared>> -> memref<10000x8xf32, #tpu.memory_space<vmem_shared>>
        tpu.enqueue_indirect_dma source(%dma_start3A_37 : memref<100x8xf32, #tpu.memory_space<vmem>>) target(%dma_start3A_43 : memref<10000x8xf32, #tpu.memory_space<vmem_shared>>) offsets(%dma_start3A_40 : memref<100xi32, #tpu.memory_space<vmem>>) semaphore(%run_scoped3A_35 : memref<!tpu.dma_semaphore, #tpu.memory_space<semaphore_mem>>) {add = true}
        %dma_wait3A = arith.constant 200 : i32
        %dma_wait3A_44 = arith.constant 0 : i32
        %dma_wait3A_45 = tpu.memref_slice %arg10[%dma_wait3A, %dma_wait3A_44] : memref<400x8xf32, #tpu.memory_space<vmem>> -> memref<100x8xf32, #tpu.memory_space<vmem>>
        %dma_wait3A_46 = arith.constant 0 : i32
        %dma_wait3A_47 = tpu.memref_slice %arg12[%run_scoped3A_33, %dma_wait3A_46] : memref<4x100xi32, #tpu.memory_space<vmem>> -> memref<1x100xi32, #tpu.memory_space<vmem>>
        %dma_wait3A_48 = tpu.memref_squeeze %dma_wait3A_47 : memref<1x100xi32, #tpu.memory_space<vmem>> -> memref<100xi32, #tpu.memory_space<vmem>>
        %dma_wait3A_49 = arith.constant 0 : i32
        %dma_wait3A_50 = arith.constant 0 : i32
        %dma_wait3A_51 = tpu.memref_slice %arg14[%dma_wait3A_49, %dma_wait3A_50] : memref<10000x8xf32, #tpu.memory_space<vmem_shared>> -> memref<10000x8xf32, #tpu.memory_space<vmem_shared>>
        tpu.wait_indirect_dma semaphore(%run_scoped3A_35 : memref<!tpu.dma_semaphore, #tpu.memory_space<semaphore_mem>>) src(%dma_wait3A_45 : memref<100x8xf32, #tpu.memory_space<vmem>>) dst(%dma_wait3A_51 : memref<10000x8xf32, #tpu.memory_space<vmem_shared>>)
        tpu.yield
      }) : () -> ()
      %run_scoped3A_34 = arith.constant 3 : i32
      "tpu.region"() ({
        %run_scoped3A_35 = tpu.sem_alloc : memref<!tpu.dma_semaphore, #tpu.memory_space<semaphore_mem>>
        %dma_start3A = arith.constant 300 : i32
        %dma_start3A_36 = arith.constant 0 : i32
        %dma_start3A_37 = tpu.memref_slice %arg10[%dma_start3A, %dma_start3A_36] : memref<400x8xf32, #tpu.memory_space<vmem>> -> memref<100x8xf32, #tpu.memory_space<vmem>>
        %dma_start3A_38 = arith.constant 0 : i32
        %dma_start3A_39 = tpu.memref_slice %arg12[%run_scoped3A_34, %dma_start3A_38] : memref<4x100xi32, #tpu.memory_space<vmem>> -> memref<1x100xi32, #tpu.memory_space<vmem>>
        %dma_start3A_40 = tpu.memref_squeeze %dma_start3A_39 : memref<1x100xi32, #tpu.memory_space<vmem>> -> memref<100xi32, #tpu.memory_space<vmem>>
        %dma_start3A_41 = arith.constant 0 : i32
        %dma_start3A_42 = arith.constant 0 : i32
        %dma_start3A_43 = tpu.memref_slice %arg14[%dma_start3A_41, %dma_start3A_42] : memref<10000x8xf32, #tpu.memory_space<vmem_shared>> -> memref<10000x8xf32, #tpu.memory_space<vmem_shared>>
        tpu.enqueue_indirect_dma source(%dma_start3A_37 : memref<100x8xf32, #tpu.memory_space<vmem>>) target(%dma_start3A_43 : memref<10000x8xf32, #tpu.memory_space<vmem_shared>>) offsets(%dma_start3A_40 : memref<100xi32, #tpu.memory_space<vmem>>) semaphore(%run_scoped3A_35 : memref<!tpu.dma_semaphore, #tpu.memory_space<semaphore_mem>>) {add = true}
        %dma_wait3A = arith.constant 300 : i32
        %dma_wait3A_44 = arith.constant 0 : i32
        %dma_wait3A_45 = tpu.memref_slice %arg10[%dma_wait3A, %dma_wait3A_44] : memref<400x8xf32, #tpu.memory_space<vmem>> -> memref<100x8xf32, #tpu.memory_space<vmem>>
        %dma_wait3A_46 = arith.constant 0 : i32
        %dma_wait3A_47 = tpu.memref_slice %arg12[%run_scoped3A_34, %dma_wait3A_46] : memref<4x100xi32, #tpu.memory_space<vmem>> -> memref<1x100xi32, #tpu.memory_space<vmem>>
        %dma_wait3A_48 = tpu.memref_squeeze %dma_wait3A_47 : memref<1x100xi32, #tpu.memory_space<vmem>> -> memref<100xi32, #tpu.memory_space<vmem>>
        %dma_wait3A_49 = arith.constant 0 : i32
        %dma_wait3A_50 = arith.constant 0 : i32
        %dma_wait3A_51 = tpu.memref_slice %arg14[%dma_wait3A_49, %dma_wait3A_50] : memref<10000x8xf32, #tpu.memory_space<vmem_shared>> -> memref<10000x8xf32, #tpu.memory_space<vmem_shared>>
        tpu.wait_indirect_dma semaphore(%run_scoped3A_35 : memref<!tpu.dma_semaphore, #tpu.memory_space<semaphore_mem>>) src(%dma_wait3A_45 : memref<100x8xf32, #tpu.memory_space<vmem>>) dst(%dma_wait3A_51 : memref<10000x8xf32, #tpu.memory_space<vmem_shared>>)
        tpu.yield
      }) : () -> ()
    }
    %scan3A_14 = arith.constant 25 : i32
    %barrier3A_15 = arith.constant 0 : index
    tpu.barrier barrier_id(%barrier3A_15)
    "tpu.region"() ({
      %run_scoped3A = tpu.sem_alloc : memref<!tpu.dma_semaphore, #tpu.memory_space<semaphore_mem>>
      %dma_start3A = arith.constant 0 : i32
      %dma_start3A_19 = tpu.memref_slice %arg14[%mul3A_0, %dma_start3A] : memref<10000x8xf32, #tpu.memory_space<vmem_shared>> -> memref<640x8xf32, #tpu.memory_space<vmem_shared>>
      %dma_start3A_20 = arith.constant 0 : i32
      %dma_start3A_21 = tpu.memref_slice %arg14[%mul3A_0, %dma_start3A_20] : memref<10000x8xf32, #tpu.memory_space<vmem_shared>> -> memref<640x8xf32, #tpu.memory_space<vmem_shared>>
      tpu.enqueue_dma source(%dma_start3A_21 : memref<640x8xf32, #tpu.memory_space<vmem_shared>>) target(%arg13 : memref<640x8xf32, #tpu.memory_space<vmem>>) target_semaphore(%run_scoped3A : memref<!tpu.dma_semaphore, #tpu.memory_space<semaphore_mem>>)
      %dma_wait3A = arith.constant 0 : i32
      %dma_wait3A_22 = tpu.memref_slice %arg14[%mul3A_0, %dma_wait3A] : memref<10000x8xf32, #tpu.memory_space<vmem_shared>> -> memref<640x8xf32, #tpu.memory_space<vmem_shared>>
      %dma_wait3A_23 = arith.constant 0 : i32
      %dma_wait3A_24 = tpu.memref_slice %arg14[%mul3A_0, %dma_wait3A_23] : memref<10000x8xf32, #tpu.memory_space<vmem_shared>> -> memref<640x8xf32, #tpu.memory_space<vmem_shared>>
      tpu.wait_dma2 semaphore(%run_scoped3A : memref<!tpu.dma_semaphore, #tpu.memory_space<semaphore_mem>>) src(%dma_wait3A_24 : memref<640x8xf32, #tpu.memory_space<vmem_shared>>) dst(%arg13 : memref<640x8xf32, #tpu.memory_space<vmem>>)
      tpu.yield
    }) : () -> ()
    %mul3A_16 = arith.constant 10000 : i32
    %mul3A_17 = arith.muli %arg0, %mul3A_16 : i32
    %add3A_18 = arith.addi %mul3A_17, %mul3A_0 : i32
    "tpu.region"() ({
      %run_scoped3A = tpu.sem_alloc : memref<!tpu.dma_semaphore, #tpu.memory_space<semaphore_mem>>
      %dma_start3A = arith.constant 0 : i32
      %dma_start3A_19 = tpu.memref_slice %arg7[%add3A_18, %dma_start3A] : memref<20000x8xf32, #tpu.memory_space<hbm>> -> memref<640x8xf32, #tpu.memory_space<hbm>>
      %dma_start3A_20 = arith.constant 0 : i32
      %dma_start3A_21 = tpu.memref_slice %arg7[%add3A_18, %dma_start3A_20] : memref<20000x8xf32, #tpu.memory_space<hbm>> -> memref<640x8xf32, #tpu.memory_space<hbm>>
      tpu.enqueue_dma source(%arg13 : memref<640x8xf32, #tpu.memory_space<vmem>>) target(%dma_start3A_21 : memref<640x8xf32, #tpu.memory_space<hbm>>) target_semaphore(%run_scoped3A : memref<!tpu.dma_semaphore, #tpu.memory_space<semaphore_mem>>)
      %dma_wait3A = arith.constant 0 : i32
      %dma_wait3A_22 = tpu.memref_slice %arg7[%add3A_18, %dma_wait3A] : memref<20000x8xf32, #tpu.memory_space<hbm>> -> memref<640x8xf32, #tpu.memory_space<hbm>>
      %dma_wait3A_23 = arith.constant 0 : i32
      %dma_wait3A_24 = tpu.memref_slice %arg7[%add3A_18, %dma_wait3A_23] : memref<20000x8xf32, #tpu.memory_space<hbm>> -> memref<640x8xf32, #tpu.memory_space<hbm>>
      tpu.wait_dma2 semaphore(%run_scoped3A : memref<!tpu.dma_semaphore, #tpu.memory_space<semaphore_mem>>) src(%arg13 : memref<640x8xf32, #tpu.memory_space<vmem>>) dst(%dma_wait3A_24 : memref<640x8xf32, #tpu.memory_space<hbm>>)
      tpu.yield
    }) : () -> ()
    return
  }
}

#map = affine_map<(d0, d1) -> (0, 0)>
#map1 = affine_map<(d0, d1) -> (0)>
module attributes {stable_mosaic.version = 14 : i64} {
  func.func @_sc_step_body(%arg0: i32, %arg1: i32, %arg2: memref<10000x8xf32, #tpu.memory_space<hbm>>, %arg3: memref<320000xi32, #tpu.memory_space<hbm>>, %arg4: memref<3200x100xi32, #tpu.memory_space<hbm>>, %arg5: memref<320000x64xf32, #tpu.memory_space<hbm>>, %arg6: memref<640x8xf32, #tpu.memory_space<hbm>>, %arg7: memref<20000x8xf32, #tpu.memory_space<hbm>>, %arg8: memref<10000x8xf32, #tpu.memory_space<vmem>>, %arg9: memref<400x64xf32, #tpu.memory_space<vmem>>, %arg10: memref<400x8xf32, #tpu.memory_space<vmem>>, %arg11: memref<400xi32, #tpu.memory_space<vmem>>, %arg12: memref<4x100xi32, #tpu.memory_space<vmem>>, %arg13: memref<640x8xf32, #tpu.memory_space<vmem>>, %arg14: memref<10000x8xf32, #tpu.memory_space<vmem_shared>>) attributes {dimension_semantics = [#tpu.dimension_semantics<core_parallel>, #tpu.dimension_semantics<subcore_parallel>], iteration_bounds = array<i64: 2, 16>, scalar_prefetch = 0 : i64, scratch_operands = 7 : i64, tpu.core_type = #tpu.core_type<sc_vector_subcore>, window_params = [{transform_indices = #map}, {transform_indices = #map1}, {transform_indices = #map}, {transform_indices = #map}, {transform_indices = #map}, {transform_indices = #map}]} {
    %mul3A = arith.constant 624 : i32
    %mul3A_0 = arith.muli %arg1, %mul3A : i32
    "tpu.region"() ({
      %run_scoped3A = tpu.sem_alloc : memref<!tpu.dma_semaphore, #tpu.memory_space<semaphore_mem>>
      tpu.enqueue_dma source(%arg2 : memref<10000x8xf32, #tpu.memory_space<hbm>>) target(%arg8 : memref<10000x8xf32, #tpu.memory_space<vmem>>) target_semaphore(%run_scoped3A : memref<!tpu.dma_semaphore, #tpu.memory_space<semaphore_mem>>)
      tpu.wait_dma2 semaphore(%run_scoped3A : memref<!tpu.dma_semaphore, #tpu.memory_space<semaphore_mem>>) src(%arg2 : memref<10000x8xf32, #tpu.memory_space<hbm>>) dst(%arg8 : memref<10000x8xf32, #tpu.memory_space<vmem>>)
      tpu.yield
    }) : () -> ()
    "tpu.region"() ({
      %run_scoped3A = tpu.sem_alloc : memref<!tpu.dma_semaphore, #tpu.memory_space<semaphore_mem>>
      tpu.enqueue_dma source(%arg6 : memref<640x8xf32, #tpu.memory_space<hbm>>) target(%arg13 : memref<640x8xf32, #tpu.memory_space<vmem>>) target_semaphore(%run_scoped3A : memref<!tpu.dma_semaphore, #tpu.memory_space<semaphore_mem>>)
      tpu.wait_dma2 semaphore(%run_scoped3A : memref<!tpu.dma_semaphore, #tpu.memory_space<semaphore_mem>>) src(%arg6 : memref<640x8xf32, #tpu.memory_space<hbm>>) dst(%arg13 : memref<640x8xf32, #tpu.memory_space<vmem>>)
      tpu.yield
    }) : () -> ()
    "tpu.region"() ({
      %run_scoped3A = tpu.sem_alloc : memref<!tpu.dma_semaphore, #tpu.memory_space<semaphore_mem>>
      %dma_start3A = arith.constant 0 : i32
      %dma_start3A_19 = tpu.memref_slice %arg14[%mul3A_0, %dma_start3A] : memref<10000x8xf32, #tpu.memory_space<vmem_shared>> -> memref<640x8xf32, #tpu.memory_space<vmem_shared>>
      %dma_start3A_20 = arith.constant 0 : i32
      %dma_start3A_21 = tpu.memref_slice %arg14[%mul3A_0, %dma_start3A_20] : memref<10000x8xf32, #tpu.memory_space<vmem_shared>> -> memref<640x8xf32, #tpu.memory_space<vmem_shared>>
      tpu.enqueue_dma source(%arg13 : memref<640x8xf32, #tpu.memory_space<vmem>>) target(%dma_start3A_21 : memref<640x8xf32, #tpu.memory_space<vmem_shared>>) target_semaphore(%run_scoped3A : memref<!tpu.dma_semaphore, #tpu.memory_space<semaphore_mem>>)
      %dma_wait3A = arith.constant 0 : i32
      %dma_wait3A_22 = tpu.memref_slice %arg14[%mul3A_0, %dma_wait3A] : memref<10000x8xf32, #tpu.memory_space<vmem_shared>> -> memref<640x8xf32, #tpu.memory_space<vmem_shared>>
      %dma_wait3A_23 = arith.constant 0 : i32
      %dma_wait3A_24 = tpu.memref_slice %arg14[%mul3A_0, %dma_wait3A_23] : memref<10000x8xf32, #tpu.memory_space<vmem_shared>> -> memref<640x8xf32, #tpu.memory_space<vmem_shared>>
      tpu.wait_dma2 semaphore(%run_scoped3A : memref<!tpu.dma_semaphore, #tpu.memory_space<semaphore_mem>>) src(%arg13 : memref<640x8xf32, #tpu.memory_space<vmem>>) dst(%dma_wait3A_24 : memref<640x8xf32, #tpu.memory_space<vmem_shared>>)
      tpu.yield
    }) : () -> ()
    %barrier3A = arith.constant 0 : index
    tpu.barrier barrier_id(%barrier3A)
    %iota3A = tpu.iota {dimensions = array<i32: 0>} : vector<16xi32>
    %mul3A_1 = arith.constant 160000 : i32
    %mul3A_2 = arith.muli %arg0, %mul3A_1 : i32
    %mul3A_3 = arith.constant 10000 : i32
    %mul3A_4 = arith.muli %arg1, %mul3A_3 : i32
    %add3A = arith.addi %mul3A_2, %mul3A_4 : i32
    %mul3A_5 = arith.constant 1600 : i32
    %mul3A_6 = arith.muli %arg0, %mul3A_5 : i32
    %mul3A_7 = arith.constant 100 : i32
    %mul3A_8 = arith.muli %arg1, %mul3A_7 : i32
    %add3A_9 = arith.addi %mul3A_6, %mul3A_8 : i32
    %scan3A = arith.constant 0 : i32
    %scan3A_10 = arith.constant 0 : i32
    %scan3A_11 = arith.constant 25 : i32
    %scan3A_12 = arith.addi %scan3A_10, %scan3A_11 : i32
    %scan3A_13 = arith.constant 1 : i32
    scf.for %scan3A_19 = %scan3A_10 to %scan3A_12 step %scan3A_13  : i32 {
      %mul3A_20 = arith.constant 400 : i32
      %mul3A_21 = arith.muli %scan3A_19, %mul3A_20 : i32
      %add3A_22 = arith.addi %add3A, %mul3A_21 : i32
      %mul3A_23 = arith.constant 4 : i32
      %mul3A_24 = arith.muli %scan3A_19, %mul3A_23 : i32
      %add3A_25 = arith.addi %add3A_9, %mul3A_24 : i32
      "tpu.region"() ({
        %run_scoped3A_35 = tpu.sem_alloc : memref<!tpu.dma_semaphore, #tpu.memory_space<semaphore_mem>>
        %dma_start3A = tpu.memref_slice %arg3[%add3A_22] : memref<320000xi32, #tpu.memory_space<hbm>> -> memref<400xi32, #tpu.memory_space<hbm>>
        %dma_start3A_36 = tpu.memref_slice %arg3[%add3A_22] : memref<320000xi32, #tpu.memory_space<hbm>> -> memref<400xi32, #tpu.memory_space<hbm>>
        tpu.enqueue_dma source(%dma_start3A_36 : memref<400xi32, #tpu.memory_space<hbm>>) target(%arg11 : memref<400xi32, #tpu.memory_space<vmem>>) target_semaphore(%run_scoped3A_35 : memref<!tpu.dma_semaphore, #tpu.memory_space<semaphore_mem>>)
        %dma_wait3A = tpu.memref_slice %arg3[%add3A_22] : memref<320000xi32, #tpu.memory_space<hbm>> -> memref<400xi32, #tpu.memory_space<hbm>>
        %dma_wait3A_37 = tpu.memref_slice %arg3[%add3A_22] : memref<320000xi32, #tpu.memory_space<hbm>> -> memref<400xi32, #tpu.memory_space<hbm>>
        tpu.wait_dma2 semaphore(%run_scoped3A_35 : memref<!tpu.dma_semaphore, #tpu.memory_space<semaphore_mem>>) src(%dma_wait3A_37 : memref<400xi32, #tpu.memory_space<hbm>>) dst(%arg11 : memref<400xi32, #tpu.memory_space<vmem>>)
        tpu.yield
      }) : () -> ()
      "tpu.region"() ({
        %run_scoped3A_35 = tpu.sem_alloc : memref<!tpu.dma_semaphore, #tpu.memory_space<semaphore_mem>>
        %dma_start3A = arith.constant 0 : i32
        %dma_start3A_36 = tpu.memref_slice %arg4[%add3A_25, %dma_start3A] : memref<3200x100xi32, #tpu.memory_space<hbm>> -> memref<4x100xi32, #tpu.memory_space<hbm>>
        %dma_start3A_37 = arith.constant 0 : i32
        %dma_start3A_38 = tpu.memref_slice %arg4[%add3A_25, %dma_start3A_37] : memref<3200x100xi32, #tpu.memory_space<hbm>> -> memref<4x100xi32, #tpu.memory_space<hbm>>
        tpu.enqueue_dma source(%dma_start3A_38 : memref<4x100xi32, #tpu.memory_space<hbm>>) target(%arg12 : memref<4x100xi32, #tpu.memory_space<vmem>>) target_semaphore(%run_scoped3A_35 : memref<!tpu.dma_semaphore, #tpu.memory_space<semaphore_mem>>)
        %dma_wait3A = arith.constant 0 : i32
        %dma_wait3A_39 = tpu.memref_slice %arg4[%add3A_25, %dma_wait3A] : memref<3200x100xi32, #tpu.memory_space<hbm>> -> memref<4x100xi32, #tpu.memory_space<hbm>>
        %dma_wait3A_40 = arith.constant 0 : i32
        %dma_wait3A_41 = tpu.memref_slice %arg4[%add3A_25, %dma_wait3A_40] : memref<3200x100xi32, #tpu.memory_space<hbm>> -> memref<4x100xi32, #tpu.memory_space<hbm>>
        tpu.wait_dma2 semaphore(%run_scoped3A_35 : memref<!tpu.dma_semaphore, #tpu.memory_space<semaphore_mem>>) src(%dma_wait3A_41 : memref<4x100xi32, #tpu.memory_space<hbm>>) dst(%arg12 : memref<4x100xi32, #tpu.memory_space<vmem>>)
        tpu.yield
      }) : () -> ()
      "tpu.region"() ({
        %run_scoped3A_35 = tpu.sem_alloc : memref<!tpu.dma_semaphore, #tpu.memory_space<semaphore_mem>>
        %dma_start3A = arith.constant 0 : i32
        %dma_start3A_36 = tpu.memref_slice %arg5[%add3A_22, %dma_start3A] : memref<320000x64xf32, #tpu.memory_space<hbm>> -> memref<400x64xf32, #tpu.memory_space<hbm>>
        %dma_start3A_37 = arith.constant 0 : i32
        %dma_start3A_38 = tpu.memref_slice %arg5[%add3A_22, %dma_start3A_37] : memref<320000x64xf32, #tpu.memory_space<hbm>> -> memref<400x64xf32, #tpu.memory_space<hbm>>
        tpu.enqueue_dma source(%dma_start3A_38 : memref<400x64xf32, #tpu.memory_space<hbm>>) target(%arg9 : memref<400x64xf32, #tpu.memory_space<vmem>>) target_semaphore(%run_scoped3A_35 : memref<!tpu.dma_semaphore, #tpu.memory_space<semaphore_mem>>)
        %dma_wait3A = arith.constant 0 : i32
        %dma_wait3A_39 = tpu.memref_slice %arg5[%add3A_22, %dma_wait3A] : memref<320000x64xf32, #tpu.memory_space<hbm>> -> memref<400x64xf32, #tpu.memory_space<hbm>>
        %dma_wait3A_40 = arith.constant 0 : i32
        %dma_wait3A_41 = tpu.memref_slice %arg5[%add3A_22, %dma_wait3A_40] : memref<320000x64xf32, #tpu.memory_space<hbm>> -> memref<400x64xf32, #tpu.memory_space<hbm>>
        tpu.wait_dma2 semaphore(%run_scoped3A_35 : memref<!tpu.dma_semaphore, #tpu.memory_space<semaphore_mem>>) src(%dma_wait3A_41 : memref<400x64xf32, #tpu.memory_space<hbm>>) dst(%arg9 : memref<400x64xf32, #tpu.memory_space<vmem>>)
        tpu.yield
      }) : () -> ()
      %scan3A_26 = arith.constant 0 : i32
      %scan3A_27 = arith.constant 0 : i32
      %scan3A_28 = arith.constant 25 : i32
      %scan3A_29 = arith.addi %scan3A_27, %scan3A_28 : i32
      %scan3A_30 = arith.constant 1 : i32
      scf.for %scan3A_35 = %scan3A_27 to %scan3A_29 step %scan3A_30  : i32 {
        %mul3A_36 = arith.constant 16 : i32
        %mul3A_37 = arith.muli %scan3A_35, %mul3A_36 : i32
        %get3A = arith.index_cast %mul3A_37 : i32 to index
        %get3A_38 = tpu.vector_load %arg11[%get3A] {strides = array<i32>} : memref<400xi32, #tpu.memory_space<vmem>>, vector<16xi32>,
        %mul3A_39 = arith.constant 16 : i32
        %mul3A_40 = arith.muli %scan3A_35, %mul3A_39 : i32
        %add3A_41 = vector.broadcast %mul3A_40 : i32 to vector<16xi32>
        %add3A_42 = arith.addi %iota3A, %add3A_41 : vector<16xi32>
        %broadcast_in_dim3A = arith.constant 0 : i32
        %broadcast_in_dim3A_43 = vector.broadcast %broadcast_in_dim3A : i32 to vector<16xi32>
        %gather3A = tpu.vector_load_idx %arg8[%get3A_38, %broadcast_in_dim3A_43] : memref<10000x8xf32, #tpu.memory_space<vmem>>[vector<16xi32>, vector<16xi32>], vector<16xf32>,
        %broadcast_in_dim3A_44 = arith.constant 1 : i32
        %broadcast_in_dim3A_45 = vector.broadcast %broadcast_in_dim3A_44 : i32 to vector<16xi32>
        %gather3A_46 = tpu.vector_load_idx %arg8[%get3A_38, %broadcast_in_dim3A_45] : memref<10000x8xf32, #tpu.memory_space<vmem>>[vector<16xi32>, vector<16xi32>], vector<16xf32>,
        %broadcast_in_dim3A_47 = arith.constant 2 : i32
        %broadcast_in_dim3A_48 = vector.broadcast %broadcast_in_dim3A_47 : i32 to vector<16xi32>
        %gather3A_49 = tpu.vector_load_idx %arg8[%get3A_38, %broadcast_in_dim3A_48] : memref<10000x8xf32, #tpu.memory_space<vmem>>[vector<16xi32>, vector<16xi32>], vector<16xf32>,
        %broadcast_in_dim3A_50 = arith.constant 3 : i32
        %broadcast_in_dim3A_51 = vector.broadcast %broadcast_in_dim3A_50 : i32 to vector<16xi32>
        %gather3A_52 = tpu.vector_load_idx %arg8[%get3A_38, %broadcast_in_dim3A_51] : memref<10000x8xf32, #tpu.memory_space<vmem>>[vector<16xi32>, vector<16xi32>], vector<16xf32>,
        %broadcast_in_dim3A_53 = arith.constant 4 : i32
        %broadcast_in_dim3A_54 = vector.broadcast %broadcast_in_dim3A_53 : i32 to vector<16xi32>
        %gather3A_55 = tpu.vector_load_idx %arg8[%get3A_38, %broadcast_in_dim3A_54] : memref<10000x8xf32, #tpu.memory_space<vmem>>[vector<16xi32>, vector<16xi32>], vector<16xf32>,
        %broadcast_in_dim3A_56 = arith.constant 5 : i32
        %broadcast_in_dim3A_57 = vector.broadcast %broadcast_in_dim3A_56 : i32 to vector<16xi32>
        %gather3A_58 = tpu.vector_load_idx %arg8[%get3A_38, %broadcast_in_dim3A_57] : memref<10000x8xf32, #tpu.memory_space<vmem>>[vector<16xi32>, vector<16xi32>], vector<16xf32>,
        %broadcast_in_dim3A_59 = arith.constant 6 : i32
        %broadcast_in_dim3A_60 = vector.broadcast %broadcast_in_dim3A_59 : i32 to vector<16xi32>
        %gather3A_61 = tpu.vector_load_idx %arg8[%get3A_38, %broadcast_in_dim3A_60] : memref<10000x8xf32, #tpu.memory_space<vmem>>[vector<16xi32>, vector<16xi32>], vector<16xf32>,
        %broadcast_in_dim3A_62 = arith.constant 7 : i32
        %broadcast_in_dim3A_63 = vector.broadcast %broadcast_in_dim3A_62 : i32 to vector<16xi32>
        %gather3A_64 = tpu.vector_load_idx %arg8[%get3A_38, %broadcast_in_dim3A_63] : memref<10000x8xf32, #tpu.memory_space<vmem>>[vector<16xi32>, vector<16xi32>], vector<16xf32>,
        %broadcast_in_dim3A_65 = arith.constant 0 : i32
        %broadcast_in_dim3A_66 = vector.broadcast %broadcast_in_dim3A_65 : i32 to vector<16xi32>
        %gather3A_67 = tpu.vector_load_idx %arg9[%add3A_42, %broadcast_in_dim3A_66] : memref<400x64xf32, #tpu.memory_space<vmem>>[vector<16xi32>, vector<16xi32>], vector<16xf32>,
        %mul3A_68 = arith.mulf %gather3A, %gather3A_67 : vector<16xf32>
        %broadcast_in_dim3A_69 = arith.constant 8 : i32
        %broadcast_in_dim3A_70 = vector.broadcast %broadcast_in_dim3A_69 : i32 to vector<16xi32>
        %gather3A_71 = tpu.vector_load_idx %arg9[%add3A_42, %broadcast_in_dim3A_70] : memref<400x64xf32, #tpu.memory_space<vmem>>[vector<16xi32>, vector<16xi32>], vector<16xf32>,
        %mul3A_72 = arith.mulf %gather3A_46, %gather3A_71 : vector<16xf32>
        %add3A_73 = arith.addf %mul3A_68, %mul3A_72 : vector<16xf32>
        %broadcast_in_dim3A_74 = arith.constant 16 : i32
        %broadcast_in_dim3A_75 = vector.broadcast %broadcast_in_dim3A_74 : i32 to vector<16xi32>
        %gather3A_76 = tpu.vector_load_idx %arg9[%add3A_42, %broadcast_in_dim3A_75] : memref<400x64xf32, #tpu.memory_space<vmem>>[vector<16xi32>, vector<16xi32>], vector<16xf32>,
        %mul3A_77 = arith.mulf %gather3A_49, %gather3A_76 : vector<16xf32>
        %add3A_78 = arith.addf %add3A_73, %mul3A_77 : vector<16xf32>
        %broadcast_in_dim3A_79 = arith.constant 24 : i32
        %broadcast_in_dim3A_80 = vector.broadcast %broadcast_in_dim3A_79 : i32 to vector<16xi32>
        %gather3A_81 = tpu.vector_load_idx %arg9[%add3A_42, %broadcast_in_dim3A_80] : memref<400x64xf32, #tpu.memory_space<vmem>>[vector<16xi32>, vector<16xi32>], vector<16xf32>,
        %mul3A_82 = arith.mulf %gather3A_52, %gather3A_81 : vector<16xf32>
        %add3A_83 = arith.addf %add3A_78, %mul3A_82 : vector<16xf32>
        %broadcast_in_dim3A_84 = arith.constant 32 : i32
        %broadcast_in_dim3A_85 = vector.broadcast %broadcast_in_dim3A_84 : i32 to vector<16xi32>
        %gather3A_86 = tpu.vector_load_idx %arg9[%add3A_42, %broadcast_in_dim3A_85] : memref<400x64xf32, #tpu.memory_space<vmem>>[vector<16xi32>, vector<16xi32>], vector<16xf32>,
        %mul3A_87 = arith.mulf %gather3A_55, %gather3A_86 : vector<16xf32>
        %add3A_88 = arith.addf %add3A_83, %mul3A_87 : vector<16xf32>
        %broadcast_in_dim3A_89 = arith.constant 40 : i32
        %broadcast_in_dim3A_90 = vector.broadcast %broadcast_in_dim3A_89 : i32 to vector<16xi32>
        %gather3A_91 = tpu.vector_load_idx %arg9[%add3A_42, %broadcast_in_dim3A_90] : memref<400x64xf32, #tpu.memory_space<vmem>>[vector<16xi32>, vector<16xi32>], vector<16xf32>,
        %mul3A_92 = arith.mulf %gather3A_58, %gather3A_91 : vector<16xf32>
        %add3A_93 = arith.addf %add3A_88, %mul3A_92 : vector<16xf32>
        %broadcast_in_dim3A_94 = arith.constant 48 : i32
        %broadcast_in_dim3A_95 = vector.broadcast %broadcast_in_dim3A_94 : i32 to vector<16xi32>
        %gather3A_96 = tpu.vector_load_idx %arg9[%add3A_42, %broadcast_in_dim3A_95] : memref<400x64xf32, #tpu.memory_space<vmem>>[vector<16xi32>, vector<16xi32>], vector<16xf32>,
        %mul3A_97 = arith.mulf %gather3A_61, %gather3A_96 : vector<16xf32>
        %add3A_98 = arith.addf %add3A_93, %mul3A_97 : vector<16xf32>
        %broadcast_in_dim3A_99 = arith.constant 56 : i32
        %broadcast_in_dim3A_100 = vector.broadcast %broadcast_in_dim3A_99 : i32 to vector<16xi32>
        %gather3A_101 = tpu.vector_load_idx %arg9[%add3A_42, %broadcast_in_dim3A_100] : memref<400x64xf32, #tpu.memory_space<vmem>>[vector<16xi32>, vector<16xi32>], vector<16xf32>,
        %mul3A_102 = arith.mulf %gather3A_64, %gather3A_101 : vector<16xf32>
        %add3A_103 = arith.addf %add3A_98, %mul3A_102 : vector<16xf32>
        %broadcast_in_dim3A_104 = arith.constant 0 : i32
        %broadcast_in_dim3A_105 = vector.broadcast %broadcast_in_dim3A_104 : i32 to vector<16xi32>
        tpu.vector_store_idx %arg10[%add3A_42, %broadcast_in_dim3A_105], %add3A_103 : memref<400x8xf32, #tpu.memory_space<vmem>>[vector<16xi32>, vector<16xi32>], vector<16xf32>,
        %broadcast_in_dim3A_106 = arith.constant 1 : i32
        %broadcast_in_dim3A_107 = vector.broadcast %broadcast_in_dim3A_106 : i32 to vector<16xi32>
        %gather3A_108 = tpu.vector_load_idx %arg9[%add3A_42, %broadcast_in_dim3A_107] : memref<400x64xf32, #tpu.memory_space<vmem>>[vector<16xi32>, vector<16xi32>], vector<16xf32>,
        %mul3A_109 = arith.mulf %gather3A, %gather3A_108 : vector<16xf32>
        %broadcast_in_dim3A_110 = arith.constant 9 : i32
        %broadcast_in_dim3A_111 = vector.broadcast %broadcast_in_dim3A_110 : i32 to vector<16xi32>
        %gather3A_112 = tpu.vector_load_idx %arg9[%add3A_42, %broadcast_in_dim3A_111] : memref<400x64xf32, #tpu.memory_space<vmem>>[vector<16xi32>, vector<16xi32>], vector<16xf32>,
        %mul3A_113 = arith.mulf %gather3A_46, %gather3A_112 : vector<16xf32>
        %add3A_114 = arith.addf %mul3A_109, %mul3A_113 : vector<16xf32>
        %broadcast_in_dim3A_115 = arith.constant 17 : i32
        %broadcast_in_dim3A_116 = vector.broadcast %broadcast_in_dim3A_115 : i32 to vector<16xi32>
        %gather3A_117 = tpu.vector_load_idx %arg9[%add3A_42, %broadcast_in_dim3A_116] : memref<400x64xf32, #tpu.memory_space<vmem>>[vector<16xi32>, vector<16xi32>], vector<16xf32>,
        %mul3A_118 = arith.mulf %gather3A_49, %gather3A_117 : vector<16xf32>
        %add3A_119 = arith.addf %add3A_114, %mul3A_118 : vector<16xf32>
        %broadcast_in_dim3A_120 = arith.constant 25 : i32
        %broadcast_in_dim3A_121 = vector.broadcast %broadcast_in_dim3A_120 : i32 to vector<16xi32>
        %gather3A_122 = tpu.vector_load_idx %arg9[%add3A_42, %broadcast_in_dim3A_121] : memref<400x64xf32, #tpu.memory_space<vmem>>[vector<16xi32>, vector<16xi32>], vector<16xf32>,
        %mul3A_123 = arith.mulf %gather3A_52, %gather3A_122 : vector<16xf32>
        %add3A_124 = arith.addf %add3A_119, %mul3A_123 : vector<16xf32>
        %broadcast_in_dim3A_125 = arith.constant 33 : i32
        %broadcast_in_dim3A_126 = vector.broadcast %broadcast_in_dim3A_125 : i32 to vector<16xi32>
        %gather3A_127 = tpu.vector_load_idx %arg9[%add3A_42, %broadcast_in_dim3A_126] : memref<400x64xf32, #tpu.memory_space<vmem>>[vector<16xi32>, vector<16xi32>], vector<16xf32>,
        %mul3A_128 = arith.mulf %gather3A_55, %gather3A_127 : vector<16xf32>
        %add3A_129 = arith.addf %add3A_124, %mul3A_128 : vector<16xf32>
        %broadcast_in_dim3A_130 = arith.constant 41 : i32
        %broadcast_in_dim3A_131 = vector.broadcast %broadcast_in_dim3A_130 : i32 to vector<16xi32>
        %gather3A_132 = tpu.vector_load_idx %arg9[%add3A_42, %broadcast_in_dim3A_131] : memref<400x64xf32, #tpu.memory_space<vmem>>[vector<16xi32>, vector<16xi32>], vector<16xf32>,
        %mul3A_133 = arith.mulf %gather3A_58, %gather3A_132 : vector<16xf32>
        %add3A_134 = arith.addf %add3A_129, %mul3A_133 : vector<16xf32>
        %broadcast_in_dim3A_135 = arith.constant 49 : i32
        %broadcast_in_dim3A_136 = vector.broadcast %broadcast_in_dim3A_135 : i32 to vector<16xi32>
        %gather3A_137 = tpu.vector_load_idx %arg9[%add3A_42, %broadcast_in_dim3A_136] : memref<400x64xf32, #tpu.memory_space<vmem>>[vector<16xi32>, vector<16xi32>], vector<16xf32>,
        %mul3A_138 = arith.mulf %gather3A_61, %gather3A_137 : vector<16xf32>
        %add3A_139 = arith.addf %add3A_134, %mul3A_138 : vector<16xf32>
        %broadcast_in_dim3A_140 = arith.constant 57 : i32
        %broadcast_in_dim3A_141 = vector.broadcast %broadcast_in_dim3A_140 : i32 to vector<16xi32>
        %gather3A_142 = tpu.vector_load_idx %arg9[%add3A_42, %broadcast_in_dim3A_141] : memref<400x64xf32, #tpu.memory_space<vmem>>[vector<16xi32>, vector<16xi32>], vector<16xf32>,
        %mul3A_143 = arith.mulf %gather3A_64, %gather3A_142 : vector<16xf32>
        %add3A_144 = arith.addf %add3A_139, %mul3A_143 : vector<16xf32>
        %broadcast_in_dim3A_145 = arith.constant 1 : i32
        %broadcast_in_dim3A_146 = vector.broadcast %broadcast_in_dim3A_145 : i32 to vector<16xi32>
        tpu.vector_store_idx %arg10[%add3A_42, %broadcast_in_dim3A_146], %add3A_144 : memref<400x8xf32, #tpu.memory_space<vmem>>[vector<16xi32>, vector<16xi32>], vector<16xf32>,
        %broadcast_in_dim3A_147 = arith.constant 2 : i32
        %broadcast_in_dim3A_148 = vector.broadcast %broadcast_in_dim3A_147 : i32 to vector<16xi32>
        %gather3A_149 = tpu.vector_load_idx %arg9[%add3A_42, %broadcast_in_dim3A_148] : memref<400x64xf32, #tpu.memory_space<vmem>>[vector<16xi32>, vector<16xi32>], vector<16xf32>,
        %mul3A_150 = arith.mulf %gather3A, %gather3A_149 : vector<16xf32>
        %broadcast_in_dim3A_151 = arith.constant 10 : i32
        %broadcast_in_dim3A_152 = vector.broadcast %broadcast_in_dim3A_151 : i32 to vector<16xi32>
        %gather3A_153 = tpu.vector_load_idx %arg9[%add3A_42, %broadcast_in_dim3A_152] : memref<400x64xf32, #tpu.memory_space<vmem>>[vector<16xi32>, vector<16xi32>], vector<16xf32>,
        %mul3A_154 = arith.mulf %gather3A_46, %gather3A_153 : vector<16xf32>
        %add3A_155 = arith.addf %mul3A_150, %mul3A_154 : vector<16xf32>
        %broadcast_in_dim3A_156 = arith.constant 18 : i32
        %broadcast_in_dim3A_157 = vector.broadcast %broadcast_in_dim3A_156 : i32 to vector<16xi32>
        %gather3A_158 = tpu.vector_load_idx %arg9[%add3A_42, %broadcast_in_dim3A_157] : memref<400x64xf32, #tpu.memory_space<vmem>>[vector<16xi32>, vector<16xi32>], vector<16xf32>,
        %mul3A_159 = arith.mulf %gather3A_49, %gather3A_158 : vector<16xf32>
        %add3A_160 = arith.addf %add3A_155, %mul3A_159 : vector<16xf32>
        %broadcast_in_dim3A_161 = arith.constant 26 : i32
        %broadcast_in_dim3A_162 = vector.broadcast %broadcast_in_dim3A_161 : i32 to vector<16xi32>
        %gather3A_163 = tpu.vector_load_idx %arg9[%add3A_42, %broadcast_in_dim3A_162] : memref<400x64xf32, #tpu.memory_space<vmem>>[vector<16xi32>, vector<16xi32>], vector<16xf32>,
        %mul3A_164 = arith.mulf %gather3A_52, %gather3A_163 : vector<16xf32>
        %add3A_165 = arith.addf %add3A_160, %mul3A_164 : vector<16xf32>
        %broadcast_in_dim3A_166 = arith.constant 34 : i32
        %broadcast_in_dim3A_167 = vector.broadcast %broadcast_in_dim3A_166 : i32 to vector<16xi32>
        %gather3A_168 = tpu.vector_load_idx %arg9[%add3A_42, %broadcast_in_dim3A_167] : memref<400x64xf32, #tpu.memory_space<vmem>>[vector<16xi32>, vector<16xi32>], vector<16xf32>,
        %mul3A_169 = arith.mulf %gather3A_55, %gather3A_168 : vector<16xf32>
        %add3A_170 = arith.addf %add3A_165, %mul3A_169 : vector<16xf32>
        %broadcast_in_dim3A_171 = arith.constant 42 : i32
        %broadcast_in_dim3A_172 = vector.broadcast %broadcast_in_dim3A_171 : i32 to vector<16xi32>
        %gather3A_173 = tpu.vector_load_idx %arg9[%add3A_42, %broadcast_in_dim3A_172] : memref<400x64xf32, #tpu.memory_space<vmem>>[vector<16xi32>, vector<16xi32>], vector<16xf32>,
        %mul3A_174 = arith.mulf %gather3A_58, %gather3A_173 : vector<16xf32>
        %add3A_175 = arith.addf %add3A_170, %mul3A_174 : vector<16xf32>
        %broadcast_in_dim3A_176 = arith.constant 50 : i32
        %broadcast_in_dim3A_177 = vector.broadcast %broadcast_in_dim3A_176 : i32 to vector<16xi32>
        %gather3A_178 = tpu.vector_load_idx %arg9[%add3A_42, %broadcast_in_dim3A_177] : memref<400x64xf32, #tpu.memory_space<vmem>>[vector<16xi32>, vector<16xi32>], vector<16xf32>,
        %mul3A_179 = arith.mulf %gather3A_61, %gather3A_178 : vector<16xf32>
        %add3A_180 = arith.addf %add3A_175, %mul3A_179 : vector<16xf32>
        %broadcast_in_dim3A_181 = arith.constant 58 : i32
        %broadcast_in_dim3A_182 = vector.broadcast %broadcast_in_dim3A_181 : i32 to vector<16xi32>
        %gather3A_183 = tpu.vector_load_idx %arg9[%add3A_42, %broadcast_in_dim3A_182] : memref<400x64xf32, #tpu.memory_space<vmem>>[vector<16xi32>, vector<16xi32>], vector<16xf32>,
        %mul3A_184 = arith.mulf %gather3A_64, %gather3A_183 : vector<16xf32>
        %add3A_185 = arith.addf %add3A_180, %mul3A_184 : vector<16xf32>
        %broadcast_in_dim3A_186 = arith.constant 2 : i32
        %broadcast_in_dim3A_187 = vector.broadcast %broadcast_in_dim3A_186 : i32 to vector<16xi32>
        tpu.vector_store_idx %arg10[%add3A_42, %broadcast_in_dim3A_187], %add3A_185 : memref<400x8xf32, #tpu.memory_space<vmem>>[vector<16xi32>, vector<16xi32>], vector<16xf32>,
        %broadcast_in_dim3A_188 = arith.constant 3 : i32
        %broadcast_in_dim3A_189 = vector.broadcast %broadcast_in_dim3A_188 : i32 to vector<16xi32>
        %gather3A_190 = tpu.vector_load_idx %arg9[%add3A_42, %broadcast_in_dim3A_189] : memref<400x64xf32, #tpu.memory_space<vmem>>[vector<16xi32>, vector<16xi32>], vector<16xf32>,
        %mul3A_191 = arith.mulf %gather3A, %gather3A_190 : vector<16xf32>
        %broadcast_in_dim3A_192 = arith.constant 11 : i32
        %broadcast_in_dim3A_193 = vector.broadcast %broadcast_in_dim3A_192 : i32 to vector<16xi32>
        %gather3A_194 = tpu.vector_load_idx %arg9[%add3A_42, %broadcast_in_dim3A_193] : memref<400x64xf32, #tpu.memory_space<vmem>>[vector<16xi32>, vector<16xi32>], vector<16xf32>,
        %mul3A_195 = arith.mulf %gather3A_46, %gather3A_194 : vector<16xf32>
        %add3A_196 = arith.addf %mul3A_191, %mul3A_195 : vector<16xf32>
        %broadcast_in_dim3A_197 = arith.constant 19 : i32
        %broadcast_in_dim3A_198 = vector.broadcast %broadcast_in_dim3A_197 : i32 to vector<16xi32>
        %gather3A_199 = tpu.vector_load_idx %arg9[%add3A_42, %broadcast_in_dim3A_198] : memref<400x64xf32, #tpu.memory_space<vmem>>[vector<16xi32>, vector<16xi32>], vector<16xf32>,
        %mul3A_200 = arith.mulf %gather3A_49, %gather3A_199 : vector<16xf32>
        %add3A_201 = arith.addf %add3A_196, %mul3A_200 : vector<16xf32>
        %broadcast_in_dim3A_202 = arith.constant 27 : i32
        %broadcast_in_dim3A_203 = vector.broadcast %broadcast_in_dim3A_202 : i32 to vector<16xi32>
        %gather3A_204 = tpu.vector_load_idx %arg9[%add3A_42, %broadcast_in_dim3A_203] : memref<400x64xf32, #tpu.memory_space<vmem>>[vector<16xi32>, vector<16xi32>], vector<16xf32>,
        %mul3A_205 = arith.mulf %gather3A_52, %gather3A_204 : vector<16xf32>
        %add3A_206 = arith.addf %add3A_201, %mul3A_205 : vector<16xf32>
        %broadcast_in_dim3A_207 = arith.constant 35 : i32
        %broadcast_in_dim3A_208 = vector.broadcast %broadcast_in_dim3A_207 : i32 to vector<16xi32>
        %gather3A_209 = tpu.vector_load_idx %arg9[%add3A_42, %broadcast_in_dim3A_208] : memref<400x64xf32, #tpu.memory_space<vmem>>[vector<16xi32>, vector<16xi32>], vector<16xf32>,
        %mul3A_210 = arith.mulf %gather3A_55, %gather3A_209 : vector<16xf32>
        %add3A_211 = arith.addf %add3A_206, %mul3A_210 : vector<16xf32>
        %broadcast_in_dim3A_212 = arith.constant 43 : i32
        %broadcast_in_dim3A_213 = vector.broadcast %broadcast_in_dim3A_212 : i32 to vector<16xi32>
        %gather3A_214 = tpu.vector_load_idx %arg9[%add3A_42, %broadcast_in_dim3A_213] : memref<400x64xf32, #tpu.memory_space<vmem>>[vector<16xi32>, vector<16xi32>], vector<16xf32>,
        %mul3A_215 = arith.mulf %gather3A_58, %gather3A_214 : vector<16xf32>
        %add3A_216 = arith.addf %add3A_211, %mul3A_215 : vector<16xf32>
        %broadcast_in_dim3A_217 = arith.constant 51 : i32
        %broadcast_in_dim3A_218 = vector.broadcast %broadcast_in_dim3A_217 : i32 to vector<16xi32>
        %gather3A_219 = tpu.vector_load_idx %arg9[%add3A_42, %broadcast_in_dim3A_218] : memref<400x64xf32, #tpu.memory_space<vmem>>[vector<16xi32>, vector<16xi32>], vector<16xf32>,
        %mul3A_220 = arith.mulf %gather3A_61, %gather3A_219 : vector<16xf32>
        %add3A_221 = arith.addf %add3A_216, %mul3A_220 : vector<16xf32>
        %broadcast_in_dim3A_222 = arith.constant 59 : i32
        %broadcast_in_dim3A_223 = vector.broadcast %broadcast_in_dim3A_222 : i32 to vector<16xi32>
        %gather3A_224 = tpu.vector_load_idx %arg9[%add3A_42, %broadcast_in_dim3A_223] : memref<400x64xf32, #tpu.memory_space<vmem>>[vector<16xi32>, vector<16xi32>], vector<16xf32>,
        %mul3A_225 = arith.mulf %gather3A_64, %gather3A_224 : vector<16xf32>
        %add3A_226 = arith.addf %add3A_221, %mul3A_225 : vector<16xf32>
        %broadcast_in_dim3A_227 = arith.constant 3 : i32
        %broadcast_in_dim3A_228 = vector.broadcast %broadcast_in_dim3A_227 : i32 to vector<16xi32>
        tpu.vector_store_idx %arg10[%add3A_42, %broadcast_in_dim3A_228], %add3A_226 : memref<400x8xf32, #tpu.memory_space<vmem>>[vector<16xi32>, vector<16xi32>], vector<16xf32>,
        %broadcast_in_dim3A_229 = arith.constant 4 : i32
        %broadcast_in_dim3A_230 = vector.broadcast %broadcast_in_dim3A_229 : i32 to vector<16xi32>
        %gather3A_231 = tpu.vector_load_idx %arg9[%add3A_42, %broadcast_in_dim3A_230] : memref<400x64xf32, #tpu.memory_space<vmem>>[vector<16xi32>, vector<16xi32>], vector<16xf32>,
        %mul3A_232 = arith.mulf %gather3A, %gather3A_231 : vector<16xf32>
        %broadcast_in_dim3A_233 = arith.constant 12 : i32
        %broadcast_in_dim3A_234 = vector.broadcast %broadcast_in_dim3A_233 : i32 to vector<16xi32>
        %gather3A_235 = tpu.vector_load_idx %arg9[%add3A_42, %broadcast_in_dim3A_234] : memref<400x64xf32, #tpu.memory_space<vmem>>[vector<16xi32>, vector<16xi32>], vector<16xf32>,
        %mul3A_236 = arith.mulf %gather3A_46, %gather3A_235 : vector<16xf32>
        %add3A_237 = arith.addf %mul3A_232, %mul3A_236 : vector<16xf32>
        %broadcast_in_dim3A_238 = arith.constant 20 : i32
        %broadcast_in_dim3A_239 = vector.broadcast %broadcast_in_dim3A_238 : i32 to vector<16xi32>
        %gather3A_240 = tpu.vector_load_idx %arg9[%add3A_42, %broadcast_in_dim3A_239] : memref<400x64xf32, #tpu.memory_space<vmem>>[vector<16xi32>, vector<16xi32>], vector<16xf32>,
        %mul3A_241 = arith.mulf %gather3A_49, %gather3A_240 : vector<16xf32>
        %add3A_242 = arith.addf %add3A_237, %mul3A_241 : vector<16xf32>
        %broadcast_in_dim3A_243 = arith.constant 28 : i32
        %broadcast_in_dim3A_244 = vector.broadcast %broadcast_in_dim3A_243 : i32 to vector<16xi32>
        %gather3A_245 = tpu.vector_load_idx %arg9[%add3A_42, %broadcast_in_dim3A_244] : memref<400x64xf32, #tpu.memory_space<vmem>>[vector<16xi32>, vector<16xi32>], vector<16xf32>,
        %mul3A_246 = arith.mulf %gather3A_52, %gather3A_245 : vector<16xf32>
        %add3A_247 = arith.addf %add3A_242, %mul3A_246 : vector<16xf32>
        %broadcast_in_dim3A_248 = arith.constant 36 : i32
        %broadcast_in_dim3A_249 = vector.broadcast %broadcast_in_dim3A_248 : i32 to vector<16xi32>
        %gather3A_250 = tpu.vector_load_idx %arg9[%add3A_42, %broadcast_in_dim3A_249] : memref<400x64xf32, #tpu.memory_space<vmem>>[vector<16xi32>, vector<16xi32>], vector<16xf32>,
        %mul3A_251 = arith.mulf %gather3A_55, %gather3A_250 : vector<16xf32>
        %add3A_252 = arith.addf %add3A_247, %mul3A_251 : vector<16xf32>
        %broadcast_in_dim3A_253 = arith.constant 44 : i32
        %broadcast_in_dim3A_254 = vector.broadcast %broadcast_in_dim3A_253 : i32 to vector<16xi32>
        %gather3A_255 = tpu.vector_load_idx %arg9[%add3A_42, %broadcast_in_dim3A_254] : memref<400x64xf32, #tpu.memory_space<vmem>>[vector<16xi32>, vector<16xi32>], vector<16xf32>,
        %mul3A_256 = arith.mulf %gather3A_58, %gather3A_255 : vector<16xf32>
        %add3A_257 = arith.addf %add3A_252, %mul3A_256 : vector<16xf32>
        %broadcast_in_dim3A_258 = arith.constant 52 : i32
        %broadcast_in_dim3A_259 = vector.broadcast %broadcast_in_dim3A_258 : i32 to vector<16xi32>
        %gather3A_260 = tpu.vector_load_idx %arg9[%add3A_42, %broadcast_in_dim3A_259] : memref<400x64xf32, #tpu.memory_space<vmem>>[vector<16xi32>, vector<16xi32>], vector<16xf32>,
        %mul3A_261 = arith.mulf %gather3A_61, %gather3A_260 : vector<16xf32>
        %add3A_262 = arith.addf %add3A_257, %mul3A_261 : vector<16xf32>
        %broadcast_in_dim3A_263 = arith.constant 60 : i32
        %broadcast_in_dim3A_264 = vector.broadcast %broadcast_in_dim3A_263 : i32 to vector<16xi32>
        %gather3A_265 = tpu.vector_load_idx %arg9[%add3A_42, %broadcast_in_dim3A_264] : memref<400x64xf32, #tpu.memory_space<vmem>>[vector<16xi32>, vector<16xi32>], vector<16xf32>,
        %mul3A_266 = arith.mulf %gather3A_64, %gather3A_265 : vector<16xf32>
        %add3A_267 = arith.addf %add3A_262, %mul3A_266 : vector<16xf32>
        %broadcast_in_dim3A_268 = arith.constant 4 : i32
        %broadcast_in_dim3A_269 = vector.broadcast %broadcast_in_dim3A_268 : i32 to vector<16xi32>
        tpu.vector_store_idx %arg10[%add3A_42, %broadcast_in_dim3A_269], %add3A_267 : memref<400x8xf32, #tpu.memory_space<vmem>>[vector<16xi32>, vector<16xi32>], vector<16xf32>,
        %broadcast_in_dim3A_270 = arith.constant 5 : i32
        %broadcast_in_dim3A_271 = vector.broadcast %broadcast_in_dim3A_270 : i32 to vector<16xi32>
        %gather3A_272 = tpu.vector_load_idx %arg9[%add3A_42, %broadcast_in_dim3A_271] : memref<400x64xf32, #tpu.memory_space<vmem>>[vector<16xi32>, vector<16xi32>], vector<16xf32>,
        %mul3A_273 = arith.mulf %gather3A, %gather3A_272 : vector<16xf32>
        %broadcast_in_dim3A_274 = arith.constant 13 : i32
        %broadcast_in_dim3A_275 = vector.broadcast %broadcast_in_dim3A_274 : i32 to vector<16xi32>
        %gather3A_276 = tpu.vector_load_idx %arg9[%add3A_42, %broadcast_in_dim3A_275] : memref<400x64xf32, #tpu.memory_space<vmem>>[vector<16xi32>, vector<16xi32>], vector<16xf32>,
        %mul3A_277 = arith.mulf %gather3A_46, %gather3A_276 : vector<16xf32>
        %add3A_278 = arith.addf %mul3A_273, %mul3A_277 : vector<16xf32>
        %broadcast_in_dim3A_279 = arith.constant 21 : i32
        %broadcast_in_dim3A_280 = vector.broadcast %broadcast_in_dim3A_279 : i32 to vector<16xi32>
        %gather3A_281 = tpu.vector_load_idx %arg9[%add3A_42, %broadcast_in_dim3A_280] : memref<400x64xf32, #tpu.memory_space<vmem>>[vector<16xi32>, vector<16xi32>], vector<16xf32>,
        %mul3A_282 = arith.mulf %gather3A_49, %gather3A_281 : vector<16xf32>
        %add3A_283 = arith.addf %add3A_278, %mul3A_282 : vector<16xf32>
        %broadcast_in_dim3A_284 = arith.constant 29 : i32
        %broadcast_in_dim3A_285 = vector.broadcast %broadcast_in_dim3A_284 : i32 to vector<16xi32>
        %gather3A_286 = tpu.vector_load_idx %arg9[%add3A_42, %broadcast_in_dim3A_285] : memref<400x64xf32, #tpu.memory_space<vmem>>[vector<16xi32>, vector<16xi32>], vector<16xf32>,
        %mul3A_287 = arith.mulf %gather3A_52, %gather3A_286 : vector<16xf32>
        %add3A_288 = arith.addf %add3A_283, %mul3A_287 : vector<16xf32>
        %broadcast_in_dim3A_289 = arith.constant 37 : i32
        %broadcast_in_dim3A_290 = vector.broadcast %broadcast_in_dim3A_289 : i32 to vector<16xi32>
        %gather3A_291 = tpu.vector_load_idx %arg9[%add3A_42, %broadcast_in_dim3A_290] : memref<400x64xf32, #tpu.memory_space<vmem>>[vector<16xi32>, vector<16xi32>], vector<16xf32>,
        %mul3A_292 = arith.mulf %gather3A_55, %gather3A_291 : vector<16xf32>
        %add3A_293 = arith.addf %add3A_288, %mul3A_292 : vector<16xf32>
        %broadcast_in_dim3A_294 = arith.constant 45 : i32
        %broadcast_in_dim3A_295 = vector.broadcast %broadcast_in_dim3A_294 : i32 to vector<16xi32>
        %gather3A_296 = tpu.vector_load_idx %arg9[%add3A_42, %broadcast_in_dim3A_295] : memref<400x64xf32, #tpu.memory_space<vmem>>[vector<16xi32>, vector<16xi32>], vector<16xf32>,
        %mul3A_297 = arith.mulf %gather3A_58, %gather3A_296 : vector<16xf32>
        %add3A_298 = arith.addf %add3A_293, %mul3A_297 : vector<16xf32>
        %broadcast_in_dim3A_299 = arith.constant 53 : i32
        %broadcast_in_dim3A_300 = vector.broadcast %broadcast_in_dim3A_299 : i32 to vector<16xi32>
        %gather3A_301 = tpu.vector_load_idx %arg9[%add3A_42, %broadcast_in_dim3A_300] : memref<400x64xf32, #tpu.memory_space<vmem>>[vector<16xi32>, vector<16xi32>], vector<16xf32>,
        %mul3A_302 = arith.mulf %gather3A_61, %gather3A_301 : vector<16xf32>
        %add3A_303 = arith.addf %add3A_298, %mul3A_302 : vector<16xf32>
        %broadcast_in_dim3A_304 = arith.constant 61 : i32
        %broadcast_in_dim3A_305 = vector.broadcast %broadcast_in_dim3A_304 : i32 to vector<16xi32>
        %gather3A_306 = tpu.vector_load_idx %arg9[%add3A_42, %broadcast_in_dim3A_305] : memref<400x64xf32, #tpu.memory_space<vmem>>[vector<16xi32>, vector<16xi32>], vector<16xf32>,
        %mul3A_307 = arith.mulf %gather3A_64, %gather3A_306 : vector<16xf32>
        %add3A_308 = arith.addf %add3A_303, %mul3A_307 : vector<16xf32>
        %broadcast_in_dim3A_309 = arith.constant 5 : i32
        %broadcast_in_dim3A_310 = vector.broadcast %broadcast_in_dim3A_309 : i32 to vector<16xi32>
        tpu.vector_store_idx %arg10[%add3A_42, %broadcast_in_dim3A_310], %add3A_308 : memref<400x8xf32, #tpu.memory_space<vmem>>[vector<16xi32>, vector<16xi32>], vector<16xf32>,
        %broadcast_in_dim3A_311 = arith.constant 6 : i32
        %broadcast_in_dim3A_312 = vector.broadcast %broadcast_in_dim3A_311 : i32 to vector<16xi32>
        %gather3A_313 = tpu.vector_load_idx %arg9[%add3A_42, %broadcast_in_dim3A_312] : memref<400x64xf32, #tpu.memory_space<vmem>>[vector<16xi32>, vector<16xi32>], vector<16xf32>,
        %mul3A_314 = arith.mulf %gather3A, %gather3A_313 : vector<16xf32>
        %broadcast_in_dim3A_315 = arith.constant 14 : i32
        %broadcast_in_dim3A_316 = vector.broadcast %broadcast_in_dim3A_315 : i32 to vector<16xi32>
        %gather3A_317 = tpu.vector_load_idx %arg9[%add3A_42, %broadcast_in_dim3A_316] : memref<400x64xf32, #tpu.memory_space<vmem>>[vector<16xi32>, vector<16xi32>], vector<16xf32>,
        %mul3A_318 = arith.mulf %gather3A_46, %gather3A_317 : vector<16xf32>
        %add3A_319 = arith.addf %mul3A_314, %mul3A_318 : vector<16xf32>
        %broadcast_in_dim3A_320 = arith.constant 22 : i32
        %broadcast_in_dim3A_321 = vector.broadcast %broadcast_in_dim3A_320 : i32 to vector<16xi32>
        %gather3A_322 = tpu.vector_load_idx %arg9[%add3A_42, %broadcast_in_dim3A_321] : memref<400x64xf32, #tpu.memory_space<vmem>>[vector<16xi32>, vector<16xi32>], vector<16xf32>,
        %mul3A_323 = arith.mulf %gather3A_49, %gather3A_322 : vector<16xf32>
        %add3A_324 = arith.addf %add3A_319, %mul3A_323 : vector<16xf32>
        %broadcast_in_dim3A_325 = arith.constant 30 : i32
        %broadcast_in_dim3A_326 = vector.broadcast %broadcast_in_dim3A_325 : i32 to vector<16xi32>
        %gather3A_327 = tpu.vector_load_idx %arg9[%add3A_42, %broadcast_in_dim3A_326] : memref<400x64xf32, #tpu.memory_space<vmem>>[vector<16xi32>, vector<16xi32>], vector<16xf32>,
        %mul3A_328 = arith.mulf %gather3A_52, %gather3A_327 : vector<16xf32>
        %add3A_329 = arith.addf %add3A_324, %mul3A_328 : vector<16xf32>
        %broadcast_in_dim3A_330 = arith.constant 38 : i32
        %broadcast_in_dim3A_331 = vector.broadcast %broadcast_in_dim3A_330 : i32 to vector<16xi32>
        %gather3A_332 = tpu.vector_load_idx %arg9[%add3A_42, %broadcast_in_dim3A_331] : memref<400x64xf32, #tpu.memory_space<vmem>>[vector<16xi32>, vector<16xi32>], vector<16xf32>,
        %mul3A_333 = arith.mulf %gather3A_55, %gather3A_332 : vector<16xf32>
        %add3A_334 = arith.addf %add3A_329, %mul3A_333 : vector<16xf32>
        %broadcast_in_dim3A_335 = arith.constant 46 : i32
        %broadcast_in_dim3A_336 = vector.broadcast %broadcast_in_dim3A_335 : i32 to vector<16xi32>
        %gather3A_337 = tpu.vector_load_idx %arg9[%add3A_42, %broadcast_in_dim3A_336] : memref<400x64xf32, #tpu.memory_space<vmem>>[vector<16xi32>, vector<16xi32>], vector<16xf32>,
        %mul3A_338 = arith.mulf %gather3A_58, %gather3A_337 : vector<16xf32>
        %add3A_339 = arith.addf %add3A_334, %mul3A_338 : vector<16xf32>
        %broadcast_in_dim3A_340 = arith.constant 54 : i32
        %broadcast_in_dim3A_341 = vector.broadcast %broadcast_in_dim3A_340 : i32 to vector<16xi32>
        %gather3A_342 = tpu.vector_load_idx %arg9[%add3A_42, %broadcast_in_dim3A_341] : memref<400x64xf32, #tpu.memory_space<vmem>>[vector<16xi32>, vector<16xi32>], vector<16xf32>,
        %mul3A_343 = arith.mulf %gather3A_61, %gather3A_342 : vector<16xf32>
        %add3A_344 = arith.addf %add3A_339, %mul3A_343 : vector<16xf32>
        %broadcast_in_dim3A_345 = arith.constant 62 : i32
        %broadcast_in_dim3A_346 = vector.broadcast %broadcast_in_dim3A_345 : i32 to vector<16xi32>
        %gather3A_347 = tpu.vector_load_idx %arg9[%add3A_42, %broadcast_in_dim3A_346] : memref<400x64xf32, #tpu.memory_space<vmem>>[vector<16xi32>, vector<16xi32>], vector<16xf32>,
        %mul3A_348 = arith.mulf %gather3A_64, %gather3A_347 : vector<16xf32>
        %add3A_349 = arith.addf %add3A_344, %mul3A_348 : vector<16xf32>
        %broadcast_in_dim3A_350 = arith.constant 6 : i32
        %broadcast_in_dim3A_351 = vector.broadcast %broadcast_in_dim3A_350 : i32 to vector<16xi32>
        tpu.vector_store_idx %arg10[%add3A_42, %broadcast_in_dim3A_351], %add3A_349 : memref<400x8xf32, #tpu.memory_space<vmem>>[vector<16xi32>, vector<16xi32>], vector<16xf32>,
        %broadcast_in_dim3A_352 = arith.constant 7 : i32
        %broadcast_in_dim3A_353 = vector.broadcast %broadcast_in_dim3A_352 : i32 to vector<16xi32>
        %gather3A_354 = tpu.vector_load_idx %arg9[%add3A_42, %broadcast_in_dim3A_353] : memref<400x64xf32, #tpu.memory_space<vmem>>[vector<16xi32>, vector<16xi32>], vector<16xf32>,
        %mul3A_355 = arith.mulf %gather3A, %gather3A_354 : vector<16xf32>
        %broadcast_in_dim3A_356 = arith.constant 15 : i32
        %broadcast_in_dim3A_357 = vector.broadcast %broadcast_in_dim3A_356 : i32 to vector<16xi32>
        %gather3A_358 = tpu.vector_load_idx %arg9[%add3A_42, %broadcast_in_dim3A_357] : memref<400x64xf32, #tpu.memory_space<vmem>>[vector<16xi32>, vector<16xi32>], vector<16xf32>,
        %mul3A_359 = arith.mulf %gather3A_46, %gather3A_358 : vector<16xf32>
        %add3A_360 = arith.addf %mul3A_355, %mul3A_359 : vector<16xf32>
        %broadcast_in_dim3A_361 = arith.constant 23 : i32
        %broadcast_in_dim3A_362 = vector.broadcast %broadcast_in_dim3A_361 : i32 to vector<16xi32>
        %gather3A_363 = tpu.vector_load_idx %arg9[%add3A_42, %broadcast_in_dim3A_362] : memref<400x64xf32, #tpu.memory_space<vmem>>[vector<16xi32>, vector<16xi32>], vector<16xf32>,
        %mul3A_364 = arith.mulf %gather3A_49, %gather3A_363 : vector<16xf32>
        %add3A_365 = arith.addf %add3A_360, %mul3A_364 : vector<16xf32>
        %broadcast_in_dim3A_366 = arith.constant 31 : i32
        %broadcast_in_dim3A_367 = vector.broadcast %broadcast_in_dim3A_366 : i32 to vector<16xi32>
        %gather3A_368 = tpu.vector_load_idx %arg9[%add3A_42, %broadcast_in_dim3A_367] : memref<400x64xf32, #tpu.memory_space<vmem>>[vector<16xi32>, vector<16xi32>], vector<16xf32>,
        %mul3A_369 = arith.mulf %gather3A_52, %gather3A_368 : vector<16xf32>
        %add3A_370 = arith.addf %add3A_365, %mul3A_369 : vector<16xf32>
        %broadcast_in_dim3A_371 = arith.constant 39 : i32
        %broadcast_in_dim3A_372 = vector.broadcast %broadcast_in_dim3A_371 : i32 to vector<16xi32>
        %gather3A_373 = tpu.vector_load_idx %arg9[%add3A_42, %broadcast_in_dim3A_372] : memref<400x64xf32, #tpu.memory_space<vmem>>[vector<16xi32>, vector<16xi32>], vector<16xf32>,
        %mul3A_374 = arith.mulf %gather3A_55, %gather3A_373 : vector<16xf32>
        %add3A_375 = arith.addf %add3A_370, %mul3A_374 : vector<16xf32>
        %broadcast_in_dim3A_376 = arith.constant 47 : i32
        %broadcast_in_dim3A_377 = vector.broadcast %broadcast_in_dim3A_376 : i32 to vector<16xi32>
        %gather3A_378 = tpu.vector_load_idx %arg9[%add3A_42, %broadcast_in_dim3A_377] : memref<400x64xf32, #tpu.memory_space<vmem>>[vector<16xi32>, vector<16xi32>], vector<16xf32>,
        %mul3A_379 = arith.mulf %gather3A_58, %gather3A_378 : vector<16xf32>
        %add3A_380 = arith.addf %add3A_375, %mul3A_379 : vector<16xf32>
        %broadcast_in_dim3A_381 = arith.constant 55 : i32
        %broadcast_in_dim3A_382 = vector.broadcast %broadcast_in_dim3A_381 : i32 to vector<16xi32>
        %gather3A_383 = tpu.vector_load_idx %arg9[%add3A_42, %broadcast_in_dim3A_382] : memref<400x64xf32, #tpu.memory_space<vmem>>[vector<16xi32>, vector<16xi32>], vector<16xf32>,
        %mul3A_384 = arith.mulf %gather3A_61, %gather3A_383 : vector<16xf32>
        %add3A_385 = arith.addf %add3A_380, %mul3A_384 : vector<16xf32>
        %broadcast_in_dim3A_386 = arith.constant 63 : i32
        %broadcast_in_dim3A_387 = vector.broadcast %broadcast_in_dim3A_386 : i32 to vector<16xi32>
        %gather3A_388 = tpu.vector_load_idx %arg9[%add3A_42, %broadcast_in_dim3A_387] : memref<400x64xf32, #tpu.memory_space<vmem>>[vector<16xi32>, vector<16xi32>], vector<16xf32>,
        %mul3A_389 = arith.mulf %gather3A_64, %gather3A_388 : vector<16xf32>
        %add3A_390 = arith.addf %add3A_385, %mul3A_389 : vector<16xf32>
        %broadcast_in_dim3A_391 = arith.constant 7 : i32
        %broadcast_in_dim3A_392 = vector.broadcast %broadcast_in_dim3A_391 : i32 to vector<16xi32>
        tpu.vector_store_idx %arg10[%add3A_42, %broadcast_in_dim3A_392], %add3A_390 : memref<400x8xf32, #tpu.memory_space<vmem>>[vector<16xi32>, vector<16xi32>], vector<16xf32>,
      }
      %scan3A_31 = arith.constant 25 : i32
      %run_scoped3A = arith.constant 0 : i32
      "tpu.region"() ({
        %run_scoped3A_35 = tpu.sem_alloc : memref<!tpu.dma_semaphore, #tpu.memory_space<semaphore_mem>>
        %dma_start3A = arith.constant 0 : i32
        %dma_start3A_36 = arith.constant 0 : i32
        %dma_start3A_37 = tpu.memref_slice %arg10[%dma_start3A, %dma_start3A_36] : memref<400x8xf32, #tpu.memory_space<vmem>> -> memref<100x8xf32, #tpu.memory_space<vmem>>
        %dma_start3A_38 = arith.constant 0 : i32
        %dma_start3A_39 = tpu.memref_slice %arg12[%run_scoped3A, %dma_start3A_38] : memref<4x100xi32, #tpu.memory_space<vmem>> -> memref<1x100xi32, #tpu.memory_space<vmem>>
        %dma_start3A_40 = tpu.memref_squeeze %dma_start3A_39 : memref<1x100xi32, #tpu.memory_space<vmem>> -> memref<100xi32, #tpu.memory_space<vmem>>
        %dma_start3A_41 = arith.constant 0 : i32
        %dma_start3A_42 = arith.constant 0 : i32
        %dma_start3A_43 = tpu.memref_slice %arg14[%dma_start3A_41, %dma_start3A_42] : memref<10000x8xf32, #tpu.memory_space<vmem_shared>> -> memref<10000x8xf32, #tpu.memory_space<vmem_shared>>
        tpu.enqueue_indirect_dma source(%dma_start3A_37 : memref<100x8xf32, #tpu.memory_space<vmem>>) target(%dma_start3A_43 : memref<10000x8xf32, #tpu.memory_space<vmem_shared>>) offsets(%dma_start3A_40 : memref<100xi32, #tpu.memory_space<vmem>>) semaphore(%run_scoped3A_35 : memref<!tpu.dma_semaphore, #tpu.memory_space<semaphore_mem>>) {add = true}
        %dma_wait3A = arith.constant 0 : i32
        %dma_wait3A_44 = arith.constant 0 : i32
        %dma_wait3A_45 = tpu.memref_slice %arg10[%dma_wait3A, %dma_wait3A_44] : memref<400x8xf32, #tpu.memory_space<vmem>> -> memref<100x8xf32, #tpu.memory_space<vmem>>
        %dma_wait3A_46 = arith.constant 0 : i32
        %dma_wait3A_47 = tpu.memref_slice %arg12[%run_scoped3A, %dma_wait3A_46] : memref<4x100xi32, #tpu.memory_space<vmem>> -> memref<1x100xi32, #tpu.memory_space<vmem>>
        %dma_wait3A_48 = tpu.memref_squeeze %dma_wait3A_47 : memref<1x100xi32, #tpu.memory_space<vmem>> -> memref<100xi32, #tpu.memory_space<vmem>>
        %dma_wait3A_49 = arith.constant 0 : i32
        %dma_wait3A_50 = arith.constant 0 : i32
        %dma_wait3A_51 = tpu.memref_slice %arg14[%dma_wait3A_49, %dma_wait3A_50] : memref<10000x8xf32, #tpu.memory_space<vmem_shared>> -> memref<10000x8xf32, #tpu.memory_space<vmem_shared>>
        tpu.wait_indirect_dma semaphore(%run_scoped3A_35 : memref<!tpu.dma_semaphore, #tpu.memory_space<semaphore_mem>>) src(%dma_wait3A_45 : memref<100x8xf32, #tpu.memory_space<vmem>>) dst(%dma_wait3A_51 : memref<10000x8xf32, #tpu.memory_space<vmem_shared>>)
        tpu.yield
      }) : () -> ()
      %run_scoped3A_32 = arith.constant 1 : i32
      "tpu.region"() ({
        %run_scoped3A_35 = tpu.sem_alloc : memref<!tpu.dma_semaphore, #tpu.memory_space<semaphore_mem>>
        %dma_start3A = arith.constant 100 : i32
        %dma_start3A_36 = arith.constant 0 : i32
        %dma_start3A_37 = tpu.memref_slice %arg10[%dma_start3A, %dma_start3A_36] : memref<400x8xf32, #tpu.memory_space<vmem>> -> memref<100x8xf32, #tpu.memory_space<vmem>>
        %dma_start3A_38 = arith.constant 0 : i32
        %dma_start3A_39 = tpu.memref_slice %arg12[%run_scoped3A_32, %dma_start3A_38] : memref<4x100xi32, #tpu.memory_space<vmem>> -> memref<1x100xi32, #tpu.memory_space<vmem>>
        %dma_start3A_40 = tpu.memref_squeeze %dma_start3A_39 : memref<1x100xi32, #tpu.memory_space<vmem>> -> memref<100xi32, #tpu.memory_space<vmem>>
        %dma_start3A_41 = arith.constant 0 : i32
        %dma_start3A_42 = arith.constant 0 : i32
        %dma_start3A_43 = tpu.memref_slice %arg14[%dma_start3A_41, %dma_start3A_42] : memref<10000x8xf32, #tpu.memory_space<vmem_shared>> -> memref<10000x8xf32, #tpu.memory_space<vmem_shared>>
        tpu.enqueue_indirect_dma source(%dma_start3A_37 : memref<100x8xf32, #tpu.memory_space<vmem>>) target(%dma_start3A_43 : memref<10000x8xf32, #tpu.memory_space<vmem_shared>>) offsets(%dma_start3A_40 : memref<100xi32, #tpu.memory_space<vmem>>) semaphore(%run_scoped3A_35 : memref<!tpu.dma_semaphore, #tpu.memory_space<semaphore_mem>>) {add = true}
        %dma_wait3A = arith.constant 100 : i32
        %dma_wait3A_44 = arith.constant 0 : i32
        %dma_wait3A_45 = tpu.memref_slice %arg10[%dma_wait3A, %dma_wait3A_44] : memref<400x8xf32, #tpu.memory_space<vmem>> -> memref<100x8xf32, #tpu.memory_space<vmem>>
        %dma_wait3A_46 = arith.constant 0 : i32
        %dma_wait3A_47 = tpu.memref_slice %arg12[%run_scoped3A_32, %dma_wait3A_46] : memref<4x100xi32, #tpu.memory_space<vmem>> -> memref<1x100xi32, #tpu.memory_space<vmem>>
        %dma_wait3A_48 = tpu.memref_squeeze %dma_wait3A_47 : memref<1x100xi32, #tpu.memory_space<vmem>> -> memref<100xi32, #tpu.memory_space<vmem>>
        %dma_wait3A_49 = arith.constant 0 : i32
        %dma_wait3A_50 = arith.constant 0 : i32
        %dma_wait3A_51 = tpu.memref_slice %arg14[%dma_wait3A_49, %dma_wait3A_50] : memref<10000x8xf32, #tpu.memory_space<vmem_shared>> -> memref<10000x8xf32, #tpu.memory_space<vmem_shared>>
        tpu.wait_indirect_dma semaphore(%run_scoped3A_35 : memref<!tpu.dma_semaphore, #tpu.memory_space<semaphore_mem>>) src(%dma_wait3A_45 : memref<100x8xf32, #tpu.memory_space<vmem>>) dst(%dma_wait3A_51 : memref<10000x8xf32, #tpu.memory_space<vmem_shared>>)
        tpu.yield
      }) : () -> ()
      %run_scoped3A_33 = arith.constant 2 : i32
      "tpu.region"() ({
        %run_scoped3A_35 = tpu.sem_alloc : memref<!tpu.dma_semaphore, #tpu.memory_space<semaphore_mem>>
        %dma_start3A = arith.constant 200 : i32
        %dma_start3A_36 = arith.constant 0 : i32
        %dma_start3A_37 = tpu.memref_slice %arg10[%dma_start3A, %dma_start3A_36] : memref<400x8xf32, #tpu.memory_space<vmem>> -> memref<100x8xf32, #tpu.memory_space<vmem>>
        %dma_start3A_38 = arith.constant 0 : i32
        %dma_start3A_39 = tpu.memref_slice %arg12[%run_scoped3A_33, %dma_start3A_38] : memref<4x100xi32, #tpu.memory_space<vmem>> -> memref<1x100xi32, #tpu.memory_space<vmem>>
        %dma_start3A_40 = tpu.memref_squeeze %dma_start3A_39 : memref<1x100xi32, #tpu.memory_space<vmem>> -> memref<100xi32, #tpu.memory_space<vmem>>
        %dma_start3A_41 = arith.constant 0 : i32
        %dma_start3A_42 = arith.constant 0 : i32
        %dma_start3A_43 = tpu.memref_slice %arg14[%dma_start3A_41, %dma_start3A_42] : memref<10000x8xf32, #tpu.memory_space<vmem_shared>> -> memref<10000x8xf32, #tpu.memory_space<vmem_shared>>
        tpu.enqueue_indirect_dma source(%dma_start3A_37 : memref<100x8xf32, #tpu.memory_space<vmem>>) target(%dma_start3A_43 : memref<10000x8xf32, #tpu.memory_space<vmem_shared>>) offsets(%dma_start3A_40 : memref<100xi32, #tpu.memory_space<vmem>>) semaphore(%run_scoped3A_35 : memref<!tpu.dma_semaphore, #tpu.memory_space<semaphore_mem>>) {add = true}
        %dma_wait3A = arith.constant 200 : i32
        %dma_wait3A_44 = arith.constant 0 : i32
        %dma_wait3A_45 = tpu.memref_slice %arg10[%dma_wait3A, %dma_wait3A_44] : memref<400x8xf32, #tpu.memory_space<vmem>> -> memref<100x8xf32, #tpu.memory_space<vmem>>
        %dma_wait3A_46 = arith.constant 0 : i32
        %dma_wait3A_47 = tpu.memref_slice %arg12[%run_scoped3A_33, %dma_wait3A_46] : memref<4x100xi32, #tpu.memory_space<vmem>> -> memref<1x100xi32, #tpu.memory_space<vmem>>
        %dma_wait3A_48 = tpu.memref_squeeze %dma_wait3A_47 : memref<1x100xi32, #tpu.memory_space<vmem>> -> memref<100xi32, #tpu.memory_space<vmem>>
        %dma_wait3A_49 = arith.constant 0 : i32
        %dma_wait3A_50 = arith.constant 0 : i32
        %dma_wait3A_51 = tpu.memref_slice %arg14[%dma_wait3A_49, %dma_wait3A_50] : memref<10000x8xf32, #tpu.memory_space<vmem_shared>> -> memref<10000x8xf32, #tpu.memory_space<vmem_shared>>
        tpu.wait_indirect_dma semaphore(%run_scoped3A_35 : memref<!tpu.dma_semaphore, #tpu.memory_space<semaphore_mem>>) src(%dma_wait3A_45 : memref<100x8xf32, #tpu.memory_space<vmem>>) dst(%dma_wait3A_51 : memref<10000x8xf32, #tpu.memory_space<vmem_shared>>)
        tpu.yield
      }) : () -> ()
      %run_scoped3A_34 = arith.constant 3 : i32
      "tpu.region"() ({
        %run_scoped3A_35 = tpu.sem_alloc : memref<!tpu.dma_semaphore, #tpu.memory_space<semaphore_mem>>
        %dma_start3A = arith.constant 300 : i32
        %dma_start3A_36 = arith.constant 0 : i32
        %dma_start3A_37 = tpu.memref_slice %arg10[%dma_start3A, %dma_start3A_36] : memref<400x8xf32, #tpu.memory_space<vmem>> -> memref<100x8xf32, #tpu.memory_space<vmem>>
        %dma_start3A_38 = arith.constant 0 : i32
        %dma_start3A_39 = tpu.memref_slice %arg12[%run_scoped3A_34, %dma_start3A_38] : memref<4x100xi32, #tpu.memory_space<vmem>> -> memref<1x100xi32, #tpu.memory_space<vmem>>
        %dma_start3A_40 = tpu.memref_squeeze %dma_start3A_39 : memref<1x100xi32, #tpu.memory_space<vmem>> -> memref<100xi32, #tpu.memory_space<vmem>>
        %dma_start3A_41 = arith.constant 0 : i32
        %dma_start3A_42 = arith.constant 0 : i32
        %dma_start3A_43 = tpu.memref_slice %arg14[%dma_start3A_41, %dma_start3A_42] : memref<10000x8xf32, #tpu.memory_space<vmem_shared>> -> memref<10000x8xf32, #tpu.memory_space<vmem_shared>>
        tpu.enqueue_indirect_dma source(%dma_start3A_37 : memref<100x8xf32, #tpu.memory_space<vmem>>) target(%dma_start3A_43 : memref<10000x8xf32, #tpu.memory_space<vmem_shared>>) offsets(%dma_start3A_40 : memref<100xi32, #tpu.memory_space<vmem>>) semaphore(%run_scoped3A_35 : memref<!tpu.dma_semaphore, #tpu.memory_space<semaphore_mem>>) {add = true}
        %dma_wait3A = arith.constant 300 : i32
        %dma_wait3A_44 = arith.constant 0 : i32
        %dma_wait3A_45 = tpu.memref_slice %arg10[%dma_wait3A, %dma_wait3A_44] : memref<400x8xf32, #tpu.memory_space<vmem>> -> memref<100x8xf32, #tpu.memory_space<vmem>>
        %dma_wait3A_46 = arith.constant 0 : i32
        %dma_wait3A_47 = tpu.memref_slice %arg12[%run_scoped3A_34, %dma_wait3A_46] : memref<4x100xi32, #tpu.memory_space<vmem>> -> memref<1x100xi32, #tpu.memory_space<vmem>>
        %dma_wait3A_48 = tpu.memref_squeeze %dma_wait3A_47 : memref<1x100xi32, #tpu.memory_space<vmem>> -> memref<100xi32, #tpu.memory_space<vmem>>
        %dma_wait3A_49 = arith.constant 0 : i32
        %dma_wait3A_50 = arith.constant 0 : i32
        %dma_wait3A_51 = tpu.memref_slice %arg14[%dma_wait3A_49, %dma_wait3A_50] : memref<10000x8xf32, #tpu.memory_space<vmem_shared>> -> memref<10000x8xf32, #tpu.memory_space<vmem_shared>>
        tpu.wait_indirect_dma semaphore(%run_scoped3A_35 : memref<!tpu.dma_semaphore, #tpu.memory_space<semaphore_mem>>) src(%dma_wait3A_45 : memref<100x8xf32, #tpu.memory_space<vmem>>) dst(%dma_wait3A_51 : memref<10000x8xf32, #tpu.memory_space<vmem_shared>>)
        tpu.yield
      }) : () -> ()
    }
    %scan3A_14 = arith.constant 25 : i32
    %barrier3A_15 = arith.constant 0 : index
    tpu.barrier barrier_id(%barrier3A_15)
    "tpu.region"() ({
      %run_scoped3A = tpu.sem_alloc : memref<!tpu.dma_semaphore, #tpu.memory_space<semaphore_mem>>
      %dma_start3A = arith.constant 0 : i32
      %dma_start3A_19 = tpu.memref_slice %arg14[%mul3A_0, %dma_start3A] : memref<10000x8xf32, #tpu.memory_space<vmem_shared>> -> memref<640x8xf32, #tpu.memory_space<vmem_shared>>
      %dma_start3A_20 = arith.constant 0 : i32
      %dma_start3A_21 = tpu.memref_slice %arg14[%mul3A_0, %dma_start3A_20] : memref<10000x8xf32, #tpu.memory_space<vmem_shared>> -> memref<640x8xf32, #tpu.memory_space<vmem_shared>>
      tpu.enqueue_dma source(%dma_start3A_21 : memref<640x8xf32, #tpu.memory_space<vmem_shared>>) target(%arg13 : memref<640x8xf32, #tpu.memory_space<vmem>>) target_semaphore(%run_scoped3A : memref<!tpu.dma_semaphore, #tpu.memory_space<semaphore_mem>>)
      %dma_wait3A = arith.constant 0 : i32
      %dma_wait3A_22 = tpu.memref_slice %arg14[%mul3A_0, %dma_wait3A] : memref<10000x8xf32, #tpu.memory_space<vmem_shared>> -> memref<640x8xf32, #tpu.memory_space<vmem_shared>>
      %dma_wait3A_23 = arith.constant 0 : i32
      %dma_wait3A_24 = tpu.memref_slice %arg14[%mul3A_0, %dma_wait3A_23] : memref<10000x8xf32, #tpu.memory_space<vmem_shared>> -> memref<640x8xf32, #tpu.memory_space<vmem_shared>>
      tpu.wait_dma2 semaphore(%run_scoped3A : memref<!tpu.dma_semaphore, #tpu.memory_space<semaphore_mem>>) src(%dma_wait3A_24 : memref<640x8xf32, #tpu.memory_space<vmem_shared>>) dst(%arg13 : memref<640x8xf32, #tpu.memory_space<vmem>>)
      tpu.yield
    }) : () -> ()
    %mul3A_16 = arith.constant 10000 : i32
    %mul3A_17 = arith.muli %arg0, %mul3A_16 : i32
    %add3A_18 = arith.addi %mul3A_17, %mul3A_0 : i32
    "tpu.region"() ({
      %run_scoped3A = tpu.sem_alloc : memref<!tpu.dma_semaphore, #tpu.memory_space<semaphore_mem>>
      %dma_start3A = arith.constant 0 : i32
      %dma_start3A_19 = tpu.memref_slice %arg7[%add3A_18, %dma_start3A] : memref<20000x8xf32, #tpu.memory_space<hbm>> -> memref<640x8xf32, #tpu.memory_space<hbm>>
      %dma_start3A_20 = arith.constant 0 : i32
      %dma_start3A_21 = tpu.memref_slice %arg7[%add3A_18, %dma_start3A_20] : memref<20000x8xf32, #tpu.memory_space<hbm>> -> memref<640x8xf32, #tpu.memory_space<hbm>>
      tpu.enqueue_dma source(%arg13 : memref<640x8xf32, #tpu.memory_space<vmem>>) target(%dma_start3A_21 : memref<640x8xf32, #tpu.memory_space<hbm>>) target_semaphore(%run_scoped3A : memref<!tpu.dma_semaphore, #tpu.memory_space<semaphore_mem>>)
      %dma_wait3A = arith.constant 0 : i32
      %dma_wait3A_22 = tpu.memref_slice %arg7[%add3A_18, %dma_wait3A] : memref<20000x8xf32, #tpu.memory_space<hbm>> -> memref<640x8xf32, #tpu.memory_space<hbm>>
      %dma_wait3A_23 = arith.constant 0 : i32
      %dma_wait3A_24 = tpu.memref_slice %arg7[%add3A_18, %dma_wait3A_23] : memref<20000x8xf32, #tpu.memory_space<hbm>> -> memref<640x8xf32, #tpu.memory_space<hbm>>
      tpu.wait_dma2 semaphore(%run_scoped3A : memref<!tpu.dma_semaphore, #tpu.memory_space<semaphore_mem>>) src(%arg13 : memref<640x8xf32, #tpu.memory_space<vmem>>) dst(%dma_wait3A_24 : memref<640x8xf32, #tpu.memory_space<hbm>>)
      tpu.yield
    }) : () -> ()
    return
  }
}

#map = affine_map<(d0, d1) -> (0, 0)>
#map1 = affine_map<(d0, d1) -> (0)>
module attributes {stable_mosaic.version = 14 : i64} {
  func.func @_sc_step_body(%arg0: i32, %arg1: i32, %arg2: memref<10000x8xf32, #tpu.memory_space<hbm>>, %arg3: memref<320000xi32, #tpu.memory_space<hbm>>, %arg4: memref<3200x100xi32, #tpu.memory_space<hbm>>, %arg5: memref<320000x64xf32, #tpu.memory_space<hbm>>, %arg6: memref<640x8xf32, #tpu.memory_space<hbm>>, %arg7: memref<20000x8xf32, #tpu.memory_space<hbm>>, %arg8: memref<10000x8xf32, #tpu.memory_space<vmem>>, %arg9: memref<400x64xf32, #tpu.memory_space<vmem>>, %arg10: memref<400x8xf32, #tpu.memory_space<vmem>>, %arg11: memref<400xi32, #tpu.memory_space<vmem>>, %arg12: memref<4x100xi32, #tpu.memory_space<vmem>>, %arg13: memref<640x8xf32, #tpu.memory_space<vmem>>, %arg14: memref<10000x8xf32, #tpu.memory_space<vmem_shared>>) attributes {dimension_semantics = [#tpu.dimension_semantics<core_parallel>, #tpu.dimension_semantics<subcore_parallel>], iteration_bounds = array<i64: 2, 16>, scalar_prefetch = 0 : i64, scratch_operands = 7 : i64, tpu.core_type = #tpu.core_type<sc_vector_subcore>, window_params = [{transform_indices = #map}, {transform_indices = #map1}, {transform_indices = #map}, {transform_indices = #map}, {transform_indices = #map}, {transform_indices = #map}]} {
    %mul3A = arith.constant 624 : i32
    %mul3A_0 = arith.muli %arg1, %mul3A : i32
    "tpu.region"() ({
      %run_scoped3A = tpu.sem_alloc : memref<!tpu.dma_semaphore, #tpu.memory_space<semaphore_mem>>
      tpu.enqueue_dma source(%arg2 : memref<10000x8xf32, #tpu.memory_space<hbm>>) target(%arg8 : memref<10000x8xf32, #tpu.memory_space<vmem>>) target_semaphore(%run_scoped3A : memref<!tpu.dma_semaphore, #tpu.memory_space<semaphore_mem>>)
      tpu.wait_dma2 semaphore(%run_scoped3A : memref<!tpu.dma_semaphore, #tpu.memory_space<semaphore_mem>>) src(%arg2 : memref<10000x8xf32, #tpu.memory_space<hbm>>) dst(%arg8 : memref<10000x8xf32, #tpu.memory_space<vmem>>)
      tpu.yield
    }) : () -> ()
    "tpu.region"() ({
      %run_scoped3A = tpu.sem_alloc : memref<!tpu.dma_semaphore, #tpu.memory_space<semaphore_mem>>
      tpu.enqueue_dma source(%arg6 : memref<640x8xf32, #tpu.memory_space<hbm>>) target(%arg13 : memref<640x8xf32, #tpu.memory_space<vmem>>) target_semaphore(%run_scoped3A : memref<!tpu.dma_semaphore, #tpu.memory_space<semaphore_mem>>)
      tpu.wait_dma2 semaphore(%run_scoped3A : memref<!tpu.dma_semaphore, #tpu.memory_space<semaphore_mem>>) src(%arg6 : memref<640x8xf32, #tpu.memory_space<hbm>>) dst(%arg13 : memref<640x8xf32, #tpu.memory_space<vmem>>)
      tpu.yield
    }) : () -> ()
    "tpu.region"() ({
      %run_scoped3A = tpu.sem_alloc : memref<!tpu.dma_semaphore, #tpu.memory_space<semaphore_mem>>
      %dma_start3A = arith.constant 0 : i32
      %dma_start3A_19 = tpu.memref_slice %arg14[%mul3A_0, %dma_start3A] : memref<10000x8xf32, #tpu.memory_space<vmem_shared>> -> memref<640x8xf32, #tpu.memory_space<vmem_shared>>
      %dma_start3A_20 = arith.constant 0 : i32
      %dma_start3A_21 = tpu.memref_slice %arg14[%mul3A_0, %dma_start3A_20] : memref<10000x8xf32, #tpu.memory_space<vmem_shared>> -> memref<640x8xf32, #tpu.memory_space<vmem_shared>>
      tpu.enqueue_dma source(%arg13 : memref<640x8xf32, #tpu.memory_space<vmem>>) target(%dma_start3A_21 : memref<640x8xf32, #tpu.memory_space<vmem_shared>>) target_semaphore(%run_scoped3A : memref<!tpu.dma_semaphore, #tpu.memory_space<semaphore_mem>>)
      %dma_wait3A = arith.constant 0 : i32
      %dma_wait3A_22 = tpu.memref_slice %arg14[%mul3A_0, %dma_wait3A] : memref<10000x8xf32, #tpu.memory_space<vmem_shared>> -> memref<640x8xf32, #tpu.memory_space<vmem_shared>>
      %dma_wait3A_23 = arith.constant 0 : i32
      %dma_wait3A_24 = tpu.memref_slice %arg14[%mul3A_0, %dma_wait3A_23] : memref<10000x8xf32, #tpu.memory_space<vmem_shared>> -> memref<640x8xf32, #tpu.memory_space<vmem_shared>>
      tpu.wait_dma2 semaphore(%run_scoped3A : memref<!tpu.dma_semaphore, #tpu.memory_space<semaphore_mem>>) src(%arg13 : memref<640x8xf32, #tpu.memory_space<vmem>>) dst(%dma_wait3A_24 : memref<640x8xf32, #tpu.memory_space<vmem_shared>>)
      tpu.yield
    }) : () -> ()
    %barrier3A = arith.constant 0 : index
    tpu.barrier barrier_id(%barrier3A)
    %iota3A = tpu.iota {dimensions = array<i32: 0>} : vector<16xi32>
    %mul3A_1 = arith.constant 160000 : i32
    %mul3A_2 = arith.muli %arg0, %mul3A_1 : i32
    %mul3A_3 = arith.constant 10000 : i32
    %mul3A_4 = arith.muli %arg1, %mul3A_3 : i32
    %add3A = arith.addi %mul3A_2, %mul3A_4 : i32
    %mul3A_5 = arith.constant 1600 : i32
    %mul3A_6 = arith.muli %arg0, %mul3A_5 : i32
    %mul3A_7 = arith.constant 100 : i32
    %mul3A_8 = arith.muli %arg1, %mul3A_7 : i32
    %add3A_9 = arith.addi %mul3A_6, %mul3A_8 : i32
    %scan3A = arith.constant 0 : i32
    %scan3A_10 = arith.constant 0 : i32
    %scan3A_11 = arith.constant 25 : i32
    %scan3A_12 = arith.addi %scan3A_10, %scan3A_11 : i32
    %scan3A_13 = arith.constant 1 : i32
    scf.for %scan3A_19 = %scan3A_10 to %scan3A_12 step %scan3A_13  : i32 {
      %mul3A_20 = arith.constant 400 : i32
      %mul3A_21 = arith.muli %scan3A_19, %mul3A_20 : i32
      %add3A_22 = arith.addi %add3A, %mul3A_21 : i32
      %mul3A_23 = arith.constant 4 : i32
      %mul3A_24 = arith.muli %scan3A_19, %mul3A_23 : i32
      %add3A_25 = arith.addi %add3A_9, %mul3A_24 : i32
      "tpu.region"() ({
        %run_scoped3A_35 = tpu.sem_alloc : memref<!tpu.dma_semaphore, #tpu.memory_space<semaphore_mem>>
        %dma_start3A = tpu.memref_slice %arg3[%add3A_22] : memref<320000xi32, #tpu.memory_space<hbm>> -> memref<400xi32, #tpu.memory_space<hbm>>
        %dma_start3A_36 = tpu.memref_slice %arg3[%add3A_22] : memref<320000xi32, #tpu.memory_space<hbm>> -> memref<400xi32, #tpu.memory_space<hbm>>
        tpu.enqueue_dma source(%dma_start3A_36 : memref<400xi32, #tpu.memory_space<hbm>>) target(%arg11 : memref<400xi32, #tpu.memory_space<vmem>>) target_semaphore(%run_scoped3A_35 : memref<!tpu.dma_semaphore, #tpu.memory_space<semaphore_mem>>)
        %dma_wait3A = tpu.memref_slice %arg3[%add3A_22] : memref<320000xi32, #tpu.memory_space<hbm>> -> memref<400xi32, #tpu.memory_space<hbm>>
        %dma_wait3A_37 = tpu.memref_slice %arg3[%add3A_22] : memref<320000xi32, #tpu.memory_space<hbm>> -> memref<400xi32, #tpu.memory_space<hbm>>
        tpu.wait_dma2 semaphore(%run_scoped3A_35 : memref<!tpu.dma_semaphore, #tpu.memory_space<semaphore_mem>>) src(%dma_wait3A_37 : memref<400xi32, #tpu.memory_space<hbm>>) dst(%arg11 : memref<400xi32, #tpu.memory_space<vmem>>)
        tpu.yield
      }) : () -> ()
      "tpu.region"() ({
        %run_scoped3A_35 = tpu.sem_alloc : memref<!tpu.dma_semaphore, #tpu.memory_space<semaphore_mem>>
        %dma_start3A = arith.constant 0 : i32
        %dma_start3A_36 = tpu.memref_slice %arg4[%add3A_25, %dma_start3A] : memref<3200x100xi32, #tpu.memory_space<hbm>> -> memref<4x100xi32, #tpu.memory_space<hbm>>
        %dma_start3A_37 = arith.constant 0 : i32
        %dma_start3A_38 = tpu.memref_slice %arg4[%add3A_25, %dma_start3A_37] : memref<3200x100xi32, #tpu.memory_space<hbm>> -> memref<4x100xi32, #tpu.memory_space<hbm>>
        tpu.enqueue_dma source(%dma_start3A_38 : memref<4x100xi32, #tpu.memory_space<hbm>>) target(%arg12 : memref<4x100xi32, #tpu.memory_space<vmem>>) target_semaphore(%run_scoped3A_35 : memref<!tpu.dma_semaphore, #tpu.memory_space<semaphore_mem>>)
        %dma_wait3A = arith.constant 0 : i32
        %dma_wait3A_39 = tpu.memref_slice %arg4[%add3A_25, %dma_wait3A] : memref<3200x100xi32, #tpu.memory_space<hbm>> -> memref<4x100xi32, #tpu.memory_space<hbm>>
        %dma_wait3A_40 = arith.constant 0 : i32
        %dma_wait3A_41 = tpu.memref_slice %arg4[%add3A_25, %dma_wait3A_40] : memref<3200x100xi32, #tpu.memory_space<hbm>> -> memref<4x100xi32, #tpu.memory_space<hbm>>
        tpu.wait_dma2 semaphore(%run_scoped3A_35 : memref<!tpu.dma_semaphore, #tpu.memory_space<semaphore_mem>>) src(%dma_wait3A_41 : memref<4x100xi32, #tpu.memory_space<hbm>>) dst(%arg12 : memref<4x100xi32, #tpu.memory_space<vmem>>)
        tpu.yield
      }) : () -> ()
      "tpu.region"() ({
        %run_scoped3A_35 = tpu.sem_alloc : memref<!tpu.dma_semaphore, #tpu.memory_space<semaphore_mem>>
        %dma_start3A = arith.constant 0 : i32
        %dma_start3A_36 = tpu.memref_slice %arg5[%add3A_22, %dma_start3A] : memref<320000x64xf32, #tpu.memory_space<hbm>> -> memref<400x64xf32, #tpu.memory_space<hbm>>
        %dma_start3A_37 = arith.constant 0 : i32
        %dma_start3A_38 = tpu.memref_slice %arg5[%add3A_22, %dma_start3A_37] : memref<320000x64xf32, #tpu.memory_space<hbm>> -> memref<400x64xf32, #tpu.memory_space<hbm>>
        tpu.enqueue_dma source(%dma_start3A_38 : memref<400x64xf32, #tpu.memory_space<hbm>>) target(%arg9 : memref<400x64xf32, #tpu.memory_space<vmem>>) target_semaphore(%run_scoped3A_35 : memref<!tpu.dma_semaphore, #tpu.memory_space<semaphore_mem>>)
        %dma_wait3A = arith.constant 0 : i32
        %dma_wait3A_39 = tpu.memref_slice %arg5[%add3A_22, %dma_wait3A] : memref<320000x64xf32, #tpu.memory_space<hbm>> -> memref<400x64xf32, #tpu.memory_space<hbm>>
        %dma_wait3A_40 = arith.constant 0 : i32
        %dma_wait3A_41 = tpu.memref_slice %arg5[%add3A_22, %dma_wait3A_40] : memref<320000x64xf32, #tpu.memory_space<hbm>> -> memref<400x64xf32, #tpu.memory_space<hbm>>
        tpu.wait_dma2 semaphore(%run_scoped3A_35 : memref<!tpu.dma_semaphore, #tpu.memory_space<semaphore_mem>>) src(%dma_wait3A_41 : memref<400x64xf32, #tpu.memory_space<hbm>>) dst(%arg9 : memref<400x64xf32, #tpu.memory_space<vmem>>)
        tpu.yield
      }) : () -> ()
      %scan3A_26 = arith.constant 0 : i32
      %scan3A_27 = arith.constant 0 : i32
      %scan3A_28 = arith.constant 25 : i32
      %scan3A_29 = arith.addi %scan3A_27, %scan3A_28 : i32
      %scan3A_30 = arith.constant 1 : i32
      scf.for %scan3A_35 = %scan3A_27 to %scan3A_29 step %scan3A_30  : i32 {
        %mul3A_36 = arith.constant 16 : i32
        %mul3A_37 = arith.muli %scan3A_35, %mul3A_36 : i32
        %get3A = arith.index_cast %mul3A_37 : i32 to index
        %get3A_38 = tpu.vector_load %arg11[%get3A] {strides = array<i32>} : memref<400xi32, #tpu.memory_space<vmem>>, vector<16xi32>,
        %mul3A_39 = arith.constant 16 : i32
        %mul3A_40 = arith.muli %scan3A_35, %mul3A_39 : i32
        %add3A_41 = vector.broadcast %mul3A_40 : i32 to vector<16xi32>
        %add3A_42 = arith.addi %iota3A, %add3A_41 : vector<16xi32>
        %broadcast_in_dim3A = arith.constant 0 : i32
        %broadcast_in_dim3A_43 = vector.broadcast %broadcast_in_dim3A : i32 to vector<16xi32>
        %gather3A = tpu.vector_load_idx %arg8[%get3A_38, %broadcast_in_dim3A_43] : memref<10000x8xf32, #tpu.memory_space<vmem>>[vector<16xi32>, vector<16xi32>], vector<16xf32>,
        %broadcast_in_dim3A_44 = arith.constant 1 : i32
        %broadcast_in_dim3A_45 = vector.broadcast %broadcast_in_dim3A_44 : i32 to vector<16xi32>
        %gather3A_46 = tpu.vector_load_idx %arg8[%get3A_38, %broadcast_in_dim3A_45] : memref<10000x8xf32, #tpu.memory_space<vmem>>[vector<16xi32>, vector<16xi32>], vector<16xf32>,
        %broadcast_in_dim3A_47 = arith.constant 2 : i32
        %broadcast_in_dim3A_48 = vector.broadcast %broadcast_in_dim3A_47 : i32 to vector<16xi32>
        %gather3A_49 = tpu.vector_load_idx %arg8[%get3A_38, %broadcast_in_dim3A_48] : memref<10000x8xf32, #tpu.memory_space<vmem>>[vector<16xi32>, vector<16xi32>], vector<16xf32>,
        %broadcast_in_dim3A_50 = arith.constant 3 : i32
        %broadcast_in_dim3A_51 = vector.broadcast %broadcast_in_dim3A_50 : i32 to vector<16xi32>
        %gather3A_52 = tpu.vector_load_idx %arg8[%get3A_38, %broadcast_in_dim3A_51] : memref<10000x8xf32, #tpu.memory_space<vmem>>[vector<16xi32>, vector<16xi32>], vector<16xf32>,
        %broadcast_in_dim3A_53 = arith.constant 4 : i32
        %broadcast_in_dim3A_54 = vector.broadcast %broadcast_in_dim3A_53 : i32 to vector<16xi32>
        %gather3A_55 = tpu.vector_load_idx %arg8[%get3A_38, %broadcast_in_dim3A_54] : memref<10000x8xf32, #tpu.memory_space<vmem>>[vector<16xi32>, vector<16xi32>], vector<16xf32>,
        %broadcast_in_dim3A_56 = arith.constant 5 : i32
        %broadcast_in_dim3A_57 = vector.broadcast %broadcast_in_dim3A_56 : i32 to vector<16xi32>
        %gather3A_58 = tpu.vector_load_idx %arg8[%get3A_38, %broadcast_in_dim3A_57] : memref<10000x8xf32, #tpu.memory_space<vmem>>[vector<16xi32>, vector<16xi32>], vector<16xf32>,
        %broadcast_in_dim3A_59 = arith.constant 6 : i32
        %broadcast_in_dim3A_60 = vector.broadcast %broadcast_in_dim3A_59 : i32 to vector<16xi32>
        %gather3A_61 = tpu.vector_load_idx %arg8[%get3A_38, %broadcast_in_dim3A_60] : memref<10000x8xf32, #tpu.memory_space<vmem>>[vector<16xi32>, vector<16xi32>], vector<16xf32>,
        %broadcast_in_dim3A_62 = arith.constant 7 : i32
        %broadcast_in_dim3A_63 = vector.broadcast %broadcast_in_dim3A_62 : i32 to vector<16xi32>
        %gather3A_64 = tpu.vector_load_idx %arg8[%get3A_38, %broadcast_in_dim3A_63] : memref<10000x8xf32, #tpu.memory_space<vmem>>[vector<16xi32>, vector<16xi32>], vector<16xf32>,
        %broadcast_in_dim3A_65 = arith.constant 0 : i32
        %broadcast_in_dim3A_66 = vector.broadcast %broadcast_in_dim3A_65 : i32 to vector<16xi32>
        %gather3A_67 = tpu.vector_load_idx %arg9[%add3A_42, %broadcast_in_dim3A_66] : memref<400x64xf32, #tpu.memory_space<vmem>>[vector<16xi32>, vector<16xi32>], vector<16xf32>,
        %mul3A_68 = arith.mulf %gather3A, %gather3A_67 : vector<16xf32>
        %broadcast_in_dim3A_69 = arith.constant 8 : i32
        %broadcast_in_dim3A_70 = vector.broadcast %broadcast_in_dim3A_69 : i32 to vector<16xi32>
        %gather3A_71 = tpu.vector_load_idx %arg9[%add3A_42, %broadcast_in_dim3A_70] : memref<400x64xf32, #tpu.memory_space<vmem>>[vector<16xi32>, vector<16xi32>], vector<16xf32>,
        %mul3A_72 = arith.mulf %gather3A_46, %gather3A_71 : vector<16xf32>
        %add3A_73 = arith.addf %mul3A_68, %mul3A_72 : vector<16xf32>
        %broadcast_in_dim3A_74 = arith.constant 16 : i32
        %broadcast_in_dim3A_75 = vector.broadcast %broadcast_in_dim3A_74 : i32 to vector<16xi32>
        %gather3A_76 = tpu.vector_load_idx %arg9[%add3A_42, %broadcast_in_dim3A_75] : memref<400x64xf32, #tpu.memory_space<vmem>>[vector<16xi32>, vector<16xi32>], vector<16xf32>,
        %mul3A_77 = arith.mulf %gather3A_49, %gather3A_76 : vector<16xf32>
        %add3A_78 = arith.addf %add3A_73, %mul3A_77 : vector<16xf32>
        %broadcast_in_dim3A_79 = arith.constant 24 : i32
        %broadcast_in_dim3A_80 = vector.broadcast %broadcast_in_dim3A_79 : i32 to vector<16xi32>
        %gather3A_81 = tpu.vector_load_idx %arg9[%add3A_42, %broadcast_in_dim3A_80] : memref<400x64xf32, #tpu.memory_space<vmem>>[vector<16xi32>, vector<16xi32>], vector<16xf32>,
        %mul3A_82 = arith.mulf %gather3A_52, %gather3A_81 : vector<16xf32>
        %add3A_83 = arith.addf %add3A_78, %mul3A_82 : vector<16xf32>
        %broadcast_in_dim3A_84 = arith.constant 32 : i32
        %broadcast_in_dim3A_85 = vector.broadcast %broadcast_in_dim3A_84 : i32 to vector<16xi32>
        %gather3A_86 = tpu.vector_load_idx %arg9[%add3A_42, %broadcast_in_dim3A_85] : memref<400x64xf32, #tpu.memory_space<vmem>>[vector<16xi32>, vector<16xi32>], vector<16xf32>,
        %mul3A_87 = arith.mulf %gather3A_55, %gather3A_86 : vector<16xf32>
        %add3A_88 = arith.addf %add3A_83, %mul3A_87 : vector<16xf32>
        %broadcast_in_dim3A_89 = arith.constant 40 : i32
        %broadcast_in_dim3A_90 = vector.broadcast %broadcast_in_dim3A_89 : i32 to vector<16xi32>
        %gather3A_91 = tpu.vector_load_idx %arg9[%add3A_42, %broadcast_in_dim3A_90] : memref<400x64xf32, #tpu.memory_space<vmem>>[vector<16xi32>, vector<16xi32>], vector<16xf32>,
        %mul3A_92 = arith.mulf %gather3A_58, %gather3A_91 : vector<16xf32>
        %add3A_93 = arith.addf %add3A_88, %mul3A_92 : vector<16xf32>
        %broadcast_in_dim3A_94 = arith.constant 48 : i32
        %broadcast_in_dim3A_95 = vector.broadcast %broadcast_in_dim3A_94 : i32 to vector<16xi32>
        %gather3A_96 = tpu.vector_load_idx %arg9[%add3A_42, %broadcast_in_dim3A_95] : memref<400x64xf32, #tpu.memory_space<vmem>>[vector<16xi32>, vector<16xi32>], vector<16xf32>,
        %mul3A_97 = arith.mulf %gather3A_61, %gather3A_96 : vector<16xf32>
        %add3A_98 = arith.addf %add3A_93, %mul3A_97 : vector<16xf32>
        %broadcast_in_dim3A_99 = arith.constant 56 : i32
        %broadcast_in_dim3A_100 = vector.broadcast %broadcast_in_dim3A_99 : i32 to vector<16xi32>
        %gather3A_101 = tpu.vector_load_idx %arg9[%add3A_42, %broadcast_in_dim3A_100] : memref<400x64xf32, #tpu.memory_space<vmem>>[vector<16xi32>, vector<16xi32>], vector<16xf32>,
        %mul3A_102 = arith.mulf %gather3A_64, %gather3A_101 : vector<16xf32>
        %add3A_103 = arith.addf %add3A_98, %mul3A_102 : vector<16xf32>
        %broadcast_in_dim3A_104 = arith.constant 0 : i32
        %broadcast_in_dim3A_105 = vector.broadcast %broadcast_in_dim3A_104 : i32 to vector<16xi32>
        tpu.vector_store_idx %arg10[%add3A_42, %broadcast_in_dim3A_105], %add3A_103 : memref<400x8xf32, #tpu.memory_space<vmem>>[vector<16xi32>, vector<16xi32>], vector<16xf32>,
        %broadcast_in_dim3A_106 = arith.constant 1 : i32
        %broadcast_in_dim3A_107 = vector.broadcast %broadcast_in_dim3A_106 : i32 to vector<16xi32>
        %gather3A_108 = tpu.vector_load_idx %arg9[%add3A_42, %broadcast_in_dim3A_107] : memref<400x64xf32, #tpu.memory_space<vmem>>[vector<16xi32>, vector<16xi32>], vector<16xf32>,
        %mul3A_109 = arith.mulf %gather3A, %gather3A_108 : vector<16xf32>
        %broadcast_in_dim3A_110 = arith.constant 9 : i32
        %broadcast_in_dim3A_111 = vector.broadcast %broadcast_in_dim3A_110 : i32 to vector<16xi32>
        %gather3A_112 = tpu.vector_load_idx %arg9[%add3A_42, %broadcast_in_dim3A_111] : memref<400x64xf32, #tpu.memory_space<vmem>>[vector<16xi32>, vector<16xi32>], vector<16xf32>,
        %mul3A_113 = arith.mulf %gather3A_46, %gather3A_112 : vector<16xf32>
        %add3A_114 = arith.addf %mul3A_109, %mul3A_113 : vector<16xf32>
        %broadcast_in_dim3A_115 = arith.constant 17 : i32
        %broadcast_in_dim3A_116 = vector.broadcast %broadcast_in_dim3A_115 : i32 to vector<16xi32>
        %gather3A_117 = tpu.vector_load_idx %arg9[%add3A_42, %broadcast_in_dim3A_116] : memref<400x64xf32, #tpu.memory_space<vmem>>[vector<16xi32>, vector<16xi32>], vector<16xf32>,
        %mul3A_118 = arith.mulf %gather3A_49, %gather3A_117 : vector<16xf32>
        %add3A_119 = arith.addf %add3A_114, %mul3A_118 : vector<16xf32>
        %broadcast_in_dim3A_120 = arith.constant 25 : i32
        %broadcast_in_dim3A_121 = vector.broadcast %broadcast_in_dim3A_120 : i32 to vector<16xi32>
        %gather3A_122 = tpu.vector_load_idx %arg9[%add3A_42, %broadcast_in_dim3A_121] : memref<400x64xf32, #tpu.memory_space<vmem>>[vector<16xi32>, vector<16xi32>], vector<16xf32>,
        %mul3A_123 = arith.mulf %gather3A_52, %gather3A_122 : vector<16xf32>
        %add3A_124 = arith.addf %add3A_119, %mul3A_123 : vector<16xf32>
        %broadcast_in_dim3A_125 = arith.constant 33 : i32
        %broadcast_in_dim3A_126 = vector.broadcast %broadcast_in_dim3A_125 : i32 to vector<16xi32>
        %gather3A_127 = tpu.vector_load_idx %arg9[%add3A_42, %broadcast_in_dim3A_126] : memref<400x64xf32, #tpu.memory_space<vmem>>[vector<16xi32>, vector<16xi32>], vector<16xf32>,
        %mul3A_128 = arith.mulf %gather3A_55, %gather3A_127 : vector<16xf32>
        %add3A_129 = arith.addf %add3A_124, %mul3A_128 : vector<16xf32>
        %broadcast_in_dim3A_130 = arith.constant 41 : i32
        %broadcast_in_dim3A_131 = vector.broadcast %broadcast_in_dim3A_130 : i32 to vector<16xi32>
        %gather3A_132 = tpu.vector_load_idx %arg9[%add3A_42, %broadcast_in_dim3A_131] : memref<400x64xf32, #tpu.memory_space<vmem>>[vector<16xi32>, vector<16xi32>], vector<16xf32>,
        %mul3A_133 = arith.mulf %gather3A_58, %gather3A_132 : vector<16xf32>
        %add3A_134 = arith.addf %add3A_129, %mul3A_133 : vector<16xf32>
        %broadcast_in_dim3A_135 = arith.constant 49 : i32
        %broadcast_in_dim3A_136 = vector.broadcast %broadcast_in_dim3A_135 : i32 to vector<16xi32>
        %gather3A_137 = tpu.vector_load_idx %arg9[%add3A_42, %broadcast_in_dim3A_136] : memref<400x64xf32, #tpu.memory_space<vmem>>[vector<16xi32>, vector<16xi32>], vector<16xf32>,
        %mul3A_138 = arith.mulf %gather3A_61, %gather3A_137 : vector<16xf32>
        %add3A_139 = arith.addf %add3A_134, %mul3A_138 : vector<16xf32>
        %broadcast_in_dim3A_140 = arith.constant 57 : i32
        %broadcast_in_dim3A_141 = vector.broadcast %broadcast_in_dim3A_140 : i32 to vector<16xi32>
        %gather3A_142 = tpu.vector_load_idx %arg9[%add3A_42, %broadcast_in_dim3A_141] : memref<400x64xf32, #tpu.memory_space<vmem>>[vector<16xi32>, vector<16xi32>], vector<16xf32>,
        %mul3A_143 = arith.mulf %gather3A_64, %gather3A_142 : vector<16xf32>
        %add3A_144 = arith.addf %add3A_139, %mul3A_143 : vector<16xf32>
        %broadcast_in_dim3A_145 = arith.constant 1 : i32
        %broadcast_in_dim3A_146 = vector.broadcast %broadcast_in_dim3A_145 : i32 to vector<16xi32>
        tpu.vector_store_idx %arg10[%add3A_42, %broadcast_in_dim3A_146], %add3A_144 : memref<400x8xf32, #tpu.memory_space<vmem>>[vector<16xi32>, vector<16xi32>], vector<16xf32>,
        %broadcast_in_dim3A_147 = arith.constant 2 : i32
        %broadcast_in_dim3A_148 = vector.broadcast %broadcast_in_dim3A_147 : i32 to vector<16xi32>
        %gather3A_149 = tpu.vector_load_idx %arg9[%add3A_42, %broadcast_in_dim3A_148] : memref<400x64xf32, #tpu.memory_space<vmem>>[vector<16xi32>, vector<16xi32>], vector<16xf32>,
        %mul3A_150 = arith.mulf %gather3A, %gather3A_149 : vector<16xf32>
        %broadcast_in_dim3A_151 = arith.constant 10 : i32
        %broadcast_in_dim3A_152 = vector.broadcast %broadcast_in_dim3A_151 : i32 to vector<16xi32>
        %gather3A_153 = tpu.vector_load_idx %arg9[%add3A_42, %broadcast_in_dim3A_152] : memref<400x64xf32, #tpu.memory_space<vmem>>[vector<16xi32>, vector<16xi32>], vector<16xf32>,
        %mul3A_154 = arith.mulf %gather3A_46, %gather3A_153 : vector<16xf32>
        %add3A_155 = arith.addf %mul3A_150, %mul3A_154 : vector<16xf32>
        %broadcast_in_dim3A_156 = arith.constant 18 : i32
        %broadcast_in_dim3A_157 = vector.broadcast %broadcast_in_dim3A_156 : i32 to vector<16xi32>
        %gather3A_158 = tpu.vector_load_idx %arg9[%add3A_42, %broadcast_in_dim3A_157] : memref<400x64xf32, #tpu.memory_space<vmem>>[vector<16xi32>, vector<16xi32>], vector<16xf32>,
        %mul3A_159 = arith.mulf %gather3A_49, %gather3A_158 : vector<16xf32>
        %add3A_160 = arith.addf %add3A_155, %mul3A_159 : vector<16xf32>
        %broadcast_in_dim3A_161 = arith.constant 26 : i32
        %broadcast_in_dim3A_162 = vector.broadcast %broadcast_in_dim3A_161 : i32 to vector<16xi32>
        %gather3A_163 = tpu.vector_load_idx %arg9[%add3A_42, %broadcast_in_dim3A_162] : memref<400x64xf32, #tpu.memory_space<vmem>>[vector<16xi32>, vector<16xi32>], vector<16xf32>,
        %mul3A_164 = arith.mulf %gather3A_52, %gather3A_163 : vector<16xf32>
        %add3A_165 = arith.addf %add3A_160, %mul3A_164 : vector<16xf32>
        %broadcast_in_dim3A_166 = arith.constant 34 : i32
        %broadcast_in_dim3A_167 = vector.broadcast %broadcast_in_dim3A_166 : i32 to vector<16xi32>
        %gather3A_168 = tpu.vector_load_idx %arg9[%add3A_42, %broadcast_in_dim3A_167] : memref<400x64xf32, #tpu.memory_space<vmem>>[vector<16xi32>, vector<16xi32>], vector<16xf32>,
        %mul3A_169 = arith.mulf %gather3A_55, %gather3A_168 : vector<16xf32>
        %add3A_170 = arith.addf %add3A_165, %mul3A_169 : vector<16xf32>
        %broadcast_in_dim3A_171 = arith.constant 42 : i32
        %broadcast_in_dim3A_172 = vector.broadcast %broadcast_in_dim3A_171 : i32 to vector<16xi32>
        %gather3A_173 = tpu.vector_load_idx %arg9[%add3A_42, %broadcast_in_dim3A_172] : memref<400x64xf32, #tpu.memory_space<vmem>>[vector<16xi32>, vector<16xi32>], vector<16xf32>,
        %mul3A_174 = arith.mulf %gather3A_58, %gather3A_173 : vector<16xf32>
        %add3A_175 = arith.addf %add3A_170, %mul3A_174 : vector<16xf32>
        %broadcast_in_dim3A_176 = arith.constant 50 : i32
        %broadcast_in_dim3A_177 = vector.broadcast %broadcast_in_dim3A_176 : i32 to vector<16xi32>
        %gather3A_178 = tpu.vector_load_idx %arg9[%add3A_42, %broadcast_in_dim3A_177] : memref<400x64xf32, #tpu.memory_space<vmem>>[vector<16xi32>, vector<16xi32>], vector<16xf32>,
        %mul3A_179 = arith.mulf %gather3A_61, %gather3A_178 : vector<16xf32>
        %add3A_180 = arith.addf %add3A_175, %mul3A_179 : vector<16xf32>
        %broadcast_in_dim3A_181 = arith.constant 58 : i32
        %broadcast_in_dim3A_182 = vector.broadcast %broadcast_in_dim3A_181 : i32 to vector<16xi32>
        %gather3A_183 = tpu.vector_load_idx %arg9[%add3A_42, %broadcast_in_dim3A_182] : memref<400x64xf32, #tpu.memory_space<vmem>>[vector<16xi32>, vector<16xi32>], vector<16xf32>,
        %mul3A_184 = arith.mulf %gather3A_64, %gather3A_183 : vector<16xf32>
        %add3A_185 = arith.addf %add3A_180, %mul3A_184 : vector<16xf32>
        %broadcast_in_dim3A_186 = arith.constant 2 : i32
        %broadcast_in_dim3A_187 = vector.broadcast %broadcast_in_dim3A_186 : i32 to vector<16xi32>
        tpu.vector_store_idx %arg10[%add3A_42, %broadcast_in_dim3A_187], %add3A_185 : memref<400x8xf32, #tpu.memory_space<vmem>>[vector<16xi32>, vector<16xi32>], vector<16xf32>,
        %broadcast_in_dim3A_188 = arith.constant 3 : i32
        %broadcast_in_dim3A_189 = vector.broadcast %broadcast_in_dim3A_188 : i32 to vector<16xi32>
        %gather3A_190 = tpu.vector_load_idx %arg9[%add3A_42, %broadcast_in_dim3A_189] : memref<400x64xf32, #tpu.memory_space<vmem>>[vector<16xi32>, vector<16xi32>], vector<16xf32>,
        %mul3A_191 = arith.mulf %gather3A, %gather3A_190 : vector<16xf32>
        %broadcast_in_dim3A_192 = arith.constant 11 : i32
        %broadcast_in_dim3A_193 = vector.broadcast %broadcast_in_dim3A_192 : i32 to vector<16xi32>
        %gather3A_194 = tpu.vector_load_idx %arg9[%add3A_42, %broadcast_in_dim3A_193] : memref<400x64xf32, #tpu.memory_space<vmem>>[vector<16xi32>, vector<16xi32>], vector<16xf32>,
        %mul3A_195 = arith.mulf %gather3A_46, %gather3A_194 : vector<16xf32>
        %add3A_196 = arith.addf %mul3A_191, %mul3A_195 : vector<16xf32>
        %broadcast_in_dim3A_197 = arith.constant 19 : i32
        %broadcast_in_dim3A_198 = vector.broadcast %broadcast_in_dim3A_197 : i32 to vector<16xi32>
        %gather3A_199 = tpu.vector_load_idx %arg9[%add3A_42, %broadcast_in_dim3A_198] : memref<400x64xf32, #tpu.memory_space<vmem>>[vector<16xi32>, vector<16xi32>], vector<16xf32>,
        %mul3A_200 = arith.mulf %gather3A_49, %gather3A_199 : vector<16xf32>
        %add3A_201 = arith.addf %add3A_196, %mul3A_200 : vector<16xf32>
        %broadcast_in_dim3A_202 = arith.constant 27 : i32
        %broadcast_in_dim3A_203 = vector.broadcast %broadcast_in_dim3A_202 : i32 to vector<16xi32>
        %gather3A_204 = tpu.vector_load_idx %arg9[%add3A_42, %broadcast_in_dim3A_203] : memref<400x64xf32, #tpu.memory_space<vmem>>[vector<16xi32>, vector<16xi32>], vector<16xf32>,
        %mul3A_205 = arith.mulf %gather3A_52, %gather3A_204 : vector<16xf32>
        %add3A_206 = arith.addf %add3A_201, %mul3A_205 : vector<16xf32>
        %broadcast_in_dim3A_207 = arith.constant 35 : i32
        %broadcast_in_dim3A_208 = vector.broadcast %broadcast_in_dim3A_207 : i32 to vector<16xi32>
        %gather3A_209 = tpu.vector_load_idx %arg9[%add3A_42, %broadcast_in_dim3A_208] : memref<400x64xf32, #tpu.memory_space<vmem>>[vector<16xi32>, vector<16xi32>], vector<16xf32>,
        %mul3A_210 = arith.mulf %gather3A_55, %gather3A_209 : vector<16xf32>
        %add3A_211 = arith.addf %add3A_206, %mul3A_210 : vector<16xf32>
        %broadcast_in_dim3A_212 = arith.constant 43 : i32
        %broadcast_in_dim3A_213 = vector.broadcast %broadcast_in_dim3A_212 : i32 to vector<16xi32>
        %gather3A_214 = tpu.vector_load_idx %arg9[%add3A_42, %broadcast_in_dim3A_213] : memref<400x64xf32, #tpu.memory_space<vmem>>[vector<16xi32>, vector<16xi32>], vector<16xf32>,
        %mul3A_215 = arith.mulf %gather3A_58, %gather3A_214 : vector<16xf32>
        %add3A_216 = arith.addf %add3A_211, %mul3A_215 : vector<16xf32>
        %broadcast_in_dim3A_217 = arith.constant 51 : i32
        %broadcast_in_dim3A_218 = vector.broadcast %broadcast_in_dim3A_217 : i32 to vector<16xi32>
        %gather3A_219 = tpu.vector_load_idx %arg9[%add3A_42, %broadcast_in_dim3A_218] : memref<400x64xf32, #tpu.memory_space<vmem>>[vector<16xi32>, vector<16xi32>], vector<16xf32>,
        %mul3A_220 = arith.mulf %gather3A_61, %gather3A_219 : vector<16xf32>
        %add3A_221 = arith.addf %add3A_216, %mul3A_220 : vector<16xf32>
        %broadcast_in_dim3A_222 = arith.constant 59 : i32
        %broadcast_in_dim3A_223 = vector.broadcast %broadcast_in_dim3A_222 : i32 to vector<16xi32>
        %gather3A_224 = tpu.vector_load_idx %arg9[%add3A_42, %broadcast_in_dim3A_223] : memref<400x64xf32, #tpu.memory_space<vmem>>[vector<16xi32>, vector<16xi32>], vector<16xf32>,
        %mul3A_225 = arith.mulf %gather3A_64, %gather3A_224 : vector<16xf32>
        %add3A_226 = arith.addf %add3A_221, %mul3A_225 : vector<16xf32>
        %broadcast_in_dim3A_227 = arith.constant 3 : i32
        %broadcast_in_dim3A_228 = vector.broadcast %broadcast_in_dim3A_227 : i32 to vector<16xi32>
        tpu.vector_store_idx %arg10[%add3A_42, %broadcast_in_dim3A_228], %add3A_226 : memref<400x8xf32, #tpu.memory_space<vmem>>[vector<16xi32>, vector<16xi32>], vector<16xf32>,
        %broadcast_in_dim3A_229 = arith.constant 4 : i32
        %broadcast_in_dim3A_230 = vector.broadcast %broadcast_in_dim3A_229 : i32 to vector<16xi32>
        %gather3A_231 = tpu.vector_load_idx %arg9[%add3A_42, %broadcast_in_dim3A_230] : memref<400x64xf32, #tpu.memory_space<vmem>>[vector<16xi32>, vector<16xi32>], vector<16xf32>,
        %mul3A_232 = arith.mulf %gather3A, %gather3A_231 : vector<16xf32>
        %broadcast_in_dim3A_233 = arith.constant 12 : i32
        %broadcast_in_dim3A_234 = vector.broadcast %broadcast_in_dim3A_233 : i32 to vector<16xi32>
        %gather3A_235 = tpu.vector_load_idx %arg9[%add3A_42, %broadcast_in_dim3A_234] : memref<400x64xf32, #tpu.memory_space<vmem>>[vector<16xi32>, vector<16xi32>], vector<16xf32>,
        %mul3A_236 = arith.mulf %gather3A_46, %gather3A_235 : vector<16xf32>
        %add3A_237 = arith.addf %mul3A_232, %mul3A_236 : vector<16xf32>
        %broadcast_in_dim3A_238 = arith.constant 20 : i32
        %broadcast_in_dim3A_239 = vector.broadcast %broadcast_in_dim3A_238 : i32 to vector<16xi32>
        %gather3A_240 = tpu.vector_load_idx %arg9[%add3A_42, %broadcast_in_dim3A_239] : memref<400x64xf32, #tpu.memory_space<vmem>>[vector<16xi32>, vector<16xi32>], vector<16xf32>,
        %mul3A_241 = arith.mulf %gather3A_49, %gather3A_240 : vector<16xf32>
        %add3A_242 = arith.addf %add3A_237, %mul3A_241 : vector<16xf32>
        %broadcast_in_dim3A_243 = arith.constant 28 : i32
        %broadcast_in_dim3A_244 = vector.broadcast %broadcast_in_dim3A_243 : i32 to vector<16xi32>
        %gather3A_245 = tpu.vector_load_idx %arg9[%add3A_42, %broadcast_in_dim3A_244] : memref<400x64xf32, #tpu.memory_space<vmem>>[vector<16xi32>, vector<16xi32>], vector<16xf32>,
        %mul3A_246 = arith.mulf %gather3A_52, %gather3A_245 : vector<16xf32>
        %add3A_247 = arith.addf %add3A_242, %mul3A_246 : vector<16xf32>
        %broadcast_in_dim3A_248 = arith.constant 36 : i32
        %broadcast_in_dim3A_249 = vector.broadcast %broadcast_in_dim3A_248 : i32 to vector<16xi32>
        %gather3A_250 = tpu.vector_load_idx %arg9[%add3A_42, %broadcast_in_dim3A_249] : memref<400x64xf32, #tpu.memory_space<vmem>>[vector<16xi32>, vector<16xi32>], vector<16xf32>,
        %mul3A_251 = arith.mulf %gather3A_55, %gather3A_250 : vector<16xf32>
        %add3A_252 = arith.addf %add3A_247, %mul3A_251 : vector<16xf32>
        %broadcast_in_dim3A_253 = arith.constant 44 : i32
        %broadcast_in_dim3A_254 = vector.broadcast %broadcast_in_dim3A_253 : i32 to vector<16xi32>
        %gather3A_255 = tpu.vector_load_idx %arg9[%add3A_42, %broadcast_in_dim3A_254] : memref<400x64xf32, #tpu.memory_space<vmem>>[vector<16xi32>, vector<16xi32>], vector<16xf32>,
        %mul3A_256 = arith.mulf %gather3A_58, %gather3A_255 : vector<16xf32>
        %add3A_257 = arith.addf %add3A_252, %mul3A_256 : vector<16xf32>
        %broadcast_in_dim3A_258 = arith.constant 52 : i32
        %broadcast_in_dim3A_259 = vector.broadcast %broadcast_in_dim3A_258 : i32 to vector<16xi32>
        %gather3A_260 = tpu.vector_load_idx %arg9[%add3A_42, %broadcast_in_dim3A_259] : memref<400x64xf32, #tpu.memory_space<vmem>>[vector<16xi32>, vector<16xi32>], vector<16xf32>,
        %mul3A_261 = arith.mulf %gather3A_61, %gather3A_260 : vector<16xf32>
        %add3A_262 = arith.addf %add3A_257, %mul3A_261 : vector<16xf32>
        %broadcast_in_dim3A_263 = arith.constant 60 : i32
        %broadcast_in_dim3A_264 = vector.broadcast %broadcast_in_dim3A_263 : i32 to vector<16xi32>
        %gather3A_265 = tpu.vector_load_idx %arg9[%add3A_42, %broadcast_in_dim3A_264] : memref<400x64xf32, #tpu.memory_space<vmem>>[vector<16xi32>, vector<16xi32>], vector<16xf32>,
        %mul3A_266 = arith.mulf %gather3A_64, %gather3A_265 : vector<16xf32>
        %add3A_267 = arith.addf %add3A_262, %mul3A_266 : vector<16xf32>
        %broadcast_in_dim3A_268 = arith.constant 4 : i32
        %broadcast_in_dim3A_269 = vector.broadcast %broadcast_in_dim3A_268 : i32 to vector<16xi32>
        tpu.vector_store_idx %arg10[%add3A_42, %broadcast_in_dim3A_269], %add3A_267 : memref<400x8xf32, #tpu.memory_space<vmem>>[vector<16xi32>, vector<16xi32>], vector<16xf32>,
        %broadcast_in_dim3A_270 = arith.constant 5 : i32
        %broadcast_in_dim3A_271 = vector.broadcast %broadcast_in_dim3A_270 : i32 to vector<16xi32>
        %gather3A_272 = tpu.vector_load_idx %arg9[%add3A_42, %broadcast_in_dim3A_271] : memref<400x64xf32, #tpu.memory_space<vmem>>[vector<16xi32>, vector<16xi32>], vector<16xf32>,
        %mul3A_273 = arith.mulf %gather3A, %gather3A_272 : vector<16xf32>
        %broadcast_in_dim3A_274 = arith.constant 13 : i32
        %broadcast_in_dim3A_275 = vector.broadcast %broadcast_in_dim3A_274 : i32 to vector<16xi32>
        %gather3A_276 = tpu.vector_load_idx %arg9[%add3A_42, %broadcast_in_dim3A_275] : memref<400x64xf32, #tpu.memory_space<vmem>>[vector<16xi32>, vector<16xi32>], vector<16xf32>,
        %mul3A_277 = arith.mulf %gather3A_46, %gather3A_276 : vector<16xf32>
        %add3A_278 = arith.addf %mul3A_273, %mul3A_277 : vector<16xf32>
        %broadcast_in_dim3A_279 = arith.constant 21 : i32
        %broadcast_in_dim3A_280 = vector.broadcast %broadcast_in_dim3A_279 : i32 to vector<16xi32>
        %gather3A_281 = tpu.vector_load_idx %arg9[%add3A_42, %broadcast_in_dim3A_280] : memref<400x64xf32, #tpu.memory_space<vmem>>[vector<16xi32>, vector<16xi32>], vector<16xf32>,
        %mul3A_282 = arith.mulf %gather3A_49, %gather3A_281 : vector<16xf32>
        %add3A_283 = arith.addf %add3A_278, %mul3A_282 : vector<16xf32>
        %broadcast_in_dim3A_284 = arith.constant 29 : i32
        %broadcast_in_dim3A_285 = vector.broadcast %broadcast_in_dim3A_284 : i32 to vector<16xi32>
        %gather3A_286 = tpu.vector_load_idx %arg9[%add3A_42, %broadcast_in_dim3A_285] : memref<400x64xf32, #tpu.memory_space<vmem>>[vector<16xi32>, vector<16xi32>], vector<16xf32>,
        %mul3A_287 = arith.mulf %gather3A_52, %gather3A_286 : vector<16xf32>
        %add3A_288 = arith.addf %add3A_283, %mul3A_287 : vector<16xf32>
        %broadcast_in_dim3A_289 = arith.constant 37 : i32
        %broadcast_in_dim3A_290 = vector.broadcast %broadcast_in_dim3A_289 : i32 to vector<16xi32>
        %gather3A_291 = tpu.vector_load_idx %arg9[%add3A_42, %broadcast_in_dim3A_290] : memref<400x64xf32, #tpu.memory_space<vmem>>[vector<16xi32>, vector<16xi32>], vector<16xf32>,
        %mul3A_292 = arith.mulf %gather3A_55, %gather3A_291 : vector<16xf32>
        %add3A_293 = arith.addf %add3A_288, %mul3A_292 : vector<16xf32>
        %broadcast_in_dim3A_294 = arith.constant 45 : i32
        %broadcast_in_dim3A_295 = vector.broadcast %broadcast_in_dim3A_294 : i32 to vector<16xi32>
        %gather3A_296 = tpu.vector_load_idx %arg9[%add3A_42, %broadcast_in_dim3A_295] : memref<400x64xf32, #tpu.memory_space<vmem>>[vector<16xi32>, vector<16xi32>], vector<16xf32>,
        %mul3A_297 = arith.mulf %gather3A_58, %gather3A_296 : vector<16xf32>
        %add3A_298 = arith.addf %add3A_293, %mul3A_297 : vector<16xf32>
        %broadcast_in_dim3A_299 = arith.constant 53 : i32
        %broadcast_in_dim3A_300 = vector.broadcast %broadcast_in_dim3A_299 : i32 to vector<16xi32>
        %gather3A_301 = tpu.vector_load_idx %arg9[%add3A_42, %broadcast_in_dim3A_300] : memref<400x64xf32, #tpu.memory_space<vmem>>[vector<16xi32>, vector<16xi32>], vector<16xf32>,
        %mul3A_302 = arith.mulf %gather3A_61, %gather3A_301 : vector<16xf32>
        %add3A_303 = arith.addf %add3A_298, %mul3A_302 : vector<16xf32>
        %broadcast_in_dim3A_304 = arith.constant 61 : i32
        %broadcast_in_dim3A_305 = vector.broadcast %broadcast_in_dim3A_304 : i32 to vector<16xi32>
        %gather3A_306 = tpu.vector_load_idx %arg9[%add3A_42, %broadcast_in_dim3A_305] : memref<400x64xf32, #tpu.memory_space<vmem>>[vector<16xi32>, vector<16xi32>], vector<16xf32>,
        %mul3A_307 = arith.mulf %gather3A_64, %gather3A_306 : vector<16xf32>
        %add3A_308 = arith.addf %add3A_303, %mul3A_307 : vector<16xf32>
        %broadcast_in_dim3A_309 = arith.constant 5 : i32
        %broadcast_in_dim3A_310 = vector.broadcast %broadcast_in_dim3A_309 : i32 to vector<16xi32>
        tpu.vector_store_idx %arg10[%add3A_42, %broadcast_in_dim3A_310], %add3A_308 : memref<400x8xf32, #tpu.memory_space<vmem>>[vector<16xi32>, vector<16xi32>], vector<16xf32>,
        %broadcast_in_dim3A_311 = arith.constant 6 : i32
        %broadcast_in_dim3A_312 = vector.broadcast %broadcast_in_dim3A_311 : i32 to vector<16xi32>
        %gather3A_313 = tpu.vector_load_idx %arg9[%add3A_42, %broadcast_in_dim3A_312] : memref<400x64xf32, #tpu.memory_space<vmem>>[vector<16xi32>, vector<16xi32>], vector<16xf32>,
        %mul3A_314 = arith.mulf %gather3A, %gather3A_313 : vector<16xf32>
        %broadcast_in_dim3A_315 = arith.constant 14 : i32
        %broadcast_in_dim3A_316 = vector.broadcast %broadcast_in_dim3A_315 : i32 to vector<16xi32>
        %gather3A_317 = tpu.vector_load_idx %arg9[%add3A_42, %broadcast_in_dim3A_316] : memref<400x64xf32, #tpu.memory_space<vmem>>[vector<16xi32>, vector<16xi32>], vector<16xf32>,
        %mul3A_318 = arith.mulf %gather3A_46, %gather3A_317 : vector<16xf32>
        %add3A_319 = arith.addf %mul3A_314, %mul3A_318 : vector<16xf32>
        %broadcast_in_dim3A_320 = arith.constant 22 : i32
        %broadcast_in_dim3A_321 = vector.broadcast %broadcast_in_dim3A_320 : i32 to vector<16xi32>
        %gather3A_322 = tpu.vector_load_idx %arg9[%add3A_42, %broadcast_in_dim3A_321] : memref<400x64xf32, #tpu.memory_space<vmem>>[vector<16xi32>, vector<16xi32>], vector<16xf32>,
        %mul3A_323 = arith.mulf %gather3A_49, %gather3A_322 : vector<16xf32>
        %add3A_324 = arith.addf %add3A_319, %mul3A_323 : vector<16xf32>
        %broadcast_in_dim3A_325 = arith.constant 30 : i32
        %broadcast_in_dim3A_326 = vector.broadcast %broadcast_in_dim3A_325 : i32 to vector<16xi32>
        %gather3A_327 = tpu.vector_load_idx %arg9[%add3A_42, %broadcast_in_dim3A_326] : memref<400x64xf32, #tpu.memory_space<vmem>>[vector<16xi32>, vector<16xi32>], vector<16xf32>,
        %mul3A_328 = arith.mulf %gather3A_52, %gather3A_327 : vector<16xf32>
        %add3A_329 = arith.addf %add3A_324, %mul3A_328 : vector<16xf32>
        %broadcast_in_dim3A_330 = arith.constant 38 : i32
        %broadcast_in_dim3A_331 = vector.broadcast %broadcast_in_dim3A_330 : i32 to vector<16xi32>
        %gather3A_332 = tpu.vector_load_idx %arg9[%add3A_42, %broadcast_in_dim3A_331] : memref<400x64xf32, #tpu.memory_space<vmem>>[vector<16xi32>, vector<16xi32>], vector<16xf32>,
        %mul3A_333 = arith.mulf %gather3A_55, %gather3A_332 : vector<16xf32>
        %add3A_334 = arith.addf %add3A_329, %mul3A_333 : vector<16xf32>
        %broadcast_in_dim3A_335 = arith.constant 46 : i32
        %broadcast_in_dim3A_336 = vector.broadcast %broadcast_in_dim3A_335 : i32 to vector<16xi32>
        %gather3A_337 = tpu.vector_load_idx %arg9[%add3A_42, %broadcast_in_dim3A_336] : memref<400x64xf32, #tpu.memory_space<vmem>>[vector<16xi32>, vector<16xi32>], vector<16xf32>,
        %mul3A_338 = arith.mulf %gather3A_58, %gather3A_337 : vector<16xf32>
        %add3A_339 = arith.addf %add3A_334, %mul3A_338 : vector<16xf32>
        %broadcast_in_dim3A_340 = arith.constant 54 : i32
        %broadcast_in_dim3A_341 = vector.broadcast %broadcast_in_dim3A_340 : i32 to vector<16xi32>
        %gather3A_342 = tpu.vector_load_idx %arg9[%add3A_42, %broadcast_in_dim3A_341] : memref<400x64xf32, #tpu.memory_space<vmem>>[vector<16xi32>, vector<16xi32>], vector<16xf32>,
        %mul3A_343 = arith.mulf %gather3A_61, %gather3A_342 : vector<16xf32>
        %add3A_344 = arith.addf %add3A_339, %mul3A_343 : vector<16xf32>
        %broadcast_in_dim3A_345 = arith.constant 62 : i32
        %broadcast_in_dim3A_346 = vector.broadcast %broadcast_in_dim3A_345 : i32 to vector<16xi32>
        %gather3A_347 = tpu.vector_load_idx %arg9[%add3A_42, %broadcast_in_dim3A_346] : memref<400x64xf32, #tpu.memory_space<vmem>>[vector<16xi32>, vector<16xi32>], vector<16xf32>,
        %mul3A_348 = arith.mulf %gather3A_64, %gather3A_347 : vector<16xf32>
        %add3A_349 = arith.addf %add3A_344, %mul3A_348 : vector<16xf32>
        %broadcast_in_dim3A_350 = arith.constant 6 : i32
        %broadcast_in_dim3A_351 = vector.broadcast %broadcast_in_dim3A_350 : i32 to vector<16xi32>
        tpu.vector_store_idx %arg10[%add3A_42, %broadcast_in_dim3A_351], %add3A_349 : memref<400x8xf32, #tpu.memory_space<vmem>>[vector<16xi32>, vector<16xi32>], vector<16xf32>,
        %broadcast_in_dim3A_352 = arith.constant 7 : i32
        %broadcast_in_dim3A_353 = vector.broadcast %broadcast_in_dim3A_352 : i32 to vector<16xi32>
        %gather3A_354 = tpu.vector_load_idx %arg9[%add3A_42, %broadcast_in_dim3A_353] : memref<400x64xf32, #tpu.memory_space<vmem>>[vector<16xi32>, vector<16xi32>], vector<16xf32>,
        %mul3A_355 = arith.mulf %gather3A, %gather3A_354 : vector<16xf32>
        %broadcast_in_dim3A_356 = arith.constant 15 : i32
        %broadcast_in_dim3A_357 = vector.broadcast %broadcast_in_dim3A_356 : i32 to vector<16xi32>
        %gather3A_358 = tpu.vector_load_idx %arg9[%add3A_42, %broadcast_in_dim3A_357] : memref<400x64xf32, #tpu.memory_space<vmem>>[vector<16xi32>, vector<16xi32>], vector<16xf32>,
        %mul3A_359 = arith.mulf %gather3A_46, %gather3A_358 : vector<16xf32>
        %add3A_360 = arith.addf %mul3A_355, %mul3A_359 : vector<16xf32>
        %broadcast_in_dim3A_361 = arith.constant 23 : i32
        %broadcast_in_dim3A_362 = vector.broadcast %broadcast_in_dim3A_361 : i32 to vector<16xi32>
        %gather3A_363 = tpu.vector_load_idx %arg9[%add3A_42, %broadcast_in_dim3A_362] : memref<400x64xf32, #tpu.memory_space<vmem>>[vector<16xi32>, vector<16xi32>], vector<16xf32>,
        %mul3A_364 = arith.mulf %gather3A_49, %gather3A_363 : vector<16xf32>
        %add3A_365 = arith.addf %add3A_360, %mul3A_364 : vector<16xf32>
        %broadcast_in_dim3A_366 = arith.constant 31 : i32
        %broadcast_in_dim3A_367 = vector.broadcast %broadcast_in_dim3A_366 : i32 to vector<16xi32>
        %gather3A_368 = tpu.vector_load_idx %arg9[%add3A_42, %broadcast_in_dim3A_367] : memref<400x64xf32, #tpu.memory_space<vmem>>[vector<16xi32>, vector<16xi32>], vector<16xf32>,
        %mul3A_369 = arith.mulf %gather3A_52, %gather3A_368 : vector<16xf32>
        %add3A_370 = arith.addf %add3A_365, %mul3A_369 : vector<16xf32>
        %broadcast_in_dim3A_371 = arith.constant 39 : i32
        %broadcast_in_dim3A_372 = vector.broadcast %broadcast_in_dim3A_371 : i32 to vector<16xi32>
        %gather3A_373 = tpu.vector_load_idx %arg9[%add3A_42, %broadcast_in_dim3A_372] : memref<400x64xf32, #tpu.memory_space<vmem>>[vector<16xi32>, vector<16xi32>], vector<16xf32>,
        %mul3A_374 = arith.mulf %gather3A_55, %gather3A_373 : vector<16xf32>
        %add3A_375 = arith.addf %add3A_370, %mul3A_374 : vector<16xf32>
        %broadcast_in_dim3A_376 = arith.constant 47 : i32
        %broadcast_in_dim3A_377 = vector.broadcast %broadcast_in_dim3A_376 : i32 to vector<16xi32>
        %gather3A_378 = tpu.vector_load_idx %arg9[%add3A_42, %broadcast_in_dim3A_377] : memref<400x64xf32, #tpu.memory_space<vmem>>[vector<16xi32>, vector<16xi32>], vector<16xf32>,
        %mul3A_379 = arith.mulf %gather3A_58, %gather3A_378 : vector<16xf32>
        %add3A_380 = arith.addf %add3A_375, %mul3A_379 : vector<16xf32>
        %broadcast_in_dim3A_381 = arith.constant 55 : i32
        %broadcast_in_dim3A_382 = vector.broadcast %broadcast_in_dim3A_381 : i32 to vector<16xi32>
        %gather3A_383 = tpu.vector_load_idx %arg9[%add3A_42, %broadcast_in_dim3A_382] : memref<400x64xf32, #tpu.memory_space<vmem>>[vector<16xi32>, vector<16xi32>], vector<16xf32>,
        %mul3A_384 = arith.mulf %gather3A_61, %gather3A_383 : vector<16xf32>
        %add3A_385 = arith.addf %add3A_380, %mul3A_384 : vector<16xf32>
        %broadcast_in_dim3A_386 = arith.constant 63 : i32
        %broadcast_in_dim3A_387 = vector.broadcast %broadcast_in_dim3A_386 : i32 to vector<16xi32>
        %gather3A_388 = tpu.vector_load_idx %arg9[%add3A_42, %broadcast_in_dim3A_387] : memref<400x64xf32, #tpu.memory_space<vmem>>[vector<16xi32>, vector<16xi32>], vector<16xf32>,
        %mul3A_389 = arith.mulf %gather3A_64, %gather3A_388 : vector<16xf32>
        %add3A_390 = arith.addf %add3A_385, %mul3A_389 : vector<16xf32>
        %broadcast_in_dim3A_391 = arith.constant 7 : i32
        %broadcast_in_dim3A_392 = vector.broadcast %broadcast_in_dim3A_391 : i32 to vector<16xi32>
        tpu.vector_store_idx %arg10[%add3A_42, %broadcast_in_dim3A_392], %add3A_390 : memref<400x8xf32, #tpu.memory_space<vmem>>[vector<16xi32>, vector<16xi32>], vector<16xf32>,
      }
      %scan3A_31 = arith.constant 25 : i32
      %run_scoped3A = arith.constant 0 : i32
      "tpu.region"() ({
        %run_scoped3A_35 = tpu.sem_alloc : memref<!tpu.dma_semaphore, #tpu.memory_space<semaphore_mem>>
        %dma_start3A = arith.constant 0 : i32
        %dma_start3A_36 = arith.constant 0 : i32
        %dma_start3A_37 = tpu.memref_slice %arg10[%dma_start3A, %dma_start3A_36] : memref<400x8xf32, #tpu.memory_space<vmem>> -> memref<100x8xf32, #tpu.memory_space<vmem>>
        %dma_start3A_38 = arith.constant 0 : i32
        %dma_start3A_39 = tpu.memref_slice %arg12[%run_scoped3A, %dma_start3A_38] : memref<4x100xi32, #tpu.memory_space<vmem>> -> memref<1x100xi32, #tpu.memory_space<vmem>>
        %dma_start3A_40 = tpu.memref_squeeze %dma_start3A_39 : memref<1x100xi32, #tpu.memory_space<vmem>> -> memref<100xi32, #tpu.memory_space<vmem>>
        %dma_start3A_41 = arith.constant 0 : i32
        %dma_start3A_42 = arith.constant 0 : i32
        %dma_start3A_43 = tpu.memref_slice %arg14[%dma_start3A_41, %dma_start3A_42] : memref<10000x8xf32, #tpu.memory_space<vmem_shared>> -> memref<10000x8xf32, #tpu.memory_space<vmem_shared>>
        tpu.enqueue_indirect_dma source(%dma_start3A_37 : memref<100x8xf32, #tpu.memory_space<vmem>>) target(%dma_start3A_43 : memref<10000x8xf32, #tpu.memory_space<vmem_shared>>) offsets(%dma_start3A_40 : memref<100xi32, #tpu.memory_space<vmem>>) semaphore(%run_scoped3A_35 : memref<!tpu.dma_semaphore, #tpu.memory_space<semaphore_mem>>) {add = true}
        %dma_wait3A = arith.constant 0 : i32
        %dma_wait3A_44 = arith.constant 0 : i32
        %dma_wait3A_45 = tpu.memref_slice %arg10[%dma_wait3A, %dma_wait3A_44] : memref<400x8xf32, #tpu.memory_space<vmem>> -> memref<100x8xf32, #tpu.memory_space<vmem>>
        %dma_wait3A_46 = arith.constant 0 : i32
        %dma_wait3A_47 = tpu.memref_slice %arg12[%run_scoped3A, %dma_wait3A_46] : memref<4x100xi32, #tpu.memory_space<vmem>> -> memref<1x100xi32, #tpu.memory_space<vmem>>
        %dma_wait3A_48 = tpu.memref_squeeze %dma_wait3A_47 : memref<1x100xi32, #tpu.memory_space<vmem>> -> memref<100xi32, #tpu.memory_space<vmem>>
        %dma_wait3A_49 = arith.constant 0 : i32
        %dma_wait3A_50 = arith.constant 0 : i32
        %dma_wait3A_51 = tpu.memref_slice %arg14[%dma_wait3A_49, %dma_wait3A_50] : memref<10000x8xf32, #tpu.memory_space<vmem_shared>> -> memref<10000x8xf32, #tpu.memory_space<vmem_shared>>
        tpu.wait_indirect_dma semaphore(%run_scoped3A_35 : memref<!tpu.dma_semaphore, #tpu.memory_space<semaphore_mem>>) src(%dma_wait3A_45 : memref<100x8xf32, #tpu.memory_space<vmem>>) dst(%dma_wait3A_51 : memref<10000x8xf32, #tpu.memory_space<vmem_shared>>)
        tpu.yield
      }) : () -> ()
      %run_scoped3A_32 = arith.constant 1 : i32
      "tpu.region"() ({
        %run_scoped3A_35 = tpu.sem_alloc : memref<!tpu.dma_semaphore, #tpu.memory_space<semaphore_mem>>
        %dma_start3A = arith.constant 100 : i32
        %dma_start3A_36 = arith.constant 0 : i32
        %dma_start3A_37 = tpu.memref_slice %arg10[%dma_start3A, %dma_start3A_36] : memref<400x8xf32, #tpu.memory_space<vmem>> -> memref<100x8xf32, #tpu.memory_space<vmem>>
        %dma_start3A_38 = arith.constant 0 : i32
        %dma_start3A_39 = tpu.memref_slice %arg12[%run_scoped3A_32, %dma_start3A_38] : memref<4x100xi32, #tpu.memory_space<vmem>> -> memref<1x100xi32, #tpu.memory_space<vmem>>
        %dma_start3A_40 = tpu.memref_squeeze %dma_start3A_39 : memref<1x100xi32, #tpu.memory_space<vmem>> -> memref<100xi32, #tpu.memory_space<vmem>>
        %dma_start3A_41 = arith.constant 0 : i32
        %dma_start3A_42 = arith.constant 0 : i32
        %dma_start3A_43 = tpu.memref_slice %arg14[%dma_start3A_41, %dma_start3A_42] : memref<10000x8xf32, #tpu.memory_space<vmem_shared>> -> memref<10000x8xf32, #tpu.memory_space<vmem_shared>>
        tpu.enqueue_indirect_dma source(%dma_start3A_37 : memref<100x8xf32, #tpu.memory_space<vmem>>) target(%dma_start3A_43 : memref<10000x8xf32, #tpu.memory_space<vmem_shared>>) offsets(%dma_start3A_40 : memref<100xi32, #tpu.memory_space<vmem>>) semaphore(%run_scoped3A_35 : memref<!tpu.dma_semaphore, #tpu.memory_space<semaphore_mem>>) {add = true}
        %dma_wait3A = arith.constant 100 : i32
        %dma_wait3A_44 = arith.constant 0 : i32
        %dma_wait3A_45 = tpu.memref_slice %arg10[%dma_wait3A, %dma_wait3A_44] : memref<400x8xf32, #tpu.memory_space<vmem>> -> memref<100x8xf32, #tpu.memory_space<vmem>>
        %dma_wait3A_46 = arith.constant 0 : i32
        %dma_wait3A_47 = tpu.memref_slice %arg12[%run_scoped3A_32, %dma_wait3A_46] : memref<4x100xi32, #tpu.memory_space<vmem>> -> memref<1x100xi32, #tpu.memory_space<vmem>>
        %dma_wait3A_48 = tpu.memref_squeeze %dma_wait3A_47 : memref<1x100xi32, #tpu.memory_space<vmem>> -> memref<100xi32, #tpu.memory_space<vmem>>
        %dma_wait3A_49 = arith.constant 0 : i32
        %dma_wait3A_50 = arith.constant 0 : i32
        %dma_wait3A_51 = tpu.memref_slice %arg14[%dma_wait3A_49, %dma_wait3A_50] : memref<10000x8xf32, #tpu.memory_space<vmem_shared>> -> memref<10000x8xf32, #tpu.memory_space<vmem_shared>>
        tpu.wait_indirect_dma semaphore(%run_scoped3A_35 : memref<!tpu.dma_semaphore, #tpu.memory_space<semaphore_mem>>) src(%dma_wait3A_45 : memref<100x8xf32, #tpu.memory_space<vmem>>) dst(%dma_wait3A_51 : memref<10000x8xf32, #tpu.memory_space<vmem_shared>>)
        tpu.yield
      }) : () -> ()
      %run_scoped3A_33 = arith.constant 2 : i32
      "tpu.region"() ({
        %run_scoped3A_35 = tpu.sem_alloc : memref<!tpu.dma_semaphore, #tpu.memory_space<semaphore_mem>>
        %dma_start3A = arith.constant 200 : i32
        %dma_start3A_36 = arith.constant 0 : i32
        %dma_start3A_37 = tpu.memref_slice %arg10[%dma_start3A, %dma_start3A_36] : memref<400x8xf32, #tpu.memory_space<vmem>> -> memref<100x8xf32, #tpu.memory_space<vmem>>
        %dma_start3A_38 = arith.constant 0 : i32
        %dma_start3A_39 = tpu.memref_slice %arg12[%run_scoped3A_33, %dma_start3A_38] : memref<4x100xi32, #tpu.memory_space<vmem>> -> memref<1x100xi32, #tpu.memory_space<vmem>>
        %dma_start3A_40 = tpu.memref_squeeze %dma_start3A_39 : memref<1x100xi32, #tpu.memory_space<vmem>> -> memref<100xi32, #tpu.memory_space<vmem>>
        %dma_start3A_41 = arith.constant 0 : i32
        %dma_start3A_42 = arith.constant 0 : i32
        %dma_start3A_43 = tpu.memref_slice %arg14[%dma_start3A_41, %dma_start3A_42] : memref<10000x8xf32, #tpu.memory_space<vmem_shared>> -> memref<10000x8xf32, #tpu.memory_space<vmem_shared>>
        tpu.enqueue_indirect_dma source(%dma_start3A_37 : memref<100x8xf32, #tpu.memory_space<vmem>>) target(%dma_start3A_43 : memref<10000x8xf32, #tpu.memory_space<vmem_shared>>) offsets(%dma_start3A_40 : memref<100xi32, #tpu.memory_space<vmem>>) semaphore(%run_scoped3A_35 : memref<!tpu.dma_semaphore, #tpu.memory_space<semaphore_mem>>) {add = true}
        %dma_wait3A = arith.constant 200 : i32
        %dma_wait3A_44 = arith.constant 0 : i32
        %dma_wait3A_45 = tpu.memref_slice %arg10[%dma_wait3A, %dma_wait3A_44] : memref<400x8xf32, #tpu.memory_space<vmem>> -> memref<100x8xf32, #tpu.memory_space<vmem>>
        %dma_wait3A_46 = arith.constant 0 : i32
        %dma_wait3A_47 = tpu.memref_slice %arg12[%run_scoped3A_33, %dma_wait3A_46] : memref<4x100xi32, #tpu.memory_space<vmem>> -> memref<1x100xi32, #tpu.memory_space<vmem>>
        %dma_wait3A_48 = tpu.memref_squeeze %dma_wait3A_47 : memref<1x100xi32, #tpu.memory_space<vmem>> -> memref<100xi32, #tpu.memory_space<vmem>>
        %dma_wait3A_49 = arith.constant 0 : i32
        %dma_wait3A_50 = arith.constant 0 : i32
        %dma_wait3A_51 = tpu.memref_slice %arg14[%dma_wait3A_49, %dma_wait3A_50] : memref<10000x8xf32, #tpu.memory_space<vmem_shared>> -> memref<10000x8xf32, #tpu.memory_space<vmem_shared>>
        tpu.wait_indirect_dma semaphore(%run_scoped3A_35 : memref<!tpu.dma_semaphore, #tpu.memory_space<semaphore_mem>>) src(%dma_wait3A_45 : memref<100x8xf32, #tpu.memory_space<vmem>>) dst(%dma_wait3A_51 : memref<10000x8xf32, #tpu.memory_space<vmem_shared>>)
        tpu.yield
      }) : () -> ()
      %run_scoped3A_34 = arith.constant 3 : i32
      "tpu.region"() ({
        %run_scoped3A_35 = tpu.sem_alloc : memref<!tpu.dma_semaphore, #tpu.memory_space<semaphore_mem>>
        %dma_start3A = arith.constant 300 : i32
        %dma_start3A_36 = arith.constant 0 : i32
        %dma_start3A_37 = tpu.memref_slice %arg10[%dma_start3A, %dma_start3A_36] : memref<400x8xf32, #tpu.memory_space<vmem>> -> memref<100x8xf32, #tpu.memory_space<vmem>>
        %dma_start3A_38 = arith.constant 0 : i32
        %dma_start3A_39 = tpu.memref_slice %arg12[%run_scoped3A_34, %dma_start3A_38] : memref<4x100xi32, #tpu.memory_space<vmem>> -> memref<1x100xi32, #tpu.memory_space<vmem>>
        %dma_start3A_40 = tpu.memref_squeeze %dma_start3A_39 : memref<1x100xi32, #tpu.memory_space<vmem>> -> memref<100xi32, #tpu.memory_space<vmem>>
        %dma_start3A_41 = arith.constant 0 : i32
        %dma_start3A_42 = arith.constant 0 : i32
        %dma_start3A_43 = tpu.memref_slice %arg14[%dma_start3A_41, %dma_start3A_42] : memref<10000x8xf32, #tpu.memory_space<vmem_shared>> -> memref<10000x8xf32, #tpu.memory_space<vmem_shared>>
        tpu.enqueue_indirect_dma source(%dma_start3A_37 : memref<100x8xf32, #tpu.memory_space<vmem>>) target(%dma_start3A_43 : memref<10000x8xf32, #tpu.memory_space<vmem_shared>>) offsets(%dma_start3A_40 : memref<100xi32, #tpu.memory_space<vmem>>) semaphore(%run_scoped3A_35 : memref<!tpu.dma_semaphore, #tpu.memory_space<semaphore_mem>>) {add = true}
        %dma_wait3A = arith.constant 300 : i32
        %dma_wait3A_44 = arith.constant 0 : i32
        %dma_wait3A_45 = tpu.memref_slice %arg10[%dma_wait3A, %dma_wait3A_44] : memref<400x8xf32, #tpu.memory_space<vmem>> -> memref<100x8xf32, #tpu.memory_space<vmem>>
        %dma_wait3A_46 = arith.constant 0 : i32
        %dma_wait3A_47 = tpu.memref_slice %arg12[%run_scoped3A_34, %dma_wait3A_46] : memref<4x100xi32, #tpu.memory_space<vmem>> -> memref<1x100xi32, #tpu.memory_space<vmem>>
        %dma_wait3A_48 = tpu.memref_squeeze %dma_wait3A_47 : memref<1x100xi32, #tpu.memory_space<vmem>> -> memref<100xi32, #tpu.memory_space<vmem>>
        %dma_wait3A_49 = arith.constant 0 : i32
        %dma_wait3A_50 = arith.constant 0 : i32
        %dma_wait3A_51 = tpu.memref_slice %arg14[%dma_wait3A_49, %dma_wait3A_50] : memref<10000x8xf32, #tpu.memory_space<vmem_shared>> -> memref<10000x8xf32, #tpu.memory_space<vmem_shared>>
        tpu.wait_indirect_dma semaphore(%run_scoped3A_35 : memref<!tpu.dma_semaphore, #tpu.memory_space<semaphore_mem>>) src(%dma_wait3A_45 : memref<100x8xf32, #tpu.memory_space<vmem>>) dst(%dma_wait3A_51 : memref<10000x8xf32, #tpu.memory_space<vmem_shared>>)
        tpu.yield
      }) : () -> ()
    }
    %scan3A_14 = arith.constant 25 : i32
    %barrier3A_15 = arith.constant 0 : index
    tpu.barrier barrier_id(%barrier3A_15)
    "tpu.region"() ({
      %run_scoped3A = tpu.sem_alloc : memref<!tpu.dma_semaphore, #tpu.memory_space<semaphore_mem>>
      %dma_start3A = arith.constant 0 : i32
      %dma_start3A_19 = tpu.memref_slice %arg14[%mul3A_0, %dma_start3A] : memref<10000x8xf32, #tpu.memory_space<vmem_shared>> -> memref<640x8xf32, #tpu.memory_space<vmem_shared>>
      %dma_start3A_20 = arith.constant 0 : i32
      %dma_start3A_21 = tpu.memref_slice %arg14[%mul3A_0, %dma_start3A_20] : memref<10000x8xf32, #tpu.memory_space<vmem_shared>> -> memref<640x8xf32, #tpu.memory_space<vmem_shared>>
      tpu.enqueue_dma source(%dma_start3A_21 : memref<640x8xf32, #tpu.memory_space<vmem_shared>>) target(%arg13 : memref<640x8xf32, #tpu.memory_space<vmem>>) target_semaphore(%run_scoped3A : memref<!tpu.dma_semaphore, #tpu.memory_space<semaphore_mem>>)
      %dma_wait3A = arith.constant 0 : i32
      %dma_wait3A_22 = tpu.memref_slice %arg14[%mul3A_0, %dma_wait3A] : memref<10000x8xf32, #tpu.memory_space<vmem_shared>> -> memref<640x8xf32, #tpu.memory_space<vmem_shared>>
      %dma_wait3A_23 = arith.constant 0 : i32
      %dma_wait3A_24 = tpu.memref_slice %arg14[%mul3A_0, %dma_wait3A_23] : memref<10000x8xf32, #tpu.memory_space<vmem_shared>> -> memref<640x8xf32, #tpu.memory_space<vmem_shared>>
      tpu.wait_dma2 semaphore(%run_scoped3A : memref<!tpu.dma_semaphore, #tpu.memory_space<semaphore_mem>>) src(%dma_wait3A_24 : memref<640x8xf32, #tpu.memory_space<vmem_shared>>) dst(%arg13 : memref<640x8xf32, #tpu.memory_space<vmem>>)
      tpu.yield
    }) : () -> ()
    %mul3A_16 = arith.constant 10000 : i32
    %mul3A_17 = arith.muli %arg0, %mul3A_16 : i32
    %add3A_18 = arith.addi %mul3A_17, %mul3A_0 : i32
    "tpu.region"() ({
      %run_scoped3A = tpu.sem_alloc : memref<!tpu.dma_semaphore, #tpu.memory_space<semaphore_mem>>
      %dma_start3A = arith.constant 0 : i32
      %dma_start3A_19 = tpu.memref_slice %arg7[%add3A_18, %dma_start3A] : memref<20000x8xf32, #tpu.memory_space<hbm>> -> memref<640x8xf32, #tpu.memory_space<hbm>>
      %dma_start3A_20 = arith.constant 0 : i32
      %dma_start3A_21 = tpu.memref_slice %arg7[%add3A_18, %dma_start3A_20] : memref<20000x8xf32, #tpu.memory_space<hbm>> -> memref<640x8xf32, #tpu.memory_space<hbm>>
      tpu.enqueue_dma source(%arg13 : memref<640x8xf32, #tpu.memory_space<vmem>>) target(%dma_start3A_21 : memref<640x8xf32, #tpu.memory_space<hbm>>) target_semaphore(%run_scoped3A : memref<!tpu.dma_semaphore, #tpu.memory_space<semaphore_mem>>)
      %dma_wait3A = arith.constant 0 : i32
      %dma_wait3A_22 = tpu.memref_slice %arg7[%add3A_18, %dma_wait3A] : memref<20000x8xf32, #tpu.memory_space<hbm>> -> memref<640x8xf32, #tpu.memory_space<hbm>>
      %dma_wait3A_23 = arith.constant 0 : i32
      %dma_wait3A_24 = tpu.memref_slice %arg7[%add3A_18, %dma_wait3A_23] : memref<20000x8xf32, #tpu.memory_space<hbm>> -> memref<640x8xf32, #tpu.memory_space<hbm>>
      tpu.wait_dma2 semaphore(%run_scoped3A : memref<!tpu.dma_semaphore, #tpu.memory_space<semaphore_mem>>) src(%arg13 : memref<640x8xf32, #tpu.memory_space<vmem>>) dst(%dma_wait3A_24 : memref<640x8xf32, #tpu.memory_space<hbm>>)
      tpu.yield
    }) : () -> ()
    return
  }
}

module attributes {stable_mosaic.version = 14 : i64} {
  func.func @_edge_mlp_body(%arg0: i32, %arg1: memref<10000x16xf32, #tpu.memory_space<vmem>>, %arg2: memref<16x16xf32, #tpu.memory_space<vmem>>, %arg3: memref<1x16xf32, #tpu.memory_space<vmem>>, %arg4: memref<16x64xf32, #tpu.memory_space<vmem>>, %arg5: memref<1x64xf32, #tpu.memory_space<vmem>>, %arg6: memref<10000x64xf32, #tpu.memory_space<vmem>>) attributes {dimension_semantics = [#tpu.dimension_semantics<arbitrary>], iteration_bounds = array<i64: 32>, scalar_prefetch = 0 : i64, scratch_operands = 0 : i64, tpu.core_type = #tpu.core_type<tc>, window_params = [{transform_indices = @transform_0, window_bounds = array<i64: 10000, 16>}, {pipeline_mode = #tpu.pipeline_mode<synchronous>, transform_indices = @transform_1, window_bounds = array<i64: 16, 16>}, {pipeline_mode = #tpu.pipeline_mode<synchronous>, transform_indices = @transform_2, window_bounds = array<i64: 1, 16>}, {pipeline_mode = #tpu.pipeline_mode<synchronous>, transform_indices = @transform_3, window_bounds = array<i64: 16, 64>}, {pipeline_mode = #tpu.pipeline_mode<synchronous>, transform_indices = @transform_4, window_bounds = array<i64: 1, 64>}, {transform_indices = @transform_5, window_bounds = array<i64: 10000, 64>}]} {
    %get3A = arith.constant 0 : index
    %get3A_0 = arith.constant 0 : index
    %get3A_1 = vector.load %arg1[%get3A, %get3A_0] : memref<10000x16xf32, #tpu.memory_space<vmem>>, vector<10000x16xf32>
    %get3A_2 = arith.constant 0 : index
    %get3A_3 = arith.constant 0 : index
    %get3A_4 = vector.load %arg2[%get3A_2, %get3A_3] : memref<16x16xf32, #tpu.memory_space<vmem>>, vector<16x16xf32>
    %dot_general3A = arith.constant dense<0.000000e+00> : vector<10000x16xf32>
    %dot_general3A_5 = tpu.matmul %get3A_1, %get3A_4, %dot_general3A {dimension_numbers = #tpu.dot_dimension_numbers<[1], [0], [0], [1], [0, 0, 1, 1], [], []>, transpose_lhs_hint = false} : vector<10000x16xf32>, vector<16x16xf32>, vector<10000x16xf32> -> vector<10000x16xf32>
    %get3A_6 = arith.constant 0 : index
    %get3A_7 = arith.constant 0 : index
    %get3A_8 = vector.load %arg3[%get3A_6, %get3A_7] : memref<1x16xf32, #tpu.memory_space<vmem>>, vector<1x16xf32>
    %add3A = vector.broadcast %get3A_8 : vector<1x16xf32> to vector<10000x16xf32>
    %add3A_9 = arith.addf %dot_general3A_5, %add3A : vector<10000x16xf32>
    %max3A = arith.constant 0.000000e+00 : f32
    %max3A_10 = vector.broadcast %max3A : f32 to vector<10000x16xf32>
    %max3A_11 = arith.maximumf %add3A_9, %max3A_10 : vector<10000x16xf32>
    %get3A_12 = arith.constant 0 : index
    %get3A_13 = arith.constant 0 : index
    %get3A_14 = vector.load %arg4[%get3A_12, %get3A_13] : memref<16x64xf32, #tpu.memory_space<vmem>>, vector<16x64xf32>
    %dot_general3A_15 = arith.constant dense<0.000000e+00> : vector<10000x64xf32>
    %dot_general3A_16 = tpu.matmul %max3A_11, %get3A_14, %dot_general3A_15 {dimension_numbers = #tpu.dot_dimension_numbers<[1], [0], [0], [1], [0, 0, 1, 1], [], []>, transpose_lhs_hint = false} : vector<10000x16xf32>, vector<16x64xf32>, vector<10000x64xf32> -> vector<10000x64xf32>
    %get3A_17 = arith.constant 0 : index
    %get3A_18 = arith.constant 0 : index
    %get3A_19 = vector.load %arg5[%get3A_17, %get3A_18] : memref<1x64xf32, #tpu.memory_space<vmem>>, vector<1x64xf32>
    %add3A_20 = vector.broadcast %get3A_19 : vector<1x64xf32> to vector<10000x64xf32>
    %add3A_21 = arith.addf %dot_general3A_16, %add3A_20 : vector<10000x64xf32>
    %swap3A = arith.constant 0 : index
    %swap3A_22 = arith.constant 0 : index
    %swap3A_23 = vector.load %arg6[%swap3A, %swap3A_22] : memref<10000x64xf32, #tpu.memory_space<vmem>>, vector<10000x64xf32>
    tpu.vector_store %arg6[%swap3A, %swap3A_22], %add3A_21 {strides = array<i32>} : memref<10000x64xf32, #tpu.memory_space<vmem>>, vector<10000x64xf32>,
    return
  }
  func.func @transform_0(%arg0: i32) -> (i32, i32) {
    %c0_i32 = arith.constant 0 : i32
    %c0_i32_0 = arith.constant 0 : i32
    return %arg0, %c0_i32 : i32, i32
  }
  func.func @transform_1(%arg0: i32) -> (i32, i32) {
    %c0_i32 = arith.constant 0 : i32
    %c0_i32_0 = arith.constant 0 : i32
    %c0_i32_1 = arith.constant 0 : i32
    return %c0_i32, %c0_i32_0 : i32, i32
  }
  func.func @transform_2(%arg0: i32) -> (i32, i32) {
    %c0_i32 = arith.constant 0 : i32
    %c0_i32_0 = arith.constant 0 : i32
    %c0_i32_1 = arith.constant 0 : i32
    return %c0_i32, %c0_i32_0 : i32, i32
  }
  func.func @transform_3(%arg0: i32) -> (i32, i32) {
    %c0_i32 = arith.constant 0 : i32
    %c0_i32_0 = arith.constant 0 : i32
    %c0_i32_1 = arith.constant 0 : i32
    return %c0_i32, %c0_i32_0 : i32, i32
  }
  func.func @transform_4(%arg0: i32) -> (i32, i32) {
    %c0_i32 = arith.constant 0 : i32
    %c0_i32_0 = arith.constant 0 : i32
    %c0_i32_1 = arith.constant 0 : i32
    return %c0_i32, %c0_i32_0 : i32, i32
  }
  func.func @transform_5(%arg0: i32) -> (i32, i32) {
    %c0_i32 = arith.constant 0 : i32
    %c0_i32_0 = arith.constant 0 : i32
    return %arg0, %c0_i32 : i32, i32
  }
}

module attributes {stable_mosaic.version = 14 : i64} {
  func.func @_proj_body(%arg0: memref<10000x128xf32, #tpu.memory_space<vmem>>, %arg1: memref<128x8xf32, #tpu.memory_space<vmem>>, %arg2: memref<1x8xf32, #tpu.memory_space<vmem>>, %arg3: memref<10000x8xf32, #tpu.memory_space<vmem>>) attributes {dimension_semantics = [], scalar_prefetch = 0 : i64, scratch_operands = 0 : i64, tpu.core_type = #tpu.core_type<tc>} {
    %get3A = arith.constant 0 : index
    %get3A_0 = arith.constant 0 : index
    %get3A_1 = vector.load %arg0[%get3A, %get3A_0] : memref<10000x128xf32, #tpu.memory_space<vmem>>, vector<10000x128xf32>
    %get3A_2 = arith.constant 0 : index
    %get3A_3 = arith.constant 0 : index
    %get3A_4 = vector.load %arg1[%get3A_2, %get3A_3] : memref<128x8xf32, #tpu.memory_space<vmem>>, vector<128x8xf32>
    %dot_general3A = arith.constant dense<0.000000e+00> : vector<10000x8xf32>
    %dot_general3A_5 = tpu.matmul %get3A_1, %get3A_4, %dot_general3A {dimension_numbers = #tpu.dot_dimension_numbers<[1], [0], [0], [1], [0, 0, 1, 1], [], []>, transpose_lhs_hint = false} : vector<10000x128xf32>, vector<128x8xf32>, vector<10000x8xf32> -> vector<10000x8xf32>
    %get3A_6 = arith.constant 0 : index
    %get3A_7 = arith.constant 0 : index
    %get3A_8 = vector.load %arg2[%get3A_6, %get3A_7] : memref<1x8xf32, #tpu.memory_space<vmem>>, vector<1x8xf32>
    %add3A = vector.broadcast %get3A_8 : vector<1x8xf32> to vector<10000x8xf32>
    %add3A_9 = arith.addf %dot_general3A_5, %add3A : vector<10000x8xf32>
    %max3A = arith.constant 0.000000e+00 : f32
    %max3A_10 = vector.broadcast %max3A : f32 to vector<10000x8xf32>
    %max3A_11 = arith.maximumf %add3A_9, %max3A_10 : vector<10000x8xf32>
    %swap3A = arith.constant 0 : index
    %swap3A_12 = arith.constant 0 : index
    %swap3A_13 = vector.load %arg3[%swap3A, %swap3A_12] : memref<10000x8xf32, #tpu.memory_space<vmem>>, vector<10000x8xf32>
    tpu.vector_store %arg3[%swap3A, %swap3A_12], %max3A_11 {strides = array<i32>} : memref<10000x8xf32, #tpu.memory_space<vmem>>, vector<10000x8xf32>,
    return
  }
}

module attributes {stable_mosaic.version = 14 : i64} {
  func.func @_gru_body(%arg0: memref<20000x8xf32, #tpu.memory_space<vmem>>, %arg1: memref<10000x8xf32, #tpu.memory_space<vmem>>, %arg2: memref<8x8xf32, #tpu.memory_space<vmem>>, %arg3: memref<1x8xf32, #tpu.memory_space<vmem>>, %arg4: memref<8x24xf32, #tpu.memory_space<vmem>>, %arg5: memref<1x24xf32, #tpu.memory_space<vmem>>, %arg6: memref<8x24xf32, #tpu.memory_space<vmem>>, %arg7: memref<1x24xf32, #tpu.memory_space<vmem>>, %arg8: memref<10000x8xf32, #tpu.memory_space<vmem>>) attributes {dimension_semantics = [], scalar_prefetch = 0 : i64, scratch_operands = 0 : i64, tpu.core_type = #tpu.core_type<tc>} {
    %get3A = arith.constant 0 : index
    %get3A_0 = arith.constant 0 : index
    %get3A_1 = vector.load %arg0[%get3A, %get3A_0] : memref<20000x8xf32, #tpu.memory_space<vmem>>, vector<10000x8xf32>
    %get3A_2 = arith.constant 10000 : index
    %get3A_3 = arith.constant 0 : index
    %get3A_4 = vector.load %arg0[%get3A_2, %get3A_3] : memref<20000x8xf32, #tpu.memory_space<vmem>>, vector<10000x8xf32>
    %add3A = arith.addf %get3A_1, %get3A_4 : vector<10000x8xf32>
    %get3A_5 = arith.constant 0 : index
    %get3A_6 = arith.constant 0 : index
    %get3A_7 = vector.load %arg1[%get3A_5, %get3A_6] : memref<10000x8xf32, #tpu.memory_space<vmem>>, vector<10000x8xf32>
    %get3A_8 = arith.constant 0 : index
    %get3A_9 = arith.constant 0 : index
    %get3A_10 = vector.load %arg2[%get3A_8, %get3A_9] : memref<8x8xf32, #tpu.memory_space<vmem>>, vector<8x8xf32>
    %dot_general3A = arith.constant dense<0.000000e+00> : vector<10000x8xf32>
    %dot_general3A_11 = tpu.matmul %get3A_7, %get3A_10, %dot_general3A {dimension_numbers = #tpu.dot_dimension_numbers<[1], [0], [0], [1], [0, 0, 1, 1], [], []>, transpose_lhs_hint = false} : vector<10000x8xf32>, vector<8x8xf32>, vector<10000x8xf32> -> vector<10000x8xf32>
    %add3A_12 = arith.addf %add3A, %dot_general3A_11 : vector<10000x8xf32>
    %get3A_13 = arith.constant 0 : index
    %get3A_14 = arith.constant 0 : index
    %get3A_15 = vector.load %arg3[%get3A_13, %get3A_14] : memref<1x8xf32, #tpu.memory_space<vmem>>, vector<1x8xf32>
    %add3A_16 = vector.broadcast %get3A_15 : vector<1x8xf32> to vector<10000x8xf32>
    %add3A_17 = arith.addf %add3A_12, %add3A_16 : vector<10000x8xf32>
    %max3A = arith.constant 0.000000e+00 : f32
    %max3A_18 = vector.broadcast %max3A : f32 to vector<10000x8xf32>
    %max3A_19 = arith.maximumf %add3A_17, %max3A_18 : vector<10000x8xf32>
    %get3A_20 = arith.constant 0 : index
    %get3A_21 = arith.constant 0 : index
    %get3A_22 = vector.load %arg4[%get3A_20, %get3A_21] : memref<8x24xf32, #tpu.memory_space<vmem>>, vector<8x24xf32>
    %dot_general3A_23 = arith.constant dense<0.000000e+00> : vector<10000x24xf32>
    %dot_general3A_24 = tpu.matmul %max3A_19, %get3A_22, %dot_general3A_23 {dimension_numbers = #tpu.dot_dimension_numbers<[1], [0], [0], [1], [0, 0, 1, 1], [], []>, transpose_lhs_hint = false} : vector<10000x8xf32>, vector<8x24xf32>, vector<10000x24xf32> -> vector<10000x24xf32>
    %get3A_25 = arith.constant 0 : index
    %get3A_26 = arith.constant 0 : index
    %get3A_27 = vector.load %arg5[%get3A_25, %get3A_26] : memref<1x24xf32, #tpu.memory_space<vmem>>, vector<1x24xf32>
    %add3A_28 = vector.broadcast %get3A_27 : vector<1x24xf32> to vector<10000x24xf32>
    %add3A_29 = arith.addf %dot_general3A_24, %add3A_28 : vector<10000x24xf32>
    %get3A_30 = arith.constant 0 : index
    %get3A_31 = arith.constant 0 : index
    %get3A_32 = vector.load %arg6[%get3A_30, %get3A_31] : memref<8x24xf32, #tpu.memory_space<vmem>>, vector<8x24xf32>
    %dot_general3A_33 = arith.constant dense<0.000000e+00> : vector<10000x24xf32>
    %dot_general3A_34 = tpu.matmul %get3A_7, %get3A_32, %dot_general3A_33 {dimension_numbers = #tpu.dot_dimension_numbers<[1], [0], [0], [1], [0, 0, 1, 1], [], []>, transpose_lhs_hint = false} : vector<10000x8xf32>, vector<8x24xf32>, vector<10000x24xf32> -> vector<10000x24xf32>
    %get3A_35 = arith.constant 0 : index
    %get3A_36 = arith.constant 0 : index
    %get3A_37 = vector.load %arg7[%get3A_35, %get3A_36] : memref<1x24xf32, #tpu.memory_space<vmem>>, vector<1x24xf32>
    %add3A_38 = vector.broadcast %get3A_37 : vector<1x24xf32> to vector<10000x24xf32>
    %add3A_39 = arith.addf %dot_general3A_34, %add3A_38 : vector<10000x24xf32>
    %slice3A = vector.extract_strided_slice %add3A_29 {offsets = [0, 0], sizes = [10000, 8], strides = [1, 1]} : vector<10000x24xf32> to vector<10000x8xf32>
    %slice3A_40 = vector.extract_strided_slice %add3A_39 {offsets = [0, 0], sizes = [10000, 8], strides = [1, 1]} : vector<10000x24xf32> to vector<10000x8xf32>
    %add3A_41 = arith.addf %slice3A, %slice3A_40 : vector<10000x8xf32>
    %neg3A = arith.constant 0.000000e+00 : f32
    %neg3A_42 = vector.broadcast %neg3A : f32 to vector<10000x8xf32>
    %neg3A_43 = arith.subf %neg3A_42, %add3A_41 : vector<10000x8xf32>
    %exp3A = math.exp %neg3A_43 : vector<10000x8xf32>
    %add3A_44 = arith.constant 1.000000e+00 : f32
    %add3A_45 = vector.broadcast %add3A_44 : f32 to vector<10000x8xf32>
    %add3A_46 = arith.addf %add3A_45, %exp3A : vector<10000x8xf32>
    %div3A = arith.constant 1.000000e+00 : f32
    %div3A_47 = vector.broadcast %div3A : f32 to vector<10000x8xf32>
    %div3A_48 = arith.divf %div3A_47, %add3A_46 : vector<10000x8xf32>
    %slice3A_49 = vector.extract_strided_slice %add3A_29 {offsets = [0, 8], sizes = [10000, 8], strides = [1, 1]} : vector<10000x24xf32> to vector<10000x8xf32>
    %slice3A_50 = vector.extract_strided_slice %add3A_39 {offsets = [0, 8], sizes = [10000, 8], strides = [1, 1]} : vector<10000x24xf32> to vector<10000x8xf32>
    %add3A_51 = arith.addf %slice3A_49, %slice3A_50 : vector<10000x8xf32>
    %neg3A_52 = arith.constant 0.000000e+00 : f32
    %neg3A_53 = vector.broadcast %neg3A_52 : f32 to vector<10000x8xf32>
    %neg3A_54 = arith.subf %neg3A_53, %add3A_51 : vector<10000x8xf32>
    %exp3A_55 = math.exp %neg3A_54 : vector<10000x8xf32>
    %add3A_56 = arith.constant 1.000000e+00 : f32
    %add3A_57 = vector.broadcast %add3A_56 : f32 to vector<10000x8xf32>
    %add3A_58 = arith.addf %add3A_57, %exp3A_55 : vector<10000x8xf32>
    %div3A_59 = arith.constant 1.000000e+00 : f32
    %div3A_60 = vector.broadcast %div3A_59 : f32 to vector<10000x8xf32>
    %div3A_61 = arith.divf %div3A_60, %add3A_58 : vector<10000x8xf32>
    %slice3A_62 = vector.extract_strided_slice %add3A_29 {offsets = [0, 16], sizes = [10000, 8], strides = [1, 1]} : vector<10000x24xf32> to vector<10000x8xf32>
    %slice3A_63 = vector.extract_strided_slice %add3A_39 {offsets = [0, 16], sizes = [10000, 8], strides = [1, 1]} : vector<10000x24xf32> to vector<10000x8xf32>
    %mul3A = arith.mulf %div3A_48, %slice3A_63 : vector<10000x8xf32>
    %add3A_64 = arith.addf %slice3A_62, %mul3A : vector<10000x8xf32>
    %tanh3A = math.tanh %add3A_64 : vector<10000x8xf32>
    %sub3A = arith.constant 1.000000e+00 : f32
    %sub3A_65 = vector.broadcast %sub3A : f32 to vector<10000x8xf32>
    %sub3A_66 = arith.subf %sub3A_65, %div3A_61 : vector<10000x8xf32>
    %mul3A_67 = arith.mulf %sub3A_66, %tanh3A : vector<10000x8xf32>
    %mul3A_68 = arith.mulf %div3A_61, %get3A_7 : vector<10000x8xf32>
    %add3A_69 = arith.addf %mul3A_67, %mul3A_68 : vector<10000x8xf32>
    %swap3A = arith.constant 0 : index
    %swap3A_70 = arith.constant 0 : index
    %swap3A_71 = vector.load %arg8[%swap3A, %swap3A_70] : memref<10000x8xf32, #tpu.memory_space<vmem>>, vector<10000x8xf32>
    tpu.vector_store %arg8[%swap3A, %swap3A_70], %add3A_69 {strides = array<i32>} : memref<10000x8xf32, #tpu.memory_space<vmem>>, vector<10000x8xf32>,
    return
  }
}

module attributes {stable_mosaic.version = 14 : i64} {
  func.func @_readout_body(%arg0: memref<10000x8xf32, #tpu.memory_space<vmem>>, %arg1: memref<10000x1xi32, #tpu.memory_space<vmem>>, %arg2: memref<8x8xf32, #tpu.memory_space<vmem>>, %arg3: memref<1x8xf32, #tpu.memory_space<vmem>>, %arg4: memref<8x8xf32, #tpu.memory_space<vmem>>, %arg5: memref<1x8xf32, #tpu.memory_space<vmem>>, %arg6: memref<8x1xf32, #tpu.memory_space<vmem>>, %arg7: memref<1x1xf32, #tpu.memory_space<vmem>>, %arg8: memref<64x1xf32, #tpu.memory_space<vmem>>) attributes {dimension_semantics = [], scalar_prefetch = 0 : i64, scratch_operands = 0 : i64, tpu.core_type = #tpu.core_type<tc>} {
    %get3A = arith.constant 0 : index
    %get3A_0 = arith.constant 0 : index
    %get3A_1 = vector.load %arg0[%get3A, %get3A_0] : memref<10000x8xf32, #tpu.memory_space<vmem>>, vector<10000x8xf32>
    %get3A_2 = arith.constant 0 : index
    %get3A_3 = arith.constant 0 : index
    %get3A_4 = vector.load %arg2[%get3A_2, %get3A_3] : memref<8x8xf32, #tpu.memory_space<vmem>>, vector<8x8xf32>
    %dot_general3A = arith.constant dense<0.000000e+00> : vector<10000x8xf32>
    %dot_general3A_5 = tpu.matmul %get3A_1, %get3A_4, %dot_general3A {dimension_numbers = #tpu.dot_dimension_numbers<[1], [0], [0], [1], [0, 0, 1, 1], [], []>, transpose_lhs_hint = false} : vector<10000x8xf32>, vector<8x8xf32>, vector<10000x8xf32> -> vector<10000x8xf32>
    %get3A_6 = arith.constant 0 : index
    %get3A_7 = arith.constant 0 : index
    %get3A_8 = vector.load %arg3[%get3A_6, %get3A_7] : memref<1x8xf32, #tpu.memory_space<vmem>>, vector<1x8xf32>
    %add3A = vector.broadcast %get3A_8 : vector<1x8xf32> to vector<10000x8xf32>
    %add3A_9 = arith.addf %dot_general3A_5, %add3A : vector<10000x8xf32>
    %max3A = arith.constant 0.000000e+00 : f32
    %max3A_10 = vector.broadcast %max3A : f32 to vector<10000x8xf32>
    %max3A_11 = arith.maximumf %add3A_9, %max3A_10 : vector<10000x8xf32>
    %get3A_12 = arith.constant 0 : index
    %get3A_13 = arith.constant 0 : index
    %get3A_14 = vector.load %arg4[%get3A_12, %get3A_13] : memref<8x8xf32, #tpu.memory_space<vmem>>, vector<8x8xf32>
    %dot_general3A_15 = arith.constant dense<0.000000e+00> : vector<10000x8xf32>
    %dot_general3A_16 = tpu.matmul %max3A_11, %get3A_14, %dot_general3A_15 {dimension_numbers = #tpu.dot_dimension_numbers<[1], [0], [0], [1], [0, 0, 1, 1], [], []>, transpose_lhs_hint = false} : vector<10000x8xf32>, vector<8x8xf32>, vector<10000x8xf32> -> vector<10000x8xf32>
    %get3A_17 = arith.constant 0 : index
    %get3A_18 = arith.constant 0 : index
    %get3A_19 = vector.load %arg5[%get3A_17, %get3A_18] : memref<1x8xf32, #tpu.memory_space<vmem>>, vector<1x8xf32>
    %add3A_20 = vector.broadcast %get3A_19 : vector<1x8xf32> to vector<10000x8xf32>
    %add3A_21 = arith.addf %dot_general3A_16, %add3A_20 : vector<10000x8xf32>
    %iota3A = tpu.iota {dimensions = array<i32: 1>} : vector<10000x64xi32>
    %get3A_22 = arith.constant 0 : index
    %get3A_23 = arith.constant 0 : index
    %get3A_24 = vector.load %arg1[%get3A_22, %get3A_23] : memref<10000x1xi32, #tpu.memory_space<vmem>>, vector<10000x1xi32>
    %eq3A = vector.broadcast %get3A_24 : vector<10000x1xi32> to vector<10000x64xi32>
    %eq3A_25 = arith.cmpi eq, %eq3A, %iota3A : vector<10000x64xi32>
    %convert_element_type3A = arith.extui %eq3A_25 : vector<10000x64xi1> to vector<10000x64xi32>
    %convert_element_type3A_26 = arith.sitofp %convert_element_type3A : vector<10000x64xi32> to vector<10000x64xf32>
    %dot_general3A_27 = arith.constant dense<0.000000e+00> : vector<64x8xf32>
    %dot_general3A_28 = tpu.matmul %convert_element_type3A_26, %add3A_21, %dot_general3A_27 {dimension_numbers = #tpu.dot_dimension_numbers<[0], [0], [1], [1], [0, 1, 1, 1], [], []>, transpose_lhs_hint = false} : vector<10000x64xf32>, vector<10000x8xf32>, vector<64x8xf32> -> vector<64x8xf32>
    %reduce_sum3A = arith.constant dense<0.000000e+00> : vector<64xf32>
    %reduce_sum3A_29 = vector.multi_reduction <add>, %convert_element_type3A_26, %reduce_sum3A [0] : vector<10000x64xf32> to vector<64xf32>
    %reshape3A = vector.shape_cast %reduce_sum3A_29 : vector<64xf32> to vector<64x1xf32>
    %max3A_30 = arith.constant 1.000000e+00 : f32
    %max3A_31 = vector.broadcast %max3A_30 : f32 to vector<64x1xf32>
    %max3A_32 = arith.maximumf %reshape3A, %max3A_31 : vector<64x1xf32>
    %div3A = vector.broadcast %max3A_32 : vector<64x1xf32> to vector<64x8xf32>
    %div3A_33 = arith.divf %dot_general3A_28, %div3A : vector<64x8xf32>
    %get3A_34 = arith.constant 0 : index
    %get3A_35 = arith.constant 0 : index
    %get3A_36 = vector.load %arg6[%get3A_34, %get3A_35] : memref<8x1xf32, #tpu.memory_space<vmem>>, vector<8x1xf32>
    %dot_general3A_37 = arith.constant dense<0.000000e+00> : vector<64x1xf32>
    %dot_general3A_38 = tpu.matmul %div3A_33, %get3A_36, %dot_general3A_37 {dimension_numbers = #tpu.dot_dimension_numbers<[1], [0], [0], [1], [0, 0, 1, 1], [], []>, transpose_lhs_hint = false} : vector<64x8xf32>, vector<8x1xf32>, vector<64x1xf32> -> vector<64x1xf32>
    %get3A_39 = arith.constant 0 : index
    %get3A_40 = arith.constant 0 : index
    %get3A_41 = vector.load %arg7[%get3A_39, %get3A_40] : memref<1x1xf32, #tpu.memory_space<vmem>>, vector<1x1xf32>
    %add3A_42 = vector.broadcast %get3A_41 : vector<1x1xf32> to vector<64x1xf32>
    %add3A_43 = arith.addf %dot_general3A_38, %add3A_42 : vector<64x1xf32>
    %swap3A = arith.constant 0 : index
    %swap3A_44 = arith.constant 0 : index
    %swap3A_45 = vector.load %arg8[%swap3A, %swap3A_44] : memref<64x1xf32, #tpu.memory_space<vmem>>, vector<64x1xf32>
    tpu.vector_store %arg8[%swap3A, %swap3A_44], %add3A_43 {strides = array<i32>} : memref<64x1xf32, #tpu.memory_space<vmem>>, vector<64x1xf32>,
    return
  }
}

</mosaic_0001>

<sc_bundles>
// kernel: kernel.11.cloned.1.call-start
scs
__scs_entry_jumppad:
0x0: {  	(pc) =	sbr.rel $0x88, $3  }
0x1: {  	(tag) =	ssettag $0x0;
	lr =	simm.s32 $0x1  }
0x2: {  	[smem:$0x3F8B] =	sst lr;
	_ =	strace $0xD0000000  }
0x3: {  	_ = 	snop  }
0x4: {  	_ = 	snop  }
0x5: {  	_ = 	snop  }
0x6: {  	_ = 	snop  }
0x7: {  	_ = 	snop  }
__scs_overlays_trampoline_lowered:
0x8: {  	[smem:$0x3F9A] =	sst s0  }
0x9: {  	[smem:$0x3F9B] =	sst s1  }
0xa: {  	[smem:$0x3F9C] =	sst s2  }
0xb: {  	[smem:$0x3F9D] =	sst s3  }
0xc: {  	[smem:$0x3F9E] =	sst s4  }
0xd: {  	[smem:$0x3F9F] =	sst s5  }
0xe: {  	[smem:$0x3FA0] =	sst s6  }
0xf: {  	[smem:$0x3FA1] =	sst s7  }
0x10: {  	[smem:$0x3FA2] =	sst s8  }
0x11: {  	[smem:$0x3FA3] =	sst s9;
	s0 =	simm.s32 @!p0 $0x0  }
0x12: {  	s1 =	sld [smem:$0x3F89];
	s0 =	simm.s32 @p0 $0x1  }
0x13: {  	[smem:$0x3FA4] =	sst s0;
	s0 =	simm.s32 @!p1 $0x0  }
0x14: {  	s2 =	sld [smem:$0x3F88];
	s0 =	simm.s32 @p1 $0x1  }
0x15: {  	[smem:$0x3FA5] =	sst s0;
	s0 =	simm.s32 @!p2 $0x0  }
0x16: {  	s3 =	sld [smem:$0x3FDB];
	s0 =	simm.s32 @p2 $0x1  }
0x17: {  	s4 =	simm.s32 $0x1BF5;
	[smem:$0x3FA7] =	sst s0  }
0x18: {  	s0 =	sld [smem:$0x3F8A];
	_ =	swait.ge [sflag:s4], $0x0  }
0x19: {  	s7 =	sld [smem:$0x3F8B]  }
0x1a: {  	s8 =	sadd.s32 $0xFFFFE003, lr  }
0x1b: {  	s9 =	sadd.s32 $0xFFFFFEF7, lr;
	s5 =	simm.s32 $0xFFFFFFFF;
	p2 =	slt.u32 s8, $0xFFFFF086  }
0x1c: {  	p1 =	slt.u32 s9, $0xF7A;
	s5 =	simm.s32 @!p2 $0x0  }
0x1d: {  	s5 =	simm.s32 @p1 $0x1;
	p0 =	seq.s32 s7, s2  }
0x1e: {  	s7 =	smul.u32 @!p0 $0xF7A, s2;
	p2 =	seq.s32 @!p0 s5, $0x0  }
0x1f: {  	s9 =	smul.u32 $0xF7A, s1;
	s8 =	simm.s32 @!p0 $0x1BF5;
	p2 =	por !p2, p0  }
0x20: {  	[sflag:s8] =	ssyncset.s32 @!p0 $0xFFFFF086;
	s6 =	sadd.s32 @!p0 s3, s7;
	s7 =	simm.s32 @!p0 $0x108  }
0x21: {  	s3 =	sadd.s32 s3, s9;
	s6 =	sadd.s32 @!p0 $0x88, s6;
	s7 =	simm.s32 @p2 $0x1082  }
0x22: {  	[simem:s7], [sflag:s8] =	dma.local @!p0 [hbm:s6], $0xF7A  }
0x23: {  	s9 =	sor.u32 $0xD0000000, s2;
	s6 =	simm.s32 $0x108;
	_ =	swait.ge @!p0 [sflag:s8], $0x0  }
0x24: {  	s3 =	sadd.s32 $0x88, s3;
	s6 =	simm.s32 @!p1 $0x1082;
	[sflag:s4] =	ssyncset.s32 $0xFFFFF086  }
0x25: {  	[simem:s6], [sflag:s4] =	dma.local [hbm:s3], $0xF7A  }
0x26: {  	[smem:$0x3F8B] =	sst s1;
	(tag) =	ssettag s2;
	_ =	strace s9  }
0x27: {  	s1 =	sld [smem:$0x3F9B]  }
0x28: {  	s2 =	sld [smem:$0x3F9C]  }
0x29: {  	s4 =	sld [smem:$0x3F9E]  }
0x2a: {  	p0 =	seq.s32 s5, $0x0;
	s5 =	sld [smem:$0x3F9F]  }
0x2b: {  	s6 =	sld [smem:$0x3FA0]  }
0x2c: {  	s7 =	sld [smem:$0x3FA1]  }
0x2d: {  	s3 =	simm.s32 $0x108;
	s8 =	sld [smem:$0x3FA2]  }
0x2e: {  	s3 =	simm.s32 @!p0 $0x1082;
	s9 =	sld [smem:$0x3FA3]  }
0x2f: {  	lr =	sadd.s32 s0, s3;
	s0 =	sld [smem:$0x3F9A]  }
0x30: {  	s3 =	sld [smem:$0x3F9D]  }
0x31: {  	[smem:$0x3FA6] =	sst s10  }
0x32: {  	s10 =	sld [smem:$0x3FA4];
	_ =	sdelay $0x3  }
0x33: {  	p0 =	seq.s32 s10, $0x1;
	s10 =	sld [smem:$0x3FA6];
	_ =	sdelay $0x3  }
0x34: {  	[smem:$0x3FA6] =	sst s10  }
0x35: {  	s10 =	sld [smem:$0x3FA5];
	_ =	sdelay $0x3  }
0x36: {  	p1 =	seq.s32 s10, $0x1;
	s10 =	sld [smem:$0x3FA6];
	_ =	sdelay $0x3  }
0x37: {  	[smem:$0x3FA6] =	sst s10  }
0x38: {  	s10 =	sld [smem:$0x3FA7]  }
0x39: {  	_ = 	snop;
	(pc) =	sbr.ind lr, $3  }
0x3a: {  	_ = 	snop  }
0x3b: {  	_ = 	snop  }
0x3c: {  	p2 =	seq.s32 s10, $0x1;
	s10 =	sld [smem:$0x3FA6]  }
0x3d: {  	_ =	shalt  }
0x3e: {  	_ =	shalt  }
0x3f: {  	_ =	shalt  }
0x40: {  	_ =	shalt  }
0x41: {  	_ =	shalt  }
0x42: {  	_ =	shalt  }
0x43: {  	_ =	shalt  }
0x44: {  	_ =	shalt  }
0x45: {  	_ =	shalt  }
0x46: {  	_ =	shalt  }
0x47: {  	_ =	shalt  }
0x48: {  	_ =	shalt  }
0x49: {  	_ =	shalt  }
0x4a: {  	_ =	shalt  }
0x4b: {  	_ =	shalt  }
0x4c: {  	_ =	shalt  }
0x4d: {  	_ =	shalt  }
0x4e: {  	_ =	shalt  }
0x4f: {  	_ =	shalt  }
0x50: {  	_ =	shalt  }
0x51: {  	_ =	shalt  }
0x52: {  	_ =	shalt  }
0x53: {  	_ =	shalt  }
0x54: {  	_ =	shalt  }
0x55: {  	_ =	shalt  }
0x56: {  	_ =	shalt  }
0x57: {  	_ =	shalt  }
0x58: {  	_ =	shalt  }
0x59: {  	_ =	shalt  }
0x5a: {  	_ =	shalt  }
0x5b: {  	_ =	shalt  }
0x5c: {  	_ =	shalt  }
0x5d: {  	_ =	shalt  }
0x5e: {  	_ =	shalt  }
0x5f: {  	_ =	shalt  }
0x60: {  	_ =	shalt  }
0x61: {  	_ =	shalt  }
0x62: {  	_ =	shalt  }
0x63: {  	_ =	shalt  }
0x64: {  	_ =	shalt  }
0x65: {  	_ =	shalt  }
0x66: {  	_ =	shalt  }
0x67: {  	_ =	shalt  }
0x68: {  	_ =	shalt  }
0x69: {  	_ =	shalt  }
0x6a: {  	_ =	shalt  }
0x6b: {  	_ =	shalt  }
0x6c: {  	_ =	shalt  }
0x6d: {  	_ =	shalt  }
0x6e: {  	_ =	shalt  }
0x6f: {  	_ =	shalt  }
0x70: {  	_ =	shalt  }
0x71: {  	_ =	shalt  }
0x72: {  	_ =	shalt  }
0x73: {  	_ =	shalt  }
0x74: {  	_ =	shalt  }
0x75: {  	_ =	shalt  }
0x76: {  	_ =	shalt  }
0x77: {  	_ =	shalt  }
0x78: {  	_ =	shalt  }
0x79: {  	_ =	shalt  }
0x7a: {  	_ =	shalt  }
0x7b: {  	_ =	shalt  }
0x7c: {  	_ =	shalt  }
0x7d: {  	_ =	shalt  }
0x7e: {  	_ =	shalt  }
0x7f: {  	_ =	shalt  }
0x80: {  	_ =	shalt  }
0x81: {  	_ =	shalt  }
0x82: {  	_ =	shalt  }
0x83: {  	_ =	shalt  }
0x84: {  	_ =	shalt  }
0x85: {  	_ =	shalt  }
0x86: {  	_ =	shalt  }
0x87: {  	_ =	shalt  }
.Lfunc_end0:
.L_simem_size_0:
called_computation_lowered:
.L_overlay_start_0:
0x88: {  	s2 =	sld [smem:$0x3FD9]  }
0x89: {  	s3 =	sld [smem:$0x3FFE];
	_ =	sdelay $0x1  }
0x8a: {  	s1 =	srdreg.scid  }
0x8b: {  	s0 =	sand.u32 $0x1, s1  }
0x8c: {  	s16 =	sshll.u32 s0, $0xA;
	s2 =	sadd.s32 s3, s2  }
0x8d: {  	s2 =	sadd.s32 s2, s16  }
0x8e: {  	[smem:$0x3FB2] =	sst s2  }
0x8f: {  	_ = 	snop  }
0x90: {  	(tm) =	ssettm $0x1  }
0x91: {  	s17 =	sld [smem:$0x3FFB];
	_ =	sdelay $0x3  }
0x92: {  	_ =	strace s17  }
0x93: {  	s2 =	sld [smem:$0x3FFC];
	_ =	sdelay $0x3  }
0x94: {  	_ =	strace s2  }
0x95: {  	s2 =	sld [smem:$0x3FFD];
	_ =	sdelay $0x3  }
0x96: {  	_ =	strace s2  }
0x97: {  	_ =	strace $0x8FFFFFFF  }
0x98: {  	s18 =	sld [smem:$0x3FDB];
	_ =	sdelay $0x1  }
0x99: {  	s19 =	simm.s32 $_scs_section_size  }
0x9a: {  	s4 =	simm.s32 $_size__tile_overlayer_lowered;
	s5 =	simm.s32 $_tile_overlayer_lowered  }
0x9b: {  	s22 =	simm.s32 $0x1BFF;
	s21 =	sshll.u32 s5, $0x1;
	s2 =	sadd.s32 s19, s18  }
0x9c: {  	s6 =	simm.s32 $0x0;
	s20 =	sshll.u32 s4, $0x1;
	s4 =	sadd.s32 s21, s2  }
0x9d: {  	[timem:s6], [sflag:s22] =	dma.local [hbm:s4], s20  }
0x9e: {  	_ =	swait.ge [sflag:s22], s20  }
0x9f: {  	s3 =	ssub.s32 $0x0, s20;
	[sflag:s22] =	ssyncset.done $0x0  }
0xa0: {  	[sflag:s22] =	ssyncadd.s32 s3;
	_ =	sdelay $0x1  }
0xa1: {  	s23 =	simm.s32 $0x1B8B  }
0xa2: {  	_ =	swait.ge [sflag:s23], $0x1  }
0xa3: {  	[sflag:s23] =	ssyncset.done $0x0  }
0xa4: {  	s25 =	simm.s32 $0x1B8E;
	s24 =	sld [smem:$0x3FFE];
	[sflag:s23] =	ssyncadd.s32 $0xFFFFFFFF  }
0xa5: {  	s26 =	simm.s32 $execute0_lowered;
	[smem:$0x3FD2] =	sst s25  }
0xa6: {  	s4 =	sshll.u32 s26, $0x1;
	_ =	strace $0x80000046;
	[dreg:$0x1] =	wrdreg $0xFFFFFFFF  }
0xa7: {  	s28 =	simm.s32 $_size_execute0_lowered;
	s2 =	sadd.s32 s2, s4;
	[dreg:$0x0] =	wrdreg $0x0  }
0xa8: {  	s4 =	sshll.u32 s28, $0x1;
	[dreg:$0x2] =	wrdreg s2  }
0xa9: {  	[dreg:$0x3] =	wrdreg s4  }
0xaa: {  	[dreg:$0x4] =	wrdreg $0xC0  }
0xab: {  	_ =	task [dreg:s6], $0x5FFFF  }
0xac: {  	[dreg:$0x1] =	wrdreg $0xFFFFFFFF  }
0xad: {  	[dreg:$0x0] =	wrdreg $0x60  }
0xae: {  	[dreg:$0x2] =	wrdreg s24  }
0xaf: {  	[dreg:$0x3] =	wrdreg $0x1C0300  }
0xb0: {  	[dreg:$0x4] =	wrdreg $0x9  }
0xb1: {  	_ =	task.clear_ibuf [dreg:s6], $0x5FFFF;
	_ =	strace $0x90000046  }
0xb2: {  	s29 =	simm.s32 $0x9;
	_ =	strace $0x80000048  }
0xb3: {  	_ =	swait.ge [sflag:s29], $0x1  }
0xb4: {  	[sflag:s29] =	ssyncadd.s32 $0xFFFFFFFF  }
0xb5: {  	_ =	strace $0x90000048  }
0xb6: {  	_ =	sfence  }
0xb7: {  	s30 =	sld [smem:$0x0];
	_ =	sdelay $0x2  }
0xb8: {  	s31 =	sshll.u32 s1, $0xD;
	s1 =	sshrl.u32 s1, $0x2  }
0xb9: {  	s3 =	sand.u32 $0x4000, s31;
	s1 =	sadd.s32 s1, s30  }
0xba: {  	s0 =	sor.u32 s3, s0;
	s1 =	sshll.u32 s1, $0x11  }
0xbb: {  	s0 =	sor.u32 s1, s0  }
0xbc: {  	s0 =	sadd.s32 $0x8F2B, s0  }
0xbd: {  	[sflag:s0] =	ssyncadd.remote.s32 $0x1  }
0xbe: {  	_ =	sfence.sel $0xFFFF  }
0xbf: {  	[dreg:$0x0] =	wrdreg $0xFFFFFFFF;
	(pc) =	sbr.abs _section_cstart, $3  }
0xc0: {  	[dreg:$0x1] =	wrdreg $0xFFFFFFFF  }
0xc1: {  	_ =	task.clear_ibuf [dreg:s6], $0x2FFFF;
	_ =	strace $0x9FFFFFFF  }
0xc2: {  	(tm) =	ssettm $0x7FFFFFFF  }
0xc3: {  	_ =	shalt  }
tec
execute0_lowered:
.L_overlay_start_1:
0x0: {  	(tag) =	ssettag $0x1  }
0x1: {  	s9 =	rddreg [dreg:$0x0]  }
0x2: {  	s2 =	rddreg [dreg:$0x1];
	s1 =	stileid.u32  }
0x3: {  	s3 =	simm.s32 $0x0;
	s4 =	srdreg.scid;
	s21 =	simm.s32 $0x19FA0  }
0x4: {  	s22 =	simm.s32 $0x1AB60;
	s23 =	simm.s32 $0x1A2C0;
	s24 =	simm.s32 $0x1ABC8  }
0x5: {  	s25 =	simm.s32 $0x1A5E0;
	s26 =	simm.s32 $0x0;
	s10 =	smul.u32 $0x270, s1  }
0x6: {  	s0 =	simm.s32 $0x0;
	[smem:$0x7FF] =	sst s3;
	s12 =	smul.u32 $0x4E00, s1  }
0x7: {  	s11 =	sand.u32 $0x1, s4;
	s4 =	sadd.s32 $0x287C00, s9;
	s14 =	smul.u32 $0x2710, s1  }
0x8: {  	s5 =	sadd.s32 $0x2A00, s9;
	s6 =	sadd.s32 $0xC800, s9;
	s17 =	smul.u32 $0x64, s1  }
0x9: {  	s7 =	sadd.s32 $0x16C00, s9;
	s8 =	sadd.s32 $0x28A400, s9;
	s13 =	smul.u32 $0x27100, s11  }
0xa: {  	_ =	strace $0x80000047;
	s15 =	smul.u32 $0x640, s11;
	s16 =	ssub.s32 $0x2, s11  }
0xb: {  	s19 =	smul.u32 $0x2710, s11;
	s18 =	sshrl.u32 s16, $0x1;
	s12 =	sshrl.u32 s12, $0x2  }
0xc: {  	s20 =	sadd.s32 s10, s9;
	s16 =	ssub.s32 s16, s18;
	s9 =	sadd.s32 s12, s2  }
0xd: {  	s10 =	sadd.s32 s14, s13;
	s11 =	sadd.s32 s17, s15;
	s31 =	sadd.s32 s19, s20  }
0xe: {  	s14 =	simm.s32 $0x1;
	s15 =	simm.s32 $0x1AC30;
	s17 =	simm.s32 $0x13880  }
0xf: {  	s18 =	simm.s32 $0x19C80;
	s19 =	simm.s32 $0x64;
	s20 =	simm.s32 $0x1AAF8  }
0x10: {  	v0 =	vlaneseq.u32;
	s12 =	sadd.s32 $0x28A800, s31;
	s13 =	smax.u32 s16, $0x1;
	s16 =	simm.s32 $0x1AA90  }
.LBB2_1:
0x11: {  	[tilespmem:s3], [sflag:$0x1] =	stream.linear.gather [hbm4b:s4+s3], $0x13880, $0x38;
	[tilespmem:$0x1D3B8] =	vst v63  }
0x12: {  	_ =	swait.ge [sflag:s14], $0x13880  }
0x13: {  	[sflag:s14] =	ssyncset.done $0x0  }
0x14: {  	[sflag:s14] =	ssyncadd.s32 $0xFFFEC780  }
0x15: {  	[tilespmem:s15], [sflag:$0x1] =	stream.linear.gather [hbm4b:s8+s3], $0x1400, $0x38;
	[tilespmem:$0x1D3B8] =	vst v63  }
0x16: {  	_ =	swait.ge [sflag:s14], $0x1400  }
0x17: {  	[sflag:s14] =	ssyncset.done $0x0  }
0x18: {  	[sflag:s14] =	ssyncadd.s32 $0xFFFFEC00  }
0x19: {  	[spmem:s9] =	stream.linear.scatter [tilespmem:s15], [sflag:$0x1], $0x1400, $0x38;
	[tilespmem:$0x1D3B8] =	vst v63  }
0x1a: {  	_ =	swait.ge [sflag:s14], $0x1400  }
0x1b: {  	[sflag:s14] =	ssyncset.done $0x0  }
0x1c: {  	[sflag:s14] =	ssyncadd.s32 $0xFFFFEC00  }
0x1d: {  	s28 =	simm.s32 $0x0;
	[bflag:$0x0] =	sbarrier.arrive $0xFFFF  }
.LBB2_2:
0x1e: {  	s29 =	smul.u32 $0x190, s28;
	_ =	sdelay $0x1  }
0x1f: {  	s30 =	sadd.s32 s29, s10  }
0x20: {  	s29 =	sshrl.u32 s30, $0x3  }
0x21: {  	s31 =	sadd.s32 s5, s29;
	s29 =	simm.s32 $0x1A900  }
0x22: {  	[tilespmem:s29], [sflag:$0x1] =	stream.linear.gather [hbm4b:s31+s0], $0x190, $0x38;
	[tilespmem:$0x1D3B8] =	vst v63  }
0x23: {  	s31 =	sshll.u32 s28, $0x2  }
0x24: {  	s31 =	sadd.s32 s31, s11  }
0x25: {  	_ =	swait.ge [sflag:s14], $0x190;
	s31 =	smul.u32 $0xD, s31  }
0x26: {  	[sflag:s14] =	ssyncset.done $0x0  }
0x27: {  	[sflag:s14] =	ssyncadd.s32 $0xFFFFFE70;
	s31 =	sadd.s32 s6, s31  }
0x28: {  	[tilespmem:s16], [sflag:$0x1] =	stream.linear.gather [hbm4b:s31+s0], $0x1A0, $0x38;
	[tilespmem:$0x1D3B8] =	vst v63  }
0x29: {  	_ =	swait.ge [sflag:s14], $0x1A0  }
0x2a: {  	s30 =	sshll.u32 s30, $0x3;
	[sflag:s14] =	ssyncset.done $0x0  }
0x2b: {  	s30 =	sadd.s32 s7, s30;
	[sflag:s14] =	ssyncadd.s32 $0xFFFFFE60  }
0x2c: {  	[tilespmem:s17], [sflag:$0x1] =	stream.linear.gather [hbm4b:s30+s0], $0x6400, $0x38;
	[tilespmem:$0x1D3B8] =	vst v63  }
0x2d: {  	_ =	swait.ge [sflag:s14], $0x6400  }
0x2e: {  	[sflag:s14] =	ssyncset.done $0x0  }
0x2f: {  	[sflag:s14] =	ssyncadd.s32 $0xFFFF9C00  }
0x30: {  	v2 =	vld [tilespmem:s29+$0x0]  }
0x31: {  	v10 =	vor.u32 s0, v0  }
0x32: {  	v1 =	vshll.u32 v10, $0x6  }
0x33: {  	v3 =	vor.u32 $0x8, v1;
	_ =	sdelay $0x1  }
0x34: {  	v7 =	vshll.u32 v2, $0x3  }
0x35: {  	v2 =	vor.u32 $0x1, v7  }
0x36: {  	v5 =	vor.u32 $0x10, v1  }
0x37: {  	v8 =	vld.idx.msk [tilespmem:v3+s17+$0x0], $0xffff;
	v6 =	vor.u32 $0x2, v7  }
0x38: {  	v11 =	vor.u32 $0x18, v1;
	v9 =	vld.idx.msk [tilespmem:v1+s17+$0x0], $0xffff  }
0x39: {  	v12 =	vor.u32 $0x3, v7;
	v3 =	vld.idx.msk [tilespmem:v7+s3+$0x0], $0xffff  }
0x3a: {  	v13 =	vor.u32 $0x20, v1;
	v4 =	vld.idx.msk [tilespmem:v2+s3+$0x0], $0xffff  }
0x3b: {  	v14 =	vld.idx.msk [tilespmem:v5+s17+$0x0], $0xffff;
	v2 =	vor.u32 $0x4, v7  }
0x3c: {  	v15 =	vor.u32 $0x28, v1;
	v5 =	vld.idx.msk [tilespmem:v6+s3+$0x0], $0xffff  }
0x3d: {  	v11 =	vld.idx.msk [tilespmem:v11+s17+$0x0], $0xffff;
	v16 =	vor.u32 $0x5, v7  }
0x3e: {  	v6 =	vld.idx.msk [tilespmem:v12+s3+$0x0], $0xffff;
	v12 =	vor.u32 $0x30, v1  }
0x3f: {  	v13 =	vld.idx.msk [tilespmem:v13+s17+$0x0], $0xffff;
	v17 =	vor.u32 $0x6, v7;
	v9 =	vmul.f32 v9, v3;
	v8 =	vmul.f32 v8, v4  }
0x40: {  	v18 =	vor.u32 $0x38, v1;
	v2 =	vld.idx.msk [tilespmem:v2+s3+$0x0], $0xffff  }
0x41: {  	v15 =	vld.idx.msk [tilespmem:v15+s17+$0x0], $0xffff;
	v19 =	vor.u32 $0x7, v7;
	v8 =	vadd.f32 v8, v9;
	v9 =	vmul.f32 v14, v5  }
0x42: {  	v7 =	vld.idx.msk [tilespmem:v16+s3+$0x0], $0xffff  }
0x43: {  	v12 =	vld.idx.msk [tilespmem:v12+s17+$0x0], $0xffff;
	v11 =	vmul.f32 v11, v6;
	v9 =	vadd.f32 v9, v8  }
0x44: {  	v8 =	vld.idx.msk [tilespmem:v17+s3+$0x0], $0xffff  }
0x45: {  	v14 =	vld.idx.msk [tilespmem:v18+s17+$0x0], $0xffff;
	v13 =	vmul.f32 v13, v2;
	v11 =	vadd.f32 v11, v9  }
0x46: {  	v9 =	vld.idx.msk [tilespmem:v19+s3+$0x0], $0xffff  }
0x47: {  	v11 =	vadd.f32 v13, v11;
	v13 =	vmul.f32 v15, v7;
	_ =	sdelay $0x1  }
0x48: {  	v12 =	vmul.f32 v12, v8;
	v11 =	vadd.f32 v13, v11  }
0x49: {  	v10 =	vshll.u32 v10, $0x3  }
0x4a: {  	v13 =	vor.u32 $0x1, v1;
	v11 =	vadd.f32 v12, v11;
	v12 =	vmul.f32 v14, v9  }
0x4b: {  	v14 =	vor.u32 $0x9, v1  }
0x4c: {  	v11 =	vadd.f32 v12, v11  }
0x4d: {  	v12 =	vor.u32 $0x11, v1  }
0x4e: {  	[tilespmem:v10+s18+$0x0] =	vst.idx.msk $0xffff, v11  }
0x4f: {  	v11 =	vld.idx.msk [tilespmem:v13+s17+$0x0], $0xffff;
	v13 =	vor.u32 $0x19, v1  }
0x50: {  	v14 =	vld.idx.msk [tilespmem:v14+s17+$0x0], $0xffff  }
0x51: {  	v15 =	vor.u32 $0x21, v1  }
0x52: {  	v12 =	vld.idx.msk [tilespmem:v12+s17+$0x0], $0xffff  }
0x53: {  	v16 =	vor.u32 $0x29, v1  }
0x54: {  	v13 =	vld.idx.msk [tilespmem:v13+s17+$0x0], $0xffff  }
0x55: {  	v17 =	vor.u32 $0x31, v1;
	v11 =	vmul.f32 v11, v3;
	v14 =	vmul.f32 v14, v4  }
0x56: {  	v15 =	vld.idx.msk [tilespmem:v15+s17+$0x0], $0xffff  }
0x57: {  	v18 =	vor.u32 $0x39, v1;
	v11 =	vadd.f32 v14, v11;
	v12 =	vmul.f32 v12, v5  }
0x58: {  	v14 =	vld.idx.msk [tilespmem:v16+s17+$0x0], $0xffff  }
0x59: {  	v11 =	vadd.f32 v12, v11;
	v12 =	vmul.f32 v13, v6  }
0x5a: {  	v13 =	vld.idx.msk [tilespmem:v17+s17+$0x0], $0xffff  }
0x5b: {  	v11 =	vadd.f32 v12, v11;
	v12 =	vmul.f32 v15, v2  }
0x5c: {  	v15 =	vld.idx.msk [tilespmem:v18+s17+$0x0], $0xffff  }
0x5d: {  	v11 =	vadd.f32 v12, v11;
	v12 =	vmul.f32 v14, v7;
	_ =	sdelay $0x1  }
0x5e: {  	v11 =	vadd.f32 v12, v11;
	v12 =	vmul.f32 v13, v8  }
0x5f: {  	v13 =	vor.u32 $0x1, v10  }
0x60: {  	v14 =	vor.u32 $0x2, v1;
	v11 =	vadd.f32 v12, v11;
	v12 =	vmul.f32 v15, v9  }
0x61: {  	v15 =	vor.u32 $0xA, v1  }
0x62: {  	v11 =	vadd.f32 v12, v11  }
0x63: {  	v12 =	vor.u32 $0x12, v1  }
0x64: {  	[tilespmem:v13+s18+$0x0] =	vst.idx.msk $0xffff, v11  }
0x65: {  	v13 =	vor.u32 $0x1A, v1;
	v11 =	vld.idx.msk [tilespmem:v14+s17+$0x0], $0xffff  }
0x66: {  	v14 =	vld.idx.msk [tilespmem:v15+s17+$0x0], $0xffff  }
0x67: {  	v15 =	vor.u32 $0x22, v1  }
0x68: {  	v12 =	vld.idx.msk [tilespmem:v12+s17+$0x0], $0xffff  }
0x69: {  	v16 =	vor.u32 $0x2A, v1  }
0x6a: {  	v13 =	vld.idx.msk [tilespmem:v13+s17+$0x0], $0xffff  }
0x6b: {  	v17 =	vor.u32 $0x32, v1;
	v11 =	vmul.f32 v11, v3;
	v14 =	vmul.f32 v14, v4  }
0x6c: {  	v15 =	vld.idx.msk [tilespmem:v15+s17+$0x0], $0xffff  }
0x6d: {  	v18 =	vor.u32 $0x3A, v1;
	v11 =	vadd.f32 v14, v11;
	v12 =	vmul.f32 v12, v5  }
0x6e: {  	v14 =	vld.idx.msk [tilespmem:v16+s17+$0x0], $0xffff  }
0x6f: {  	v11 =	vadd.f32 v12, v11;
	v12 =	vmul.f32 v13, v6  }
0x70: {  	v13 =	vld.idx.msk [tilespmem:v17+s17+$0x0], $0xffff  }
0x71: {  	v11 =	vadd.f32 v12, v11;
	v12 =	vmul.f32 v15, v2  }
0x72: {  	v15 =	vld.idx.msk [tilespmem:v18+s17+$0x0], $0xffff  }
0x73: {  	v11 =	vadd.f32 v12, v11;
	v12 =	vmul.f32 v14, v7;
	_ =	sdelay $0x1  }
0x74: {  	v11 =	vadd.f32 v12, v11;
	v12 =	vmul.f32 v13, v8  }
0x75: {  	v13 =	vor.u32 $0x2, v10  }
0x76: {  	v14 =	vor.u32 $0x3, v1;
	v11 =	vadd.f32 v12, v11;
	v12 =	vmul.f32 v15, v9  }
0x77: {  	v15 =	vor.u32 $0xB, v1  }
0x78: {  	v11 =	vadd.f32 v12, v11  }
0x79: {  	v12 =	vor.u32 $0x13, v1  }
0x7a: {  	[tilespmem:v13+s18+$0x0] =	vst.idx.msk $0xffff, v11  }
0x7b: {  	v13 =	vor.u32 $0x1B, v1;
	v11 =	vld.idx.msk [tilespmem:v14+s17+$0x0], $0xffff  }
0x7c: {  	v14 =	vld.idx.msk [tilespmem:v15+s17+$0x0], $0xffff  }
0x7d: {  	v15 =	vor.u32 $0x23, v1  }
0x7e: {  	v12 =	vld.idx.msk [tilespmem:v12+s17+$0x0], $0xffff  }
0x7f: {  	v16 =	vor.u32 $0x2B, v1  }
0x80: {  	v13 =	vld.idx.msk [tilespmem:v13+s17+$0x0], $0xffff  }
0x81: {  	v17 =	vor.u32 $0x33, v1;
	v11 =	vmul.f32 v11, v3;
	v14 =	vmul.f32 v14, v4  }
0x82: {  	v15 =	vld.idx.msk [tilespmem:v15+s17+$0x0], $0xffff  }
0x83: {  	v18 =	vor.u32 $0x3B, v1;
	v11 =	vadd.f32 v14, v11;
	v12 =	vmul.f32 v12, v5  }
0x84: {  	v14 =	vld.idx.msk [tilespmem:v16+s17+$0x0], $0xffff  }
0x85: {  	v11 =	vadd.f32 v12, v11;
	v12 =	vmul.f32 v13, v6  }
0x86: {  	v13 =	vld.idx.msk [tilespmem:v17+s17+$0x0], $0xffff  }
0x87: {  	v11 =	vadd.f32 v12, v11;
	v12 =	vmul.f32 v15, v2  }
0x88: {  	v15 =	vld.idx.msk [tilespmem:v18+s17+$0x0], $0xffff  }
0x89: {  	v11 =	vadd.f32 v12, v11;
	v12 =	vmul.f32 v14, v7;
	_ =	sdelay $0x1  }
0x8a: {  	v11 =	vadd.f32 v12, v11;
	v12 =	vmul.f32 v13, v8  }
0x8b: {  	v13 =	vor.u32 $0x3, v10  }
0x8c: {  	v14 =	vor.u32 $0x4, v1;
	v11 =	vadd.f32 v12, v11;
	v12 =	vmul.f32 v15, v9  }
0x8d: {  	v15 =	vor.u32 $0xC, v1  }
0x8e: {  	v11 =	vadd.f32 v12, v11  }
0x8f: {  	v12 =	vor.u32 $0x14, v1  }
0x90: {  	[tilespmem:v13+s18+$0x0] =	vst.idx.msk $0xffff, v11  }
0x91: {  	v13 =	vor.u32 $0x1C, v1;
	v11 =	vld.idx.msk [tilespmem:v14+s17+$0x0], $0xffff  }
0x92: {  	v14 =	vld.idx.msk [tilespmem:v15+s17+$0x0], $0xffff  }
0x93: {  	v15 =	vor.u32 $0x24, v1  }
0x94: {  	v12 =	vld.idx.msk [tilespmem:v12+s17+$0x0], $0xffff  }
0x95: {  	v16 =	vor.u32 $0x2C, v1  }
0x96: {  	v13 =	vld.idx.msk [tilespmem:v13+s17+$0x0], $0xffff  }
0x97: {  	v17 =	vor.u32 $0x34, v1;
	v11 =	vmul.f32 v11, v3;
	v14 =	vmul.f32 v14, v4  }
0x98: {  	v15 =	vld.idx.msk [tilespmem:v15+s17+$0x0], $0xffff  }
0x99: {  	v18 =	vor.u32 $0x3C, v1;
	v11 =	vadd.f32 v14, v11;
	v12 =	vmul.f32 v12, v5  }
0x9a: {  	v14 =	vld.idx.msk [tilespmem:v16+s17+$0x0], $0xffff  }
0x9b: {  	v11 =	vadd.f32 v12, v11;
	v12 =	vmul.f32 v13, v6  }
0x9c: {  	v13 =	vld.idx.msk [tilespmem:v17+s17+$0x0], $0xffff  }
0x9d: {  	v11 =	vadd.f32 v12, v11;
	v12 =	vmul.f32 v15, v2  }
0x9e: {  	v15 =	vld.idx.msk [tilespmem:v18+s17+$0x0], $0xffff  }
0x9f: {  	v11 =	vadd.f32 v12, v11;
	v12 =	vmul.f32 v14, v7;
	_ =	sdelay $0x1  }
0xa0: {  	v11 =	vadd.f32 v12, v11;
	v12 =	vmul.f32 v13, v8  }
0xa1: {  	v13 =	vor.u32 $0x4, v10  }
0xa2: {  	v14 =	vor.u32 $0x5, v1;
	v11 =	vadd.f32 v12, v11;
	v12 =	vmul.f32 v15, v9  }
0xa3: {  	v15 =	vor.u32 $0xD, v1  }
0xa4: {  	v11 =	vadd.f32 v12, v11  }
0xa5: {  	v12 =	vor.u32 $0x15, v1  }
0xa6: {  	[tilespmem:v13+s18+$0x0] =	vst.idx.msk $0xffff, v11  }
0xa7: {  	v11 =	vor.u32 $0x1D, v1;
	v13 =	vld.idx.msk [tilespmem:v14+s17+$0x0], $0xffff  }
0xa8: {  	v14 =	vld.idx.msk [tilespmem:v15+s17+$0x0], $0xffff  }
0xa9: {  	v15 =	vor.u32 $0x25, v1  }
0xaa: {  	v12 =	vld.idx.msk [tilespmem:v12+s17+$0x0], $0xffff  }
0xab: {  	v16 =	vor.u32 $0x2D, v1  }
0xac: {  	v11 =	vld.idx.msk [tilespmem:v11+s17+$0x0], $0xffff  }
0xad: {  	v17 =	vor.u32 $0x35, v1;
	v13 =	vmul.f32 v13, v3;
	v14 =	vmul.f32 v14, v4  }
0xae: {  	v15 =	vld.idx.msk [tilespmem:v15+s17+$0x0], $0xffff  }
0xaf: {  	v18 =	vor.u32 $0x3D, v1;
	v12 =	vmul.f32 v12, v5;
	v13 =	vadd.f32 v14, v13  }
0xb0: {  	v14 =	vld.idx.msk [tilespmem:v16+s17+$0x0], $0xffff  }
0xb1: {  	v11 =	vmul.f32 v11, v6;
	v12 =	vadd.f32 v12, v13  }
0xb2: {  	v13 =	vld.idx.msk [tilespmem:v17+s17+$0x0], $0xffff  }
0xb3: {  	v15 =	vmul.f32 v15, v2;
	v11 =	vadd.f32 v11, v12  }
0xb4: {  	v12 =	vld.idx.msk [tilespmem:v18+s17+$0x0], $0xffff  }
0xb5: {  	v14 =	vmul.f32 v14, v7;
	v11 =	vadd.f32 v15, v11;
	_ =	sdelay $0x1  }
0xb6: {  	v13 =	vmul.f32 v13, v8;
	v11 =	vadd.f32 v14, v11  }
0xb7: {  	v14 =	vor.u32 $0x5, v10  }
0xb8: {  	v12 =	vmul.f32 v12, v9;
	v11 =	vadd.f32 v13, v11;
	v13 =	vor.u32 $0x6, v1  }
0xb9: {  	v15 =	vor.u32 $0xE, v1  }
0xba: {  	v11 =	vadd.f32 v12, v11;
	v12 =	vor.u32 $0x16, v1  }
0xbb: {  	v16 =	vor.u32 $0x1E, v1  }
0xbc: {  	[tilespmem:v14+s18+$0x0] =	vst.idx.msk $0xffff, v11;
	v11 =	vor.u32 $0x26, v1  }
0xbd: {  	v13 =	vld.idx.msk [tilespmem:v13+s17+$0x0], $0xffff  }
0xbe: {  	v14 =	vld.idx.msk [tilespmem:v15+s17+$0x0], $0xffff;
	v15 =	vor.u32 $0x2E, v1  }
0xbf: {  	v17 =	vld.idx.msk [tilespmem:v12+s17+$0x0], $0xffff;
	v12 =	vor.u32 $0x36, v1  }
0xc0: {  	v19 =	vor.u32 $0x3E, v1;
	v18 =	vld.idx.msk [tilespmem:v16+s17+$0x0], $0xffff  }
0xc1: {  	v20 =	vld.idx.msk [tilespmem:v11+s17+$0x0], $0xffff;
	_ =	sdelay $0x1  }
0xc2: {  	v11 =	vld.idx.msk [tilespmem:v15+s17+$0x0], $0xffff  }
0xc3: {  	v15 =	vmul.f32 v13, v3;
	v14 =	vmul.f32 v14, v4;
	v12 =	vld.idx.msk [tilespmem:v12+s17+$0x0], $0xffff  }
0xc4: {  	v13 =	vld.idx.msk [tilespmem:v19+s17+$0x0], $0xffff;
	v16 =	vmul.f32 v17, v5  }
0xc5: {  	s30 =	simm.s32 $0x10;
	v17 =	vadd.f32 v14, v15;
	v15 =	vmul.f32 v18, v6;
	v14 =	vmul.f32 v20, v2  }
.LBB2_3:
0xc6: {  	p0 =	sne.s32 s30, $0x180  }
0xc7: {  	v16 =	vadd.f32 v16, v17;
	s29 =	sadd.s32 $0x10, s29;
	s31 =	smov.u32 s30;
	s30 =	sadd.s32 $0x10, s30  }
0xc8: {  	v12 =	vmul.f32 v12, v8  }
0xc9: {  	v13 =	vmul.f32 v13, v9;
	v15 =	vadd.f32 v15, v16;
	_ =	sdelay $0x1  }
0xca: {  	v11 =	vmul.f32 v11, v7;
	v14 =	vadd.f32 v14, v15;
	_ =	sdelay $0x1  }
0xcb: {  	v11 =	vadd.f32 v11, v14  }
0xcc: {  	v14 =	vor.u32 $0x6, v10  }
0xcd: {  	v15 =	vor.u32 $0xF, v1;
	v11 =	vadd.f32 v12, v11;
	v12 =	vor.u32 $0x7, v1;
	_ =	sdelay $0x1  }
0xce: {  	v11 =	vadd.f32 v13, v11;
	v13 =	vor.u32 $0x17, v1  }
0xcf: {  	v16 =	vor.u32 $0x1F, v1  }
0xd0: {  	[tilespmem:v14+s18+$0x0] =	vst.idx.msk $0xffff, v11;
	v11 =	vor.u32 $0x27, v1  }
0xd1: {  	v14 =	vor.u32 $0x2F, v1;
	v12 =	vld.idx.msk [tilespmem:v12+s17+$0x0], $0xffff  }
0xd2: {  	v17 =	vor.u32 $0x37, v1;
	v15 =	vld.idx.msk [tilespmem:v15+s17+$0x0], $0xffff  }
0xd3: {  	v1 =	vor.u32 $0x3F, v1;
	v13 =	vld.idx.msk [tilespmem:v13+s17+$0x0], $0xffff  }
0xd4: {  	v16 =	vld.idx.msk [tilespmem:v16+s17+$0x0], $0xffff  }
0xd5: {  	v11 =	vld.idx.msk [tilespmem:v11+s17+$0x0], $0xffff  }
0xd6: {  	v14 =	vld.idx.msk [tilespmem:v14+s17+$0x0], $0xffff  }
0xd7: {  	v3 =	vmul.f32 v12, v3;
	v12 =	vld.idx.msk [tilespmem:v17+s17+$0x0], $0xffff  }
0xd8: {  	v4 =	vmul.f32 v15, v4;
	v1 =	vld.idx.msk [tilespmem:v1+s17+$0x0], $0xffff  }
0xd9: {  	v5 =	vmul.f32 v13, v5  }
0xda: {  	v3 =	vadd.f32 v4, v3;
	v4 =	vmul.f32 v16, v6  }
0xdb: {  	v2 =	vmul.f32 v11, v2  }
0xdc: {  	v3 =	vadd.f32 v5, v3;
	v5 =	vmul.f32 v14, v7  }
0xdd: {  	v6 =	vmul.f32 v12, v8  }
0xde: {  	v3 =	vadd.f32 v4, v3;
	v1 =	vmul.f32 v1, v9;
	_ =	sdelay $0x1  }
0xdf: {  	v2 =	vadd.f32 v2, v3;
	_ =	sdelay $0x1  }
0xe0: {  	v3 =	vor.u32 $0x7, v10;
	v2 =	vadd.f32 v5, v2;
	_ =	sdelay $0x1  }
0xe1: {  	v2 =	vadd.f32 v6, v2;
	_ =	sdelay $0x1  }
0xe2: {  	v1 =	vadd.f32 v1, v2;
	_ =	sdelay $0x1  }
0xe3: {  	v10 =	vor.u32 s31, v0;
	[tilespmem:v3+s18+$0x0] =	vst.idx.msk $0xffff, v1  }
0xe4: {  	v1 =	vshll.u32 v10, $0x6;
	v2 =	vld [tilespmem:s29+$0x0]  }
0xe5: {  	v3 =	vor.u32 $0x10, v1  }
0xe6: {  	v4 =	vor.u32 $0x20, v1  }
0xe7: {  	v5 =	vor.u32 $0x8, v1;
	_ =	sdelay $0x1  }
0xe8: {  	v2 =	vshll.u32 v2, $0x3  }
0xe9: {  	v6 =	vor.u32 $0x1, v2;
	v7 =	vor.u32 $0x2, v2;
	v8 =	vor.u32 $0x3, v2;
	v9 =	vld.idx.msk [tilespmem:v3+s17+$0x0], $0xffff  }
0xea: {  	v11 =	vor.u32 $0x4, v2;
	v12 =	vor.u32 $0x5, v2;
	v13 =	vor.u32 $0x6, v2;
	v14 =	vld.idx.msk [tilespmem:v4+s17+$0x0], $0xffff  }
0xeb: {  	v15 =	vor.u32 $0x7, v2;
	v16 =	vld.idx.msk [tilespmem:v5+s17+$0x0], $0xffff  }
0xec: {  	v18 =	vor.u32 $0x18, v1;
	v17 =	vld.idx.msk [tilespmem:v1+s17+$0x0], $0xffff  }
0xed: {  	v3 =	vld.idx.msk [tilespmem:v2+s3+$0x0], $0xffff  }
0xee: {  	v4 =	vld.idx.msk [tilespmem:v6+s3+$0x0], $0xffff  }
0xef: {  	v2 =	vld.idx.msk [tilespmem:v11+s3+$0x0], $0xffff  }
0xf0: {  	v5 =	vld.idx.msk [tilespmem:v7+s3+$0x0], $0xffff;
	v7 =	vor.u32 $0x28, v1  }
0xf1: {  	v11 =	vld.idx.msk [tilespmem:v18+s17+$0x0], $0xffff  }
0xf2: {  	v6 =	vld.idx.msk [tilespmem:v8+s3+$0x0], $0xffff;
	v8 =	vor.u32 $0x30, v1;
	_ =	sdelay $0x1  }
0xf3: {  	v18 =	vor.u32 $0x38, v1;
	v17 =	vmul.f32 v17, v3;
	v16 =	vmul.f32 v16, v4  }
0xf4: {  	v14 =	vmul.f32 v14, v2;
	v19 =	vld.idx.msk [tilespmem:v7+s17+$0x0], $0xffff  }
0xf5: {  	v9 =	vmul.f32 v9, v5;
	v7 =	vld.idx.msk [tilespmem:v12+s3+$0x0], $0xffff;
	v12 =	vadd.f32 v16, v17  }
0xf6: {  	v16 =	vld.idx.msk [tilespmem:v8+s17+$0x0], $0xffff  }
0xf7: {  	v11 =	vmul.f32 v11, v6;
	v8 =	vld.idx.msk [tilespmem:v13+s3+$0x0], $0xffff;
	v12 =	vadd.f32 v9, v12  }
0xf8: {  	v13 =	vld.idx.msk [tilespmem:v18+s17+$0x0], $0xffff  }
0xf9: {  	v9 =	vld.idx.msk [tilespmem:v15+s3+$0x0], $0xffff;
	v11 =	vadd.f32 v11, v12;
	_ =	sdelay $0x1  }
0xfa: {  	v12 =	vmul.f32 v19, v7;
	v11 =	vadd.f32 v14, v11;
	_ =	sdelay $0x1  }
0xfb: {  	v11 =	vadd.f32 v12, v11;
	v12 =	vmul.f32 v16, v8  }
0xfc: {  	v10 =	vshll.u32 v10, $0x3  }
0xfd: {  	v11 =	vadd.f32 v12, v11;
	v12 =	vmul.f32 v13, v9;
	v13 =	vor.u32 $0x1, v1  }
0xfe: {  	v14 =	vor.u32 $0x9, v1  }
0xff: {  	v11 =	vadd.f32 v12, v11  }
0x100: {  	v12 =	vor.u32 $0x11, v1  }
0x101: {  	[tilespmem:v10+s18+$0x0] =	vst.idx.msk $0xffff, v11  }
0x102: {  	v11 =	vld.idx.msk [tilespmem:v13+s17+$0x0], $0xffff;
	v13 =	vor.u32 $0x19, v1  }
0x103: {  	v14 =	vld.idx.msk [tilespmem:v14+s17+$0x0], $0xffff  }
0x104: {  	v15 =	vor.u32 $0x21, v1  }
0x105: {  	v12 =	vld.idx.msk [tilespmem:v12+s17+$0x0], $0xffff  }
0x106: {  	v16 =	vor.u32 $0x29, v1  }
0x107: {  	v13 =	vld.idx.msk [tilespmem:v13+s17+$0x0], $0xffff  }
0x108: {  	v17 =	vor.u32 $0x31, v1;
	v11 =	vmul.f32 v11, v3  }
0x109: {  	v14 =	vmul.f32 v14, v4;
	v15 =	vld.idx.msk [tilespmem:v15+s17+$0x0], $0xffff  }
0x10a: {  	v18 =	vor.u32 $0x39, v1  }
0x10b: {  	v11 =	vadd.f32 v14, v11;
	v12 =	vmul.f32 v12, v5;
	v14 =	vld.idx.msk [tilespmem:v16+s17+$0x0], $0xffff;
	_ =	sdelay $0x1  }
0x10c: {  	v11 =	vadd.f32 v12, v11;
	v12 =	vmul.f32 v13, v6;
	v13 =	vld.idx.msk [tilespmem:v17+s17+$0x0], $0xffff;
	_ =	sdelay $0x1  }
0x10d: {  	v11 =	vadd.f32 v12, v11;
	v12 =	vmul.f32 v15, v2;
	v15 =	vld.idx.msk [tilespmem:v18+s17+$0x0], $0xffff;
	_ =	sdelay $0x1  }
0x10e: {  	v11 =	vadd.f32 v12, v11;
	v12 =	vmul.f32 v14, v7;
	_ =	sdelay $0x1  }
0x10f: {  	v11 =	vadd.f32 v12, v11;
	v12 =	vmul.f32 v13, v8  }
0x110: {  	v13 =	vor.u32 $0x1, v10  }
0x111: {  	v14 =	vor.u32 $0x2, v1;
	v11 =	vadd.f32 v12, v11;
	v12 =	vmul.f32 v15, v9  }
0x112: {  	v15 =	vor.u32 $0xA, v1  }
0x113: {  	v11 =	vadd.f32 v12, v11  }
0x114: {  	v12 =	vor.u32 $0x12, v1  }
0x115: {  	[tilespmem:v13+s18+$0x0] =	vst.idx.msk $0xffff, v11  }
0x116: {  	v13 =	vor.u32 $0x1A, v1;
	v11 =	vld.idx.msk [tilespmem:v14+s17+$0x0], $0xffff  }
0x117: {  	v14 =	vld.idx.msk [tilespmem:v15+s17+$0x0], $0xffff  }
0x118: {  	v15 =	vor.u32 $0x22, v1  }
0x119: {  	v12 =	vld.idx.msk [tilespmem:v12+s17+$0x0], $0xffff  }
0x11a: {  	v16 =	vor.u32 $0x2A, v1  }
0x11b: {  	v13 =	vld.idx.msk [tilespmem:v13+s17+$0x0], $0xffff  }
0x11c: {  	v17 =	vor.u32 $0x32, v1;
	v11 =	vmul.f32 v11, v3  }
0x11d: {  	v14 =	vmul.f32 v14, v4;
	v15 =	vld.idx.msk [tilespmem:v15+s17+$0x0], $0xffff  }
0x11e: {  	v18 =	vor.u32 $0x3A, v1  }
0x11f: {  	v11 =	vadd.f32 v14, v11;
	v12 =	vmul.f32 v12, v5;
	v14 =	vld.idx.msk [tilespmem:v16+s17+$0x0], $0xffff;
	_ =	sdelay $0x1  }
0x120: {  	v11 =	vadd.f32 v12, v11;
	v12 =	vmul.f32 v13, v6;
	v13 =	vld.idx.msk [tilespmem:v17+s17+$0x0], $0xffff;
	_ =	sdelay $0x1  }
0x121: {  	v11 =	vadd.f32 v12, v11;
	v12 =	vmul.f32 v15, v2;
	v15 =	vld.idx.msk [tilespmem:v18+s17+$0x0], $0xffff;
	_ =	sdelay $0x1  }
0x122: {  	v11 =	vadd.f32 v12, v11;
	v12 =	vmul.f32 v14, v7;
	_ =	sdelay $0x1  }
0x123: {  	v11 =	vadd.f32 v12, v11;
	v12 =	vmul.f32 v13, v8  }
0x124: {  	v13 =	vor.u32 $0x2, v10  }
0x125: {  	v14 =	vor.u32 $0x3, v1;
	v11 =	vadd.f32 v12, v11;
	v12 =	vmul.f32 v15, v9  }
0x126: {  	v15 =	vor.u32 $0xB, v1  }
0x127: {  	v11 =	vadd.f32 v12, v11  }
0x128: {  	v12 =	vor.u32 $0x13, v1  }
0x129: {  	[tilespmem:v13+s18+$0x0] =	vst.idx.msk $0xffff, v11  }
0x12a: {  	v13 =	vor.u32 $0x1B, v1;
	v11 =	vld.idx.msk [tilespmem:v14+s17+$0x0], $0xffff  }
0x12b: {  	v14 =	vld.idx.msk [tilespmem:v15+s17+$0x0], $0xffff  }
0x12c: {  	v15 =	vor.u32 $0x23, v1  }
0x12d: {  	v12 =	vld.idx.msk [tilespmem:v12+s17+$0x0], $0xffff  }
0x12e: {  	v16 =	vor.u32 $0x2B, v1  }
0x12f: {  	v13 =	vld.idx.msk [tilespmem:v13+s17+$0x0], $0xffff  }
0x130: {  	v17 =	vor.u32 $0x33, v1;
	v11 =	vmul.f32 v11, v3  }
0x131: {  	v14 =	vmul.f32 v14, v4;
	v15 =	vld.idx.msk [tilespmem:v15+s17+$0x0], $0xffff  }
0x132: {  	v18 =	vor.u32 $0x3B, v1  }
0x133: {  	v11 =	vadd.f32 v14, v11;
	v12 =	vmul.f32 v12, v5;
	v14 =	vld.idx.msk [tilespmem:v16+s17+$0x0], $0xffff;
	_ =	sdelay $0x1  }
0x134: {  	v11 =	vadd.f32 v12, v11;
	v12 =	vmul.f32 v13, v6;
	v13 =	vld.idx.msk [tilespmem:v17+s17+$0x0], $0xffff;
	_ =	sdelay $0x1  }
0x135: {  	v11 =	vadd.f32 v12, v11;
	v12 =	vmul.f32 v15, v2;
	v15 =	vld.idx.msk [tilespmem:v18+s17+$0x0], $0xffff;
	_ =	sdelay $0x1  }
0x136: {  	v11 =	vadd.f32 v12, v11;
	v12 =	vmul.f32 v14, v7;
	_ =	sdelay $0x1  }
0x137: {  	v11 =	vadd.f32 v12, v11;
	v12 =	vmul.f32 v13, v8  }
0x138: {  	v13 =	vor.u32 $0x3, v10  }
0x139: {  	v14 =	vor.u32 $0x4, v1;
	v11 =	vadd.f32 v12, v11;
	v12 =	vmul.f32 v15, v9  }
0x13a: {  	v15 =	vor.u32 $0xC, v1  }
0x13b: {  	v11 =	vadd.f32 v12, v11  }
0x13c: {  	v12 =	vor.u32 $0x14, v1  }
0x13d: {  	[tilespmem:v13+s18+$0x0] =	vst.idx.msk $0xffff, v11  }
0x13e: {  	v13 =	vor.u32 $0x1C, v1;
	v11 =	vld.idx.msk [tilespmem:v14+s17+$0x0], $0xffff  }
0x13f: {  	v14 =	vld.idx.msk [tilespmem:v15+s17+$0x0], $0xffff  }
0x140: {  	v15 =	vor.u32 $0x24, v1  }
0x141: {  	v12 =	vld.idx.msk [tilespmem:v12+s17+$0x0], $0xffff  }
0x142: {  	v16 =	vor.u32 $0x2C, v1  }
0x143: {  	v13 =	vld.idx.msk [tilespmem:v13+s17+$0x0], $0xffff  }
0x144: {  	v17 =	vor.u32 $0x34, v1;
	v11 =	vmul.f32 v11, v3  }
0x145: {  	v14 =	vmul.f32 v14, v4;
	v15 =	vld.idx.msk [tilespmem:v15+s17+$0x0], $0xffff  }
0x146: {  	v18 =	vor.u32 $0x3C, v1  }
0x147: {  	v11 =	vadd.f32 v14, v11;
	v12 =	vmul.f32 v12, v5;
	v14 =	vld.idx.msk [tilespmem:v16+s17+$0x0], $0xffff;
	_ =	sdelay $0x1  }
0x148: {  	v11 =	vadd.f32 v12, v11;
	v12 =	vmul.f32 v13, v6;
	v13 =	vld.idx.msk [tilespmem:v17+s17+$0x0], $0xffff;
	_ =	sdelay $0x1  }
0x149: {  	v11 =	vadd.f32 v12, v11;
	v12 =	vmul.f32 v15, v2;
	v15 =	vld.idx.msk [tilespmem:v18+s17+$0x0], $0xffff;
	_ =	sdelay $0x1  }
0x14a: {  	v11 =	vadd.f32 v12, v11;
	v12 =	vmul.f32 v14, v7;
	_ =	sdelay $0x1  }
0x14b: {  	v11 =	vadd.f32 v12, v11;
	v12 =	vmul.f32 v13, v8  }
0x14c: {  	v13 =	vor.u32 $0x4, v10  }
0x14d: {  	v14 =	vor.u32 $0x5, v1;
	v11 =	vadd.f32 v12, v11;
	v12 =	vmul.f32 v15, v9  }
0x14e: {  	v15 =	vor.u32 $0xD, v1  }
0x14f: {  	v11 =	vadd.f32 v12, v11;
	v12 =	vor.u32 $0x15, v1  }
0x150: {  	v16 =	vor.u32 $0x1D, v1  }
0x151: {  	[tilespmem:v13+s18+$0x0] =	vst.idx.msk $0xffff, v11;
	v11 =	vor.u32 $0x25, v1  }
0x152: {  	v13 =	vld.idx.msk [tilespmem:v14+s17+$0x0], $0xffff;
	v14 =	vor.u32 $0x2D, v1  }
0x153: {  	v17 =	vor.u32 $0x35, v1;
	v15 =	vld.idx.msk [tilespmem:v15+s17+$0x0], $0xffff  }
0x154: {  	v18 =	vor.u32 $0x3D, v1;
	v12 =	vld.idx.msk [tilespmem:v12+s17+$0x0], $0xffff  }
0x155: {  	v16 =	vld.idx.msk [tilespmem:v16+s17+$0x0], $0xffff  }
0x156: {  	v11 =	vld.idx.msk [tilespmem:v11+s17+$0x0], $0xffff  }
0x157: {  	v14 =	vld.idx.msk [tilespmem:v14+s17+$0x0], $0xffff  }
0x158: {  	v13 =	vmul.f32 v13, v3;
	v17 =	vld.idx.msk [tilespmem:v17+s17+$0x0], $0xffff  }
0x159: {  	v15 =	vmul.f32 v15, v4;
	v18 =	vld.idx.msk [tilespmem:v18+s17+$0x0], $0xffff  }
0x15a: {  	v12 =	vmul.f32 v12, v5  }
0x15b: {  	v13 =	vadd.f32 v15, v13;
	v15 =	vmul.f32 v16, v6  }
0x15c: {  	v11 =	vmul.f32 v11, v2  }
0x15d: {  	v12 =	vadd.f32 v12, v13;
	v13 =	vmul.f32 v14, v7  }
0x15e: {  	v14 =	vmul.f32 v17, v8  }
0x15f: {  	v12 =	vadd.f32 v15, v12;
	v15 =	vmul.f32 v18, v9;
	_ =	sdelay $0x1  }
0x160: {  	v11 =	vadd.f32 v11, v12;
	_ =	sdelay $0x1  }
0x161: {  	v11 =	vadd.f32 v13, v11  }
0x162: {  	v12 =	vor.u32 $0x5, v10  }
0x163: {  	v13 =	vor.u32 $0x6, v1;
	v11 =	vadd.f32 v14, v11  }
0x164: {  	v14 =	vor.u32 $0xE, v1  }
0x165: {  	v11 =	vadd.f32 v15, v11;
	v15 =	vor.u32 $0x16, v1  }
0x166: {  	v16 =	vor.u32 $0x1E, v1  }
0x167: {  	[tilespmem:v12+s18+$0x0] =	vst.idx.msk $0xffff, v11;
	v11 =	vor.u32 $0x26, v1  }
0x168: {  	v12 =	vld.idx.msk [tilespmem:v13+s17+$0x0], $0xffff;
	v13 =	vor.u32 $0x2E, v1  }
0x169: {  	v17 =	vor.u32 $0x36, v1;
	v14 =	vld.idx.msk [tilespmem:v14+s17+$0x0], $0xffff  }
0x16a: {  	v18 =	vor.u32 $0x3E, v1;
	v15 =	vld.idx.msk [tilespmem:v15+s17+$0x0], $0xffff  }
0x16b: {  	v19 =	vld.idx.msk [tilespmem:v16+s17+$0x0], $0xffff  }
0x16c: {  	v20 =	vld.idx.msk [tilespmem:v11+s17+$0x0], $0xffff  }
0x16d: {  	v11 =	vld.idx.msk [tilespmem:v13+s17+$0x0], $0xffff  }
.Ltmp0:
0x16e: {  	v21 =	vmul.f32 v12, v3;
	v12 =	vld.idx.msk [tilespmem:v17+s17+$0x0], $0xffff;
	(pc) =	sbr.rel @p0 .LBB2_3-.Ltmp0, $4  }
0x16f: {  	v14 =	vmul.f32 v14, v4;
	v13 =	vld.idx.msk [tilespmem:v18+s17+$0x0], $0xffff  }
0x170: {  	v16 =	vmul.f32 v15, v5  }
0x171: {  	v17 =	vadd.f32 v14, v21;
	v15 =	vmul.f32 v19, v6  }
0x172: {  	v14 =	vmul.f32 v20, v2  }
0x173: {  	v16 =	vadd.f32 v16, v17;
	_ =	sdelay $0x1  }
0x174: {  	v15 =	vadd.f32 v15, v16;
	_ =	sdelay $0x1  }
0x175: {  	v11 =	vmul.f32 v11, v7;
	v14 =	vadd.f32 v14, v15;
	_ =	sdelay $0x1  }
0x176: {  	v12 =	vmul.f32 v12, v8;
	v11 =	vadd.f32 v11, v14  }
0x177: {  	v52 =	vor.u32 $0x6, v10  }
0x178: {  	v53 =	vor.u32 $0x7, v1;
	v13 =	vmul.f32 v13, v9;
	v11 =	vadd.f32 v12, v11  }
0x179: {  	v54 =	vor.u32 $0xF, v1  }
0x17a: {  	v11 =	vadd.f32 v13, v11  }
0x17b: {  	v55 =	vor.u32 $0x17, v1  }
0x17c: {  	[tilespmem:v52+s18+$0x0] =	vst.idx.msk $0xffff, v11  }
0x17d: {  	v56 =	vor.u32 $0x1F, v1;
	v12 =	vld.idx.msk [tilespmem:v53+s17+$0x0], $0xffff  }
0x17e: {  	v14 =	vld.idx.msk [tilespmem:v54+s17+$0x0], $0xffff  }
0x17f: {  	v57 =	vor.u32 $0x27, v1  }
0x180: {  	v13 =	vld.idx.msk [tilespmem:v55+s17+$0x0], $0xffff  }
0x181: {  	v58 =	vor.u32 $0x2F, v1  }
0x182: {  	v11 =	vld.idx.msk [tilespmem:v56+s17+$0x0], $0xffff  }
0x183: {  	v59 =	vor.u32 $0x37, v1;
	v3 =	vmul.f32 v12, v3;
	v4 =	vmul.f32 v14, v4  }
0x184: {  	v60 =	vld.idx.msk [tilespmem:v57+s17+$0x0], $0xffff  }
0x185: {  	v1 =	vor.u32 $0x3F, v1;
	v5 =	vmul.f32 v13, v5;
	v3 =	vadd.f32 v4, v3  }
0x186: {  	v61 =	vld.idx.msk [tilespmem:v58+s17+$0x0], $0xffff  }
0x187: {  	v6 =	vmul.f32 v11, v6;
	v3 =	vadd.f32 v5, v3  }
0x188: {  	v62 =	vld.idx.msk [tilespmem:v59+s17+$0x0], $0xffff  }
0x189: {  	v2 =	vmul.f32 v60, v2;
	v3 =	vadd.f32 v6, v3  }
0x18a: {  	v1 =	vld.idx.msk [tilespmem:v1+s17+$0x0], $0xffff  }
0x18b: {  	v4 =	vmul.f32 v61, v7;
	v2 =	vadd.f32 v2, v3;
	_ =	sdelay $0x1  }
0x18c: {  	v3 =	vmul.f32 v62, v8;
	v2 =	vadd.f32 v4, v2  }
0x18d: {  	v63 =	vor.u32 $0x7, v10  }
0x18e: {  	v1 =	vmul.f32 v1, v9;
	v2 =	vadd.f32 v3, v2;
	_ =	sdelay $0x1  }
0x18f: {  	v1 =	vadd.f32 v1, v2;
	_ =	sdelay $0x1  }
0x190: {  	[tilespmem:v63+s18+$0x0] =	vst.idx.msk $0xffff, v1  }
0x191: {  	[spmem:s2] =	stream.indirect.scatter.add.f32 [tilespmem:s18], [sflag:$0x1], $0x8, s16, s19, $0xb8;
	[tilespmem:$0x1D3B8] =	vst v63  }
0x192: {  	_ =	swait.ge [sflag:s14], $0x320  }
0x193: {  	[sflag:s14] =	ssyncset.done $0x0  }
0x194: {  	[sflag:s14] =	ssyncadd.s32 $0xFFFFFCE0  }
0x195: {  	[spmem:s2] =	stream.indirect.scatter.add.f32 [tilespmem:s21], [sflag:$0x1], $0x8, s20, s19, $0xb8;
	[tilespmem:$0x1D3B8] =	vst v63  }
0x196: {  	_ =	swait.ge [sflag:s14], $0x320  }
0x197: {  	[sflag:s14] =	ssyncset.done $0x0  }
0x198: {  	[sflag:s14] =	ssyncadd.s32 $0xFFFFFCE0  }
0x199: {  	[spmem:s2] =	stream.indirect.scatter.add.f32 [tilespmem:s23], [sflag:$0x1], $0x8, s22, s19, $0xb8;
	[tilespmem:$0x1D3B8] =	vst v63  }
0x19a: {  	s28 =	sadd.s32 $0x1, s28;
	_ =	swait.ge [sflag:s14], $0x320  }
0x19b: {  	p0 =	sne.s32 s28, $0x19;
	[sflag:s14] =	ssyncset.done $0x0  }
.Ltmp1:
0x19c: {  	[sflag:s14] =	ssyncadd.s32 $0xFFFFFCE0;
	(pc) =	sbr.rel @p0 .LBB2_2-.Ltmp1, $4  }
0x19d: {  	[spmem:s2] =	stream.indirect.scatter.add.f32 [tilespmem:s25], [sflag:$0x1], $0x8, s24, s19, $0xb8;
	[tilespmem:$0x1D3B8] =	vst v63  }
0x19e: {  	_ =	swait.ge [sflag:s14], $0x320  }
0x19f: {  	[sflag:s14] =	ssyncset.done $0x0  }
0x1a0: {  	[sflag:s14] =	ssyncadd.s32 $0xFFFFFCE0  }
0x1a1: {  	[bflag:$0x0] =	sbarrier.arrive $0xFFFF  }
0x1a2: {  	[tilespmem:s15], [sflag:$0x1] =	stream.linear.gather [spmem:s9], $0x1400, $0x38;
	[tilespmem:$0x1D3B8] =	vst v63  }
0x1a3: {  	s26 =	sadd.s32 $0x1, s26;
	_ =	swait.ge [sflag:s14], $0x1400  }
0x1a4: {  	p0 =	sne.s32 s26, s13;
	[sflag:s14] =	ssyncset.done $0x0  }
.Ltmp2:
0x1a5: {  	[sflag:s14] =	ssyncadd.s32 $0xFFFFEC00;
	(pc) =	sbr.rel @p0 .LBB2_1-.Ltmp2, $4  }
0x1a6: {  	[hbm4b:s12+s3] =	stream.linear.scatter [tilespmem:s15], [sflag:$0x1], $0x1400, $0x38;
	[tilespmem:$0x1D3B8] =	vst v63  }
0x1a7: {  	_ =	swait.ge [sflag:s14], $0x1400  }
0x1a8: {  	[sflag:s14] =	ssyncset.done $0x0  }
0x1a9: {  	[sflag:s14] =	ssyncadd.s32 $0xFFFFEC00  }
0x1aa: {  	_ =	sfence.sel $0x180000  }
0x1ab: {  	[bflag:$0x0] =	sbarrier.arrive $0xFFFF  }
0x1ac: {  	_ =	strace $0x90000047  }
0x1ad: {  	[bflag:$0x2] =	sbarrier.arrive $0xFFFF  }
0x1ae: {  	p0 =	sne.s32 s1, $0x0;
	s0 =	rddreg [dreg:$0x2]  }
0x1af: {  	s0 =	sadd.s32 @!p0 $0x100000, s0  }
0x1b0: {  	[sflag:s0] =	ssyncadd.tile.s32 @!p0 $0x1;
	_ =	shalt  }
.Lfunc_end2:
_tile_overlayer_lowered:
.L_overlay_start_2:
0x1b1: {  	(tag) =	ssettag $0x2  }
0x1b2: {  	s0 =	rddreg [dreg:$0x0];
	s2 =	stileid.u32  }
0x1b3: {  	s1 =	rddreg [dreg:$0x1];
	p0 =	sne.s32 s2, $0x0  }
0x1b4: {  	s3 =	rddreg [dreg:$0x2];
	[bflag:$0x3] =	sbarrier.arrive $0xFFFF;
	s2 =	simm.s32 @!p0 $0x1C01  }
0x1b5: {  	[timem:s3], [sflag:s2] =	dma.local @!p0 [hbm:s0], s1  }
0x1b6: {  	s0 =	simm.s32 @!p0 $0x1  }
0x1b7: {  	_ =	swait.ge @!p0 [sflag:s0], s1  }
0x1b8: {  	s1 =	ssub.s32 @!p0 $0x0, s1;
	[sflag:s0] =	ssyncset.done @!p0 $0x0  }
0x1b9: {  	[sflag:s0] =	ssyncadd.s32 @!p0 s1  }
0x1ba: {  	[bflag:$0x3] =	sbarrier.arrive $0xFFFF  }
0x1bb: {  	_ =	shalt  }

// kernel: kernel.14.cloned.1.call-start
scs
__scs_entry_jumppad:
0x0: {  	(pc) =	sbr.rel $0x88, $3  }
0x1: {  	(tag) =	ssettag $0x0;
	lr =	simm.s32 $0x1  }
0x2: {  	[smem:$0x3F8B] =	sst lr;
	_ =	strace $0xD0000000  }
0x3: {  	_ = 	snop  }
0x4: {  	_ = 	snop  }
0x5: {  	_ = 	snop  }
0x6: {  	_ = 	snop  }
0x7: {  	_ = 	snop  }
__scs_overlays_trampoline_lowered:
0x8: {  	[smem:$0x3F9A] =	sst s0  }
0x9: {  	[smem:$0x3F9B] =	sst s1  }
0xa: {  	[smem:$0x3F9C] =	sst s2  }
0xb: {  	[smem:$0x3F9D] =	sst s3  }
0xc: {  	[smem:$0x3F9E] =	sst s4  }
0xd: {  	[smem:$0x3F9F] =	sst s5  }
0xe: {  	[smem:$0x3FA0] =	sst s6  }
0xf: {  	[smem:$0x3FA1] =	sst s7  }
0x10: {  	[smem:$0x3FA2] =	sst s8  }
0x11: {  	[smem:$0x3FA3] =	sst s9;
	s0 =	simm.s32 @!p0 $0x0  }
0x12: {  	s1 =	sld [smem:$0x3F89];
	s0 =	simm.s32 @p0 $0x1  }
0x13: {  	[smem:$0x3FA4] =	sst s0;
	s0 =	simm.s32 @!p1 $0x0  }
0x14: {  	s2 =	sld [smem:$0x3F88];
	s0 =	simm.s32 @p1 $0x1  }
0x15: {  	[smem:$0x3FA5] =	sst s0;
	s0 =	simm.s32 @!p2 $0x0  }
0x16: {  	s3 =	sld [smem:$0x3FDB];
	s0 =	simm.s32 @p2 $0x1  }
0x17: {  	s4 =	simm.s32 $0x1BF5;
	[smem:$0x3FA7] =	sst s0  }
0x18: {  	s0 =	sld [smem:$0x3F8A];
	_ =	swait.ge [sflag:s4], $0x0  }
0x19: {  	s7 =	sld [smem:$0x3F8B]  }
0x1a: {  	s8 =	sadd.s32 $0xFFFFE003, lr  }
0x1b: {  	s9 =	sadd.s32 $0xFFFFFEF7, lr;
	s5 =	simm.s32 $0xFFFFFFFF;
	p2 =	slt.u32 s8, $0xFFFFF086  }
0x1c: {  	p1 =	slt.u32 s9, $0xF7A;
	s5 =	simm.s32 @!p2 $0x0  }
0x1d: {  	s5 =	simm.s32 @p1 $0x1;
	p0 =	seq.s32 s7, s2  }
0x1e: {  	s7 =	smul.u32 @!p0 $0xF7A, s2;
	p2 =	seq.s32 @!p0 s5, $0x0  }
0x1f: {  	s9 =	smul.u32 $0xF7A, s1;
	s8 =	simm.s32 @!p0 $0x1BF5;
	p2 =	por !p2, p0  }
0x20: {  	[sflag:s8] =	ssyncset.s32 @!p0 $0xFFFFF086;
	s6 =	sadd.s32 @!p0 s3, s7;
	s7 =	simm.s32 @!p0 $0x108  }
0x21: {  	s3 =	sadd.s32 s3, s9;
	s6 =	sadd.s32 @!p0 $0x88, s6;
	s7 =	simm.s32 @p2 $0x1082  }
0x22: {  	[simem:s7], [sflag:s8] =	dma.local @!p0 [hbm:s6], $0xF7A  }
0x23: {  	s9 =	sor.u32 $0xD0000000, s2;
	s6 =	simm.s32 $0x108;
	_ =	swait.ge @!p0 [sflag:s8], $0x0  }
0x24: {  	s3 =	sadd.s32 $0x88, s3;
	s6 =	simm.s32 @!p1 $0x1082;
	[sflag:s4] =	ssyncset.s32 $0xFFFFF086  }
0x25: {  	[simem:s6], [sflag:s4] =	dma.local [hbm:s3], $0xF7A  }
0x26: {  	[smem:$0x3F8B] =	sst s1;
	(tag) =	ssettag s2;
	_ =	strace s9  }
0x27: {  	s1 =	sld [smem:$0x3F9B]  }
0x28: {  	s2 =	sld [smem:$0x3F9C]  }
0x29: {  	s4 =	sld [smem:$0x3F9E]  }
0x2a: {  	p0 =	seq.s32 s5, $0x0;
	s5 =	sld [smem:$0x3F9F]  }
0x2b: {  	s6 =	sld [smem:$0x3FA0]  }
0x2c: {  	s7 =	sld [smem:$0x3FA1]  }
0x2d: {  	s3 =	simm.s32 $0x108;
	s8 =	sld [smem:$0x3FA2]  }
0x2e: {  	s3 =	simm.s32 @!p0 $0x1082;
	s9 =	sld [smem:$0x3FA3]  }
0x2f: {  	lr =	sadd.s32 s0, s3;
	s0 =	sld [smem:$0x3F9A]  }
0x30: {  	s3 =	sld [smem:$0x3F9D]  }
0x31: {  	[smem:$0x3FA6] =	sst s10  }
0x32: {  	s10 =	sld [smem:$0x3FA4];
	_ =	sdelay $0x3  }
0x33: {  	p0 =	seq.s32 s10, $0x1;
	s10 =	sld [smem:$0x3FA6];
	_ =	sdelay $0x3  }
0x34: {  	[smem:$0x3FA6] =	sst s10  }
0x35: {  	s10 =	sld [smem:$0x3FA5];
	_ =	sdelay $0x3  }
0x36: {  	p1 =	seq.s32 s10, $0x1;
	s10 =	sld [smem:$0x3FA6];
	_ =	sdelay $0x3  }
0x37: {  	[smem:$0x3FA6] =	sst s10  }
0x38: {  	s10 =	sld [smem:$0x3FA7]  }
0x39: {  	_ = 	snop;
	(pc) =	sbr.ind lr, $3  }
0x3a: {  	_ = 	snop  }
0x3b: {  	_ = 	snop  }
0x3c: {  	p2 =	seq.s32 s10, $0x1;
	s10 =	sld [smem:$0x3FA6]  }
0x3d: {  	_ =	shalt  }
0x3e: {  	_ =	shalt  }
0x3f: {  	_ =	shalt  }
0x40: {  	_ =	shalt  }
0x41: {  	_ =	shalt  }
0x42: {  	_ =	shalt  }
0x43: {  	_ =	shalt  }
0x44: {  	_ =	shalt  }
0x45: {  	_ =	shalt  }
0x46: {  	_ =	shalt  }
0x47: {  	_ =	shalt  }
0x48: {  	_ =	shalt  }
0x49: {  	_ =	shalt  }
0x4a: {  	_ =	shalt  }
0x4b: {  	_ =	shalt  }
0x4c: {  	_ =	shalt  }
0x4d: {  	_ =	shalt  }
0x4e: {  	_ =	shalt  }
0x4f: {  	_ =	shalt  }
0x50: {  	_ =	shalt  }
0x51: {  	_ =	shalt  }
0x52: {  	_ =	shalt  }
0x53: {  	_ =	shalt  }
0x54: {  	_ =	shalt  }
0x55: {  	_ =	shalt  }
0x56: {  	_ =	shalt  }
0x57: {  	_ =	shalt  }
0x58: {  	_ =	shalt  }
0x59: {  	_ =	shalt  }
0x5a: {  	_ =	shalt  }
0x5b: {  	_ =	shalt  }
0x5c: {  	_ =	shalt  }
0x5d: {  	_ =	shalt  }
0x5e: {  	_ =	shalt  }
0x5f: {  	_ =	shalt  }
0x60: {  	_ =	shalt  }
0x61: {  	_ =	shalt  }
0x62: {  	_ =	shalt  }
0x63: {  	_ =	shalt  }
0x64: {  	_ =	shalt  }
0x65: {  	_ =	shalt  }
0x66: {  	_ =	shalt  }
0x67: {  	_ =	shalt  }
0x68: {  	_ =	shalt  }
0x69: {  	_ =	shalt  }
0x6a: {  	_ =	shalt  }
0x6b: {  	_ =	shalt  }
0x6c: {  	_ =	shalt  }
0x6d: {  	_ =	shalt  }
0x6e: {  	_ =	shalt  }
0x6f: {  	_ =	shalt  }
0x70: {  	_ =	shalt  }
0x71: {  	_ =	shalt  }
0x72: {  	_ =	shalt  }
0x73: {  	_ =	shalt  }
0x74: {  	_ =	shalt  }
0x75: {  	_ =	shalt  }
0x76: {  	_ =	shalt  }
0x77: {  	_ =	shalt  }
0x78: {  	_ =	shalt  }
0x79: {  	_ =	shalt  }
0x7a: {  	_ =	shalt  }
0x7b: {  	_ =	shalt  }
0x7c: {  	_ =	shalt  }
0x7d: {  	_ =	shalt  }
0x7e: {  	_ =	shalt  }
0x7f: {  	_ =	shalt  }
0x80: {  	_ =	shalt  }
0x81: {  	_ =	shalt  }
0x82: {  	_ =	shalt  }
0x83: {  	_ =	shalt  }
0x84: {  	_ =	shalt  }
0x85: {  	_ =	shalt  }
0x86: {  	_ =	shalt  }
0x87: {  	_ =	shalt  }
.Lfunc_end0:
.L_simem_size_0:
called_computation.1_lowered:
.L_overlay_start_0:
0x88: {  	s2 =	sld [smem:$0x3FD9]  }
0x89: {  	s3 =	sld [smem:$0x3FFE];
	_ =	sdelay $0x1  }
0x8a: {  	s1 =	srdreg.scid  }
0x8b: {  	s0 =	sand.u32 $0x1, s1  }
0x8c: {  	s16 =	sshll.u32 s0, $0xA;
	s2 =	sadd.s32 s3, s2  }
0x8d: {  	s2 =	sadd.s32 s2, s16  }
0x8e: {  	[smem:$0x3FB2] =	sst s2  }
0x8f: {  	_ = 	snop  }
0x90: {  	(tm) =	ssettm $0x1  }
0x91: {  	s17 =	sld [smem:$0x3FFB];
	_ =	sdelay $0x3  }
0x92: {  	_ =	strace s17  }
0x93: {  	s2 =	sld [smem:$0x3FFC];
	_ =	sdelay $0x3  }
0x94: {  	_ =	strace s2  }
0x95: {  	s2 =	sld [smem:$0x3FFD];
	_ =	sdelay $0x3  }
0x96: {  	_ =	strace s2  }
0x97: {  	_ =	strace $0x8FFFFFFF  }
0x98: {  	s18 =	sld [smem:$0x3FDB];
	_ =	sdelay $0x1  }
0x99: {  	s19 =	simm.s32 $_scs_section_size  }
0x9a: {  	s4 =	simm.s32 $_size__tile_overlayer_lowered;
	s5 =	simm.s32 $_tile_overlayer_lowered  }
0x9b: {  	s22 =	simm.s32 $0x1BFF;
	s21 =	sshll.u32 s5, $0x1;
	s2 =	sadd.s32 s19, s18  }
0x9c: {  	s6 =	simm.s32 $0x0;
	s20 =	sshll.u32 s4, $0x1;
	s4 =	sadd.s32 s21, s2  }
0x9d: {  	[timem:s6], [sflag:s22] =	dma.local [hbm:s4], s20  }
0x9e: {  	_ =	swait.ge [sflag:s22], s20  }
0x9f: {  	s3 =	ssub.s32 $0x0, s20;
	[sflag:s22] =	ssyncset.done $0x0  }
0xa0: {  	[sflag:s22] =	ssyncadd.s32 s3;
	_ =	sdelay $0x1  }
0xa1: {  	s23 =	simm.s32 $0x1B8B  }
0xa2: {  	_ =	swait.ge [sflag:s23], $0x1  }
0xa3: {  	[sflag:s23] =	ssyncset.done $0x0  }
0xa4: {  	s25 =	simm.s32 $0x1B8E;
	s24 =	sld [smem:$0x3FFE];
	[sflag:s23] =	ssyncadd.s32 $0xFFFFFFFF  }
0xa5: {  	s26 =	simm.s32 $execute0_lowered;
	[smem:$0x3FD2] =	sst s25  }
0xa6: {  	s4 =	sshll.u32 s26, $0x1;
	_ =	strace $0x80000049;
	[dreg:$0x1] =	wrdreg $0xFFFFFFFF  }
0xa7: {  	s28 =	simm.s32 $_size_execute0_lowered;
	s2 =	sadd.s32 s2, s4;
	[dreg:$0x0] =	wrdreg $0x0  }
0xa8: {  	s4 =	sshll.u32 s28, $0x1;
	[dreg:$0x2] =	wrdreg s2  }
0xa9: {  	[dreg:$0x3] =	wrdreg s4  }
0xaa: {  	[dreg:$0x4] =	wrdreg $0xC0  }
0xab: {  	_ =	task [dreg:s6], $0x5FFFF  }
0xac: {  	[dreg:$0x1] =	wrdreg $0xFFFFFFFF  }
0xad: {  	[dreg:$0x0] =	wrdreg $0x60  }
0xae: {  	[dreg:$0x2] =	wrdreg s24  }
0xaf: {  	[dreg:$0x3] =	wrdreg $0x1C0300  }
0xb0: {  	[dreg:$0x4] =	wrdreg $0x9  }
0xb1: {  	_ =	task.clear_ibuf [dreg:s6], $0x5FFFF;
	_ =	strace $0x90000049  }
0xb2: {  	s29 =	simm.s32 $0x9;
	_ =	strace $0x8000004B  }
0xb3: {  	_ =	swait.ge [sflag:s29], $0x1  }
0xb4: {  	[sflag:s29] =	ssyncadd.s32 $0xFFFFFFFF  }
0xb5: {  	_ =	strace $0x9000004B  }
0xb6: {  	_ =	sfence  }
0xb7: {  	s30 =	sld [smem:$0x0];
	_ =	sdelay $0x2  }
0xb8: {  	s31 =	sshll.u32 s1, $0xD;
	s1 =	sshrl.u32 s1, $0x2  }
0xb9: {  	s3 =	sand.u32 $0x4000, s31;
	s1 =	sadd.s32 s1, s30  }
0xba: {  	s0 =	sor.u32 s3, s0;
	s1 =	sshll.u32 s1, $0x11  }
0xbb: {  	s0 =	sor.u32 s1, s0  }
0xbc: {  	s0 =	sadd.s32 $0x8F2B, s0  }
0xbd: {  	[sflag:s0] =	ssyncadd.remote.s32 $0x1  }
0xbe: {  	_ =	sfence.sel $0xFFFF  }
0xbf: {  	[dreg:$0x0] =	wrdreg $0xFFFFFFFF;
	(pc) =	sbr.abs _section_cstart, $3  }
0xc0: {  	[dreg:$0x1] =	wrdreg $0xFFFFFFFF  }
0xc1: {  	_ =	task.clear_ibuf [dreg:s6], $0x2FFFF;
	_ =	strace $0x9FFFFFFF  }
0xc2: {  	(tm) =	ssettm $0x7FFFFFFF  }
0xc3: {  	_ =	shalt  }
tec
execute0_lowered:
.L_overlay_start_1:
0x0: {  	(tag) =	ssettag $0x1  }
0x1: {  	s9 =	rddreg [dreg:$0x0]  }
0x2: {  	s2 =	rddreg [dreg:$0x1];
	s1 =	stileid.u32  }
0x3: {  	s3 =	simm.s32 $0x0;
	s4 =	srdreg.scid;
	s21 =	simm.s32 $0x19FA0  }
0x4: {  	s22 =	simm.s32 $0x1AB60;
	s23 =	simm.s32 $0x1A2C0;
	s24 =	simm.s32 $0x1ABC8  }
0x5: {  	s25 =	simm.s32 $0x1A5E0;
	s26 =	simm.s32 $0x0;
	s10 =	smul.u32 $0x270, s1  }
0x6: {  	s0 =	simm.s32 $0x0;
	[smem:$0x7FF] =	sst s3;
	s12 =	smul.u32 $0x4E00, s1  }
0x7: {  	s11 =	sand.u32 $0x1, s4;
	s4 =	sadd.s32 $0x287C00, s9;
	s14 =	smul.u32 $0x2710, s1  }
0x8: {  	s5 =	sadd.s32 $0x2A00, s9;
	s6 =	sadd.s32 $0xC800, s9;
	s17 =	smul.u32 $0x64, s1  }
0x9: {  	s7 =	sadd.s32 $0x16C00, s9;
	s8 =	sadd.s32 $0x28A400, s9;
	s13 =	smul.u32 $0x27100, s11  }
0xa: {  	_ =	strace $0x8000004A;
	s15 =	smul.u32 $0x640, s11;
	s16 =	ssub.s32 $0x2, s11  }
0xb: {  	s19 =	smul.u32 $0x2710, s11;
	s18 =	sshrl.u32 s16, $0x1;
	s12 =	sshrl.u32 s12, $0x2  }
0xc: {  	s20 =	sadd.s32 s10, s9;
	s16 =	ssub.s32 s16, s18;
	s9 =	sadd.s32 s12, s2  }
0xd: {  	s10 =	sadd.s32 s14, s13;
	s11 =	sadd.s32 s17, s15;
	s31 =	sadd.s32 s19, s20  }
0xe: {  	s14 =	simm.s32 $0x1;
	s15 =	simm.s32 $0x1AC30;
	s17 =	simm.s32 $0x13880  }
0xf: {  	s18 =	simm.s32 $0x19C80;
	s19 =	simm.s32 $0x64;
	s20 =	simm.s32 $0x1AAF8  }
0x10: {  	v0 =	vlaneseq.u32;
	s12 =	sadd.s32 $0x28A800, s31;
	s13 =	smax.u32 s16, $0x1;
	s16 =	simm.s32 $0x1AA90  }
.LBB2_1:
0x11: {  	[tilespmem:s3], [sflag:$0x1] =	stream.linear.gather [hbm4b:s4+s3], $0x13880, $0x38;
	[tilespmem:$0x1D3B8] =	vst v63  }
0x12: {  	_ =	swait.ge [sflag:s14], $0x13880  }
0x13: {  	[sflag:s14] =	ssyncset.done $0x0  }
0x14: {  	[sflag:s14] =	ssyncadd.s32 $0xFFFEC780  }
0x15: {  	[tilespmem:s15], [sflag:$0x1] =	stream.linear.gather [hbm4b:s8+s3], $0x1400, $0x38;
	[tilespmem:$0x1D3B8] =	vst v63  }
0x16: {  	_ =	swait.ge [sflag:s14], $0x1400  }
0x17: {  	[sflag:s14] =	ssyncset.done $0x0  }
0x18: {  	[sflag:s14] =	ssyncadd.s32 $0xFFFFEC00  }
0x19: {  	[spmem:s9] =	stream.linear.scatter [tilespmem:s15], [sflag:$0x1], $0x1400, $0x38;
	[tilespmem:$0x1D3B8] =	vst v63  }
0x1a: {  	_ =	swait.ge [sflag:s14], $0x1400  }
0x1b: {  	[sflag:s14] =	ssyncset.done $0x0  }
0x1c: {  	[sflag:s14] =	ssyncadd.s32 $0xFFFFEC00  }
0x1d: {  	s28 =	simm.s32 $0x0;
	[bflag:$0x0] =	sbarrier.arrive $0xFFFF  }
.LBB2_2:
0x1e: {  	s29 =	smul.u32 $0x190, s28;
	_ =	sdelay $0x1  }
0x1f: {  	s30 =	sadd.s32 s29, s10  }
0x20: {  	s29 =	sshrl.u32 s30, $0x3  }
0x21: {  	s31 =	sadd.s32 s5, s29;
	s29 =	simm.s32 $0x1A900  }
0x22: {  	[tilespmem:s29], [sflag:$0x1] =	stream.linear.gather [hbm4b:s31+s0], $0x190, $0x38;
	[tilespmem:$0x1D3B8] =	vst v63  }
0x23: {  	s31 =	sshll.u32 s28, $0x2  }
0x24: {  	s31 =	sadd.s32 s31, s11  }
0x25: {  	_ =	swait.ge [sflag:s14], $0x190;
	s31 =	smul.u32 $0xD, s31  }
0x26: {  	[sflag:s14] =	ssyncset.done $0x0  }
0x27: {  	[sflag:s14] =	ssyncadd.s32 $0xFFFFFE70;
	s31 =	sadd.s32 s6, s31  }
0x28: {  	[tilespmem:s16], [sflag:$0x1] =	stream.linear.gather [hbm4b:s31+s0], $0x1A0, $0x38;
	[tilespmem:$0x1D3B8] =	vst v63  }
0x29: {  	_ =	swait.ge [sflag:s14], $0x1A0  }
0x2a: {  	s30 =	sshll.u32 s30, $0x3;
	[sflag:s14] =	ssyncset.done $0x0  }
0x2b: {  	s30 =	sadd.s32 s7, s30;
	[sflag:s14] =	ssyncadd.s32 $0xFFFFFE60  }
0x2c: {  	[tilespmem:s17], [sflag:$0x1] =	stream.linear.gather [hbm4b:s30+s0], $0x6400, $0x38;
	[tilespmem:$0x1D3B8] =	vst v63  }
0x2d: {  	_ =	swait.ge [sflag:s14], $0x6400  }
0x2e: {  	[sflag:s14] =	ssyncset.done $0x0  }
0x2f: {  	[sflag:s14] =	ssyncadd.s32 $0xFFFF9C00  }
0x30: {  	v2 =	vld [tilespmem:s29+$0x0]  }
0x31: {  	v10 =	vor.u32 s0, v0  }
0x32: {  	v1 =	vshll.u32 v10, $0x6  }
0x33: {  	v3 =	vor.u32 $0x8, v1;
	_ =	sdelay $0x1  }
0x34: {  	v7 =	vshll.u32 v2, $0x3  }
0x35: {  	v2 =	vor.u32 $0x1, v7  }
0x36: {  	v5 =	vor.u32 $0x10, v1  }
0x37: {  	v8 =	vld.idx.msk [tilespmem:v3+s17+$0x0], $0xffff;
	v6 =	vor.u32 $0x2, v7  }
0x38: {  	v11 =	vor.u32 $0x18, v1;
	v9 =	vld.idx.msk [tilespmem:v1+s17+$0x0], $0xffff  }
0x39: {  	v12 =	vor.u32 $0x3, v7;
	v3 =	vld.idx.msk [tilespmem:v7+s3+$0x0], $0xffff  }
0x3a: {  	v13 =	vor.u32 $0x20, v1;
	v4 =	vld.idx.msk [tilespmem:v2+s3+$0x0], $0xffff  }
0x3b: {  	v14 =	vld.idx.msk [tilespmem:v5+s17+$0x0], $0xffff;
	v2 =	vor.u32 $0x4, v7  }
0x3c: {  	v15 =	vor.u32 $0x28, v1;
	v5 =	vld.idx.msk [tilespmem:v6+s3+$0x0], $0xffff  }
0x3d: {  	v11 =	vld.idx.msk [tilespmem:v11+s17+$0x0], $0xffff;
	v16 =	vor.u32 $0x5, v7  }
0x3e: {  	v6 =	vld.idx.msk [tilespmem:v12+s3+$0x0], $0xffff;
	v12 =	vor.u32 $0x30, v1  }
0x3f: {  	v13 =	vld.idx.msk [tilespmem:v13+s17+$0x0], $0xffff;
	v17 =	vor.u32 $0x6, v7;
	v9 =	vmul.f32 v9, v3;
	v8 =	vmul.f32 v8, v4  }
0x40: {  	v18 =	vor.u32 $0x38, v1;
	v2 =	vld.idx.msk [tilespmem:v2+s3+$0x0], $0xffff  }
0x41: {  	v15 =	vld.idx.msk [tilespmem:v15+s17+$0x0], $0xffff;
	v19 =	vor.u32 $0x7, v7;
	v8 =	vadd.f32 v8, v9;
	v9 =	vmul.f32 v14, v5  }
0x42: {  	v7 =	vld.idx.msk [tilespmem:v16+s3+$0x0], $0xffff  }
0x43: {  	v12 =	vld.idx.msk [tilespmem:v12+s17+$0x0], $0xffff;
	v11 =	vmul.f32 v11, v6;
	v9 =	vadd.f32 v9, v8  }
0x44: {  	v8 =	vld.idx.msk [tilespmem:v17+s3+$0x0], $0xffff  }
0x45: {  	v14 =	vld.idx.msk [tilespmem:v18+s17+$0x0], $0xffff;
	v13 =	vmul.f32 v13, v2;
	v11 =	vadd.f32 v11, v9  }
0x46: {  	v9 =	vld.idx.msk [tilespmem:v19+s3+$0x0], $0xffff  }
0x47: {  	v11 =	vadd.f32 v13, v11;
	v13 =	vmul.f32 v15, v7;
	_ =	sdelay $0x1  }
0x48: {  	v12 =	vmul.f32 v12, v8;
	v11 =	vadd.f32 v13, v11  }
0x49: {  	v10 =	vshll.u32 v10, $0x3  }
0x4a: {  	v13 =	vor.u32 $0x1, v1;
	v11 =	vadd.f32 v12, v11;
	v12 =	vmul.f32 v14, v9  }
0x4b: {  	v14 =	vor.u32 $0x9, v1  }
0x4c: {  	v11 =	vadd.f32 v12, v11  }
0x4d: {  	v12 =	vor.u32 $0x11, v1  }
0x4e: {  	[tilespmem:v10+s18+$0x0] =	vst.idx.msk $0xffff, v11  }
0x4f: {  	v11 =	vld.idx.msk [tilespmem:v13+s17+$0x0], $0xffff;
	v13 =	vor.u32 $0x19, v1  }
0x50: {  	v14 =	vld.idx.msk [tilespmem:v14+s17+$0x0], $0xffff  }
0x51: {  	v15 =	vor.u32 $0x21, v1  }
0x52: {  	v12 =	vld.idx.msk [tilespmem:v12+s17+$0x0], $0xffff  }
0x53: {  	v16 =	vor.u32 $0x29, v1  }
0x54: {  	v13 =	vld.idx.msk [tilespmem:v13+s17+$0x0], $0xffff  }
0x55: {  	v17 =	vor.u32 $0x31, v1;
	v11 =	vmul.f32 v11, v3;
	v14 =	vmul.f32 v14, v4  }
0x56: {  	v15 =	vld.idx.msk [tilespmem:v15+s17+$0x0], $0xffff  }
0x57: {  	v18 =	vor.u32 $0x39, v1;
	v11 =	vadd.f32 v14, v11;
	v12 =	vmul.f32 v12, v5  }
0x58: {  	v14 =	vld.idx.msk [tilespmem:v16+s17+$0x0], $0xffff  }
0x59: {  	v11 =	vadd.f32 v12, v11;
	v12 =	vmul.f32 v13, v6  }
0x5a: {  	v13 =	vld.idx.msk [tilespmem:v17+s17+$0x0], $0xffff  }
0x5b: {  	v11 =	vadd.f32 v12, v11;
	v12 =	vmul.f32 v15, v2  }
0x5c: {  	v15 =	vld.idx.msk [tilespmem:v18+s17+$0x0], $0xffff  }
0x5d: {  	v11 =	vadd.f32 v12, v11;
	v12 =	vmul.f32 v14, v7;
	_ =	sdelay $0x1  }
0x5e: {  	v11 =	vadd.f32 v12, v11;
	v12 =	vmul.f32 v13, v8  }
0x5f: {  	v13 =	vor.u32 $0x1, v10  }
0x60: {  	v14 =	vor.u32 $0x2, v1;
	v11 =	vadd.f32 v12, v11;
	v12 =	vmul.f32 v15, v9  }
0x61: {  	v15 =	vor.u32 $0xA, v1  }
0x62: {  	v11 =	vadd.f32 v12, v11  }
0x63: {  	v12 =	vor.u32 $0x12, v1  }
0x64: {  	[tilespmem:v13+s18+$0x0] =	vst.idx.msk $0xffff, v11  }
0x65: {  	v13 =	vor.u32 $0x1A, v1;
	v11 =	vld.idx.msk [tilespmem:v14+s17+$0x0], $0xffff  }
0x66: {  	v14 =	vld.idx.msk [tilespmem:v15+s17+$0x0], $0xffff  }
0x67: {  	v15 =	vor.u32 $0x22, v1  }
0x68: {  	v12 =	vld.idx.msk [tilespmem:v12+s17+$0x0], $0xffff  }
0x69: {  	v16 =	vor.u32 $0x2A, v1  }
0x6a: {  	v13 =	vld.idx.msk [tilespmem:v13+s17+$0x0], $0xffff  }
0x6b: {  	v17 =	vor.u32 $0x32, v1;
	v11 =	vmul.f32 v11, v3;
	v14 =	vmul.f32 v14, v4  }
0x6c: {  	v15 =	vld.idx.msk [tilespmem:v15+s17+$0x0], $0xffff  }
0x6d: {  	v18 =	vor.u32 $0x3A, v1;
	v11 =	vadd.f32 v14, v11;
	v12 =	vmul.f32 v12, v5  }
0x6e: {  	v14 =	vld.idx.msk [tilespmem:v16+s17+$0x0], $0xffff  }
0x6f: {  	v11 =	vadd.f32 v12, v11;
	v12 =	vmul.f32 v13, v6  }
0x70: {  	v13 =	vld.idx.msk [tilespmem:v17+s17+$0x0], $0xffff  }
0x71: {  	v11 =	vadd.f32 v12, v11;
	v12 =	vmul.f32 v15, v2  }
0x72: {  	v15 =	vld.idx.msk [tilespmem:v18+s17+$0x0], $0xffff  }
0x73: {  	v11 =	vadd.f32 v12, v11;
	v12 =	vmul.f32 v14, v7;
	_ =	sdelay $0x1  }
0x74: {  	v11 =	vadd.f32 v12, v11;
	v12 =	vmul.f32 v13, v8  }
0x75: {  	v13 =	vor.u32 $0x2, v10  }
0x76: {  	v14 =	vor.u32 $0x3, v1;
	v11 =	vadd.f32 v12, v11;
	v12 =	vmul.f32 v15, v9  }
0x77: {  	v15 =	vor.u32 $0xB, v1  }
0x78: {  	v11 =	vadd.f32 v12, v11  }
0x79: {  	v12 =	vor.u32 $0x13, v1  }
0x7a: {  	[tilespmem:v13+s18+$0x0] =	vst.idx.msk $0xffff, v11  }
0x7b: {  	v13 =	vor.u32 $0x1B, v1;
	v11 =	vld.idx.msk [tilespmem:v14+s17+$0x0], $0xffff  }
0x7c: {  	v14 =	vld.idx.msk [tilespmem:v15+s17+$0x0], $0xffff  }
0x7d: {  	v15 =	vor.u32 $0x23, v1  }
0x7e: {  	v12 =	vld.idx.msk [tilespmem:v12+s17+$0x0], $0xffff  }
0x7f: {  	v16 =	vor.u32 $0x2B, v1  }
0x80: {  	v13 =	vld.idx.msk [tilespmem:v13+s17+$0x0], $0xffff  }
0x81: {  	v17 =	vor.u32 $0x33, v1;
	v11 =	vmul.f32 v11, v3;
	v14 =	vmul.f32 v14, v4  }
0x82: {  	v15 =	vld.idx.msk [tilespmem:v15+s17+$0x0], $0xffff  }
0x83: {  	v18 =	vor.u32 $0x3B, v1;
	v11 =	vadd.f32 v14, v11;
	v12 =	vmul.f32 v12, v5  }
0x84: {  	v14 =	vld.idx.msk [tilespmem:v16+s17+$0x0], $0xffff  }
0x85: {  	v11 =	vadd.f32 v12, v11;
	v12 =	vmul.f32 v13, v6  }
0x86: {  	v13 =	vld.idx.msk [tilespmem:v17+s17+$0x0], $0xffff  }
0x87: {  	v11 =	vadd.f32 v12, v11;
	v12 =	vmul.f32 v15, v2  }
0x88: {  	v15 =	vld.idx.msk [tilespmem:v18+s17+$0x0], $0xffff  }
0x89: {  	v11 =	vadd.f32 v12, v11;
	v12 =	vmul.f32 v14, v7;
	_ =	sdelay $0x1  }
0x8a: {  	v11 =	vadd.f32 v12, v11;
	v12 =	vmul.f32 v13, v8  }
0x8b: {  	v13 =	vor.u32 $0x3, v10  }
0x8c: {  	v14 =	vor.u32 $0x4, v1;
	v11 =	vadd.f32 v12, v11;
	v12 =	vmul.f32 v15, v9  }
0x8d: {  	v15 =	vor.u32 $0xC, v1  }
0x8e: {  	v11 =	vadd.f32 v12, v11  }
0x8f: {  	v12 =	vor.u32 $0x14, v1  }
0x90: {  	[tilespmem:v13+s18+$0x0] =	vst.idx.msk $0xffff, v11  }
0x91: {  	v13 =	vor.u32 $0x1C, v1;
	v11 =	vld.idx.msk [tilespmem:v14+s17+$0x0], $0xffff  }
0x92: {  	v14 =	vld.idx.msk [tilespmem:v15+s17+$0x0], $0xffff  }
0x93: {  	v15 =	vor.u32 $0x24, v1  }
0x94: {  	v12 =	vld.idx.msk [tilespmem:v12+s17+$0x0], $0xffff  }
0x95: {  	v16 =	vor.u32 $0x2C, v1  }
0x96: {  	v13 =	vld.idx.msk [tilespmem:v13+s17+$0x0], $0xffff  }
0x97: {  	v17 =	vor.u32 $0x34, v1;
	v11 =	vmul.f32 v11, v3;
	v14 =	vmul.f32 v14, v4  }
0x98: {  	v15 =	vld.idx.msk [tilespmem:v15+s17+$0x0], $0xffff  }
0x99: {  	v18 =	vor.u32 $0x3C, v1;
	v11 =	vadd.f32 v14, v11;
	v12 =	vmul.f32 v12, v5  }
0x9a: {  	v14 =	vld.idx.msk [tilespmem:v16+s17+$0x0], $0xffff  }
0x9b: {  	v11 =	vadd.f32 v12, v11;
	v12 =	vmul.f32 v13, v6  }
0x9c: {  	v13 =	vld.idx.msk [tilespmem:v17+s17+$0x0], $0xffff  }
0x9d: {  	v11 =	vadd.f32 v12, v11;
	v12 =	vmul.f32 v15, v2  }
0x9e: {  	v15 =	vld.idx.msk [tilespmem:v18+s17+$0x0], $0xffff  }
0x9f: {  	v11 =	vadd.f32 v12, v11;
	v12 =	vmul.f32 v14, v7;
	_ =	sdelay $0x1  }
0xa0: {  	v11 =	vadd.f32 v12, v11;
	v12 =	vmul.f32 v13, v8  }
0xa1: {  	v13 =	vor.u32 $0x4, v10  }
0xa2: {  	v14 =	vor.u32 $0x5, v1;
	v11 =	vadd.f32 v12, v11;
	v12 =	vmul.f32 v15, v9  }
0xa3: {  	v15 =	vor.u32 $0xD, v1  }
0xa4: {  	v11 =	vadd.f32 v12, v11  }
0xa5: {  	v12 =	vor.u32 $0x15, v1  }
0xa6: {  	[tilespmem:v13+s18+$0x0] =	vst.idx.msk $0xffff, v11  }
0xa7: {  	v11 =	vor.u32 $0x1D, v1;
	v13 =	vld.idx.msk [tilespmem:v14+s17+$0x0], $0xffff  }
0xa8: {  	v14 =	vld.idx.msk [tilespmem:v15+s17+$0x0], $0xffff  }
0xa9: {  	v15 =	vor.u32 $0x25, v1  }
0xaa: {  	v12 =	vld.idx.msk [tilespmem:v12+s17+$0x0], $0xffff  }
0xab: {  	v16 =	vor.u32 $0x2D, v1  }
0xac: {  	v11 =	vld.idx.msk [tilespmem:v11+s17+$0x0], $0xffff  }
0xad: {  	v17 =	vor.u32 $0x35, v1;
	v13 =	vmul.f32 v13, v3;
	v14 =	vmul.f32 v14, v4  }
0xae: {  	v15 =	vld.idx.msk [tilespmem:v15+s17+$0x0], $0xffff  }
0xaf: {  	v18 =	vor.u32 $0x3D, v1;
	v12 =	vmul.f32 v12, v5;
	v13 =	vadd.f32 v14, v13  }
0xb0: {  	v14 =	vld.idx.msk [tilespmem:v16+s17+$0x0], $0xffff  }
0xb1: {  	v11 =	vmul.f32 v11, v6;
	v12 =	vadd.f32 v12, v13  }
0xb2: {  	v13 =	vld.idx.msk [tilespmem:v17+s17+$0x0], $0xffff  }
0xb3: {  	v15 =	vmul.f32 v15, v2;
	v11 =	vadd.f32 v11, v12  }
0xb4: {  	v12 =	vld.idx.msk [tilespmem:v18+s17+$0x0], $0xffff  }
0xb5: {  	v14 =	vmul.f32 v14, v7;
	v11 =	vadd.f32 v15, v11;
	_ =	sdelay $0x1  }
0xb6: {  	v13 =	vmul.f32 v13, v8;
	v11 =	vadd.f32 v14, v11  }
0xb7: {  	v14 =	vor.u32 $0x5, v10  }
0xb8: {  	v12 =	vmul.f32 v12, v9;
	v11 =	vadd.f32 v13, v11;
	v13 =	vor.u32 $0x6, v1  }
0xb9: {  	v15 =	vor.u32 $0xE, v1  }
0xba: {  	v11 =	vadd.f32 v12, v11;
	v12 =	vor.u32 $0x16, v1  }
0xbb: {  	v16 =	vor.u32 $0x1E, v1  }
0xbc: {  	[tilespmem:v14+s18+$0x0] =	vst.idx.msk $0xffff, v11;
	v11 =	vor.u32 $0x26, v1  }
0xbd: {  	v13 =	vld.idx.msk [tilespmem:v13+s17+$0x0], $0xffff  }
0xbe: {  	v14 =	vld.idx.msk [tilespmem:v15+s17+$0x0], $0xffff;
	v15 =	vor.u32 $0x2E, v1  }
0xbf: {  	v17 =	vld.idx.msk [tilespmem:v12+s17+$0x0], $0xffff;
	v12 =	vor.u32 $0x36, v1  }
0xc0: {  	v19 =	vor.u32 $0x3E, v1;
	v18 =	vld.idx.msk [tilespmem:v16+s17+$0x0], $0xffff  }
0xc1: {  	v20 =	vld.idx.msk [tilespmem:v11+s17+$0x0], $0xffff;
	_ =	sdelay $0x1  }
0xc2: {  	v11 =	vld.idx.msk [tilespmem:v15+s17+$0x0], $0xffff  }
0xc3: {  	v15 =	vmul.f32 v13, v3;
	v14 =	vmul.f32 v14, v4;
	v12 =	vld.idx.msk [tilespmem:v12+s17+$0x0], $0xffff  }
0xc4: {  	v13 =	vld.idx.msk [tilespmem:v19+s17+$0x0], $0xffff;
	v16 =	vmul.f32 v17, v5  }
0xc5: {  	s30 =	simm.s32 $0x10;
	v17 =	vadd.f32 v14, v15;
	v15 =	vmul.f32 v18, v6;
	v14 =	vmul.f32 v20, v2  }
.LBB2_3:
0xc6: {  	p0 =	sne.s32 s30, $0x180  }
0xc7: {  	v16 =	vadd.f32 v16, v17;
	s29 =	sadd.s32 $0x10, s29;
	s31 =	smov.u32 s30;
	s30 =	sadd.s32 $0x10, s30  }
0xc8: {  	v12 =	vmul.f32 v12, v8  }
0xc9: {  	v13 =	vmul.f32 v13, v9;
	v15 =	vadd.f32 v15, v16;
	_ =	sdelay $0x1  }
0xca: {  	v11 =	vmul.f32 v11, v7;
	v14 =	vadd.f32 v14, v15;
	_ =	sdelay $0x1  }
0xcb: {  	v11 =	vadd.f32 v11, v14  }
0xcc: {  	v14 =	vor.u32 $0x6, v10  }
0xcd: {  	v15 =	vor.u32 $0xF, v1;
	v11 =	vadd.f32 v12, v11;
	v12 =	vor.u32 $0x7, v1;
	_ =	sdelay $0x1  }
0xce: {  	v11 =	vadd.f32 v13, v11;
	v13 =	vor.u32 $0x17, v1  }
0xcf: {  	v16 =	vor.u32 $0x1F, v1  }
0xd0: {  	[tilespmem:v14+s18+$0x0] =	vst.idx.msk $0xffff, v11;
	v11 =	vor.u32 $0x27, v1  }
0xd1: {  	v14 =	vor.u32 $0x2F, v1;
	v12 =	vld.idx.msk [tilespmem:v12+s17+$0x0], $0xffff  }
0xd2: {  	v17 =	vor.u32 $0x37, v1;
	v15 =	vld.idx.msk [tilespmem:v15+s17+$0x0], $0xffff  }
0xd3: {  	v1 =	vor.u32 $0x3F, v1;
	v13 =	vld.idx.msk [tilespmem:v13+s17+$0x0], $0xffff  }
0xd4: {  	v16 =	vld.idx.msk [tilespmem:v16+s17+$0x0], $0xffff  }
0xd5: {  	v11 =	vld.idx.msk [tilespmem:v11+s17+$0x0], $0xffff  }
0xd6: {  	v14 =	vld.idx.msk [tilespmem:v14+s17+$0x0], $0xffff  }
0xd7: {  	v3 =	vmul.f32 v12, v3;
	v12 =	vld.idx.msk [tilespmem:v17+s17+$0x0], $0xffff  }
0xd8: {  	v4 =	vmul.f32 v15, v4;
	v1 =	vld.idx.msk [tilespmem:v1+s17+$0x0], $0xffff  }
0xd9: {  	v5 =	vmul.f32 v13, v5  }
0xda: {  	v3 =	vadd.f32 v4, v3;
	v4 =	vmul.f32 v16, v6  }
0xdb: {  	v2 =	vmul.f32 v11, v2  }
0xdc: {  	v3 =	vadd.f32 v5, v3;
	v5 =	vmul.f32 v14, v7  }
0xdd: {  	v6 =	vmul.f32 v12, v8  }
0xde: {  	v3 =	vadd.f32 v4, v3;
	v1 =	vmul.f32 v1, v9;
	_ =	sdelay $0x1  }
0xdf: {  	v2 =	vadd.f32 v2, v3;
	_ =	sdelay $0x1  }
0xe0: {  	v3 =	vor.u32 $0x7, v10;
	v2 =	vadd.f32 v5, v2;
	_ =	sdelay $0x1  }
0xe1: {  	v2 =	vadd.f32 v6, v2;
	_ =	sdelay $0x1  }
0xe2: {  	v1 =	vadd.f32 v1, v2;
	_ =	sdelay $0x1  }
0xe3: {  	v10 =	vor.u32 s31, v0;
	[tilespmem:v3+s18+$0x0] =	vst.idx.msk $0xffff, v1  }
0xe4: {  	v1 =	vshll.u32 v10, $0x6;
	v2 =	vld [tilespmem:s29+$0x0]  }
0xe5: {  	v3 =	vor.u32 $0x10, v1  }
0xe6: {  	v4 =	vor.u32 $0x20, v1  }
0xe7: {  	v5 =	vor.u32 $0x8, v1;
	_ =	sdelay $0x1  }
0xe8: {  	v2 =	vshll.u32 v2, $0x3  }
0xe9: {  	v6 =	vor.u32 $0x1, v2;
	v7 =	vor.u32 $0x2, v2;
	v8 =	vor.u32 $0x3, v2;
	v9 =	vld.idx.msk [tilespmem:v3+s17+$0x0], $0xffff  }
0xea: {  	v11 =	vor.u32 $0x4, v2;
	v12 =	vor.u32 $0x5, v2;
	v13 =	vor.u32 $0x6, v2;
	v14 =	vld.idx.msk [tilespmem:v4+s17+$0x0], $0xffff  }
0xeb: {  	v15 =	vor.u32 $0x7, v2;
	v16 =	vld.idx.msk [tilespmem:v5+s17+$0x0], $0xffff  }
0xec: {  	v18 =	vor.u32 $0x18, v1;
	v17 =	vld.idx.msk [tilespmem:v1+s17+$0x0], $0xffff  }
0xed: {  	v3 =	vld.idx.msk [tilespmem:v2+s3+$0x0], $0xffff  }
0xee: {  	v4 =	vld.idx.msk [tilespmem:v6+s3+$0x0], $0xffff  }
0xef: {  	v2 =	vld.idx.msk [tilespmem:v11+s3+$0x0], $0xffff  }
0xf0: {  	v5 =	vld.idx.msk [tilespmem:v7+s3+$0x0], $0xffff;
	v7 =	vor.u32 $0x28, v1  }
0xf1: {  	v11 =	vld.idx.msk [tilespmem:v18+s17+$0x0], $0xffff  }
0xf2: {  	v6 =	vld.idx.msk [tilespmem:v8+s3+$0x0], $0xffff;
	v8 =	vor.u32 $0x30, v1;
	_ =	sdelay $0x1  }
0xf3: {  	v18 =	vor.u32 $0x38, v1;
	v17 =	vmul.f32 v17, v3;
	v16 =	vmul.f32 v16, v4  }
0xf4: {  	v14 =	vmul.f32 v14, v2;
	v19 =	vld.idx.msk [tilespmem:v7+s17+$0x0], $0xffff  }
0xf5: {  	v9 =	vmul.f32 v9, v5;
	v7 =	vld.idx.msk [tilespmem:v12+s3+$0x0], $0xffff;
	v12 =	vadd.f32 v16, v17  }
0xf6: {  	v16 =	vld.idx.msk [tilespmem:v8+s17+$0x0], $0xffff  }
0xf7: {  	v11 =	vmul.f32 v11, v6;
	v8 =	vld.idx.msk [tilespmem:v13+s3+$0x0], $0xffff;
	v12 =	vadd.f32 v9, v12  }
0xf8: {  	v13 =	vld.idx.msk [tilespmem:v18+s17+$0x0], $0xffff  }
0xf9: {  	v9 =	vld.idx.msk [tilespmem:v15+s3+$0x0], $0xffff;
	v11 =	vadd.f32 v11, v12;
	_ =	sdelay $0x1  }
0xfa: {  	v12 =	vmul.f32 v19, v7;
	v11 =	vadd.f32 v14, v11;
	_ =	sdelay $0x1  }
0xfb: {  	v11 =	vadd.f32 v12, v11;
	v12 =	vmul.f32 v16, v8  }
0xfc: {  	v10 =	vshll.u32 v10, $0x3  }
0xfd: {  	v11 =	vadd.f32 v12, v11;
	v12 =	vmul.f32 v13, v9;
	v13 =	vor.u32 $0x1, v1  }
0xfe: {  	v14 =	vor.u32 $0x9, v1  }
0xff: {  	v11 =	vadd.f32 v12, v11  }
0x100: {  	v12 =	vor.u32 $0x11, v1  }
0x101: {  	[tilespmem:v10+s18+$0x0] =	vst.idx.msk $0xffff, v11  }
0x102: {  	v11 =	vld.idx.msk [tilespmem:v13+s17+$0x0], $0xffff;
	v13 =	vor.u32 $0x19, v1  }
0x103: {  	v14 =	vld.idx.msk [tilespmem:v14+s17+$0x0], $0xffff  }
0x104: {  	v15 =	vor.u32 $0x21, v1  }
0x105: {  	v12 =	vld.idx.msk [tilespmem:v12+s17+$0x0], $0xffff  }
0x106: {  	v16 =	vor.u32 $0x29, v1  }
0x107: {  	v13 =	vld.idx.msk [tilespmem:v13+s17+$0x0], $0xffff  }
0x108: {  	v17 =	vor.u32 $0x31, v1;
	v11 =	vmul.f32 v11, v3  }
0x109: {  	v14 =	vmul.f32 v14, v4;
	v15 =	vld.idx.msk [tilespmem:v15+s17+$0x0], $0xffff  }
0x10a: {  	v18 =	vor.u32 $0x39, v1  }
0x10b: {  	v11 =	vadd.f32 v14, v11;
	v12 =	vmul.f32 v12, v5;
	v14 =	vld.idx.msk [tilespmem:v16+s17+$0x0], $0xffff;
	_ =	sdelay $0x1  }
0x10c: {  	v11 =	vadd.f32 v12, v11;
	v12 =	vmul.f32 v13, v6;
	v13 =	vld.idx.msk [tilespmem:v17+s17+$0x0], $0xffff;
	_ =	sdelay $0x1  }
0x10d: {  	v11 =	vadd.f32 v12, v11;
	v12 =	vmul.f32 v15, v2;
	v15 =	vld.idx.msk [tilespmem:v18+s17+$0x0], $0xffff;
	_ =	sdelay $0x1  }
0x10e: {  	v11 =	vadd.f32 v12, v11;
	v12 =	vmul.f32 v14, v7;
	_ =	sdelay $0x1  }
0x10f: {  	v11 =	vadd.f32 v12, v11;
	v12 =	vmul.f32 v13, v8  }
0x110: {  	v13 =	vor.u32 $0x1, v10  }
0x111: {  	v14 =	vor.u32 $0x2, v1;
	v11 =	vadd.f32 v12, v11;
	v12 =	vmul.f32 v15, v9  }
0x112: {  	v15 =	vor.u32 $0xA, v1  }
0x113: {  	v11 =	vadd.f32 v12, v11  }
0x114: {  	v12 =	vor.u32 $0x12, v1  }
0x115: {  	[tilespmem:v13+s18+$0x0] =	vst.idx.msk $0xffff, v11  }
0x116: {  	v13 =	vor.u32 $0x1A, v1;
	v11 =	vld.idx.msk [tilespmem:v14+s17+$0x0], $0xffff  }
0x117: {  	v14 =	vld.idx.msk [tilespmem:v15+s17+$0x0], $0xffff  }
0x118: {  	v15 =	vor.u32 $0x22, v1  }
0x119: {  	v12 =	vld.idx.msk [tilespmem:v12+s17+$0x0], $0xffff  }
0x11a: {  	v16 =	vor.u32 $0x2A, v1  }
0x11b: {  	v13 =	vld.idx.msk [tilespmem:v13+s17+$0x0], $0xffff  }
0x11c: {  	v17 =	vor.u32 $0x32, v1;
	v11 =	vmul.f32 v11, v3  }
0x11d: {  	v14 =	vmul.f32 v14, v4;
	v15 =	vld.idx.msk [tilespmem:v15+s17+$0x0], $0xffff  }
0x11e: {  	v18 =	vor.u32 $0x3A, v1  }
0x11f: {  	v11 =	vadd.f32 v14, v11;
	v12 =	vmul.f32 v12, v5;
	v14 =	vld.idx.msk [tilespmem:v16+s17+$0x0], $0xffff;
	_ =	sdelay $0x1  }
0x120: {  	v11 =	vadd.f32 v12, v11;
	v12 =	vmul.f32 v13, v6;
	v13 =	vld.idx.msk [tilespmem:v17+s17+$0x0], $0xffff;
	_ =	sdelay $0x1  }
0x121: {  	v11 =	vadd.f32 v12, v11;
	v12 =	vmul.f32 v15, v2;
	v15 =	vld.idx.msk [tilespmem:v18+s17+$0x0], $0xffff;
	_ =	sdelay $0x1  }
0x122: {  	v11 =	vadd.f32 v12, v11;
	v12 =	vmul.f32 v14, v7;
	_ =	sdelay $0x1  }
0x123: {  	v11 =	vadd.f32 v12, v11;
	v12 =	vmul.f32 v13, v8  }
0x124: {  	v13 =	vor.u32 $0x2, v10  }
0x125: {  	v14 =	vor.u32 $0x3, v1;
	v11 =	vadd.f32 v12, v11;
	v12 =	vmul.f32 v15, v9  }
0x126: {  	v15 =	vor.u32 $0xB, v1  }
0x127: {  	v11 =	vadd.f32 v12, v11  }
0x128: {  	v12 =	vor.u32 $0x13, v1  }
0x129: {  	[tilespmem:v13+s18+$0x0] =	vst.idx.msk $0xffff, v11  }
0x12a: {  	v13 =	vor.u32 $0x1B, v1;
	v11 =	vld.idx.msk [tilespmem:v14+s17+$0x0], $0xffff  }
0x12b: {  	v14 =	vld.idx.msk [tilespmem:v15+s17+$0x0], $0xffff  }
0x12c: {  	v15 =	vor.u32 $0x23, v1  }
0x12d: {  	v12 =	vld.idx.msk [tilespmem:v12+s17+$0x0], $0xffff  }
0x12e: {  	v16 =	vor.u32 $0x2B, v1  }
0x12f: {  	v13 =	vld.idx.msk [tilespmem:v13+s17+$0x0], $0xffff  }
0x130: {  	v17 =	vor.u32 $0x33, v1;
	v11 =	vmul.f32 v11, v3  }
0x131: {  	v14 =	vmul.f32 v14, v4;
	v15 =	vld.idx.msk [tilespmem:v15+s17+$0x0], $0xffff  }
0x132: {  	v18 =	vor.u32 $0x3B, v1  }
0x133: {  	v11 =	vadd.f32 v14, v11;
	v12 =	vmul.f32 v12, v5;
	v14 =	vld.idx.msk [tilespmem:v16+s17+$0x0], $0xffff;
	_ =	sdelay $0x1  }
0x134: {  	v11 =	vadd.f32 v12, v11;
	v12 =	vmul.f32 v13, v6;
	v13 =	vld.idx.msk [tilespmem:v17+s17+$0x0], $0xffff;
	_ =	sdelay $0x1  }
0x135: {  	v11 =	vadd.f32 v12, v11;
	v12 =	vmul.f32 v15, v2;
	v15 =	vld.idx.msk [tilespmem:v18+s17+$0x0], $0xffff;
	_ =	sdelay $0x1  }
0x136: {  	v11 =	vadd.f32 v12, v11;
	v12 =	vmul.f32 v14, v7;
	_ =	sdelay $0x1  }
0x137: {  	v11 =	vadd.f32 v12, v11;
	v12 =	vmul.f32 v13, v8  }
0x138: {  	v13 =	vor.u32 $0x3, v10  }
0x139: {  	v14 =	vor.u32 $0x4, v1;
	v11 =	vadd.f32 v12, v11;
	v12 =	vmul.f32 v15, v9  }
0x13a: {  	v15 =	vor.u32 $0xC, v1  }
0x13b: {  	v11 =	vadd.f32 v12, v11  }
0x13c: {  	v12 =	vor.u32 $0x14, v1  }
0x13d: {  	[tilespmem:v13+s18+$0x0] =	vst.idx.msk $0xffff, v11  }
0x13e: {  	v13 =	vor.u32 $0x1C, v1;
	v11 =	vld.idx.msk [tilespmem:v14+s17+$0x0], $0xffff  }
0x13f: {  	v14 =	vld.idx.msk [tilespmem:v15+s17+$0x0], $0xffff  }
0x140: {  	v15 =	vor.u32 $0x24, v1  }
0x141: {  	v12 =	vld.idx.msk [tilespmem:v12+s17+$0x0], $0xffff  }
0x142: {  	v16 =	vor.u32 $0x2C, v1  }
0x143: {  	v13 =	vld.idx.msk [tilespmem:v13+s17+$0x0], $0xffff  }
0x144: {  	v17 =	vor.u32 $0x34, v1;
	v11 =	vmul.f32 v11, v3  }
0x145: {  	v14 =	vmul.f32 v14, v4;
	v15 =	vld.idx.msk [tilespmem:v15+s17+$0x0], $0xffff  }
0x146: {  	v18 =	vor.u32 $0x3C, v1  }
0x147: {  	v11 =	vadd.f32 v14, v11;
	v12 =	vmul.f32 v12, v5;
	v14 =	vld.idx.msk [tilespmem:v16+s17+$0x0], $0xffff;
	_ =	sdelay $0x1  }
0x148: {  	v11 =	vadd.f32 v12, v11;
	v12 =	vmul.f32 v13, v6;
	v13 =	vld.idx.msk [tilespmem:v17+s17+$0x0], $0xffff;
	_ =	sdelay $0x1  }
0x149: {  	v11 =	vadd.f32 v12, v11;
	v12 =	vmul.f32 v15, v2;
	v15 =	vld.idx.msk [tilespmem:v18+s17+$0x0], $0xffff;
	_ =	sdelay $0x1  }
0x14a: {  	v11 =	vadd.f32 v12, v11;
	v12 =	vmul.f32 v14, v7;
	_ =	sdelay $0x1  }
0x14b: {  	v11 =	vadd.f32 v12, v11;
	v12 =	vmul.f32 v13, v8  }
0x14c: {  	v13 =	vor.u32 $0x4, v10  }
0x14d: {  	v14 =	vor.u32 $0x5, v1;
	v11 =	vadd.f32 v12, v11;
	v12 =	vmul.f32 v15, v9  }
0x14e: {  	v15 =	vor.u32 $0xD, v1  }
0x14f: {  	v11 =	vadd.f32 v12, v11;
	v12 =	vor.u32 $0x15, v1  }
0x150: {  	v16 =	vor.u32 $0x1D, v1  }
0x151: {  	[tilespmem:v13+s18+$0x0] =	vst.idx.msk $0xffff, v11;
	v11 =	vor.u32 $0x25, v1  }
0x152: {  	v13 =	vld.idx.msk [tilespmem:v14+s17+$0x0], $0xffff;
	v14 =	vor.u32 $0x2D, v1  }
0x153: {  	v17 =	vor.u32 $0x35, v1;
	v15 =	vld.idx.msk [tilespmem:v15+s17+$0x0], $0xffff  }
0x154: {  	v18 =	vor.u32 $0x3D, v1;
	v12 =	vld.idx.msk [tilespmem:v12+s17+$0x0], $0xffff  }
0x155: {  	v16 =	vld.idx.msk [tilespmem:v16+s17+$0x0], $0xffff  }
0x156: {  	v11 =	vld.idx.msk [tilespmem:v11+s17+$0x0], $0xffff  }
0x157: {  	v14 =	vld.idx.msk [tilespmem:v14+s17+$0x0], $0xffff  }
0x158: {  	v13 =	vmul.f32 v13, v3;
	v17 =	vld.idx.msk [tilespmem:v17+s17+$0x0], $0xffff  }
0x159: {  	v15 =	vmul.f32 v15, v4;
	v18 =	vld.idx.msk [tilespmem:v18+s17+$0x0], $0xffff  }
0x15a: {  	v12 =	vmul.f32 v12, v5  }
0x15b: {  	v13 =	vadd.f32 v15, v13;
	v15 =	vmul.f32 v16, v6  }
0x15c: {  	v11 =	vmul.f32 v11, v2  }
0x15d: {  	v12 =	vadd.f32 v12, v13;
	v13 =	vmul.f32 v14, v7  }
0x15e: {  	v14 =	vmul.f32 v17, v8  }
0x15f: {  	v12 =	vadd.f32 v15, v12;
	v15 =	vmul.f32 v18, v9;
	_ =	sdelay $0x1  }
0x160: {  	v11 =	vadd.f32 v11, v12;
	_ =	sdelay $0x1  }
0x161: {  	v11 =	vadd.f32 v13, v11  }
0x162: {  	v12 =	vor.u32 $0x5, v10  }
0x163: {  	v13 =	vor.u32 $0x6, v1;
	v11 =	vadd.f32 v14, v11  }
0x164: {  	v14 =	vor.u32 $0xE, v1  }
0x165: {  	v11 =	vadd.f32 v15, v11;
	v15 =	vor.u32 $0x16, v1  }
0x166: {  	v16 =	vor.u32 $0x1E, v1  }
0x167: {  	[tilespmem:v12+s18+$0x0] =	vst.idx.msk $0xffff, v11;
	v11 =	vor.u32 $0x26, v1  }
0x168: {  	v12 =	vld.idx.msk [tilespmem:v13+s17+$0x0], $0xffff;
	v13 =	vor.u32 $0x2E, v1  }
0x169: {  	v17 =	vor.u32 $0x36, v1;
	v14 =	vld.idx.msk [tilespmem:v14+s17+$0x0], $0xffff  }
0x16a: {  	v18 =	vor.u32 $0x3E, v1;
	v15 =	vld.idx.msk [tilespmem:v15+s17+$0x0], $0xffff  }
0x16b: {  	v19 =	vld.idx.msk [tilespmem:v16+s17+$0x0], $0xffff  }
0x16c: {  	v20 =	vld.idx.msk [tilespmem:v11+s17+$0x0], $0xffff  }
0x16d: {  	v11 =	vld.idx.msk [tilespmem:v13+s17+$0x0], $0xffff  }
.Ltmp0:
0x16e: {  	v21 =	vmul.f32 v12, v3;
	v12 =	vld.idx.msk [tilespmem:v17+s17+$0x0], $0xffff;
	(pc) =	sbr.rel @p0 .LBB2_3-.Ltmp0, $4  }
0x16f: {  	v14 =	vmul.f32 v14, v4;
	v13 =	vld.idx.msk [tilespmem:v18+s17+$0x0], $0xffff  }
0x170: {  	v16 =	vmul.f32 v15, v5  }
0x171: {  	v17 =	vadd.f32 v14, v21;
	v15 =	vmul.f32 v19, v6  }
0x172: {  	v14 =	vmul.f32 v20, v2  }
0x173: {  	v16 =	vadd.f32 v16, v17;
	_ =	sdelay $0x1  }
0x174: {  	v15 =	vadd.f32 v15, v16;
	_ =	sdelay $0x1  }
0x175: {  	v11 =	vmul.f32 v11, v7;
	v14 =	vadd.f32 v14, v15;
	_ =	sdelay $0x1  }
0x176: {  	v12 =	vmul.f32 v12, v8;
	v11 =	vadd.f32 v11, v14  }
0x177: {  	v52 =	vor.u32 $0x6, v10  }
0x178: {  	v53 =	vor.u32 $0x7, v1;
	v13 =	vmul.f32 v13, v9;
	v11 =	vadd.f32 v12, v11  }
0x179: {  	v54 =	vor.u32 $0xF, v1  }
0x17a: {  	v11 =	vadd.f32 v13, v11  }
0x17b: {  	v55 =	vor.u32 $0x17, v1  }
0x17c: {  	[tilespmem:v52+s18+$0x0] =	vst.idx.msk $0xffff, v11  }
0x17d: {  	v56 =	vor.u32 $0x1F, v1;
	v12 =	vld.idx.msk [tilespmem:v53+s17+$0x0], $0xffff  }
0x17e: {  	v14 =	vld.idx.msk [tilespmem:v54+s17+$0x0], $0xffff  }
0x17f: {  	v57 =	vor.u32 $0x27, v1  }
0x180: {  	v13 =	vld.idx.msk [tilespmem:v55+s17+$0x0], $0xffff  }
0x181: {  	v58 =	vor.u32 $0x2F, v1  }
0x182: {  	v11 =	vld.idx.msk [tilespmem:v56+s17+$0x0], $0xffff  }
0x183: {  	v59 =	vor.u32 $0x37, v1;
	v3 =	vmul.f32 v12, v3;
	v4 =	vmul.f32 v14, v4  }
0x184: {  	v60 =	vld.idx.msk [tilespmem:v57+s17+$0x0], $0xffff  }
0x185: {  	v1 =	vor.u32 $0x3F, v1;
	v5 =	vmul.f32 v13, v5;
	v3 =	vadd.f32 v4, v3  }
0x186: {  	v61 =	vld.idx.msk [tilespmem:v58+s17+$0x0], $0xffff  }
0x187: {  	v6 =	vmul.f32 v11, v6;
	v3 =	vadd.f32 v5, v3  }
0x188: {  	v62 =	vld.idx.msk [tilespmem:v59+s17+$0x0], $0xffff  }
0x189: {  	v2 =	vmul.f32 v60, v2;
	v3 =	vadd.f32 v6, v3  }
0x18a: {  	v1 =	vld.idx.msk [tilespmem:v1+s17+$0x0], $0xffff  }
0x18b: {  	v4 =	vmul.f32 v61, v7;
	v2 =	vadd.f32 v2, v3;
	_ =	sdelay $0x1  }
0x18c: {  	v3 =	vmul.f32 v62, v8;
	v2 =	vadd.f32 v4, v2  }
0x18d: {  	v63 =	vor.u32 $0x7, v10  }
0x18e: {  	v1 =	vmul.f32 v1, v9;
	v2 =	vadd.f32 v3, v2;
	_ =	sdelay $0x1  }
0x18f: {  	v1 =	vadd.f32 v1, v2;
	_ =	sdelay $0x1  }
0x190: {  	[tilespmem:v63+s18+$0x0] =	vst.idx.msk $0xffff, v1  }
0x191: {  	[spmem:s2] =	stream.indirect.scatter.add.f32 [tilespmem:s18], [sflag:$0x1], $0x8, s16, s19, $0xb8;
	[tilespmem:$0x1D3B8] =	vst v63  }
0x192: {  	_ =	swait.ge [sflag:s14], $0x320  }
0x193: {  	[sflag:s14] =	ssyncset.done $0x0  }
0x194: {  	[sflag:s14] =	ssyncadd.s32 $0xFFFFFCE0  }
0x195: {  	[spmem:s2] =	stream.indirect.scatter.add.f32 [tilespmem:s21], [sflag:$0x1], $0x8, s20, s19, $0xb8;
	[tilespmem:$0x1D3B8] =	vst v63  }
0x196: {  	_ =	swait.ge [sflag:s14], $0x320  }
0x197: {  	[sflag:s14] =	ssyncset.done $0x0  }
0x198: {  	[sflag:s14] =	ssyncadd.s32 $0xFFFFFCE0  }
0x199: {  	[spmem:s2] =	stream.indirect.scatter.add.f32 [tilespmem:s23], [sflag:$0x1], $0x8, s22, s19, $0xb8;
	[tilespmem:$0x1D3B8] =	vst v63  }
0x19a: {  	s28 =	sadd.s32 $0x1, s28;
	_ =	swait.ge [sflag:s14], $0x320  }
0x19b: {  	p0 =	sne.s32 s28, $0x19;
	[sflag:s14] =	ssyncset.done $0x0  }
.Ltmp1:
0x19c: {  	[sflag:s14] =	ssyncadd.s32 $0xFFFFFCE0;
	(pc) =	sbr.rel @p0 .LBB2_2-.Ltmp1, $4  }
0x19d: {  	[spmem:s2] =	stream.indirect.scatter.add.f32 [tilespmem:s25], [sflag:$0x1], $0x8, s24, s19, $0xb8;
	[tilespmem:$0x1D3B8] =	vst v63  }
0x19e: {  	_ =	swait.ge [sflag:s14], $0x320  }
0x19f: {  	[sflag:s14] =	ssyncset.done $0x0  }
0x1a0: {  	[sflag:s14] =	ssyncadd.s32 $0xFFFFFCE0  }
0x1a1: {  	[bflag:$0x0] =	sbarrier.arrive $0xFFFF  }
0x1a2: {  	[tilespmem:s15], [sflag:$0x1] =	stream.linear.gather [spmem:s9], $0x1400, $0x38;
	[tilespmem:$0x1D3B8] =	vst v63  }
0x1a3: {  	s26 =	sadd.s32 $0x1, s26;
	_ =	swait.ge [sflag:s14], $0x1400  }
0x1a4: {  	p0 =	sne.s32 s26, s13;
	[sflag:s14] =	ssyncset.done $0x0  }
.Ltmp2:
0x1a5: {  	[sflag:s14] =	ssyncadd.s32 $0xFFFFEC00;
	(pc) =	sbr.rel @p0 .LBB2_1-.Ltmp2, $4  }
0x1a6: {  	[hbm4b:s12+s3] =	stream.linear.scatter [tilespmem:s15], [sflag:$0x1], $0x1400, $0x38;
	[tilespmem:$0x1D3B8] =	vst v63  }
0x1a7: {  	_ =	swait.ge [sflag:s14], $0x1400  }
0x1a8: {  	[sflag:s14] =	ssyncset.done $0x0  }
0x1a9: {  	[sflag:s14] =	ssyncadd.s32 $0xFFFFEC00  }
0x1aa: {  	_ =	sfence.sel $0x180000  }
0x1ab: {  	[bflag:$0x0] =	sbarrier.arrive $0xFFFF  }
0x1ac: {  	_ =	strace $0x9000004A  }
0x1ad: {  	[bflag:$0x2] =	sbarrier.arrive $0xFFFF  }
0x1ae: {  	p0 =	sne.s32 s1, $0x0;
	s0 =	rddreg [dreg:$0x2]  }
0x1af: {  	s0 =	sadd.s32 @!p0 $0x100000, s0  }
0x1b0: {  	[sflag:s0] =	ssyncadd.tile.s32 @!p0 $0x1;
	_ =	shalt  }
.Lfunc_end2:
_tile_overlayer_lowered:
.L_overlay_start_2:
0x1b1: {  	(tag) =	ssettag $0x2  }
0x1b2: {  	s0 =	rddreg [dreg:$0x0];
	s2 =	stileid.u32  }
0x1b3: {  	s1 =	rddreg [dreg:$0x1];
	p0 =	sne.s32 s2, $0x0  }
0x1b4: {  	s3 =	rddreg [dreg:$0x2];
	[bflag:$0x3] =	sbarrier.arrive $0xFFFF;
	s2 =	simm.s32 @!p0 $0x1C01  }
0x1b5: {  	[timem:s3], [sflag:s2] =	dma.local @!p0 [hbm:s0], s1  }
0x1b6: {  	s0 =	simm.s32 @!p0 $0x1  }
0x1b7: {  	_ =	swait.ge @!p0 [sflag:s0], s1  }
0x1b8: {  	s1 =	ssub.s32 @!p0 $0x0, s1;
	[sflag:s0] =	ssyncset.done @!p0 $0x0  }
0x1b9: {  	[sflag:s0] =	ssyncadd.s32 @!p0 s1  }
0x1ba: {  	[bflag:$0x3] =	sbarrier.arrive $0xFFFF  }
0x1bb: {  	_ =	shalt  }

// kernel: kernel.17.cloned.1.call-start
scs
__scs_entry_jumppad:
0x0: {  	(pc) =	sbr.rel $0x88, $3  }
0x1: {  	(tag) =	ssettag $0x0;
	lr =	simm.s32 $0x1  }
0x2: {  	[smem:$0x3F8B] =	sst lr;
	_ =	strace $0xD0000000  }
0x3: {  	_ = 	snop  }
0x4: {  	_ = 	snop  }
0x5: {  	_ = 	snop  }
0x6: {  	_ = 	snop  }
0x7: {  	_ = 	snop  }
__scs_overlays_trampoline_lowered:
0x8: {  	[smem:$0x3F9A] =	sst s0  }
0x9: {  	[smem:$0x3F9B] =	sst s1  }
0xa: {  	[smem:$0x3F9C] =	sst s2  }
0xb: {  	[smem:$0x3F9D] =	sst s3  }
0xc: {  	[smem:$0x3F9E] =	sst s4  }
0xd: {  	[smem:$0x3F9F] =	sst s5  }
0xe: {  	[smem:$0x3FA0] =	sst s6  }
0xf: {  	[smem:$0x3FA1] =	sst s7  }
0x10: {  	[smem:$0x3FA2] =	sst s8  }
0x11: {  	[smem:$0x3FA3] =	sst s9;
	s0 =	simm.s32 @!p0 $0x0  }
0x12: {  	s1 =	sld [smem:$0x3F89];
	s0 =	simm.s32 @p0 $0x1  }
0x13: {  	[smem:$0x3FA4] =	sst s0;
	s0 =	simm.s32 @!p1 $0x0  }
0x14: {  	s2 =	sld [smem:$0x3F88];
	s0 =	simm.s32 @p1 $0x1  }
0x15: {  	[smem:$0x3FA5] =	sst s0;
	s0 =	simm.s32 @!p2 $0x0  }
0x16: {  	s3 =	sld [smem:$0x3FDB];
	s0 =	simm.s32 @p2 $0x1  }
0x17: {  	s4 =	simm.s32 $0x1BF5;
	[smem:$0x3FA7] =	sst s0  }
0x18: {  	s0 =	sld [smem:$0x3F8A];
	_ =	swait.ge [sflag:s4], $0x0  }
0x19: {  	s7 =	sld [smem:$0x3F8B]  }
0x1a: {  	s8 =	sadd.s32 $0xFFFFE003, lr  }
0x1b: {  	s9 =	sadd.s32 $0xFFFFFEF7, lr;
	s5 =	simm.s32 $0xFFFFFFFF;
	p2 =	slt.u32 s8, $0xFFFFF086  }
0x1c: {  	p1 =	slt.u32 s9, $0xF7A;
	s5 =	simm.s32 @!p2 $0x0  }
0x1d: {  	s5 =	simm.s32 @p1 $0x1;
	p0 =	seq.s32 s7, s2  }
0x1e: {  	s7 =	smul.u32 @!p0 $0xF7A, s2;
	p2 =	seq.s32 @!p0 s5, $0x0  }
0x1f: {  	s9 =	smul.u32 $0xF7A, s1;
	s8 =	simm.s32 @!p0 $0x1BF5;
	p2 =	por !p2, p0  }
0x20: {  	[sflag:s8] =	ssyncset.s32 @!p0 $0xFFFFF086;
	s6 =	sadd.s32 @!p0 s3, s7;
	s7 =	simm.s32 @!p0 $0x108  }
0x21: {  	s3 =	sadd.s32 s3, s9;
	s6 =	sadd.s32 @!p0 $0x88, s6;
	s7 =	simm.s32 @p2 $0x1082  }
0x22: {  	[simem:s7], [sflag:s8] =	dma.local @!p0 [hbm:s6], $0xF7A  }
0x23: {  	s9 =	sor.u32 $0xD0000000, s2;
	s6 =	simm.s32 $0x108;
	_ =	swait.ge @!p0 [sflag:s8], $0x0  }
0x24: {  	s3 =	sadd.s32 $0x88, s3;
	s6 =	simm.s32 @!p1 $0x1082;
	[sflag:s4] =	ssyncset.s32 $0xFFFFF086  }
0x25: {  	[simem:s6], [sflag:s4] =	dma.local [hbm:s3], $0xF7A  }
0x26: {  	[smem:$0x3F8B] =	sst s1;
	(tag) =	ssettag s2;
	_ =	strace s9  }
0x27: {  	s1 =	sld [smem:$0x3F9B]  }
0x28: {  	s2 =	sld [smem:$0x3F9C]  }
0x29: {  	s4 =	sld [smem:$0x3F9E]  }
0x2a: {  	p0 =	seq.s32 s5, $0x0;
	s5 =	sld [smem:$0x3F9F]  }
0x2b: {  	s6 =	sld [smem:$0x3FA0]  }
0x2c: {  	s7 =	sld [smem:$0x3FA1]  }
0x2d: {  	s3 =	simm.s32 $0x108;
	s8 =	sld [smem:$0x3FA2]  }
0x2e: {  	s3 =	simm.s32 @!p0 $0x1082;
	s9 =	sld [smem:$0x3FA3]  }
0x2f: {  	lr =	sadd.s32 s0, s3;
	s0 =	sld [smem:$0x3F9A]  }
0x30: {  	s3 =	sld [smem:$0x3F9D]  }
0x31: {  	[smem:$0x3FA6] =	sst s10  }
0x32: {  	s10 =	sld [smem:$0x3FA4];
	_ =	sdelay $0x3  }
0x33: {  	p0 =	seq.s32 s10, $0x1;
	s10 =	sld [smem:$0x3FA6];
	_ =	sdelay $0x3  }
0x34: {  	[smem:$0x3FA6] =	sst s10  }
0x35: {  	s10 =	sld [smem:$0x3FA5];
	_ =	sdelay $0x3  }
0x36: {  	p1 =	seq.s32 s10, $0x1;
	s10 =	sld [smem:$0x3FA6];
	_ =	sdelay $0x3  }
0x37: {  	[smem:$0x3FA6] =	sst s10  }
0x38: {  	s10 =	sld [smem:$0x3FA7]  }
0x39: {  	_ = 	snop;
	(pc) =	sbr.ind lr, $3  }
0x3a: {  	_ = 	snop  }
0x3b: {  	_ = 	snop  }
0x3c: {  	p2 =	seq.s32 s10, $0x1;
	s10 =	sld [smem:$0x3FA6]  }
0x3d: {  	_ =	shalt  }
0x3e: {  	_ =	shalt  }
0x3f: {  	_ =	shalt  }
0x40: {  	_ =	shalt  }
0x41: {  	_ =	shalt  }
0x42: {  	_ =	shalt  }
0x43: {  	_ =	shalt  }
0x44: {  	_ =	shalt  }
0x45: {  	_ =	shalt  }
0x46: {  	_ =	shalt  }
0x47: {  	_ =	shalt  }
0x48: {  	_ =	shalt  }
0x49: {  	_ =	shalt  }
0x4a: {  	_ =	shalt  }
0x4b: {  	_ =	shalt  }
0x4c: {  	_ =	shalt  }
0x4d: {  	_ =	shalt  }
0x4e: {  	_ =	shalt  }
0x4f: {  	_ =	shalt  }
0x50: {  	_ =	shalt  }
0x51: {  	_ =	shalt  }
0x52: {  	_ =	shalt  }
0x53: {  	_ =	shalt  }
0x54: {  	_ =	shalt  }
0x55: {  	_ =	shalt  }
0x56: {  	_ =	shalt  }
0x57: {  	_ =	shalt  }
0x58: {  	_ =	shalt  }
0x59: {  	_ =	shalt  }
0x5a: {  	_ =	shalt  }
0x5b: {  	_ =	shalt  }
0x5c: {  	_ =	shalt  }
0x5d: {  	_ =	shalt  }
0x5e: {  	_ =	shalt  }
0x5f: {  	_ =	shalt  }
0x60: {  	_ =	shalt  }
0x61: {  	_ =	shalt  }
0x62: {  	_ =	shalt  }
0x63: {  	_ =	shalt  }
0x64: {  	_ =	shalt  }
0x65: {  	_ =	shalt  }
0x66: {  	_ =	shalt  }
0x67: {  	_ =	shalt  }
0x68: {  	_ =	shalt  }
0x69: {  	_ =	shalt  }
0x6a: {  	_ =	shalt  }
0x6b: {  	_ =	shalt  }
0x6c: {  	_ =	shalt  }
0x6d: {  	_ =	shalt  }
0x6e: {  	_ =	shalt  }
0x6f: {  	_ =	shalt  }
0x70: {  	_ =	shalt  }
0x71: {  	_ =	shalt  }
0x72: {  	_ =	shalt  }
0x73: {  	_ =	shalt  }
0x74: {  	_ =	shalt  }
0x75: {  	_ =	shalt  }
0x76: {  	_ =	shalt  }
0x77: {  	_ =	shalt  }
0x78: {  	_ =	shalt  }
0x79: {  	_ =	shalt  }
0x7a: {  	_ =	shalt  }
0x7b: {  	_ =	shalt  }
0x7c: {  	_ =	shalt  }
0x7d: {  	_ =	shalt  }
0x7e: {  	_ =	shalt  }
0x7f: {  	_ =	shalt  }
0x80: {  	_ =	shalt  }
0x81: {  	_ =	shalt  }
0x82: {  	_ =	shalt  }
0x83: {  	_ =	shalt  }
0x84: {  	_ =	shalt  }
0x85: {  	_ =	shalt  }
0x86: {  	_ =	shalt  }
0x87: {  	_ =	shalt  }
.Lfunc_end0:
.L_simem_size_0:
called_computation.2_lowered:
.L_overlay_start_0:
0x88: {  	s2 =	sld [smem:$0x3FD9]  }
0x89: {  	s3 =	sld [smem:$0x3FFE];
	_ =	sdelay $0x1  }
0x8a: {  	s1 =	srdreg.scid  }
0x8b: {  	s0 =	sand.u32 $0x1, s1  }
0x8c: {  	s16 =	sshll.u32 s0, $0xA;
	s2 =	sadd.s32 s3, s2  }
0x8d: {  	s2 =	sadd.s32 s2, s16  }
0x8e: {  	[smem:$0x3FB2] =	sst s2  }
0x8f: {  	_ = 	snop  }
0x90: {  	(tm) =	ssettm $0x1  }
0x91: {  	s17 =	sld [smem:$0x3FFB];
	_ =	sdelay $0x3  }
0x92: {  	_ =	strace s17  }
0x93: {  	s2 =	sld [smem:$0x3FFC];
	_ =	sdelay $0x3  }
0x94: {  	_ =	strace s2  }
0x95: {  	s2 =	sld [smem:$0x3FFD];
	_ =	sdelay $0x3  }
0x96: {  	_ =	strace s2  }
0x97: {  	_ =	strace $0x8FFFFFFF  }
0x98: {  	s18 =	sld [smem:$0x3FDB];
	_ =	sdelay $0x1  }
0x99: {  	s19 =	simm.s32 $_scs_section_size  }
0x9a: {  	s4 =	simm.s32 $_size__tile_overlayer_lowered;
	s5 =	simm.s32 $_tile_overlayer_lowered  }
0x9b: {  	s22 =	simm.s32 $0x1BFF;
	s21 =	sshll.u32 s5, $0x1;
	s2 =	sadd.s32 s19, s18  }
0x9c: {  	s6 =	simm.s32 $0x0;
	s20 =	sshll.u32 s4, $0x1;
	s4 =	sadd.s32 s21, s2  }
0x9d: {  	[timem:s6], [sflag:s22] =	dma.local [hbm:s4], s20  }
0x9e: {  	_ =	swait.ge [sflag:s22], s20  }
0x9f: {  	s3 =	ssub.s32 $0x0, s20;
	[sflag:s22] =	ssyncset.done $0x0  }
0xa0: {  	[sflag:s22] =	ssyncadd.s32 s3;
	_ =	sdelay $0x1  }
0xa1: {  	s23 =	simm.s32 $0x1B8B  }
0xa2: {  	_ =	swait.ge [sflag:s23], $0x1  }
0xa3: {  	[sflag:s23] =	ssyncset.done $0x0  }
0xa4: {  	s25 =	simm.s32 $0x1B8E;
	s24 =	sld [smem:$0x3FFE];
	[sflag:s23] =	ssyncadd.s32 $0xFFFFFFFF  }
0xa5: {  	s26 =	simm.s32 $execute0_lowered;
	[smem:$0x3FD2] =	sst s25  }
0xa6: {  	s4 =	sshll.u32 s26, $0x1;
	_ =	strace $0x8000004C;
	[dreg:$0x1] =	wrdreg $0xFFFFFFFF  }
0xa7: {  	s28 =	simm.s32 $_size_execute0_lowered;
	s2 =	sadd.s32 s2, s4;
	[dreg:$0x0] =	wrdreg $0x0  }
0xa8: {  	s4 =	sshll.u32 s28, $0x1;
	[dreg:$0x2] =	wrdreg s2  }
0xa9: {  	[dreg:$0x3] =	wrdreg s4  }
0xaa: {  	[dreg:$0x4] =	wrdreg $0xC0  }
0xab: {  	_ =	task [dreg:s6], $0x5FFFF  }
0xac: {  	[dreg:$0x1] =	wrdreg $0xFFFFFFFF  }
0xad: {  	[dreg:$0x0] =	wrdreg $0x60  }
0xae: {  	[dreg:$0x2] =	wrdreg s24  }
0xaf: {  	[dreg:$0x3] =	wrdreg $0x1C0300  }
0xb0: {  	[dreg:$0x4] =	wrdreg $0x9  }
0xb1: {  	_ =	task.clear_ibuf [dreg:s6], $0x5FFFF;
	_ =	strace $0x9000004C  }
0xb2: {  	s29 =	simm.s32 $0x9;
	_ =	strace $0x8000004E  }
0xb3: {  	_ =	swait.ge [sflag:s29], $0x1  }
0xb4: {  	[sflag:s29] =	ssyncadd.s32 $0xFFFFFFFF  }
0xb5: {  	_ =	strace $0x9000004E  }
0xb6: {  	_ =	sfence  }
0xb7: {  	s30 =	sld [smem:$0x0];
	_ =	sdelay $0x2  }
0xb8: {  	s31 =	sshll.u32 s1, $0xD;
	s1 =	sshrl.u32 s1, $0x2  }
0xb9: {  	s3 =	sand.u32 $0x4000, s31;
	s1 =	sadd.s32 s1, s30  }
0xba: {  	s0 =	sor.u32 s3, s0;
	s1 =	sshll.u32 s1, $0x11  }
0xbb: {  	s0 =	sor.u32 s1, s0  }
0xbc: {  	s0 =	sadd.s32 $0x8F2B, s0  }
0xbd: {  	[sflag:s0] =	ssyncadd.remote.s32 $0x1  }
0xbe: {  	_ =	sfence.sel $0xFFFF  }
0xbf: {  	[dreg:$0x0] =	wrdreg $0xFFFFFFFF;
	(pc) =	sbr.abs _section_cstart, $3  }
0xc0: {  	[dreg:$0x1] =	wrdreg $0xFFFFFFFF  }
0xc1: {  	_ =	task.clear_ibuf [dreg:s6], $0x2FFFF;
	_ =	strace $0x9FFFFFFF  }
0xc2: {  	(tm) =	ssettm $0x7FFFFFFF  }
0xc3: {  	_ =	shalt  }
tec
execute0_lowered:
.L_overlay_start_1:
0x0: {  	(tag) =	ssettag $0x1  }
0x1: {  	s9 =	rddreg [dreg:$0x0]  }
0x2: {  	s2 =	rddreg [dreg:$0x1];
	s1 =	stileid.u32  }
0x3: {  	s3 =	simm.s32 $0x0;
	s4 =	srdreg.scid;
	s21 =	simm.s32 $0x19FA0  }
0x4: {  	s22 =	simm.s32 $0x1AB60;
	s23 =	simm.s32 $0x1A2C0;
	s24 =	simm.s32 $0x1ABC8  }
0x5: {  	s25 =	simm.s32 $0x1A5E0;
	s26 =	simm.s32 $0x0;
	s10 =	smul.u32 $0x270, s1  }
0x6: {  	s0 =	simm.s32 $0x0;
	[smem:$0x7FF] =	sst s3;
	s12 =	smul.u32 $0x4E00, s1  }
0x7: {  	s11 =	sand.u32 $0x1, s4;
	s4 =	sadd.s32 $0x287C00, s9;
	s14 =	smul.u32 $0x2710, s1  }
0x8: {  	s5 =	sadd.s32 $0x2A00, s9;
	s6 =	sadd.s32 $0xC800, s9;
	s17 =	smul.u32 $0x64, s1  }
0x9: {  	s7 =	sadd.s32 $0x16C00, s9;
	s8 =	sadd.s32 $0x28A400, s9;
	s13 =	smul.u32 $0x27100, s11  }
0xa: {  	_ =	strace $0x8000004D;
	s15 =	smul.u32 $0x640, s11;
	s16 =	ssub.s32 $0x2, s11  }
0xb: {  	s19 =	smul.u32 $0x2710, s11;
	s18 =	sshrl.u32 s16, $0x1;
	s12 =	sshrl.u32 s12, $0x2  }
0xc: {  	s20 =	sadd.s32 s10, s9;
	s16 =	ssub.s32 s16, s18;
	s9 =	sadd.s32 s12, s2  }
0xd: {  	s10 =	sadd.s32 s14, s13;
	s11 =	sadd.s32 s17, s15;
	s31 =	sadd.s32 s19, s20  }
0xe: {  	s14 =	simm.s32 $0x1;
	s15 =	simm.s32 $0x1AC30;
	s17 =	simm.s32 $0x13880  }
0xf: {  	s18 =	simm.s32 $0x19C80;
	s19 =	simm.s32 $0x64;
	s20 =	simm.s32 $0x1AAF8  }
0x10: {  	v0 =	vlaneseq.u32;
	s12 =	sadd.s32 $0x28A800, s31;
	s13 =	smax.u32 s16, $0x1;
	s16 =	simm.s32 $0x1AA90  }
.LBB2_1:
0x11: {  	[tilespmem:s3], [sflag:$0x1] =	stream.linear.gather [hbm4b:s4+s3], $0x13880, $0x38;
	[tilespmem:$0x1D3B8] =	vst v63  }
0x12: {  	_ =	swait.ge [sflag:s14], $0x13880  }
0x13: {  	[sflag:s14] =	ssyncset.done $0x0  }
0x14: {  	[sflag:s14] =	ssyncadd.s32 $0xFFFEC780  }
0x15: {  	[tilespmem:s15], [sflag:$0x1] =	stream.linear.gather [hbm4b:s8+s3], $0x1400, $0x38;
	[tilespmem:$0x1D3B8] =	vst v63  }
0x16: {  	_ =	swait.ge [sflag:s14], $0x1400  }
0x17: {  	[sflag:s14] =	ssyncset.done $0x0  }
0x18: {  	[sflag:s14] =	ssyncadd.s32 $0xFFFFEC00  }
0x19: {  	[spmem:s9] =	stream.linear.scatter [tilespmem:s15], [sflag:$0x1], $0x1400, $0x38;
	[tilespmem:$0x1D3B8] =	vst v63  }
0x1a: {  	_ =	swait.ge [sflag:s14], $0x1400  }
0x1b: {  	[sflag:s14] =	ssyncset.done $0x0  }
0x1c: {  	[sflag:s14] =	ssyncadd.s32 $0xFFFFEC00  }
0x1d: {  	s28 =	simm.s32 $0x0;
	[bflag:$0x0] =	sbarrier.arrive $0xFFFF  }
.LBB2_2:
0x1e: {  	s29 =	smul.u32 $0x190, s28;
	_ =	sdelay $0x1  }
0x1f: {  	s30 =	sadd.s32 s29, s10  }
0x20: {  	s29 =	sshrl.u32 s30, $0x3  }
0x21: {  	s31 =	sadd.s32 s5, s29;
	s29 =	simm.s32 $0x1A900  }
0x22: {  	[tilespmem:s29], [sflag:$0x1] =	stream.linear.gather [hbm4b:s31+s0], $0x190, $0x38;
	[tilespmem:$0x1D3B8] =	vst v63  }
0x23: {  	s31 =	sshll.u32 s28, $0x2  }
0x24: {  	s31 =	sadd.s32 s31, s11  }
0x25: {  	_ =	swait.ge [sflag:s14], $0x190;
	s31 =	smul.u32 $0xD, s31  }
0x26: {  	[sflag:s14] =	ssyncset.done $0x0  }
0x27: {  	[sflag:s14] =	ssyncadd.s32 $0xFFFFFE70;
	s31 =	sadd.s32 s6, s31  }
0x28: {  	[tilespmem:s16], [sflag:$0x1] =	stream.linear.gather [hbm4b:s31+s0], $0x1A0, $0x38;
	[tilespmem:$0x1D3B8] =	vst v63  }
0x29: {  	_ =	swait.ge [sflag:s14], $0x1A0  }
0x2a: {  	s30 =	sshll.u32 s30, $0x3;
	[sflag:s14] =	ssyncset.done $0x0  }
0x2b: {  	s30 =	sadd.s32 s7, s30;
	[sflag:s14] =	ssyncadd.s32 $0xFFFFFE60  }
0x2c: {  	[tilespmem:s17], [sflag:$0x1] =	stream.linear.gather [hbm4b:s30+s0], $0x6400, $0x38;
	[tilespmem:$0x1D3B8] =	vst v63  }
0x2d: {  	_ =	swait.ge [sflag:s14], $0x6400  }
0x2e: {  	[sflag:s14] =	ssyncset.done $0x0  }
0x2f: {  	[sflag:s14] =	ssyncadd.s32 $0xFFFF9C00  }
0x30: {  	v2 =	vld [tilespmem:s29+$0x0]  }
0x31: {  	v10 =	vor.u32 s0, v0  }
0x32: {  	v1 =	vshll.u32 v10, $0x6  }
0x33: {  	v3 =	vor.u32 $0x8, v1;
	_ =	sdelay $0x1  }
0x34: {  	v7 =	vshll.u32 v2, $0x3  }
0x35: {  	v2 =	vor.u32 $0x1, v7  }
0x36: {  	v5 =	vor.u32 $0x10, v1  }
0x37: {  	v8 =	vld.idx.msk [tilespmem:v3+s17+$0x0], $0xffff;
	v6 =	vor.u32 $0x2, v7  }
0x38: {  	v11 =	vor.u32 $0x18, v1;
	v9 =	vld.idx.msk [tilespmem:v1+s17+$0x0], $0xffff  }
0x39: {  	v12 =	vor.u32 $0x3, v7;
	v3 =	vld.idx.msk [tilespmem:v7+s3+$0x0], $0xffff  }
0x3a: {  	v13 =	vor.u32 $0x20, v1;
	v4 =	vld.idx.msk [tilespmem:v2+s3+$0x0], $0xffff  }
0x3b: {  	v14 =	vld.idx.msk [tilespmem:v5+s17+$0x0], $0xffff;
	v2 =	vor.u32 $0x4, v7  }
0x3c: {  	v15 =	vor.u32 $0x28, v1;
	v5 =	vld.idx.msk [tilespmem:v6+s3+$0x0], $0xffff  }
0x3d: {  	v11 =	vld.idx.msk [tilespmem:v11+s17+$0x0], $0xffff;
	v16 =	vor.u32 $0x5, v7  }
0x3e: {  	v6 =	vld.idx.msk [tilespmem:v12+s3+$0x0], $0xffff;
	v12 =	vor.u32 $0x30, v1  }
0x3f: {  	v13 =	vld.idx.msk [tilespmem:v13+s17+$0x0], $0xffff;
	v17 =	vor.u32 $0x6, v7;
	v9 =	vmul.f32 v9, v3;
	v8 =	vmul.f32 v8, v4  }
0x40: {  	v18 =	vor.u32 $0x38, v1;
	v2 =	vld.idx.msk [tilespmem:v2+s3+$0x0], $0xffff  }
0x41: {  	v15 =	vld.idx.msk [tilespmem:v15+s17+$0x0], $0xffff;
	v19 =	vor.u32 $0x7, v7;
	v8 =	vadd.f32 v8, v9;
	v9 =	vmul.f32 v14, v5  }
0x42: {  	v7 =	vld.idx.msk [tilespmem:v16+s3+$0x0], $0xffff  }
0x43: {  	v12 =	vld.idx.msk [tilespmem:v12+s17+$0x0], $0xffff;
	v11 =	vmul.f32 v11, v6;
	v9 =	vadd.f32 v9, v8  }
0x44: {  	v8 =	vld.idx.msk [tilespmem:v17+s3+$0x0], $0xffff  }
0x45: {  	v14 =	vld.idx.msk [tilespmem:v18+s17+$0x0], $0xffff;
	v13 =	vmul.f32 v13, v2;
	v11 =	vadd.f32 v11, v9  }
0x46: {  	v9 =	vld.idx.msk [tilespmem:v19+s3+$0x0], $0xffff  }
0x47: {  	v11 =	vadd.f32 v13, v11;
	v13 =	vmul.f32 v15, v7;
	_ =	sdelay $0x1  }
0x48: {  	v12 =	vmul.f32 v12, v8;
	v11 =	vadd.f32 v13, v11  }
0x49: {  	v10 =	vshll.u32 v10, $0x3  }
0x4a: {  	v13 =	vor.u32 $0x1, v1;
	v11 =	vadd.f32 v12, v11;
	v12 =	vmul.f32 v14, v9  }
0x4b: {  	v14 =	vor.u32 $0x9, v1  }
0x4c: {  	v11 =	vadd.f32 v12, v11  }
0x4d: {  	v12 =	vor.u32 $0x11, v1  }
0x4e: {  	[tilespmem:v10+s18+$0x0] =	vst.idx.msk $0xffff, v11  }
0x4f: {  	v11 =	vld.idx.msk [tilespmem:v13+s17+$0x0], $0xffff;
	v13 =	vor.u32 $0x19, v1  }
0x50: {  	v14 =	vld.idx.msk [tilespmem:v14+s17+$0x0], $0xffff  }
0x51: {  	v15 =	vor.u32 $0x21, v1  }
0x52: {  	v12 =	vld.idx.msk [tilespmem:v12+s17+$0x0], $0xffff  }
0x53: {  	v16 =	vor.u32 $0x29, v1  }
0x54: {  	v13 =	vld.idx.msk [tilespmem:v13+s17+$0x0], $0xffff  }
0x55: {  	v17 =	vor.u32 $0x31, v1;
	v11 =	vmul.f32 v11, v3;
	v14 =	vmul.f32 v14, v4  }
0x56: {  	v15 =	vld.idx.msk [tilespmem:v15+s17+$0x0], $0xffff  }
0x57: {  	v18 =	vor.u32 $0x39, v1;
	v11 =	vadd.f32 v14, v11;
	v12 =	vmul.f32 v12, v5  }
0x58: {  	v14 =	vld.idx.msk [tilespmem:v16+s17+$0x0], $0xffff  }
0x59: {  	v11 =	vadd.f32 v12, v11;
	v12 =	vmul.f32 v13, v6  }
0x5a: {  	v13 =	vld.idx.msk [tilespmem:v17+s17+$0x0], $0xffff  }
0x5b: {  	v11 =	vadd.f32 v12, v11;
	v12 =	vmul.f32 v15, v2  }
0x5c: {  	v15 =	vld.idx.msk [tilespmem:v18+s17+$0x0], $0xffff  }
0x5d: {  	v11 =	vadd.f32 v12, v11;
	v12 =	vmul.f32 v14, v7;
	_ =	sdelay $0x1  }
0x5e: {  	v11 =	vadd.f32 v12, v11;
	v12 =	vmul.f32 v13, v8  }
0x5f: {  	v13 =	vor.u32 $0x1, v10  }
0x60: {  	v14 =	vor.u32 $0x2, v1;
	v11 =	vadd.f32 v12, v11;
	v12 =	vmul.f32 v15, v9  }
0x61: {  	v15 =	vor.u32 $0xA, v1  }
0x62: {  	v11 =	vadd.f32 v12, v11  }
0x63: {  	v12 =	vor.u32 $0x12, v1  }
0x64: {  	[tilespmem:v13+s18+$0x0] =	vst.idx.msk $0xffff, v11  }
0x65: {  	v13 =	vor.u32 $0x1A, v1;
	v11 =	vld.idx.msk [tilespmem:v14+s17+$0x0], $0xffff  }
0x66: {  	v14 =	vld.idx.msk [tilespmem:v15+s17+$0x0], $0xffff  }
0x67: {  	v15 =	vor.u32 $0x22, v1  }
0x68: {  	v12 =	vld.idx.msk [tilespmem:v12+s17+$0x0], $0xffff  }
0x69: {  	v16 =	vor.u32 $0x2A, v1  }
0x6a: {  	v13 =	vld.idx.msk [tilespmem:v13+s17+$0x0], $0xffff  }
0x6b: {  	v17 =	vor.u32 $0x32, v1;
	v11 =	vmul.f32 v11, v3;
	v14 =	vmul.f32 v14, v4  }
0x6c: {  	v15 =	vld.idx.msk [tilespmem:v15+s17+$0x0], $0xffff  }
0x6d: {  	v18 =	vor.u32 $0x3A, v1;
	v11 =	vadd.f32 v14, v11;
	v12 =	vmul.f32 v12, v5  }
0x6e: {  	v14 =	vld.idx.msk [tilespmem:v16+s17+$0x0], $0xffff  }
0x6f: {  	v11 =	vadd.f32 v12, v11;
	v12 =	vmul.f32 v13, v6  }
0x70: {  	v13 =	vld.idx.msk [tilespmem:v17+s17+$0x0], $0xffff  }
0x71: {  	v11 =	vadd.f32 v12, v11;
	v12 =	vmul.f32 v15, v2  }
0x72: {  	v15 =	vld.idx.msk [tilespmem:v18+s17+$0x0], $0xffff  }
0x73: {  	v11 =	vadd.f32 v12, v11;
	v12 =	vmul.f32 v14, v7;
	_ =	sdelay $0x1  }
0x74: {  	v11 =	vadd.f32 v12, v11;
	v12 =	vmul.f32 v13, v8  }
0x75: {  	v13 =	vor.u32 $0x2, v10  }
0x76: {  	v14 =	vor.u32 $0x3, v1;
	v11 =	vadd.f32 v12, v11;
	v12 =	vmul.f32 v15, v9  }
0x77: {  	v15 =	vor.u32 $0xB, v1  }
0x78: {  	v11 =	vadd.f32 v12, v11  }
0x79: {  	v12 =	vor.u32 $0x13, v1  }
0x7a: {  	[tilespmem:v13+s18+$0x0] =	vst.idx.msk $0xffff, v11  }
0x7b: {  	v13 =	vor.u32 $0x1B, v1;
	v11 =	vld.idx.msk [tilespmem:v14+s17+$0x0], $0xffff  }
0x7c: {  	v14 =	vld.idx.msk [tilespmem:v15+s17+$0x0], $0xffff  }
0x7d: {  	v15 =	vor.u32 $0x23, v1  }
0x7e: {  	v12 =	vld.idx.msk [tilespmem:v12+s17+$0x0], $0xffff  }
0x7f: {  	v16 =	vor.u32 $0x2B, v1  }
0x80: {  	v13 =	vld.idx.msk [tilespmem:v13+s17+$0x0], $0xffff  }
0x81: {  	v17 =	vor.u32 $0x33, v1;
	v11 =	vmul.f32 v11, v3;
	v14 =	vmul.f32 v14, v4  }
0x82: {  	v15 =	vld.idx.msk [tilespmem:v15+s17+$0x0], $0xffff  }
0x83: {  	v18 =	vor.u32 $0x3B, v1;
	v11 =	vadd.f32 v14, v11;
	v12 =	vmul.f32 v12, v5  }
0x84: {  	v14 =	vld.idx.msk [tilespmem:v16+s17+$0x0], $0xffff  }
0x85: {  	v11 =	vadd.f32 v12, v11;
	v12 =	vmul.f32 v13, v6  }
0x86: {  	v13 =	vld.idx.msk [tilespmem:v17+s17+$0x0], $0xffff  }
0x87: {  	v11 =	vadd.f32 v12, v11;
	v12 =	vmul.f32 v15, v2  }
0x88: {  	v15 =	vld.idx.msk [tilespmem:v18+s17+$0x0], $0xffff  }
0x89: {  	v11 =	vadd.f32 v12, v11;
	v12 =	vmul.f32 v14, v7;
	_ =	sdelay $0x1  }
0x8a: {  	v11 =	vadd.f32 v12, v11;
	v12 =	vmul.f32 v13, v8  }
0x8b: {  	v13 =	vor.u32 $0x3, v10  }
0x8c: {  	v14 =	vor.u32 $0x4, v1;
	v11 =	vadd.f32 v12, v11;
	v12 =	vmul.f32 v15, v9  }
0x8d: {  	v15 =	vor.u32 $0xC, v1  }
0x8e: {  	v11 =	vadd.f32 v12, v11  }
0x8f: {  	v12 =	vor.u32 $0x14, v1  }
0x90: {  	[tilespmem:v13+s18+$0x0] =	vst.idx.msk $0xffff, v11  }
0x91: {  	v13 =	vor.u32 $0x1C, v1;
	v11 =	vld.idx.msk [tilespmem:v14+s17+$0x0], $0xffff  }
0x92: {  	v14 =	vld.idx.msk [tilespmem:v15+s17+$0x0], $0xffff  }
0x93: {  	v15 =	vor.u32 $0x24, v1  }
0x94: {  	v12 =	vld.idx.msk [tilespmem:v12+s17+$0x0], $0xffff  }
0x95: {  	v16 =	vor.u32 $0x2C, v1  }
0x96: {  	v13 =	vld.idx.msk [tilespmem:v13+s17+$0x0], $0xffff  }
0x97: {  	v17 =	vor.u32 $0x34, v1;
	v11 =	vmul.f32 v11, v3;
	v14 =	vmul.f32 v14, v4  }
0x98: {  	v15 =	vld.idx.msk [tilespmem:v15+s17+$0x0], $0xffff  }
0x99: {  	v18 =	vor.u32 $0x3C, v1;
	v11 =	vadd.f32 v14, v11;
	v12 =	vmul.f32 v12, v5  }
0x9a: {  	v14 =	vld.idx.msk [tilespmem:v16+s17+$0x0], $0xffff  }
0x9b: {  	v11 =	vadd.f32 v12, v11;
	v12 =	vmul.f32 v13, v6  }
0x9c: {  	v13 =	vld.idx.msk [tilespmem:v17+s17+$0x0], $0xffff  }
0x9d: {  	v11 =	vadd.f32 v12, v11;
	v12 =	vmul.f32 v15, v2  }
0x9e: {  	v15 =	vld.idx.msk [tilespmem:v18+s17+$0x0], $0xffff  }
0x9f: {  	v11 =	vadd.f32 v12, v11;
	v12 =	vmul.f32 v14, v7;
	_ =	sdelay $0x1  }
0xa0: {  	v11 =	vadd.f32 v12, v11;
	v12 =	vmul.f32 v13, v8  }
0xa1: {  	v13 =	vor.u32 $0x4, v10  }
0xa2: {  	v14 =	vor.u32 $0x5, v1;
	v11 =	vadd.f32 v12, v11;
	v12 =	vmul.f32 v15, v9  }
0xa3: {  	v15 =	vor.u32 $0xD, v1  }
0xa4: {  	v11 =	vadd.f32 v12, v11  }
0xa5: {  	v12 =	vor.u32 $0x15, v1  }
0xa6: {  	[tilespmem:v13+s18+$0x0] =	vst.idx.msk $0xffff, v11  }
0xa7: {  	v11 =	vor.u32 $0x1D, v1;
	v13 =	vld.idx.msk [tilespmem:v14+s17+$0x0], $0xffff  }
0xa8: {  	v14 =	vld.idx.msk [tilespmem:v15+s17+$0x0], $0xffff  }
0xa9: {  	v15 =	vor.u32 $0x25, v1  }
0xaa: {  	v12 =	vld.idx.msk [tilespmem:v12+s17+$0x0], $0xffff  }
0xab: {  	v16 =	vor.u32 $0x2D, v1  }
0xac: {  	v11 =	vld.idx.msk [tilespmem:v11+s17+$0x0], $0xffff  }
0xad: {  	v17 =	vor.u32 $0x35, v1;
	v13 =	vmul.f32 v13, v3;
	v14 =	vmul.f32 v14, v4  }
0xae: {  	v15 =	vld.idx.msk [tilespmem:v15+s17+$0x0], $0xffff  }
0xaf: {  	v18 =	vor.u32 $0x3D, v1;
	v12 =	vmul.f32 v12, v5;
	v13 =	vadd.f32 v14, v13  }
0xb0: {  	v14 =	vld.idx.msk [tilespmem:v16+s17+$0x0], $0xffff  }
0xb1: {  	v11 =	vmul.f32 v11, v6;
	v12 =	vadd.f32 v12, v13  }
0xb2: {  	v13 =	vld.idx.msk [tilespmem:v17+s17+$0x0], $0xffff  }
0xb3: {  	v15 =	vmul.f32 v15, v2;
	v11 =	vadd.f32 v11, v12  }
0xb4: {  	v12 =	vld.idx.msk [tilespmem:v18+s17+$0x0], $0xffff  }
0xb5: {  	v14 =	vmul.f32 v14, v7;
	v11 =	vadd.f32 v15, v11;
	_ =	sdelay $0x1  }
0xb6: {  	v13 =	vmul.f32 v13, v8;
	v11 =	vadd.f32 v14, v11  }
0xb7: {  	v14 =	vor.u32 $0x5, v10  }
0xb8: {  	v12 =	vmul.f32 v12, v9;
	v11 =	vadd.f32 v13, v11;
	v13 =	vor.u32 $0x6, v1  }
0xb9: {  	v15 =	vor.u32 $0xE, v1  }
0xba: {  	v11 =	vadd.f32 v12, v11;
	v12 =	vor.u32 $0x16, v1  }
0xbb: {  	v16 =	vor.u32 $0x1E, v1  }
0xbc: {  	[tilespmem:v14+s18+$0x0] =	vst.idx.msk $0xffff, v11;
	v11 =	vor.u32 $0x26, v1  }
0xbd: {  	v13 =	vld.idx.msk [tilespmem:v13+s17+$0x0], $0xffff  }
0xbe: {  	v14 =	vld.idx.msk [tilespmem:v15+s17+$0x0], $0xffff;
	v15 =	vor.u32 $0x2E, v1  }
0xbf: {  	v17 =	vld.idx.msk [tilespmem:v12+s17+$0x0], $0xffff;
	v12 =	vor.u32 $0x36, v1  }
0xc0: {  	v19 =	vor.u32 $0x3E, v1;
	v18 =	vld.idx.msk [tilespmem:v16+s17+$0x0], $0xffff  }
0xc1: {  	v20 =	vld.idx.msk [tilespmem:v11+s17+$0x0], $0xffff;
	_ =	sdelay $0x1  }
0xc2: {  	v11 =	vld.idx.msk [tilespmem:v15+s17+$0x0], $0xffff  }
0xc3: {  	v15 =	vmul.f32 v13, v3;
	v14 =	vmul.f32 v14, v4;
	v12 =	vld.idx.msk [tilespmem:v12+s17+$0x0], $0xffff  }
0xc4: {  	v13 =	vld.idx.msk [tilespmem:v19+s17+$0x0], $0xffff;
	v16 =	vmul.f32 v17, v5  }
0xc5: {  	s30 =	simm.s32 $0x10;
	v17 =	vadd.f32 v14, v15;
	v15 =	vmul.f32 v18, v6;
	v14 =	vmul.f32 v20, v2  }
.LBB2_3:
0xc6: {  	p0 =	sne.s32 s30, $0x180  }
0xc7: {  	v16 =	vadd.f32 v16, v17;
	s29 =	sadd.s32 $0x10, s29;
	s31 =	smov.u32 s30;
	s30 =	sadd.s32 $0x10, s30  }
0xc8: {  	v12 =	vmul.f32 v12, v8  }
0xc9: {  	v13 =	vmul.f32 v13, v9;
	v15 =	vadd.f32 v15, v16;
	_ =	sdelay $0x1  }
0xca: {  	v11 =	vmul.f32 v11, v7;
	v14 =	vadd.f32 v14, v15;
	_ =	sdelay $0x1  }
0xcb: {  	v11 =	vadd.f32 v11, v14  }
0xcc: {  	v14 =	vor.u32 $0x6, v10  }
0xcd: {  	v15 =	vor.u32 $0xF, v1;
	v11 =	vadd.f32 v12, v11;
	v12 =	vor.u32 $0x7, v1;
	_ =	sdelay $0x1  }
0xce: {  	v11 =	vadd.f32 v13, v11;
	v13 =	vor.u32 $0x17, v1  }
0xcf: {  	v16 =	vor.u32 $0x1F, v1  }
0xd0: {  	[tilespmem:v14+s18+$0x0] =	vst.idx.msk $0xffff, v11;
	v11 =	vor.u32 $0x27, v1  }
0xd1: {  	v14 =	vor.u32 $0x2F, v1;
	v12 =	vld.idx.msk [tilespmem:v12+s17+$0x0], $0xffff  }
0xd2: {  	v17 =	vor.u32 $0x37, v1;
	v15 =	vld.idx.msk [tilespmem:v15+s17+$0x0], $0xffff  }
0xd3: {  	v1 =	vor.u32 $0x3F, v1;
	v13 =	vld.idx.msk [tilespmem:v13+s17+$0x0], $0xffff  }
0xd4: {  	v16 =	vld.idx.msk [tilespmem:v16+s17+$0x0], $0xffff  }
0xd5: {  	v11 =	vld.idx.msk [tilespmem:v11+s17+$0x0], $0xffff  }
0xd6: {  	v14 =	vld.idx.msk [tilespmem:v14+s17+$0x0], $0xffff  }
0xd7: {  	v3 =	vmul.f32 v12, v3;
	v12 =	vld.idx.msk [tilespmem:v17+s17+$0x0], $0xffff  }
0xd8: {  	v4 =	vmul.f32 v15, v4;
	v1 =	vld.idx.msk [tilespmem:v1+s17+$0x0], $0xffff  }
0xd9: {  	v5 =	vmul.f32 v13, v5  }
0xda: {  	v3 =	vadd.f32 v4, v3;
	v4 =	vmul.f32 v16, v6  }
0xdb: {  	v2 =	vmul.f32 v11, v2  }
0xdc: {  	v3 =	vadd.f32 v5, v3;
	v5 =	vmul.f32 v14, v7  }
0xdd: {  	v6 =	vmul.f32 v12, v8  }
0xde: {  	v3 =	vadd.f32 v4, v3;
	v1 =	vmul.f32 v1, v9;
	_ =	sdelay $0x1  }
0xdf: {  	v2 =	vadd.f32 v2, v3;
	_ =	sdelay $0x1  }
0xe0: {  	v3 =	vor.u32 $0x7, v10;
	v2 =	vadd.f32 v5, v2;
	_ =	sdelay $0x1  }
0xe1: {  	v2 =	vadd.f32 v6, v2;
	_ =	sdelay $0x1  }
0xe2: {  	v1 =	vadd.f32 v1, v2;
	_ =	sdelay $0x1  }
0xe3: {  	v10 =	vor.u32 s31, v0;
	[tilespmem:v3+s18+$0x0] =	vst.idx.msk $0xffff, v1  }
0xe4: {  	v1 =	vshll.u32 v10, $0x6;
	v2 =	vld [tilespmem:s29+$0x0]  }
0xe5: {  	v3 =	vor.u32 $0x10, v1  }
0xe6: {  	v4 =	vor.u32 $0x20, v1  }
0xe7: {  	v5 =	vor.u32 $0x8, v1;
	_ =	sdelay $0x1  }
0xe8: {  	v2 =	vshll.u32 v2, $0x3  }
0xe9: {  	v6 =	vor.u32 $0x1, v2;
	v7 =	vor.u32 $0x2, v2;
	v8 =	vor.u32 $0x3, v2;
	v9 =	vld.idx.msk [tilespmem:v3+s17+$0x0], $0xffff  }
0xea: {  	v11 =	vor.u32 $0x4, v2;
	v12 =	vor.u32 $0x5, v2;
	v13 =	vor.u32 $0x6, v2;
	v14 =	vld.idx.msk [tilespmem:v4+s17+$0x0], $0xffff  }
0xeb: {  	v15 =	vor.u32 $0x7, v2;
	v16 =	vld.idx.msk [tilespmem:v5+s17+$0x0], $0xffff  }
0xec: {  	v18 =	vor.u32 $0x18, v1;
	v17 =	vld.idx.msk [tilespmem:v1+s17+$0x0], $0xffff  }
0xed: {  	v3 =	vld.idx.msk [tilespmem:v2+s3+$0x0], $0xffff  }
0xee: {  	v4 =	vld.idx.msk [tilespmem:v6+s3+$0x0], $0xffff  }
0xef: {  	v2 =	vld.idx.msk [tilespmem:v11+s3+$0x0], $0xffff  }
0xf0: {  	v5 =	vld.idx.msk [tilespmem:v7+s3+$0x0], $0xffff;
	v7 =	vor.u32 $0x28, v1  }
0xf1: {  	v11 =	vld.idx.msk [tilespmem:v18+s17+$0x0], $0xffff  }
0xf2: {  	v6 =	vld.idx.msk [tilespmem:v8+s3+$0x0], $0xffff;
	v8 =	vor.u32 $0x30, v1;
	_ =	sdelay $0x1  }
0xf3: {  	v18 =	vor.u32 $0x38, v1;
	v17 =	vmul.f32 v17, v3;
	v16 =	vmul.f32 v16, v4  }
0xf4: {  	v14 =	vmul.f32 v14, v2;
	v19 =	vld.idx.msk [tilespmem:v7+s17+$0x0], $0xffff  }
0xf5: {  	v9 =	vmul.f32 v9, v5;
	v7 =	vld.idx.msk [tilespmem:v12+s3+$0x0], $0xffff;
	v12 =	vadd.f32 v16, v17  }
0xf6: {  	v16 =	vld.idx.msk [tilespmem:v8+s17+$0x0], $0xffff  }
0xf7: {  	v11 =	vmul.f32 v11, v6;
	v8 =	vld.idx.msk [tilespmem:v13+s3+$0x0], $0xffff;
	v12 =	vadd.f32 v9, v12  }
0xf8: {  	v13 =	vld.idx.msk [tilespmem:v18+s17+$0x0], $0xffff  }
0xf9: {  	v9 =	vld.idx.msk [tilespmem:v15+s3+$0x0], $0xffff;
	v11 =	vadd.f32 v11, v12;
	_ =	sdelay $0x1  }
0xfa: {  	v12 =	vmul.f32 v19, v7;
	v11 =	vadd.f32 v14, v11;
	_ =	sdelay $0x1  }
0xfb: {  	v11 =	vadd.f32 v12, v11;
	v12 =	vmul.f32 v16, v8  }
0xfc: {  	v10 =	vshll.u32 v10, $0x3  }
0xfd: {  	v11 =	vadd.f32 v12, v11;
	v12 =	vmul.f32 v13, v9;
	v13 =	vor.u32 $0x1, v1  }
0xfe: {  	v14 =	vor.u32 $0x9, v1  }
0xff: {  	v11 =	vadd.f32 v12, v11  }
0x100: {  	v12 =	vor.u32 $0x11, v1  }
0x101: {  	[tilespmem:v10+s18+$0x0] =	vst.idx.msk $0xffff, v11  }
0x102: {  	v11 =	vld.idx.msk [tilespmem:v13+s17+$0x0], $0xffff;
	v13 =	vor.u32 $0x19, v1  }
0x103: {  	v14 =	vld.idx.msk [tilespmem:v14+s17+$0x0], $0xffff  }
0x104: {  	v15 =	vor.u32 $0x21, v1  }
0x105: {  	v12 =	vld.idx.msk [tilespmem:v12+s17+$0x0], $0xffff  }
0x106: {  	v16 =	vor.u32 $0x29, v1  }
0x107: {  	v13 =	vld.idx.msk [tilespmem:v13+s17+$0x0], $0xffff  }
0x108: {  	v17 =	vor.u32 $0x31, v1;
	v11 =	vmul.f32 v11, v3  }
0x109: {  	v14 =	vmul.f32 v14, v4;
	v15 =	vld.idx.msk [tilespmem:v15+s17+$0x0], $0xffff  }
0x10a: {  	v18 =	vor.u32 $0x39, v1  }
0x10b: {  	v11 =	vadd.f32 v14, v11;
	v12 =	vmul.f32 v12, v5;
	v14 =	vld.idx.msk [tilespmem:v16+s17+$0x0], $0xffff;
	_ =	sdelay $0x1  }
0x10c: {  	v11 =	vadd.f32 v12, v11;
	v12 =	vmul.f32 v13, v6;
	v13 =	vld.idx.msk [tilespmem:v17+s17+$0x0], $0xffff;
	_ =	sdelay $0x1  }
0x10d: {  	v11 =	vadd.f32 v12, v11;
	v12 =	vmul.f32 v15, v2;
	v15 =	vld.idx.msk [tilespmem:v18+s17+$0x0], $0xffff;
	_ =	sdelay $0x1  }
0x10e: {  	v11 =	vadd.f32 v12, v11;
	v12 =	vmul.f32 v14, v7;
	_ =	sdelay $0x1  }
0x10f: {  	v11 =	vadd.f32 v12, v11;
	v12 =	vmul.f32 v13, v8  }
0x110: {  	v13 =	vor.u32 $0x1, v10  }
0x111: {  	v14 =	vor.u32 $0x2, v1;
	v11 =	vadd.f32 v12, v11;
	v12 =	vmul.f32 v15, v9  }
0x112: {  	v15 =	vor.u32 $0xA, v1  }
0x113: {  	v11 =	vadd.f32 v12, v11  }
0x114: {  	v12 =	vor.u32 $0x12, v1  }
0x115: {  	[tilespmem:v13+s18+$0x0] =	vst.idx.msk $0xffff, v11  }
0x116: {  	v13 =	vor.u32 $0x1A, v1;
	v11 =	vld.idx.msk [tilespmem:v14+s17+$0x0], $0xffff  }
0x117: {  	v14 =	vld.idx.msk [tilespmem:v15+s17+$0x0], $0xffff  }
0x118: {  	v15 =	vor.u32 $0x22, v1  }
0x119: {  	v12 =	vld.idx.msk [tilespmem:v12+s17+$0x0], $0xffff  }
0x11a: {  	v16 =	vor.u32 $0x2A, v1  }
0x11b: {  	v13 =	vld.idx.msk [tilespmem:v13+s17+$0x0], $0xffff  }
0x11c: {  	v17 =	vor.u32 $0x32, v1;
	v11 =	vmul.f32 v11, v3  }
0x11d: {  	v14 =	vmul.f32 v14, v4;
	v15 =	vld.idx.msk [tilespmem:v15+s17+$0x0], $0xffff  }
0x11e: {  	v18 =	vor.u32 $0x3A, v1  }
0x11f: {  	v11 =	vadd.f32 v14, v11;
	v12 =	vmul.f32 v12, v5;
	v14 =	vld.idx.msk [tilespmem:v16+s17+$0x0], $0xffff;
	_ =	sdelay $0x1  }
0x120: {  	v11 =	vadd.f32 v12, v11;
	v12 =	vmul.f32 v13, v6;
	v13 =	vld.idx.msk [tilespmem:v17+s17+$0x0], $0xffff;
	_ =	sdelay $0x1  }
0x121: {  	v11 =	vadd.f32 v12, v11;
	v12 =	vmul.f32 v15, v2;
	v15 =	vld.idx.msk [tilespmem:v18+s17+$0x0], $0xffff;
	_ =	sdelay $0x1  }
0x122: {  	v11 =	vadd.f32 v12, v11;
	v12 =	vmul.f32 v14, v7;
	_ =	sdelay $0x1  }
0x123: {  	v11 =	vadd.f32 v12, v11;
	v12 =	vmul.f32 v13, v8  }
0x124: {  	v13 =	vor.u32 $0x2, v10  }
0x125: {  	v14 =	vor.u32 $0x3, v1;
	v11 =	vadd.f32 v12, v11;
	v12 =	vmul.f32 v15, v9  }
0x126: {  	v15 =	vor.u32 $0xB, v1  }
0x127: {  	v11 =	vadd.f32 v12, v11  }
0x128: {  	v12 =	vor.u32 $0x13, v1  }
0x129: {  	[tilespmem:v13+s18+$0x0] =	vst.idx.msk $0xffff, v11  }
0x12a: {  	v13 =	vor.u32 $0x1B, v1;
	v11 =	vld.idx.msk [tilespmem:v14+s17+$0x0], $0xffff  }
0x12b: {  	v14 =	vld.idx.msk [tilespmem:v15+s17+$0x0], $0xffff  }
0x12c: {  	v15 =	vor.u32 $0x23, v1  }
0x12d: {  	v12 =	vld.idx.msk [tilespmem:v12+s17+$0x0], $0xffff  }
0x12e: {  	v16 =	vor.u32 $0x2B, v1  }
0x12f: {  	v13 =	vld.idx.msk [tilespmem:v13+s17+$0x0], $0xffff  }
0x130: {  	v17 =	vor.u32 $0x33, v1;
	v11 =	vmul.f32 v11, v3  }
0x131: {  	v14 =	vmul.f32 v14, v4;
	v15 =	vld.idx.msk [tilespmem:v15+s17+$0x0], $0xffff  }
0x132: {  	v18 =	vor.u32 $0x3B, v1  }
0x133: {  	v11 =	vadd.f32 v14, v11;
	v12 =	vmul.f32 v12, v5;
	v14 =	vld.idx.msk [tilespmem:v16+s17+$0x0], $0xffff;
	_ =	sdelay $0x1  }
0x134: {  	v11 =	vadd.f32 v12, v11;
	v12 =	vmul.f32 v13, v6;
	v13 =	vld.idx.msk [tilespmem:v17+s17+$0x0], $0xffff;
	_ =	sdelay $0x1  }
0x135: {  	v11 =	vadd.f32 v12, v11;
	v12 =	vmul.f32 v15, v2;
	v15 =	vld.idx.msk [tilespmem:v18+s17+$0x0], $0xffff;
	_ =	sdelay $0x1  }
0x136: {  	v11 =	vadd.f32 v12, v11;
	v12 =	vmul.f32 v14, v7;
	_ =	sdelay $0x1  }
0x137: {  	v11 =	vadd.f32 v12, v11;
	v12 =	vmul.f32 v13, v8  }
0x138: {  	v13 =	vor.u32 $0x3, v10  }
0x139: {  	v14 =	vor.u32 $0x4, v1;
	v11 =	vadd.f32 v12, v11;
	v12 =	vmul.f32 v15, v9  }
0x13a: {  	v15 =	vor.u32 $0xC, v1  }
0x13b: {  	v11 =	vadd.f32 v12, v11  }
0x13c: {  	v12 =	vor.u32 $0x14, v1  }
0x13d: {  	[tilespmem:v13+s18+$0x0] =	vst.idx.msk $0xffff, v11  }
0x13e: {  	v13 =	vor.u32 $0x1C, v1;
	v11 =	vld.idx.msk [tilespmem:v14+s17+$0x0], $0xffff  }
0x13f: {  	v14 =	vld.idx.msk [tilespmem:v15+s17+$0x0], $0xffff  }
0x140: {  	v15 =	vor.u32 $0x24, v1  }
0x141: {  	v12 =	vld.idx.msk [tilespmem:v12+s17+$0x0], $0xffff  }
0x142: {  	v16 =	vor.u32 $0x2C, v1  }
0x143: {  	v13 =	vld.idx.msk [tilespmem:v13+s17+$0x0], $0xffff  }
0x144: {  	v17 =	vor.u32 $0x34, v1;
	v11 =	vmul.f32 v11, v3  }
0x145: {  	v14 =	vmul.f32 v14, v4;
	v15 =	vld.idx.msk [tilespmem:v15+s17+$0x0], $0xffff  }
0x146: {  	v18 =	vor.u32 $0x3C, v1  }
0x147: {  	v11 =	vadd.f32 v14, v11;
	v12 =	vmul.f32 v12, v5;
	v14 =	vld.idx.msk [tilespmem:v16+s17+$0x0], $0xffff;
	_ =	sdelay $0x1  }
0x148: {  	v11 =	vadd.f32 v12, v11;
	v12 =	vmul.f32 v13, v6;
	v13 =	vld.idx.msk [tilespmem:v17+s17+$0x0], $0xffff;
	_ =	sdelay $0x1  }
0x149: {  	v11 =	vadd.f32 v12, v11;
	v12 =	vmul.f32 v15, v2;
	v15 =	vld.idx.msk [tilespmem:v18+s17+$0x0], $0xffff;
	_ =	sdelay $0x1  }
0x14a: {  	v11 =	vadd.f32 v12, v11;
	v12 =	vmul.f32 v14, v7;
	_ =	sdelay $0x1  }
0x14b: {  	v11 =	vadd.f32 v12, v11;
	v12 =	vmul.f32 v13, v8  }
0x14c: {  	v13 =	vor.u32 $0x4, v10  }
0x14d: {  	v14 =	vor.u32 $0x5, v1;
	v11 =	vadd.f32 v12, v11;
	v12 =	vmul.f32 v15, v9  }
0x14e: {  	v15 =	vor.u32 $0xD, v1  }
0x14f: {  	v11 =	vadd.f32 v12, v11;
	v12 =	vor.u32 $0x15, v1  }
0x150: {  	v16 =	vor.u32 $0x1D, v1  }
0x151: {  	[tilespmem:v13+s18+$0x0] =	vst.idx.msk $0xffff, v11;
	v11 =	vor.u32 $0x25, v1  }
0x152: {  	v13 =	vld.idx.msk [tilespmem:v14+s17+$0x0], $0xffff;
	v14 =	vor.u32 $0x2D, v1  }
0x153: {  	v17 =	vor.u32 $0x35, v1;
	v15 =	vld.idx.msk [tilespmem:v15+s17+$0x0], $0xffff  }
0x154: {  	v18 =	vor.u32 $0x3D, v1;
	v12 =	vld.idx.msk [tilespmem:v12+s17+$0x0], $0xffff  }
0x155: {  	v16 =	vld.idx.msk [tilespmem:v16+s17+$0x0], $0xffff  }
0x156: {  	v11 =	vld.idx.msk [tilespmem:v11+s17+$0x0], $0xffff  }
0x157: {  	v14 =	vld.idx.msk [tilespmem:v14+s17+$0x0], $0xffff  }
0x158: {  	v13 =	vmul.f32 v13, v3;
	v17 =	vld.idx.msk [tilespmem:v17+s17+$0x0], $0xffff  }
0x159: {  	v15 =	vmul.f32 v15, v4;
	v18 =	vld.idx.msk [tilespmem:v18+s17+$0x0], $0xffff  }
0x15a: {  	v12 =	vmul.f32 v12, v5  }
0x15b: {  	v13 =	vadd.f32 v15, v13;
	v15 =	vmul.f32 v16, v6  }
0x15c: {  	v11 =	vmul.f32 v11, v2  }
0x15d: {  	v12 =	vadd.f32 v12, v13;
	v13 =	vmul.f32 v14, v7  }
0x15e: {  	v14 =	vmul.f32 v17, v8  }
0x15f: {  	v12 =	vadd.f32 v15, v12;
	v15 =	vmul.f32 v18, v9;
	_ =	sdelay $0x1  }
0x160: {  	v11 =	vadd.f32 v11, v12;
	_ =	sdelay $0x1  }
0x161: {  	v11 =	vadd.f32 v13, v11  }
0x162: {  	v12 =	vor.u32 $0x5, v10  }
0x163: {  	v13 =	vor.u32 $0x6, v1;
	v11 =	vadd.f32 v14, v11  }
0x164: {  	v14 =	vor.u32 $0xE, v1  }
0x165: {  	v11 =	vadd.f32 v15, v11;
	v15 =	vor.u32 $0x16, v1  }
0x166: {  	v16 =	vor.u32 $0x1E, v1  }
0x167: {  	[tilespmem:v12+s18+$0x0] =	vst.idx.msk $0xffff, v11;
	v11 =	vor.u32 $0x26, v1  }
0x168: {  	v12 =	vld.idx.msk [tilespmem:v13+s17+$0x0], $0xffff;
	v13 =	vor.u32 $0x2E, v1  }
0x169: {  	v17 =	vor.u32 $0x36, v1;
	v14 =	vld.idx.msk [tilespmem:v14+s17+$0x0], $0xffff  }
0x16a: {  	v18 =	vor.u32 $0x3E, v1;
	v15 =	vld.idx.msk [tilespmem:v15+s17+$0x0], $0xffff  }
0x16b: {  	v19 =	vld.idx.msk [tilespmem:v16+s17+$0x0], $0xffff  }
0x16c: {  	v20 =	vld.idx.msk [tilespmem:v11+s17+$0x0], $0xffff  }
0x16d: {  	v11 =	vld.idx.msk [tilespmem:v13+s17+$0x0], $0xffff  }
.Ltmp0:
0x16e: {  	v21 =	vmul.f32 v12, v3;
	v12 =	vld.idx.msk [tilespmem:v17+s17+$0x0], $0xffff;
	(pc) =	sbr.rel @p0 .LBB2_3-.Ltmp0, $4  }
0x16f: {  	v14 =	vmul.f32 v14, v4;
	v13 =	vld.idx.msk [tilespmem:v18+s17+$0x0], $0xffff  }
0x170: {  	v16 =	vmul.f32 v15, v5  }
0x171: {  	v17 =	vadd.f32 v14, v21;
	v15 =	vmul.f32 v19, v6  }
0x172: {  	v14 =	vmul.f32 v20, v2  }
0x173: {  	v16 =	vadd.f32 v16, v17;
	_ =	sdelay $0x1  }
0x174: {  	v15 =	vadd.f32 v15, v16;
	_ =	sdelay $0x1  }
0x175: {  	v11 =	vmul.f32 v11, v7;
	v14 =	vadd.f32 v14, v15;
	_ =	sdelay $0x1  }
0x176: {  	v12 =	vmul.f32 v12, v8;
	v11 =	vadd.f32 v11, v14  }
0x177: {  	v52 =	vor.u32 $0x6, v10  }
0x178: {  	v53 =	vor.u32 $0x7, v1;
	v13 =	vmul.f32 v13, v9;
	v11 =	vadd.f32 v12, v11  }
0x179: {  	v54 =	vor.u32 $0xF, v1  }
0x17a: {  	v11 =	vadd.f32 v13, v11  }
0x17b: {  	v55 =	vor.u32 $0x17, v1  }
0x17c: {  	[tilespmem:v52+s18+$0x0] =	vst.idx.msk $0xffff, v11  }
0x17d: {  	v56 =	vor.u32 $0x1F, v1;
	v12 =	vld.idx.msk [tilespmem:v53+s17+$0x0], $0xffff  }
0x17e: {  	v14 =	vld.idx.msk [tilespmem:v54+s17+$0x0], $0xffff  }
0x17f: {  	v57 =	vor.u32 $0x27, v1  }
0x180: {  	v13 =	vld.idx.msk [tilespmem:v55+s17+$0x0], $0xffff  }
0x181: {  	v58 =	vor.u32 $0x2F, v1  }
0x182: {  	v11 =	vld.idx.msk [tilespmem:v56+s17+$0x0], $0xffff  }
0x183: {  	v59 =	vor.u32 $0x37, v1;
	v3 =	vmul.f32 v12, v3;
	v4 =	vmul.f32 v14, v4  }
0x184: {  	v60 =	vld.idx.msk [tilespmem:v57+s17+$0x0], $0xffff  }
0x185: {  	v1 =	vor.u32 $0x3F, v1;
	v5 =	vmul.f32 v13, v5;
	v3 =	vadd.f32 v4, v3  }
0x186: {  	v61 =	vld.idx.msk [tilespmem:v58+s17+$0x0], $0xffff  }
0x187: {  	v6 =	vmul.f32 v11, v6;
	v3 =	vadd.f32 v5, v3  }
0x188: {  	v62 =	vld.idx.msk [tilespmem:v59+s17+$0x0], $0xffff  }
0x189: {  	v2 =	vmul.f32 v60, v2;
	v3 =	vadd.f32 v6, v3  }
0x18a: {  	v1 =	vld.idx.msk [tilespmem:v1+s17+$0x0], $0xffff  }
0x18b: {  	v4 =	vmul.f32 v61, v7;
	v2 =	vadd.f32 v2, v3;
	_ =	sdelay $0x1  }
0x18c: {  	v3 =	vmul.f32 v62, v8;
	v2 =	vadd.f32 v4, v2  }
0x18d: {  	v63 =	vor.u32 $0x7, v10  }
0x18e: {  	v1 =	vmul.f32 v1, v9;
	v2 =	vadd.f32 v3, v2;
	_ =	sdelay $0x1  }
0x18f: {  	v1 =	vadd.f32 v1, v2;
	_ =	sdelay $0x1  }
0x190: {  	[tilespmem:v63+s18+$0x0] =	vst.idx.msk $0xffff, v1  }
0x191: {  	[spmem:s2] =	stream.indirect.scatter.add.f32 [tilespmem:s18], [sflag:$0x1], $0x8, s16, s19, $0xb8;
	[tilespmem:$0x1D3B8] =	vst v63  }
0x192: {  	_ =	swait.ge [sflag:s14], $0x320  }
0x193: {  	[sflag:s14] =	ssyncset.done $0x0  }
0x194: {  	[sflag:s14] =	ssyncadd.s32 $0xFFFFFCE0  }
0x195: {  	[spmem:s2] =	stream.indirect.scatter.add.f32 [tilespmem:s21], [sflag:$0x1], $0x8, s20, s19, $0xb8;
	[tilespmem:$0x1D3B8] =	vst v63  }
0x196: {  	_ =	swait.ge [sflag:s14], $0x320  }
0x197: {  	[sflag:s14] =	ssyncset.done $0x0  }
0x198: {  	[sflag:s14] =	ssyncadd.s32 $0xFFFFFCE0  }
0x199: {  	[spmem:s2] =	stream.indirect.scatter.add.f32 [tilespmem:s23], [sflag:$0x1], $0x8, s22, s19, $0xb8;
	[tilespmem:$0x1D3B8] =	vst v63  }
0x19a: {  	s28 =	sadd.s32 $0x1, s28;
	_ =	swait.ge [sflag:s14], $0x320  }
0x19b: {  	p0 =	sne.s32 s28, $0x19;
	[sflag:s14] =	ssyncset.done $0x0  }
.Ltmp1:
0x19c: {  	[sflag:s14] =	ssyncadd.s32 $0xFFFFFCE0;
	(pc) =	sbr.rel @p0 .LBB2_2-.Ltmp1, $4  }
0x19d: {  	[spmem:s2] =	stream.indirect.scatter.add.f32 [tilespmem:s25], [sflag:$0x1], $0x8, s24, s19, $0xb8;
	[tilespmem:$0x1D3B8] =	vst v63  }
0x19e: {  	_ =	swait.ge [sflag:s14], $0x320  }
0x19f: {  	[sflag:s14] =	ssyncset.done $0x0  }
0x1a0: {  	[sflag:s14] =	ssyncadd.s32 $0xFFFFFCE0  }
0x1a1: {  	[bflag:$0x0] =	sbarrier.arrive $0xFFFF  }
0x1a2: {  	[tilespmem:s15], [sflag:$0x1] =	stream.linear.gather [spmem:s9], $0x1400, $0x38;
	[tilespmem:$0x1D3B8] =	vst v63  }
0x1a3: {  	s26 =	sadd.s32 $0x1, s26;
	_ =	swait.ge [sflag:s14], $0x1400  }
0x1a4: {  	p0 =	sne.s32 s26, s13;
	[sflag:s14] =	ssyncset.done $0x0  }
.Ltmp2:
0x1a5: {  	[sflag:s14] =	ssyncadd.s32 $0xFFFFEC00;
	(pc) =	sbr.rel @p0 .LBB2_1-.Ltmp2, $4  }
0x1a6: {  	[hbm4b:s12+s3] =	stream.linear.scatter [tilespmem:s15], [sflag:$0x1], $0x1400, $0x38;
	[tilespmem:$0x1D3B8] =	vst v63  }
0x1a7: {  	_ =	swait.ge [sflag:s14], $0x1400  }
0x1a8: {  	[sflag:s14] =	ssyncset.done $0x0  }
0x1a9: {  	[sflag:s14] =	ssyncadd.s32 $0xFFFFEC00  }
0x1aa: {  	_ =	sfence.sel $0x180000  }
0x1ab: {  	[bflag:$0x0] =	sbarrier.arrive $0xFFFF  }
0x1ac: {  	_ =	strace $0x9000004D  }
0x1ad: {  	[bflag:$0x2] =	sbarrier.arrive $0xFFFF  }
0x1ae: {  	p0 =	sne.s32 s1, $0x0;
	s0 =	rddreg [dreg:$0x2]  }
0x1af: {  	s0 =	sadd.s32 @!p0 $0x100000, s0  }
0x1b0: {  	[sflag:s0] =	ssyncadd.tile.s32 @!p0 $0x1;
	_ =	shalt  }
.Lfunc_end2:
_tile_overlayer_lowered:
.L_overlay_start_2:
0x1b1: {  	(tag) =	ssettag $0x2  }
0x1b2: {  	s0 =	rddreg [dreg:$0x0];
	s2 =	stileid.u32  }
0x1b3: {  	s1 =	rddreg [dreg:$0x1];
	p0 =	sne.s32 s2, $0x0  }
0x1b4: {  	s3 =	rddreg [dreg:$0x2];
	[bflag:$0x3] =	sbarrier.arrive $0xFFFF;
	s2 =	simm.s32 @!p0 $0x1C01  }
0x1b5: {  	[timem:s3], [sflag:s2] =	dma.local @!p0 [hbm:s0], s1  }
0x1b6: {  	s0 =	simm.s32 @!p0 $0x1  }
0x1b7: {  	_ =	swait.ge @!p0 [sflag:s0], s1  }
0x1b8: {  	s1 =	ssub.s32 @!p0 $0x0, s1;
	[sflag:s0] =	ssyncset.done @!p0 $0x0  }
0x1b9: {  	[sflag:s0] =	ssyncadd.s32 @!p0 s1  }
0x1ba: {  	[bflag:$0x3] =	sbarrier.arrive $0xFFFF  }
0x1bb: {  	_ =	shalt  }

</sc_bundles>
